<compile_context>
chip_gen: v7x
topology: tpu7x:2x2x1
jax: 0.10.2.dev20260603
libtpu: 0.0.44.dev20260713+nightly
codegen_flags: <defaults>
</compile_context>

<pallas_src>
import jax
import jax.numpy as jnp
from jax import lax
from jax.experimental import pallas as pl
from jax.experimental.pallas import tpu as pltpu
from jax.experimental.pallas import tpu_sc as plsc

N_LATENT = 32
BATCH = 16384

NC = 2
NS = 16
L = 16
NW = NC * NS
B_PER_W = BATCH // NW
MB = 128
NMB = B_PER_W // MB
NG = MB // L
DEPTH = 6


def _mf_body(uids_hbm, iids_hbm, ubias_hbm, ibias_hbm, ulat_hbm, ilat_hbm,
             out_hbm,
             uidx_v, iidx_v, ubias_v, ibias_v, out_v,
             ubuf, ibuf, sems, sem_bias):
    wid = lax.axis_index("s") * NC + lax.axis_index("c")
    base = wid * B_PER_W

    pltpu.sync_copy(uids_hbm.at[pl.ds(base, B_PER_W)], uidx_v)
    pltpu.sync_copy(iids_hbm.at[pl.ds(base, B_PER_W)], iidx_v)

    c_ub = pltpu.async_copy(ubias_hbm.at[uidx_v], ubias_v, sem_bias)
    c_ib = pltpu.async_copy(ibias_hbm.at[iidx_v], ibias_v, sem_bias)

    lanes0 = lax.iota(jnp.int32, L)

    def fire_group(g, p, sem):
        ubase = (uidx_v[pl.ds(g * L, L)] // L) * L
        ibase = (iidx_v[pl.ds(g * L, L)] // L) * L
        for r in range(L):
            cu = pl.multiple_of(ubase[r], L)
            ci = pl.multiple_of(ibase[r], L)
            pltpu.async_copy(ulat_hbm.at[:, :, pl.ds(cu, L)],
                             ubuf.at[p, :, :, pl.ds(r * L, L)], sem)
            pltpu.async_copy(ilat_hbm.at[:, :, pl.ds(ci, L)],
                             ibuf.at[p, :, :, pl.ds(r * L, L)], sem)

    def drain_compute(g, p, sem):
        pltpu.make_async_copy(ulat_hbm.at[:, :, pl.ds(0, L * L)],
                              ubuf.at[p], sem).wait()
        pltpu.make_async_copy(ilat_hbm.at[:, :, pl.ds(0, L * L)],
                              ibuf.at[p], sem).wait()
        s0 = g * L
        pv = jnp.full((L,), p, jnp.int32)
        ulane = lanes0 * L + uidx_v[pl.ds(s0, L)] % L
        ilane = lanes0 * L + iidx_v[pl.ds(s0, L)] % L
        acc = jnp.zeros((L,), jnp.float32)
        for c in range(4):
            cv = jnp.full((L,), c, jnp.int32)
            for s in range(8):
                sv = jnp.full((L,), s, jnp.int32)
                u = plsc.load_gather(ubuf, [pv, cv, sv, ulane])
                v = plsc.load_gather(ibuf, [pv, cv, sv, ilane])
                acc = acc + u * v
        out_v[pl.ds(s0, L)] = acc

    NGRP = B_PER_W // L

    def body(g, _):
        @pl.when(g < NGRP)
        def _():
            fire_group(g, g % DEPTH, sems.at[g % DEPTH])

        @pl.when(g >= DEPTH - 1)
        def _():
            gm = g - (DEPTH - 1)
            drain_compute(gm, gm % DEPTH, sems.at[gm % DEPTH])

        return 0

    lax.fori_loop(0, NGRP + DEPTH - 1, body, 0)

    c_ub.wait()
    c_ib.wait()

    def finish_body(g, _):
        s0 = g * L
        x = out_v[pl.ds(s0, L)] + ubias_v[pl.ds(s0, L)] + ibias_v[pl.ds(s0, L)]
        out_v[pl.ds(s0, L)] = 1.0 / (1.0 + jnp.exp(-x))
        return 0

    lax.fori_loop(0, NGRP, finish_body, 0)

    pltpu.sync_copy(out_v, out_hbm.at[pl.ds(base, B_PER_W)])


@jax.jit
def _mf(user_ids, item_ids, user_bias_w, item_bias_w, user_latent_w,
        item_latent_w):
    mesh = plsc.VectorSubcoreMesh(core_axis_name="c", subcore_axis_name="s",
                                  num_cores=NC, num_subcores=NS)
    run = pl.kernel(
        _mf_body,
        out_type=jax.ShapeDtypeStruct((BATCH,), jnp.float32),
        mesh=mesh,
        scratch_types=[
            pltpu.VMEM((B_PER_W,), jnp.int32),
            pltpu.VMEM((B_PER_W,), jnp.int32),
            pltpu.VMEM((B_PER_W,), jnp.float32),
            pltpu.VMEM((B_PER_W,), jnp.float32),
            pltpu.VMEM((B_PER_W,), jnp.float32),
            pltpu.VMEM((DEPTH, 4, 8, L * L), jnp.float32),
            pltpu.VMEM((DEPTH, 4, 8, L * L), jnp.float32),
            pltpu.SemaphoreType.DMA((DEPTH,)),
            pltpu.SemaphoreType.DMA,
        ],
        compiler_params=pltpu.CompilerParams(needs_layout_passes=False,
                                             use_tc_tiling_on_sc=True),
    )
    ulat3 = user_latent_w.T.reshape(4, 8, -1)
    ilat3 = item_latent_w.T.reshape(4, 8, -1)
    return run(user_ids, item_ids,
               user_bias_w.reshape(-1), item_bias_w.reshape(-1),
               ulat3, ilat3)


def kernel(user_ids, item_ids, user_bias_w, item_bias_w, user_latent_w,
           item_latent_w):
    return _mf(user_ids.astype(jnp.int32), item_ids.astype(jnp.int32),
               user_bias_w, item_bias_w, user_latent_w, item_latent_w)

# --- scband reference (transcript-rebuilt; emitter-appended) ---
"""Pipeline reference for scband-mf-66065186947452 (READ-ONLY COPY).

The authoritative reference and input builder live on the scoring server;
editing this copy changes nothing except your own understanding.
"""

import jax, jax.numpy as jnp
import numpy as np

N_USER = 1000000
N_ITEM = 1000000
N_LATENT = 32
BATCH = 16384

def setup_inputs(seed: int = 0) -> dict:
    key = jax.random.key(seed)
    k1, k2, k3, k4 = jax.random.split(key, 4)
    user_ids = jax.random.randint(k1, (BATCH,), 0, N_USER, dtype=jnp.int64 if jax.config.jax_enable_x64 else jnp.int32)
    item_ids = jax.random.randint(k2, (BATCH,), 0, N_ITEM, dtype=jnp.int64 if jax.config.jax_enable_x64 else jnp.int32)
    # parameters (bias tables zero-initialized per module; latent tables ~ N(0,1) like nn.Embedding default)
    user_bias_w = jnp.zeros((N_USER, 1), dtype=jnp.float32)
    item_bias_w = jnp.zeros((N_ITEM, 1), dtype=jnp.float32)
    user_latent_w = jax.random.normal(k3, (N_USER, N_LATENT), dtype=jnp.float32)
    item_latent_w = jax.random.normal(k4, (N_ITEM, N_LATENT), dtype=jnp.float32)
    return {
        "user_ids": user_ids,
        "item_ids": item_ids,
        "user_bias_w": user_bias_w,
        "item_bias_w": item_bias_w,
        "user_latent_w": user_latent_w,
        "item_latent_w": item_latent_w,
    }

def reference(user_ids, item_ids, user_bias_w, item_bias_w, user_latent_w, item_latent_w):
    user_bias = jnp.take(user_bias_w, user_ids, axis=0).squeeze(-1)
    item_bias = jnp.take(item_bias_w, item_ids, axis=0).squeeze(-1)
    user_latent = jnp.take(user_latent_w, user_ids, axis=0)
    item_latent = jnp.take(item_latent_w, item_ids, axis=0)
    interaction = jnp.sum(user_latent * item_latent, axis=-1)
    return jax.nn.sigmoid(user_bias + item_bias + interaction)

if __name__ == "__main__":
    import jax
    _d = setup_inputs()
    print(jax.jit(kernel)(*tuple(_d.values())))

</pallas_src>

<mosaic_0001>
#map = affine_map<(d0, d1) -> (0)>
#map1 = affine_map<(d0, d1) -> (0, 0, 0)>
module attributes {stable_mosaic.version = 14 : i64} {
  func.func @_mf_body(%arg0: i32, %arg1: i32, %arg2: memref<16384xi32, #tpu.memory_space<hbm>>, %arg3: memref<16384xi32, #tpu.memory_space<hbm>>, %arg4: memref<1000000xf32, #tpu.memory_space<hbm>>, %arg5: memref<1000000xf32, #tpu.memory_space<hbm>>, %arg6: memref<4x8x1000000xf32, #tpu.memory_space<hbm>>, %arg7: memref<4x8x1000000xf32, #tpu.memory_space<hbm>>, %arg8: memref<16384xf32, #tpu.memory_space<hbm>>, %arg9: memref<512xi32, #tpu.memory_space<vmem>>, %arg10: memref<512xi32, #tpu.memory_space<vmem>>, %arg11: memref<512xf32, #tpu.memory_space<vmem>>, %arg12: memref<512xf32, #tpu.memory_space<vmem>>, %arg13: memref<512xf32, #tpu.memory_space<vmem>>, %arg14: memref<6x4x8x256xf32, #tpu.memory_space<vmem>>, %arg15: memref<6x4x8x256xf32, #tpu.memory_space<vmem>>, %arg16: memref<6x!tpu.dma_semaphore, #tpu.memory_space<semaphore_mem>>, %arg17: memref<!tpu.dma_semaphore, #tpu.memory_space<semaphore_mem>>) attributes {dimension_semantics = [#tpu.dimension_semantics<core_parallel>, #tpu.dimension_semantics<subcore_parallel>], iteration_bounds = array<i64: 2, 16>, scalar_prefetch = 0 : i64, scratch_operands = 9 : i64, tpu.core_type = #tpu.core_type<sc_vector_subcore>, window_params = [{transform_indices = #map}, {transform_indices = #map}, {transform_indices = #map}, {transform_indices = #map}, {transform_indices = #map1}, {transform_indices = #map1}, {transform_indices = #map}]} {
    %mul3A = arith.constant 2 : i32
    %mul3A_0 = arith.muli %arg1, %mul3A : i32
    %add3A = arith.addi %mul3A_0, %arg0 : i32
    %mul3A_1 = arith.constant 512 : i32
    %mul3A_2 = arith.muli %add3A, %mul3A_1 : i32
    "tpu.region"() ({
      %run_scoped3A = tpu.sem_alloc : memref<!tpu.dma_semaphore, #tpu.memory_space<semaphore_mem>>
      %dma_start3A_22 = tpu.memref_slice %arg2[%mul3A_2] : memref<16384xi32, #tpu.memory_space<hbm>> -> memref<512xi32, #tpu.memory_space<hbm>>
      %dma_start3A_23 = tpu.memref_slice %arg2[%mul3A_2] : memref<16384xi32, #tpu.memory_space<hbm>> -> memref<512xi32, #tpu.memory_space<hbm>>
      tpu.enqueue_dma source(%dma_start3A_23 : memref<512xi32, #tpu.memory_space<hbm>>) target(%arg9 : memref<512xi32, #tpu.memory_space<vmem>>) target_semaphore(%run_scoped3A : memref<!tpu.dma_semaphore, #tpu.memory_space<semaphore_mem>>)
      %dma_wait3A_24 = tpu.memref_slice %arg2[%mul3A_2] : memref<16384xi32, #tpu.memory_space<hbm>> -> memref<512xi32, #tpu.memory_space<hbm>>
      %dma_wait3A_25 = tpu.memref_slice %arg2[%mul3A_2] : memref<16384xi32, #tpu.memory_space<hbm>> -> memref<512xi32, #tpu.memory_space<hbm>>
      tpu.wait_dma2 semaphore(%run_scoped3A : memref<!tpu.dma_semaphore, #tpu.memory_space<semaphore_mem>>) src(%dma_wait3A_25 : memref<512xi32, #tpu.memory_space<hbm>>) dst(%arg9 : memref<512xi32, #tpu.memory_space<vmem>>)
      tpu.yield
    }) : () -> ()
    "tpu.region"() ({
      %run_scoped3A = tpu.sem_alloc : memref<!tpu.dma_semaphore, #tpu.memory_space<semaphore_mem>>
      %dma_start3A_22 = tpu.memref_slice %arg3[%mul3A_2] : memref<16384xi32, #tpu.memory_space<hbm>> -> memref<512xi32, #tpu.memory_space<hbm>>
      %dma_start3A_23 = tpu.memref_slice %arg3[%mul3A_2] : memref<16384xi32, #tpu.memory_space<hbm>> -> memref<512xi32, #tpu.memory_space<hbm>>
      tpu.enqueue_dma source(%dma_start3A_23 : memref<512xi32, #tpu.memory_space<hbm>>) target(%arg10 : memref<512xi32, #tpu.memory_space<vmem>>) target_semaphore(%run_scoped3A : memref<!tpu.dma_semaphore, #tpu.memory_space<semaphore_mem>>)
      %dma_wait3A_24 = tpu.memref_slice %arg3[%mul3A_2] : memref<16384xi32, #tpu.memory_space<hbm>> -> memref<512xi32, #tpu.memory_space<hbm>>
      %dma_wait3A_25 = tpu.memref_slice %arg3[%mul3A_2] : memref<16384xi32, #tpu.memory_space<hbm>> -> memref<512xi32, #tpu.memory_space<hbm>>
      tpu.wait_dma2 semaphore(%run_scoped3A : memref<!tpu.dma_semaphore, #tpu.memory_space<semaphore_mem>>) src(%dma_wait3A_25 : memref<512xi32, #tpu.memory_space<hbm>>) dst(%arg10 : memref<512xi32, #tpu.memory_space<vmem>>)
      tpu.yield
    }) : () -> ()
    %dma_start3A = arith.constant 0 : i32
    %dma_start3A_3 = tpu.memref_slice %arg4[%dma_start3A] : memref<1000000xf32, #tpu.memory_space<hbm>> -> memref<1000000xf32, #tpu.memory_space<hbm>>
    tpu.enqueue_indirect_dma source(%dma_start3A_3 : memref<1000000xf32, #tpu.memory_space<hbm>>) target(%arg11 : memref<512xf32, #tpu.memory_space<vmem>>) offsets(%arg9 : memref<512xi32, #tpu.memory_space<vmem>>) semaphore(%arg17 : memref<!tpu.dma_semaphore, #tpu.memory_space<semaphore_mem>>)
    %dma_start3A_4 = arith.constant 0 : i32
    %dma_start3A_5 = tpu.memref_slice %arg5[%dma_start3A_4] : memref<1000000xf32, #tpu.memory_space<hbm>> -> memref<1000000xf32, #tpu.memory_space<hbm>>
    tpu.enqueue_indirect_dma source(%dma_start3A_5 : memref<1000000xf32, #tpu.memory_space<hbm>>) target(%arg12 : memref<512xf32, #tpu.memory_space<vmem>>) offsets(%arg10 : memref<512xi32, #tpu.memory_space<vmem>>) semaphore(%arg17 : memref<!tpu.dma_semaphore, #tpu.memory_space<semaphore_mem>>)
    %iota3A = tpu.iota {dimensions = array<i32: 0>} : vector<16xi32>
    %scan3A = arith.constant 0 : i32
    %scan3A_6 = arith.constant 0 : i32
    %scan3A_7 = arith.constant 37 : i32
    %scan3A_8 = arith.addi %scan3A_6, %scan3A_7 : i32
    %scan3A_9 = arith.constant 1 : i32
    %scan3A_10 = scf.for %scan3A_22 = %scan3A_6 to %scan3A_8 step %scan3A_9 iter_args(%scan3A_23 = %scan3A) -> (i32)  : i32 {
      %lt3A = arith.constant 32 : i32
      %lt3A_24 = arith.cmpi slt, %scan3A_22, %lt3A : i32
      %convert_element_type3A = arith.extui %lt3A_24 : i1 to i32
      %cond3A = arith.constant 0 : i32
      %cond3A_25 = arith.cmpi ne, %convert_element_type3A, %cond3A : i32
      scf.if %cond3A_25 {
        %jit3A = arith.constant 6 : i32
        %eq3A = arith.constant 0 : i32
        %eq3A_31 = arith.cmpi eq, %jit3A, %eq3A : i32
        %jit3A_32 = arith.constant 1 : i32
        %select_n3A = arith.select %eq3A_31, %jit3A_32, %jit3A : i32
        %rem3A = arith.remsi %scan3A_22, %select_n3A : i32
        %ne3A = arith.constant 0 : i32
        %ne3A_33 = arith.cmpi ne, %rem3A, %ne3A : i32
        %lt3A_34 = arith.constant 0 : i32
        %lt3A_35 = arith.cmpi slt, %rem3A, %lt3A_34 : i32
        %lt3A_36 = arith.constant 0 : i32
        %lt3A_37 = arith.cmpi slt, %select_n3A, %lt3A_36 : i32
        %ne3A_38 = arith.xori %lt3A_35, %lt3A_37 : i1
        %and3A = arith.andi %ne3A_38, %ne3A_33 : i1
        %add3A_39 = arith.addi %rem3A, %select_n3A : i32
        %select_n3A_40 = arith.select %and3A, %add3A_39, %rem3A : i32
        %jit3A_41 = arith.constant 6 : i32
        %eq3A_42 = arith.constant 0 : i32
        %eq3A_43 = arith.cmpi eq, %jit3A_41, %eq3A_42 : i32
        %jit3A_44 = arith.constant 1 : i32
        %select_n3A_45 = arith.select %eq3A_43, %jit3A_44, %jit3A_41 : i32
        %rem3A_46 = arith.remsi %scan3A_22, %select_n3A_45 : i32
        %ne3A_47 = arith.constant 0 : i32
        %ne3A_48 = arith.cmpi ne, %rem3A_46, %ne3A_47 : i32
        %lt3A_49 = arith.constant 0 : i32
        %lt3A_50 = arith.cmpi slt, %rem3A_46, %lt3A_49 : i32
        %lt3A_51 = arith.constant 0 : i32
        %lt3A_52 = arith.cmpi slt, %select_n3A_45, %lt3A_51 : i32
        %ne3A_53 = arith.xori %lt3A_50, %lt3A_52 : i1
        %and3A_54 = arith.andi %ne3A_53, %ne3A_48 : i1
        %add3A_55 = arith.addi %rem3A_46, %select_n3A_45 : i32
        %select_n3A_56 = arith.select %and3A_54, %add3A_55, %rem3A_46 : i32
        %mul3A_57 = arith.constant 16 : i32
        %mul3A_58 = arith.muli %scan3A_22, %mul3A_57 : i32
        %get3A = arith.index_cast %mul3A_58 : i32 to index
        %get3A_59 = tpu.vector_load %arg9[%get3A] {strides = array<i32>} : memref<512xi32, #tpu.memory_space<vmem>>, vector<16xi32>,
        %jit3A_60 = arith.constant 16 : i32
        %div3A = vector.broadcast %jit3A_60 : i32 to vector<16xi32>
        %div3A_61 = arith.divsi %get3A_59, %div3A : vector<16xi32>
        %sign3A = arith.constant 0 : i32
        %sign3A_62 = vector.broadcast %sign3A : i32 to vector<16xi32>
        %sign3A_63 = arith.cmpi sgt, %get3A_59, %sign3A_62 : vector<16xi32>
        %sign3A_64 = arith.extui %sign3A_63 : vector<16xi1> to vector<16xi32>
        %sign3A_65 = arith.constant 0 : i32
        %sign3A_66 = vector.broadcast %sign3A_65 : i32 to vector<16xi32>
        %sign3A_67 = arith.cmpi slt, %get3A_59, %sign3A_66 : vector<16xi32>
        %sign3A_68 = arith.extui %sign3A_67 : vector<16xi1> to vector<16xi32>
        %sign3A_69 = arith.subi %sign3A_64, %sign3A_68 : vector<16xi32>
        %sign3A_70 = arith.constant 0 : i32
        %sign3A_71 = arith.cmpi sgt, %jit3A_60, %sign3A_70 : i32
        %sign3A_72 = arith.extui %sign3A_71 : i1 to i32
        %sign3A_73 = arith.constant 0 : i32
        %sign3A_74 = arith.cmpi slt, %jit3A_60, %sign3A_73 : i32
        %sign3A_75 = arith.extui %sign3A_74 : i1 to i32
        %sign3A_76 = arith.subi %sign3A_72, %sign3A_75 : i32
        %ne3A_77 = vector.broadcast %sign3A_76 : i32 to vector<16xi32>
        %ne3A_78 = arith.cmpi ne, %sign3A_69, %ne3A_77 : vector<16xi32>
        %rem3A_79 = vector.broadcast %jit3A_60 : i32 to vector<16xi32>
        %rem3A_80 = arith.remsi %get3A_59, %rem3A_79 : vector<16xi32>
        %ne3A_81 = arith.constant 0 : i32
        %ne3A_82 = vector.broadcast %ne3A_81 : i32 to vector<16xi32>
        %ne3A_83 = arith.cmpi ne, %rem3A_80, %ne3A_82 : vector<16xi32>
        %and3A_84 = arith.andi %ne3A_78, %ne3A_83 : vector<16xi1>
        %sub3A = arith.constant 1 : i32
        %sub3A_85 = vector.broadcast %sub3A : i32 to vector<16xi32>
        %sub3A_86 = arith.subi %div3A_61, %sub3A_85 : vector<16xi32>
        %select_n3A_87 = arith.select %and3A_84, %sub3A_86, %div3A_61 : vector<16xi1>, vector<16xi32>
        %mul3A_88 = arith.constant 16 : i32
        %mul3A_89 = vector.broadcast %mul3A_88 : i32 to vector<16xi32>
        %mul3A_90 = arith.muli %select_n3A_87, %mul3A_89 : vector<16xi32>
        %mul3A_91 = arith.constant 16 : i32
        %mul3A_92 = arith.muli %scan3A_22, %mul3A_91 : i32
        %get3A_93 = arith.index_cast %mul3A_92 : i32 to index
        %get3A_94 = tpu.vector_load %arg10[%get3A_93] {strides = array<i32>} : memref<512xi32, #tpu.memory_space<vmem>>, vector<16xi32>,
        %jit3A_95 = arith.constant 16 : i32
        %div3A_96 = vector.broadcast %jit3A_95 : i32 to vector<16xi32>
        %div3A_97 = arith.divsi %get3A_94, %div3A_96 : vector<16xi32>
        %sign3A_98 = arith.constant 0 : i32
        %sign3A_99 = vector.broadcast %sign3A_98 : i32 to vector<16xi32>
        %sign3A_100 = arith.cmpi sgt, %get3A_94, %sign3A_99 : vector<16xi32>
        %sign3A_101 = arith.extui %sign3A_100 : vector<16xi1> to vector<16xi32>
        %sign3A_102 = arith.constant 0 : i32
        %sign3A_103 = vector.broadcast %sign3A_102 : i32 to vector<16xi32>
        %sign3A_104 = arith.cmpi slt, %get3A_94, %sign3A_103 : vector<16xi32>
        %sign3A_105 = arith.extui %sign3A_104 : vector<16xi1> to vector<16xi32>
        %sign3A_106 = arith.subi %sign3A_101, %sign3A_105 : vector<16xi32>
        %sign3A_107 = arith.constant 0 : i32
        %sign3A_108 = arith.cmpi sgt, %jit3A_95, %sign3A_107 : i32
        %sign3A_109 = arith.extui %sign3A_108 : i1 to i32
        %sign3A_110 = arith.constant 0 : i32
        %sign3A_111 = arith.cmpi slt, %jit3A_95, %sign3A_110 : i32
        %sign3A_112 = arith.extui %sign3A_111 : i1 to i32
        %sign3A_113 = arith.subi %sign3A_109, %sign3A_112 : i32
        %ne3A_114 = vector.broadcast %sign3A_113 : i32 to vector<16xi32>
        %ne3A_115 = arith.cmpi ne, %sign3A_106, %ne3A_114 : vector<16xi32>
        %rem3A_116 = vector.broadcast %jit3A_95 : i32 to vector<16xi32>
        %rem3A_117 = arith.remsi %get3A_94, %rem3A_116 : vector<16xi32>
        %ne3A_118 = arith.constant 0 : i32
        %ne3A_119 = vector.broadcast %ne3A_118 : i32 to vector<16xi32>
        %ne3A_120 = arith.cmpi ne, %rem3A_117, %ne3A_119 : vector<16xi32>
        %and3A_121 = arith.andi %ne3A_115, %ne3A_120 : vector<16xi1>
        %sub3A_122 = arith.constant 1 : i32
        %sub3A_123 = vector.broadcast %sub3A_122 : i32 to vector<16xi32>
        %sub3A_124 = arith.subi %div3A_97, %sub3A_123 : vector<16xi32>
        %select_n3A_125 = arith.select %and3A_121, %sub3A_124, %div3A_97 : vector<16xi1>, vector<16xi32>
        %mul3A_126 = arith.constant 16 : i32
        %mul3A_127 = vector.broadcast %mul3A_126 : i32 to vector<16xi32>
        %mul3A_128 = arith.muli %select_n3A_125, %mul3A_127 : vector<16xi32>
        %slice3A = vector.extract_strided_slice %mul3A_90 {offsets = [0], sizes = [1], strides = [1]} : vector<16xi32> to vector<1xi32>
        %squeeze3A = vector.extract %slice3A[0] : i32 from vector<1xi32>
        %multiple_of3A = tpu.assume_multiple %squeeze3A, 16 : i32
        %slice3A_129 = vector.extract_strided_slice %mul3A_128 {offsets = [0], sizes = [1], strides = [1]} : vector<16xi32> to vector<1xi32>
        %squeeze3A_130 = vector.extract %slice3A_129[0] : i32 from vector<1xi32>
        %multiple_of3A_131 = tpu.assume_multiple %squeeze3A_130, 16 : i32
        %dma_start3A_132 = arith.constant 0 : i32
        %dma_start3A_133 = arith.constant 0 : i32
        %dma_start3A_134 = arith.constant 0 : i32
        %dma_start3A_135 = tpu.memref_slice %arg14[%select_n3A_40, %dma_start3A_132, %dma_start3A_133, %dma_start3A_134] : memref<6x4x8x256xf32, #tpu.memory_space<vmem>> -> memref<1x4x8x16xf32, #tpu.memory_space<vmem>>
        %dma_start3A_136 = tpu.memref_squeeze %dma_start3A_135 : memref<1x4x8x16xf32, #tpu.memory_space<vmem>> -> memref<4x8x16xf32, #tpu.memory_space<vmem>>
        %dma_start3A_137 = arith.constant 0 : i32
        %dma_start3A_138 = arith.constant 0 : i32
        %dma_start3A_139 = tpu.memref_slice %arg6[%dma_start3A_137, %dma_start3A_138, %multiple_of3A] : memref<4x8x1000000xf32, #tpu.memory_space<hbm>> -> memref<4x8x16xf32, #tpu.memory_space<hbm>>
        %dma_start3A_140 = tpu.memref_slice %arg16[%select_n3A_56] : memref<6x!tpu.dma_semaphore, #tpu.memory_space<semaphore_mem>> -> memref<1x!tpu.dma_semaphore, #tpu.memory_space<semaphore_mem>>
        %dma_start3A_141 = tpu.memref_squeeze %dma_start3A_140 : memref<1x!tpu.dma_semaphore, #tpu.memory_space<semaphore_mem>> -> memref<!tpu.dma_semaphore, #tpu.memory_space<semaphore_mem>>
        %dma_start3A_142 = arith.constant 0 : i32
        %dma_start3A_143 = arith.constant 0 : i32
        %dma_start3A_144 = arith.constant 0 : i32
        %dma_start3A_145 = tpu.memref_slice %arg14[%select_n3A_40, %dma_start3A_142, %dma_start3A_143, %dma_start3A_144] : memref<6x4x8x256xf32, #tpu.memory_space<vmem>> -> memref<1x4x8x16xf32, #tpu.memory_space<vmem>>
        %dma_start3A_146 = tpu.memref_squeeze %dma_start3A_145 : memref<1x4x8x16xf32, #tpu.memory_space<vmem>> -> memref<4x8x16xf32, #tpu.memory_space<vmem>>
        %dma_start3A_147 = arith.constant 0 : i32
        %dma_start3A_148 = arith.constant 0 : i32
        %dma_start3A_149 = tpu.memref_slice %arg6[%dma_start3A_147, %dma_start3A_148, %multiple_of3A] : memref<4x8x1000000xf32, #tpu.memory_space<hbm>> -> memref<4x8x16xf32, #tpu.memory_space<hbm>>
        tpu.enqueue_dma source(%dma_start3A_149 : memref<4x8x16xf32, #tpu.memory_space<hbm>>) target(%dma_start3A_146 : memref<4x8x16xf32, #tpu.memory_space<vmem>>) target_semaphore(%dma_start3A_141 : memref<!tpu.dma_semaphore, #tpu.memory_space<semaphore_mem>>)
        %dma_start3A_150 = arith.constant 0 : i32
        %dma_start3A_151 = arith.constant 0 : i32
        %dma_start3A_152 = arith.constant 0 : i32
        %dma_start3A_153 = tpu.memref_slice %arg15[%select_n3A_40, %dma_start3A_150, %dma_start3A_151, %dma_start3A_152] : memref<6x4x8x256xf32, #tpu.memory_space<vmem>> -> memref<1x4x8x16xf32, #tpu.memory_space<vmem>>
        %dma_start3A_154 = tpu.memref_squeeze %dma_start3A_153 : memref<1x4x8x16xf32, #tpu.memory_space<vmem>> -> memref<4x8x16xf32, #tpu.memory_space<vmem>>
        %dma_start3A_155 = arith.constant 0 : i32
        %dma_start3A_156 = arith.constant 0 : i32
        %dma_start3A_157 = tpu.memref_slice %arg7[%dma_start3A_155, %dma_start3A_156, %multiple_of3A_131] : memref<4x8x1000000xf32, #tpu.memory_space<hbm>> -> memref<4x8x16xf32, #tpu.memory_space<hbm>>
        %dma_start3A_158 = tpu.memref_slice %arg16[%select_n3A_56] : memref<6x!tpu.dma_semaphore, #tpu.memory_space<semaphore_mem>> -> memref<1x!tpu.dma_semaphore, #tpu.memory_space<semaphore_mem>>
        %dma_start3A_159 = tpu.memref_squeeze %dma_start3A_158 : memref<1x!tpu.dma_semaphore, #tpu.memory_space<semaphore_mem>> -> memref<!tpu.dma_semaphore, #tpu.memory_space<semaphore_mem>>
        %dma_start3A_160 = arith.constant 0 : i32
        %dma_start3A_161 = arith.constant 0 : i32
        %dma_start3A_162 = arith.constant 0 : i32
        %dma_start3A_163 = tpu.memref_slice %arg15[%select_n3A_40, %dma_start3A_160, %dma_start3A_161, %dma_start3A_162] : memref<6x4x8x256xf32, #tpu.memory_space<vmem>> -> memref<1x4x8x16xf32, #tpu.memory_space<vmem>>
        %dma_start3A_164 = tpu.memref_squeeze %dma_start3A_163 : memref<1x4x8x16xf32, #tpu.memory_space<vmem>> -> memref<4x8x16xf32, #tpu.memory_space<vmem>>
        %dma_start3A_165 = arith.constant 0 : i32
        %dma_start3A_166 = arith.constant 0 : i32
        %dma_start3A_167 = tpu.memref_slice %arg7[%dma_start3A_165, %dma_start3A_166, %multiple_of3A_131] : memref<4x8x1000000xf32, #tpu.memory_space<hbm>> -> memref<4x8x16xf32, #tpu.memory_space<hbm>>
        tpu.enqueue_dma source(%dma_start3A_167 : memref<4x8x16xf32, #tpu.memory_space<hbm>>) target(%dma_start3A_164 : memref<4x8x16xf32, #tpu.memory_space<vmem>>) target_semaphore(%dma_start3A_159 : memref<!tpu.dma_semaphore, #tpu.memory_space<semaphore_mem>>)
        %slice3A_168 = vector.extract_strided_slice %mul3A_90 {offsets = [1], sizes = [1], strides = [1]} : vector<16xi32> to vector<1xi32>
        %squeeze3A_169 = vector.extract %slice3A_168[0] : i32 from vector<1xi32>
        %multiple_of3A_170 = tpu.assume_multiple %squeeze3A_169, 16 : i32
        %slice3A_171 = vector.extract_strided_slice %mul3A_128 {offsets = [1], sizes = [1], strides = [1]} : vector<16xi32> to vector<1xi32>
        %squeeze3A_172 = vector.extract %slice3A_171[0] : i32 from vector<1xi32>
        %multiple_of3A_173 = tpu.assume_multiple %squeeze3A_172, 16 : i32
        %dma_start3A_174 = arith.constant 0 : i32
        %dma_start3A_175 = arith.constant 0 : i32
        %dma_start3A_176 = arith.constant 16 : i32
        %dma_start3A_177 = tpu.memref_slice %arg14[%select_n3A_40, %dma_start3A_174, %dma_start3A_175, %dma_start3A_176] : memref<6x4x8x256xf32, #tpu.memory_space<vmem>> -> memref<1x4x8x16xf32, #tpu.memory_space<vmem>>
        %dma_start3A_178 = tpu.memref_squeeze %dma_start3A_177 : memref<1x4x8x16xf32, #tpu.memory_space<vmem>> -> memref<4x8x16xf32, #tpu.memory_space<vmem>>
        %dma_start3A_179 = arith.constant 0 : i32
        %dma_start3A_180 = arith.constant 0 : i32
        %dma_start3A_181 = tpu.memref_slice %arg6[%dma_start3A_179, %dma_start3A_180, %multiple_of3A_170] : memref<4x8x1000000xf32, #tpu.memory_space<hbm>> -> memref<4x8x16xf32, #tpu.memory_space<hbm>>
        %dma_start3A_182 = tpu.memref_slice %arg16[%select_n3A_56] : memref<6x!tpu.dma_semaphore, #tpu.memory_space<semaphore_mem>> -> memref<1x!tpu.dma_semaphore, #tpu.memory_space<semaphore_mem>>
        %dma_start3A_183 = tpu.memref_squeeze %dma_start3A_182 : memref<1x!tpu.dma_semaphore, #tpu.memory_space<semaphore_mem>> -> memref<!tpu.dma_semaphore, #tpu.memory_space<semaphore_mem>>
        %dma_start3A_184 = arith.constant 0 : i32
        %dma_start3A_185 = arith.constant 0 : i32
        %dma_start3A_186 = arith.constant 16 : i32
        %dma_start3A_187 = tpu.memref_slice %arg14[%select_n3A_40, %dma_start3A_184, %dma_start3A_185, %dma_start3A_186] : memref<6x4x8x256xf32, #tpu.memory_space<vmem>> -> memref<1x4x8x16xf32, #tpu.memory_space<vmem>>
        %dma_start3A_188 = tpu.memref_squeeze %dma_start3A_187 : memref<1x4x8x16xf32, #tpu.memory_space<vmem>> -> memref<4x8x16xf32, #tpu.memory_space<vmem>>
        %dma_start3A_189 = arith.constant 0 : i32
        %dma_start3A_190 = arith.constant 0 : i32
        %dma_start3A_191 = tpu.memref_slice %arg6[%dma_start3A_189, %dma_start3A_190, %multiple_of3A_170] : memref<4x8x1000000xf32, #tpu.memory_space<hbm>> -> memref<4x8x16xf32, #tpu.memory_space<hbm>>
        tpu.enqueue_dma source(%dma_start3A_191 : memref<4x8x16xf32, #tpu.memory_space<hbm>>) target(%dma_start3A_188 : memref<4x8x16xf32, #tpu.memory_space<vmem>>) target_semaphore(%dma_start3A_183 : memref<!tpu.dma_semaphore, #tpu.memory_space<semaphore_mem>>)
        %dma_start3A_192 = arith.constant 0 : i32
        %dma_start3A_193 = arith.constant 0 : i32
        %dma_start3A_194 = arith.constant 16 : i32
        %dma_start3A_195 = tpu.memref_slice %arg15[%select_n3A_40, %dma_start3A_192, %dma_start3A_193, %dma_start3A_194] : memref<6x4x8x256xf32, #tpu.memory_space<vmem>> -> memref<1x4x8x16xf32, #tpu.memory_space<vmem>>
        %dma_start3A_196 = tpu.memref_squeeze %dma_start3A_195 : memref<1x4x8x16xf32, #tpu.memory_space<vmem>> -> memref<4x8x16xf32, #tpu.memory_space<vmem>>
        %dma_start3A_197 = arith.constant 0 : i32
        %dma_start3A_198 = arith.constant 0 : i32
        %dma_start3A_199 = tpu.memref_slice %arg7[%dma_start3A_197, %dma_start3A_198, %multiple_of3A_173] : memref<4x8x1000000xf32, #tpu.memory_space<hbm>> -> memref<4x8x16xf32, #tpu.memory_space<hbm>>
        %dma_start3A_200 = tpu.memref_slice %arg16[%select_n3A_56] : memref<6x!tpu.dma_semaphore, #tpu.memory_space<semaphore_mem>> -> memref<1x!tpu.dma_semaphore, #tpu.memory_space<semaphore_mem>>
        %dma_start3A_201 = tpu.memref_squeeze %dma_start3A_200 : memref<1x!tpu.dma_semaphore, #tpu.memory_space<semaphore_mem>> -> memref<!tpu.dma_semaphore, #tpu.memory_space<semaphore_mem>>
        %dma_start3A_202 = arith.constant 0 : i32
        %dma_start3A_203 = arith.constant 0 : i32
        %dma_start3A_204 = arith.constant 16 : i32
        %dma_start3A_205 = tpu.memref_slice %arg15[%select_n3A_40, %dma_start3A_202, %dma_start3A_203, %dma_start3A_204] : memref<6x4x8x256xf32, #tpu.memory_space<vmem>> -> memref<1x4x8x16xf32, #tpu.memory_space<vmem>>
        %dma_start3A_206 = tpu.memref_squeeze %dma_start3A_205 : memref<1x4x8x16xf32, #tpu.memory_space<vmem>> -> memref<4x8x16xf32, #tpu.memory_space<vmem>>
        %dma_start3A_207 = arith.constant 0 : i32
        %dma_start3A_208 = arith.constant 0 : i32
        %dma_start3A_209 = tpu.memref_slice %arg7[%dma_start3A_207, %dma_start3A_208, %multiple_of3A_173] : memref<4x8x1000000xf32, #tpu.memory_space<hbm>> -> memref<4x8x16xf32, #tpu.memory_space<hbm>>
        tpu.enqueue_dma source(%dma_start3A_209 : memref<4x8x16xf32, #tpu.memory_space<hbm>>) target(%dma_start3A_206 : memref<4x8x16xf32, #tpu.memory_space<vmem>>) target_semaphore(%dma_start3A_201 : memref<!tpu.dma_semaphore, #tpu.memory_space<semaphore_mem>>)
        %slice3A_210 = vector.extract_strided_slice %mul3A_90 {offsets = [2], sizes = [1], strides = [1]} : vector<16xi32> to vector<1xi32>
        %squeeze3A_211 = vector.extract %slice3A_210[0] : i32 from vector<1xi32>
        %multiple_of3A_212 = tpu.assume_multiple %squeeze3A_211, 16 : i32
        %slice3A_213 = vector.extract_strided_slice %mul3A_128 {offsets = [2], sizes = [1], strides = [1]} : vector<16xi32> to vector<1xi32>
        %squeeze3A_214 = vector.extract %slice3A_213[0] : i32 from vector<1xi32>
        %multiple_of3A_215 = tpu.assume_multiple %squeeze3A_214, 16 : i32
        %dma_start3A_216 = arith.constant 0 : i32
        %dma_start3A_217 = arith.constant 0 : i32
        %dma_start3A_218 = arith.constant 32 : i32
        %dma_start3A_219 = tpu.memref_slice %arg14[%select_n3A_40, %dma_start3A_216, %dma_start3A_217, %dma_start3A_218] : memref<6x4x8x256xf32, #tpu.memory_space<vmem>> -> memref<1x4x8x16xf32, #tpu.memory_space<vmem>>
        %dma_start3A_220 = tpu.memref_squeeze %dma_start3A_219 : memref<1x4x8x16xf32, #tpu.memory_space<vmem>> -> memref<4x8x16xf32, #tpu.memory_space<vmem>>
        %dma_start3A_221 = arith.constant 0 : i32
        %dma_start3A_222 = arith.constant 0 : i32
        %dma_start3A_223 = tpu.memref_slice %arg6[%dma_start3A_221, %dma_start3A_222, %multiple_of3A_212] : memref<4x8x1000000xf32, #tpu.memory_space<hbm>> -> memref<4x8x16xf32, #tpu.memory_space<hbm>>
        %dma_start3A_224 = tpu.memref_slice %arg16[%select_n3A_56] : memref<6x!tpu.dma_semaphore, #tpu.memory_space<semaphore_mem>> -> memref<1x!tpu.dma_semaphore, #tpu.memory_space<semaphore_mem>>
        %dma_start3A_225 = tpu.memref_squeeze %dma_start3A_224 : memref<1x!tpu.dma_semaphore, #tpu.memory_space<semaphore_mem>> -> memref<!tpu.dma_semaphore, #tpu.memory_space<semaphore_mem>>
        %dma_start3A_226 = arith.constant 0 : i32
        %dma_start3A_227 = arith.constant 0 : i32
        %dma_start3A_228 = arith.constant 32 : i32
        %dma_start3A_229 = tpu.memref_slice %arg14[%select_n3A_40, %dma_start3A_226, %dma_start3A_227, %dma_start3A_228] : memref<6x4x8x256xf32, #tpu.memory_space<vmem>> -> memref<1x4x8x16xf32, #tpu.memory_space<vmem>>
        %dma_start3A_230 = tpu.memref_squeeze %dma_start3A_229 : memref<1x4x8x16xf32, #tpu.memory_space<vmem>> -> memref<4x8x16xf32, #tpu.memory_space<vmem>>
        %dma_start3A_231 = arith.constant 0 : i32
        %dma_start3A_232 = arith.constant 0 : i32
        %dma_start3A_233 = tpu.memref_slice %arg6[%dma_start3A_231, %dma_start3A_232, %multiple_of3A_212] : memref<4x8x1000000xf32, #tpu.memory_space<hbm>> -> memref<4x8x16xf32, #tpu.memory_space<hbm>>
        tpu.enqueue_dma source(%dma_start3A_233 : memref<4x8x16xf32, #tpu.memory_space<hbm>>) target(%dma_start3A_230 : memref<4x8x16xf32, #tpu.memory_space<vmem>>) target_semaphore(%dma_start3A_225 : memref<!tpu.dma_semaphore, #tpu.memory_space<semaphore_mem>>)
        %dma_start3A_234 = arith.constant 0 : i32
        %dma_start3A_235 = arith.constant 0 : i32
        %dma_start3A_236 = arith.constant 32 : i32
        %dma_start3A_237 = tpu.memref_slice %arg15[%select_n3A_40, %dma_start3A_234, %dma_start3A_235, %dma_start3A_236] : memref<6x4x8x256xf32, #tpu.memory_space<vmem>> -> memref<1x4x8x16xf32, #tpu.memory_space<vmem>>
        %dma_start3A_238 = tpu.memref_squeeze %dma_start3A_237 : memref<1x4x8x16xf32, #tpu.memory_space<vmem>> -> memref<4x8x16xf32, #tpu.memory_space<vmem>>
        %dma_start3A_239 = arith.constant 0 : i32
        %dma_start3A_240 = arith.constant 0 : i32
        %dma_start3A_241 = tpu.memref_slice %arg7[%dma_start3A_239, %dma_start3A_240, %multiple_of3A_215] : memref<4x8x1000000xf32, #tpu.memory_space<hbm>> -> memref<4x8x16xf32, #tpu.memory_space<hbm>>
        %dma_start3A_242 = tpu.memref_slice %arg16[%select_n3A_56] : memref<6x!tpu.dma_semaphore, #tpu.memory_space<semaphore_mem>> -> memref<1x!tpu.dma_semaphore, #tpu.memory_space<semaphore_mem>>
        %dma_start3A_243 = tpu.memref_squeeze %dma_start3A_242 : memref<1x!tpu.dma_semaphore, #tpu.memory_space<semaphore_mem>> -> memref<!tpu.dma_semaphore, #tpu.memory_space<semaphore_mem>>
        %dma_start3A_244 = arith.constant 0 : i32
        %dma_start3A_245 = arith.constant 0 : i32
        %dma_start3A_246 = arith.constant 32 : i32
        %dma_start3A_247 = tpu.memref_slice %arg15[%select_n3A_40, %dma_start3A_244, %dma_start3A_245, %dma_start3A_246] : memref<6x4x8x256xf32, #tpu.memory_space<vmem>> -> memref<1x4x8x16xf32, #tpu.memory_space<vmem>>
        %dma_start3A_248 = tpu.memref_squeeze %dma_start3A_247 : memref<1x4x8x16xf32, #tpu.memory_space<vmem>> -> memref<4x8x16xf32, #tpu.memory_space<vmem>>
        %dma_start3A_249 = arith.constant 0 : i32
        %dma_start3A_250 = arith.constant 0 : i32
        %dma_start3A_251 = tpu.memref_slice %arg7[%dma_start3A_249, %dma_start3A_250, %multiple_of3A_215] : memref<4x8x1000000xf32, #tpu.memory_space<hbm>> -> memref<4x8x16xf32, #tpu.memory_space<hbm>>
        tpu.enqueue_dma source(%dma_start3A_251 : memref<4x8x16xf32, #tpu.memory_space<hbm>>) target(%dma_start3A_248 : memref<4x8x16xf32, #tpu.memory_space<vmem>>) target_semaphore(%dma_start3A_243 : memref<!tpu.dma_semaphore, #tpu.memory_space<semaphore_mem>>)
        %slice3A_252 = vector.extract_strided_slice %mul3A_90 {offsets = [3], sizes = [1], strides = [1]} : vector<16xi32> to vector<1xi32>
        %squeeze3A_253 = vector.extract %slice3A_252[0] : i32 from vector<1xi32>
        %multiple_of3A_254 = tpu.assume_multiple %squeeze3A_253, 16 : i32
        %slice3A_255 = vector.extract_strided_slice %mul3A_128 {offsets = [3], sizes = [1], strides = [1]} : vector<16xi32> to vector<1xi32>
        %squeeze3A_256 = vector.extract %slice3A_255[0] : i32 from vector<1xi32>
        %multiple_of3A_257 = tpu.assume_multiple %squeeze3A_256, 16 : i32
        %dma_start3A_258 = arith.constant 0 : i32
        %dma_start3A_259 = arith.constant 0 : i32
        %dma_start3A_260 = arith.constant 48 : i32
        %dma_start3A_261 = tpu.memref_slice %arg14[%select_n3A_40, %dma_start3A_258, %dma_start3A_259, %dma_start3A_260] : memref<6x4x8x256xf32, #tpu.memory_space<vmem>> -> memref<1x4x8x16xf32, #tpu.memory_space<vmem>>
        %dma_start3A_262 = tpu.memref_squeeze %dma_start3A_261 : memref<1x4x8x16xf32, #tpu.memory_space<vmem>> -> memref<4x8x16xf32, #tpu.memory_space<vmem>>
        %dma_start3A_263 = arith.constant 0 : i32
        %dma_start3A_264 = arith.constant 0 : i32
        %dma_start3A_265 = tpu.memref_slice %arg6[%dma_start3A_263, %dma_start3A_264, %multiple_of3A_254] : memref<4x8x1000000xf32, #tpu.memory_space<hbm>> -> memref<4x8x16xf32, #tpu.memory_space<hbm>>
        %dma_start3A_266 = tpu.memref_slice %arg16[%select_n3A_56] : memref<6x!tpu.dma_semaphore, #tpu.memory_space<semaphore_mem>> -> memref<1x!tpu.dma_semaphore, #tpu.memory_space<semaphore_mem>>
        %dma_start3A_267 = tpu.memref_squeeze %dma_start3A_266 : memref<1x!tpu.dma_semaphore, #tpu.memory_space<semaphore_mem>> -> memref<!tpu.dma_semaphore, #tpu.memory_space<semaphore_mem>>
        %dma_start3A_268 = arith.constant 0 : i32
        %dma_start3A_269 = arith.constant 0 : i32
        %dma_start3A_270 = arith.constant 48 : i32
        %dma_start3A_271 = tpu.memref_slice %arg14[%select_n3A_40, %dma_start3A_268, %dma_start3A_269, %dma_start3A_270] : memref<6x4x8x256xf32, #tpu.memory_space<vmem>> -> memref<1x4x8x16xf32, #tpu.memory_space<vmem>>
        %dma_start3A_272 = tpu.memref_squeeze %dma_start3A_271 : memref<1x4x8x16xf32, #tpu.memory_space<vmem>> -> memref<4x8x16xf32, #tpu.memory_space<vmem>>
        %dma_start3A_273 = arith.constant 0 : i32
        %dma_start3A_274 = arith.constant 0 : i32
        %dma_start3A_275 = tpu.memref_slice %arg6[%dma_start3A_273, %dma_start3A_274, %multiple_of3A_254] : memref<4x8x1000000xf32, #tpu.memory_space<hbm>> -> memref<4x8x16xf32, #tpu.memory_space<hbm>>
        tpu.enqueue_dma source(%dma_start3A_275 : memref<4x8x16xf32, #tpu.memory_space<hbm>>) target(%dma_start3A_272 : memref<4x8x16xf32, #tpu.memory_space<vmem>>) target_semaphore(%dma_start3A_267 : memref<!tpu.dma_semaphore, #tpu.memory_space<semaphore_mem>>)
        %dma_start3A_276 = arith.constant 0 : i32
        %dma_start3A_277 = arith.constant 0 : i32
        %dma_start3A_278 = arith.constant 48 : i32
        %dma_start3A_279 = tpu.memref_slice %arg15[%select_n3A_40, %dma_start3A_276, %dma_start3A_277, %dma_start3A_278] : memref<6x4x8x256xf32, #tpu.memory_space<vmem>> -> memref<1x4x8x16xf32, #tpu.memory_space<vmem>>
        %dma_start3A_280 = tpu.memref_squeeze %dma_start3A_279 : memref<1x4x8x16xf32, #tpu.memory_space<vmem>> -> memref<4x8x16xf32, #tpu.memory_space<vmem>>
        %dma_start3A_281 = arith.constant 0 : i32
        %dma_start3A_282 = arith.constant 0 : i32
        %dma_start3A_283 = tpu.memref_slice %arg7[%dma_start3A_281, %dma_start3A_282, %multiple_of3A_257] : memref<4x8x1000000xf32, #tpu.memory_space<hbm>> -> memref<4x8x16xf32, #tpu.memory_space<hbm>>
        %dma_start3A_284 = tpu.memref_slice %arg16[%select_n3A_56] : memref<6x!tpu.dma_semaphore, #tpu.memory_space<semaphore_mem>> -> memref<1x!tpu.dma_semaphore, #tpu.memory_space<semaphore_mem>>
        %dma_start3A_285 = tpu.memref_squeeze %dma_start3A_284 : memref<1x!tpu.dma_semaphore, #tpu.memory_space<semaphore_mem>> -> memref<!tpu.dma_semaphore, #tpu.memory_space<semaphore_mem>>
        %dma_start3A_286 = arith.constant 0 : i32
        %dma_start3A_287 = arith.constant 0 : i32
        %dma_start3A_288 = arith.constant 48 : i32
        %dma_start3A_289 = tpu.memref_slice %arg15[%select_n3A_40, %dma_start3A_286, %dma_start3A_287, %dma_start3A_288] : memref<6x4x8x256xf32, #tpu.memory_space<vmem>> -> memref<1x4x8x16xf32, #tpu.memory_space<vmem>>
        %dma_start3A_290 = tpu.memref_squeeze %dma_start3A_289 : memref<1x4x8x16xf32, #tpu.memory_space<vmem>> -> memref<4x8x16xf32, #tpu.memory_space<vmem>>
        %dma_start3A_291 = arith.constant 0 : i32
        %dma_start3A_292 = arith.constant 0 : i32
        %dma_start3A_293 = tpu.memref_slice %arg7[%dma_start3A_291, %dma_start3A_292, %multiple_of3A_257] : memref<4x8x1000000xf32, #tpu.memory_space<hbm>> -> memref<4x8x16xf32, #tpu.memory_space<hbm>>
        tpu.enqueue_dma source(%dma_start3A_293 : memref<4x8x16xf32, #tpu.memory_space<hbm>>) target(%dma_start3A_290 : memref<4x8x16xf32, #tpu.memory_space<vmem>>) target_semaphore(%dma_start3A_285 : memref<!tpu.dma_semaphore, #tpu.memory_space<semaphore_mem>>)
        %slice3A_294 = vector.extract_strided_slice %mul3A_90 {offsets = [4], sizes = [1], strides = [1]} : vector<16xi32> to vector<1xi32>
        %squeeze3A_295 = vector.extract %slice3A_294[0] : i32 from vector<1xi32>
        %multiple_of3A_296 = tpu.assume_multiple %squeeze3A_295, 16 : i32
        %slice3A_297 = vector.extract_strided_slice %mul3A_128 {offsets = [4], sizes = [1], strides = [1]} : vector<16xi32> to vector<1xi32>
        %squeeze3A_298 = vector.extract %slice3A_297[0] : i32 from vector<1xi32>
        %multiple_of3A_299 = tpu.assume_multiple %squeeze3A_298, 16 : i32
        %dma_start3A_300 = arith.constant 0 : i32
        %dma_start3A_301 = arith.constant 0 : i32
        %dma_start3A_302 = arith.constant 64 : i32
        %dma_start3A_303 = tpu.memref_slice %arg14[%select_n3A_40, %dma_start3A_300, %dma_start3A_301, %dma_start3A_302] : memref<6x4x8x256xf32, #tpu.memory_space<vmem>> -> memref<1x4x8x16xf32, #tpu.memory_space<vmem>>
        %dma_start3A_304 = tpu.memref_squeeze %dma_start3A_303 : memref<1x4x8x16xf32, #tpu.memory_space<vmem>> -> memref<4x8x16xf32, #tpu.memory_space<vmem>>
        %dma_start3A_305 = arith.constant 0 : i32
        %dma_start3A_306 = arith.constant 0 : i32
        %dma_start3A_307 = tpu.memref_slice %arg6[%dma_start3A_305, %dma_start3A_306, %multiple_of3A_296] : memref<4x8x1000000xf32, #tpu.memory_space<hbm>> -> memref<4x8x16xf32, #tpu.memory_space<hbm>>
        %dma_start3A_308 = tpu.memref_slice %arg16[%select_n3A_56] : memref<6x!tpu.dma_semaphore, #tpu.memory_space<semaphore_mem>> -> memref<1x!tpu.dma_semaphore, #tpu.memory_space<semaphore_mem>>
        %dma_start3A_309 = tpu.memref_squeeze %dma_start3A_308 : memref<1x!tpu.dma_semaphore, #tpu.memory_space<semaphore_mem>> -> memref<!tpu.dma_semaphore, #tpu.memory_space<semaphore_mem>>
        %dma_start3A_310 = arith.constant 0 : i32
        %dma_start3A_311 = arith.constant 0 : i32
        %dma_start3A_312 = arith.constant 64 : i32
        %dma_start3A_313 = tpu.memref_slice %arg14[%select_n3A_40, %dma_start3A_310, %dma_start3A_311, %dma_start3A_312] : memref<6x4x8x256xf32, #tpu.memory_space<vmem>> -> memref<1x4x8x16xf32, #tpu.memory_space<vmem>>
        %dma_start3A_314 = tpu.memref_squeeze %dma_start3A_313 : memref<1x4x8x16xf32, #tpu.memory_space<vmem>> -> memref<4x8x16xf32, #tpu.memory_space<vmem>>
        %dma_start3A_315 = arith.constant 0 : i32
        %dma_start3A_316 = arith.constant 0 : i32
        %dma_start3A_317 = tpu.memref_slice %arg6[%dma_start3A_315, %dma_start3A_316, %multiple_of3A_296] : memref<4x8x1000000xf32, #tpu.memory_space<hbm>> -> memref<4x8x16xf32, #tpu.memory_space<hbm>>
        tpu.enqueue_dma source(%dma_start3A_317 : memref<4x8x16xf32, #tpu.memory_space<hbm>>) target(%dma_start3A_314 : memref<4x8x16xf32, #tpu.memory_space<vmem>>) target_semaphore(%dma_start3A_309 : memref<!tpu.dma_semaphore, #tpu.memory_space<semaphore_mem>>)
        %dma_start3A_318 = arith.constant 0 : i32
        %dma_start3A_319 = arith.constant 0 : i32
        %dma_start3A_320 = arith.constant 64 : i32
        %dma_start3A_321 = tpu.memref_slice %arg15[%select_n3A_40, %dma_start3A_318, %dma_start3A_319, %dma_start3A_320] : memref<6x4x8x256xf32, #tpu.memory_space<vmem>> -> memref<1x4x8x16xf32, #tpu.memory_space<vmem>>
        %dma_start3A_322 = tpu.memref_squeeze %dma_start3A_321 : memref<1x4x8x16xf32, #tpu.memory_space<vmem>> -> memref<4x8x16xf32, #tpu.memory_space<vmem>>
        %dma_start3A_323 = arith.constant 0 : i32
        %dma_start3A_324 = arith.constant 0 : i32
        %dma_start3A_325 = tpu.memref_slice %arg7[%dma_start3A_323, %dma_start3A_324, %multiple_of3A_299] : memref<4x8x1000000xf32, #tpu.memory_space<hbm>> -> memref<4x8x16xf32, #tpu.memory_space<hbm>>
        %dma_start3A_326 = tpu.memref_slice %arg16[%select_n3A_56] : memref<6x!tpu.dma_semaphore, #tpu.memory_space<semaphore_mem>> -> memref<1x!tpu.dma_semaphore, #tpu.memory_space<semaphore_mem>>
        %dma_start3A_327 = tpu.memref_squeeze %dma_start3A_326 : memref<1x!tpu.dma_semaphore, #tpu.memory_space<semaphore_mem>> -> memref<!tpu.dma_semaphore, #tpu.memory_space<semaphore_mem>>
        %dma_start3A_328 = arith.constant 0 : i32
        %dma_start3A_329 = arith.constant 0 : i32
        %dma_start3A_330 = arith.constant 64 : i32
        %dma_start3A_331 = tpu.memref_slice %arg15[%select_n3A_40, %dma_start3A_328, %dma_start3A_329, %dma_start3A_330] : memref<6x4x8x256xf32, #tpu.memory_space<vmem>> -> memref<1x4x8x16xf32, #tpu.memory_space<vmem>>
        %dma_start3A_332 = tpu.memref_squeeze %dma_start3A_331 : memref<1x4x8x16xf32, #tpu.memory_space<vmem>> -> memref<4x8x16xf32, #tpu.memory_space<vmem>>
        %dma_start3A_333 = arith.constant 0 : i32
        %dma_start3A_334 = arith.constant 0 : i32
        %dma_start3A_335 = tpu.memref_slice %arg7[%dma_start3A_333, %dma_start3A_334, %multiple_of3A_299] : memref<4x8x1000000xf32, #tpu.memory_space<hbm>> -> memref<4x8x16xf32, #tpu.memory_space<hbm>>
        tpu.enqueue_dma source(%dma_start3A_335 : memref<4x8x16xf32, #tpu.memory_space<hbm>>) target(%dma_start3A_332 : memref<4x8x16xf32, #tpu.memory_space<vmem>>) target_semaphore(%dma_start3A_327 : memref<!tpu.dma_semaphore, #tpu.memory_space<semaphore_mem>>)
        %slice3A_336 = vector.extract_strided_slice %mul3A_90 {offsets = [5], sizes = [1], strides = [1]} : vector<16xi32> to vector<1xi32>
        %squeeze3A_337 = vector.extract %slice3A_336[0] : i32 from vector<1xi32>
        %multiple_of3A_338 = tpu.assume_multiple %squeeze3A_337, 16 : i32
        %slice3A_339 = vector.extract_strided_slice %mul3A_128 {offsets = [5], sizes = [1], strides = [1]} : vector<16xi32> to vector<1xi32>
        %squeeze3A_340 = vector.extract %slice3A_339[0] : i32 from vector<1xi32>
        %multiple_of3A_341 = tpu.assume_multiple %squeeze3A_340, 16 : i32
        %dma_start3A_342 = arith.constant 0 : i32
        %dma_start3A_343 = arith.constant 0 : i32
        %dma_start3A_344 = arith.constant 80 : i32
        %dma_start3A_345 = tpu.memref_slice %arg14[%select_n3A_40, %dma_start3A_342, %dma_start3A_343, %dma_start3A_344] : memref<6x4x8x256xf32, #tpu.memory_space<vmem>> -> memref<1x4x8x16xf32, #tpu.memory_space<vmem>>
        %dma_start3A_346 = tpu.memref_squeeze %dma_start3A_345 : memref<1x4x8x16xf32, #tpu.memory_space<vmem>> -> memref<4x8x16xf32, #tpu.memory_space<vmem>>
        %dma_start3A_347 = arith.constant 0 : i32
        %dma_start3A_348 = arith.constant 0 : i32
        %dma_start3A_349 = tpu.memref_slice %arg6[%dma_start3A_347, %dma_start3A_348, %multiple_of3A_338] : memref<4x8x1000000xf32, #tpu.memory_space<hbm>> -> memref<4x8x16xf32, #tpu.memory_space<hbm>>
        %dma_start3A_350 = tpu.memref_slice %arg16[%select_n3A_56] : memref<6x!tpu.dma_semaphore, #tpu.memory_space<semaphore_mem>> -> memref<1x!tpu.dma_semaphore, #tpu.memory_space<semaphore_mem>>
        %dma_start3A_351 = tpu.memref_squeeze %dma_start3A_350 : memref<1x!tpu.dma_semaphore, #tpu.memory_space<semaphore_mem>> -> memref<!tpu.dma_semaphore, #tpu.memory_space<semaphore_mem>>
        %dma_start3A_352 = arith.constant 0 : i32
        %dma_start3A_353 = arith.constant 0 : i32
        %dma_start3A_354 = arith.constant 80 : i32
        %dma_start3A_355 = tpu.memref_slice %arg14[%select_n3A_40, %dma_start3A_352, %dma_start3A_353, %dma_start3A_354] : memref<6x4x8x256xf32, #tpu.memory_space<vmem>> -> memref<1x4x8x16xf32, #tpu.memory_space<vmem>>
        %dma_start3A_356 = tpu.memref_squeeze %dma_start3A_355 : memref<1x4x8x16xf32, #tpu.memory_space<vmem>> -> memref<4x8x16xf32, #tpu.memory_space<vmem>>
        %dma_start3A_357 = arith.constant 0 : i32
        %dma_start3A_358 = arith.constant 0 : i32
        %dma_start3A_359 = tpu.memref_slice %arg6[%dma_start3A_357, %dma_start3A_358, %multiple_of3A_338] : memref<4x8x1000000xf32, #tpu.memory_space<hbm>> -> memref<4x8x16xf32, #tpu.memory_space<hbm>>
        tpu.enqueue_dma source(%dma_start3A_359 : memref<4x8x16xf32, #tpu.memory_space<hbm>>) target(%dma_start3A_356 : memref<4x8x16xf32, #tpu.memory_space<vmem>>) target_semaphore(%dma_start3A_351 : memref<!tpu.dma_semaphore, #tpu.memory_space<semaphore_mem>>)
        %dma_start3A_360 = arith.constant 0 : i32
        %dma_start3A_361 = arith.constant 0 : i32
        %dma_start3A_362 = arith.constant 80 : i32
        %dma_start3A_363 = tpu.memref_slice %arg15[%select_n3A_40, %dma_start3A_360, %dma_start3A_361, %dma_start3A_362] : memref<6x4x8x256xf32, #tpu.memory_space<vmem>> -> memref<1x4x8x16xf32, #tpu.memory_space<vmem>>
        %dma_start3A_364 = tpu.memref_squeeze %dma_start3A_363 : memref<1x4x8x16xf32, #tpu.memory_space<vmem>> -> memref<4x8x16xf32, #tpu.memory_space<vmem>>
        %dma_start3A_365 = arith.constant 0 : i32
        %dma_start3A_366 = arith.constant 0 : i32
        %dma_start3A_367 = tpu.memref_slice %arg7[%dma_start3A_365, %dma_start3A_366, %multiple_of3A_341] : memref<4x8x1000000xf32, #tpu.memory_space<hbm>> -> memref<4x8x16xf32, #tpu.memory_space<hbm>>
        %dma_start3A_368 = tpu.memref_slice %arg16[%select_n3A_56] : memref<6x!tpu.dma_semaphore, #tpu.memory_space<semaphore_mem>> -> memref<1x!tpu.dma_semaphore, #tpu.memory_space<semaphore_mem>>
        %dma_start3A_369 = tpu.memref_squeeze %dma_start3A_368 : memref<1x!tpu.dma_semaphore, #tpu.memory_space<semaphore_mem>> -> memref<!tpu.dma_semaphore, #tpu.memory_space<semaphore_mem>>
        %dma_start3A_370 = arith.constant 0 : i32
        %dma_start3A_371 = arith.constant 0 : i32
        %dma_start3A_372 = arith.constant 80 : i32
        %dma_start3A_373 = tpu.memref_slice %arg15[%select_n3A_40, %dma_start3A_370, %dma_start3A_371, %dma_start3A_372] : memref<6x4x8x256xf32, #tpu.memory_space<vmem>> -> memref<1x4x8x16xf32, #tpu.memory_space<vmem>>
        %dma_start3A_374 = tpu.memref_squeeze %dma_start3A_373 : memref<1x4x8x16xf32, #tpu.memory_space<vmem>> -> memref<4x8x16xf32, #tpu.memory_space<vmem>>
        %dma_start3A_375 = arith.constant 0 : i32
        %dma_start3A_376 = arith.constant 0 : i32
        %dma_start3A_377 = tpu.memref_slice %arg7[%dma_start3A_375, %dma_start3A_376, %multiple_of3A_341] : memref<4x8x1000000xf32, #tpu.memory_space<hbm>> -> memref<4x8x16xf32, #tpu.memory_space<hbm>>
        tpu.enqueue_dma source(%dma_start3A_377 : memref<4x8x16xf32, #tpu.memory_space<hbm>>) target(%dma_start3A_374 : memref<4x8x16xf32, #tpu.memory_space<vmem>>) target_semaphore(%dma_start3A_369 : memref<!tpu.dma_semaphore, #tpu.memory_space<semaphore_mem>>)
        %slice3A_378 = vector.extract_strided_slice %mul3A_90 {offsets = [6], sizes = [1], strides = [1]} : vector<16xi32> to vector<1xi32>
        %squeeze3A_379 = vector.extract %slice3A_378[0] : i32 from vector<1xi32>
        %multiple_of3A_380 = tpu.assume_multiple %squeeze3A_379, 16 : i32
        %slice3A_381 = vector.extract_strided_slice %mul3A_128 {offsets = [6], sizes = [1], strides = [1]} : vector<16xi32> to vector<1xi32>
        %squeeze3A_382 = vector.extract %slice3A_381[0] : i32 from vector<1xi32>
        %multiple_of3A_383 = tpu.assume_multiple %squeeze3A_382, 16 : i32
        %dma_start3A_384 = arith.constant 0 : i32
        %dma_start3A_385 = arith.constant 0 : i32
        %dma_start3A_386 = arith.constant 96 : i32
        %dma_start3A_387 = tpu.memref_slice %arg14[%select_n3A_40, %dma_start3A_384, %dma_start3A_385, %dma_start3A_386] : memref<6x4x8x256xf32, #tpu.memory_space<vmem>> -> memref<1x4x8x16xf32, #tpu.memory_space<vmem>>
        %dma_start3A_388 = tpu.memref_squeeze %dma_start3A_387 : memref<1x4x8x16xf32, #tpu.memory_space<vmem>> -> memref<4x8x16xf32, #tpu.memory_space<vmem>>
        %dma_start3A_389 = arith.constant 0 : i32
        %dma_start3A_390 = arith.constant 0 : i32
        %dma_start3A_391 = tpu.memref_slice %arg6[%dma_start3A_389, %dma_start3A_390, %multiple_of3A_380] : memref<4x8x1000000xf32, #tpu.memory_space<hbm>> -> memref<4x8x16xf32, #tpu.memory_space<hbm>>
        %dma_start3A_392 = tpu.memref_slice %arg16[%select_n3A_56] : memref<6x!tpu.dma_semaphore, #tpu.memory_space<semaphore_mem>> -> memref<1x!tpu.dma_semaphore, #tpu.memory_space<semaphore_mem>>
        %dma_start3A_393 = tpu.memref_squeeze %dma_start3A_392 : memref<1x!tpu.dma_semaphore, #tpu.memory_space<semaphore_mem>> -> memref<!tpu.dma_semaphore, #tpu.memory_space<semaphore_mem>>
        %dma_start3A_394 = arith.constant 0 : i32
        %dma_start3A_395 = arith.constant 0 : i32
        %dma_start3A_396 = arith.constant 96 : i32
        %dma_start3A_397 = tpu.memref_slice %arg14[%select_n3A_40, %dma_start3A_394, %dma_start3A_395, %dma_start3A_396] : memref<6x4x8x256xf32, #tpu.memory_space<vmem>> -> memref<1x4x8x16xf32, #tpu.memory_space<vmem>>
        %dma_start3A_398 = tpu.memref_squeeze %dma_start3A_397 : memref<1x4x8x16xf32, #tpu.memory_space<vmem>> -> memref<4x8x16xf32, #tpu.memory_space<vmem>>
        %dma_start3A_399 = arith.constant 0 : i32
        %dma_start3A_400 = arith.constant 0 : i32
        %dma_start3A_401 = tpu.memref_slice %arg6[%dma_start3A_399, %dma_start3A_400, %multiple_of3A_380] : memref<4x8x1000000xf32, #tpu.memory_space<hbm>> -> memref<4x8x16xf32, #tpu.memory_space<hbm>>
        tpu.enqueue_dma source(%dma_start3A_401 : memref<4x8x16xf32, #tpu.memory_space<hbm>>) target(%dma_start3A_398 : memref<4x8x16xf32, #tpu.memory_space<vmem>>) target_semaphore(%dma_start3A_393 : memref<!tpu.dma_semaphore, #tpu.memory_space<semaphore_mem>>)
        %dma_start3A_402 = arith.constant 0 : i32
        %dma_start3A_403 = arith.constant 0 : i32
        %dma_start3A_404 = arith.constant 96 : i32
        %dma_start3A_405 = tpu.memref_slice %arg15[%select_n3A_40, %dma_start3A_402, %dma_start3A_403, %dma_start3A_404] : memref<6x4x8x256xf32, #tpu.memory_space<vmem>> -> memref<1x4x8x16xf32, #tpu.memory_space<vmem>>
        %dma_start3A_406 = tpu.memref_squeeze %dma_start3A_405 : memref<1x4x8x16xf32, #tpu.memory_space<vmem>> -> memref<4x8x16xf32, #tpu.memory_space<vmem>>
        %dma_start3A_407 = arith.constant 0 : i32
        %dma_start3A_408 = arith.constant 0 : i32
        %dma_start3A_409 = tpu.memref_slice %arg7[%dma_start3A_407, %dma_start3A_408, %multiple_of3A_383] : memref<4x8x1000000xf32, #tpu.memory_space<hbm>> -> memref<4x8x16xf32, #tpu.memory_space<hbm>>
        %dma_start3A_410 = tpu.memref_slice %arg16[%select_n3A_56] : memref<6x!tpu.dma_semaphore, #tpu.memory_space<semaphore_mem>> -> memref<1x!tpu.dma_semaphore, #tpu.memory_space<semaphore_mem>>
        %dma_start3A_411 = tpu.memref_squeeze %dma_start3A_410 : memref<1x!tpu.dma_semaphore, #tpu.memory_space<semaphore_mem>> -> memref<!tpu.dma_semaphore, #tpu.memory_space<semaphore_mem>>
        %dma_start3A_412 = arith.constant 0 : i32
        %dma_start3A_413 = arith.constant 0 : i32
        %dma_start3A_414 = arith.constant 96 : i32
        %dma_start3A_415 = tpu.memref_slice %arg15[%select_n3A_40, %dma_start3A_412, %dma_start3A_413, %dma_start3A_414] : memref<6x4x8x256xf32, #tpu.memory_space<vmem>> -> memref<1x4x8x16xf32, #tpu.memory_space<vmem>>
        %dma_start3A_416 = tpu.memref_squeeze %dma_start3A_415 : memref<1x4x8x16xf32, #tpu.memory_space<vmem>> -> memref<4x8x16xf32, #tpu.memory_space<vmem>>
        %dma_start3A_417 = arith.constant 0 : i32
        %dma_start3A_418 = arith.constant 0 : i32
        %dma_start3A_419 = tpu.memref_slice %arg7[%dma_start3A_417, %dma_start3A_418, %multiple_of3A_383] : memref<4x8x1000000xf32, #tpu.memory_space<hbm>> -> memref<4x8x16xf32, #tpu.memory_space<hbm>>
        tpu.enqueue_dma source(%dma_start3A_419 : memref<4x8x16xf32, #tpu.memory_space<hbm>>) target(%dma_start3A_416 : memref<4x8x16xf32, #tpu.memory_space<vmem>>) target_semaphore(%dma_start3A_411 : memref<!tpu.dma_semaphore, #tpu.memory_space<semaphore_mem>>)
        %slice3A_420 = vector.extract_strided_slice %mul3A_90 {offsets = [7], sizes = [1], strides = [1]} : vector<16xi32> to vector<1xi32>
        %squeeze3A_421 = vector.extract %slice3A_420[0] : i32 from vector<1xi32>
        %multiple_of3A_422 = tpu.assume_multiple %squeeze3A_421, 16 : i32
        %slice3A_423 = vector.extract_strided_slice %mul3A_128 {offsets = [7], sizes = [1], strides = [1]} : vector<16xi32> to vector<1xi32>
        %squeeze3A_424 = vector.extract %slice3A_423[0] : i32 from vector<1xi32>
        %multiple_of3A_425 = tpu.assume_multiple %squeeze3A_424, 16 : i32
        %dma_start3A_426 = arith.constant 0 : i32
        %dma_start3A_427 = arith.constant 0 : i32
        %dma_start3A_428 = arith.constant 112 : i32
        %dma_start3A_429 = tpu.memref_slice %arg14[%select_n3A_40, %dma_start3A_426, %dma_start3A_427, %dma_start3A_428] : memref<6x4x8x256xf32, #tpu.memory_space<vmem>> -> memref<1x4x8x16xf32, #tpu.memory_space<vmem>>
        %dma_start3A_430 = tpu.memref_squeeze %dma_start3A_429 : memref<1x4x8x16xf32, #tpu.memory_space<vmem>> -> memref<4x8x16xf32, #tpu.memory_space<vmem>>
        %dma_start3A_431 = arith.constant 0 : i32
        %dma_start3A_432 = arith.constant 0 : i32
        %dma_start3A_433 = tpu.memref_slice %arg6[%dma_start3A_431, %dma_start3A_432, %multiple_of3A_422] : memref<4x8x1000000xf32, #tpu.memory_space<hbm>> -> memref<4x8x16xf32, #tpu.memory_space<hbm>>
        %dma_start3A_434 = tpu.memref_slice %arg16[%select_n3A_56] : memref<6x!tpu.dma_semaphore, #tpu.memory_space<semaphore_mem>> -> memref<1x!tpu.dma_semaphore, #tpu.memory_space<semaphore_mem>>
        %dma_start3A_435 = tpu.memref_squeeze %dma_start3A_434 : memref<1x!tpu.dma_semaphore, #tpu.memory_space<semaphore_mem>> -> memref<!tpu.dma_semaphore, #tpu.memory_space<semaphore_mem>>
        %dma_start3A_436 = arith.constant 0 : i32
        %dma_start3A_437 = arith.constant 0 : i32
        %dma_start3A_438 = arith.constant 112 : i32
        %dma_start3A_439 = tpu.memref_slice %arg14[%select_n3A_40, %dma_start3A_436, %dma_start3A_437, %dma_start3A_438] : memref<6x4x8x256xf32, #tpu.memory_space<vmem>> -> memref<1x4x8x16xf32, #tpu.memory_space<vmem>>
        %dma_start3A_440 = tpu.memref_squeeze %dma_start3A_439 : memref<1x4x8x16xf32, #tpu.memory_space<vmem>> -> memref<4x8x16xf32, #tpu.memory_space<vmem>>
        %dma_start3A_441 = arith.constant 0 : i32
        %dma_start3A_442 = arith.constant 0 : i32
        %dma_start3A_443 = tpu.memref_slice %arg6[%dma_start3A_441, %dma_start3A_442, %multiple_of3A_422] : memref<4x8x1000000xf32, #tpu.memory_space<hbm>> -> memref<4x8x16xf32, #tpu.memory_space<hbm>>
        tpu.enqueue_dma source(%dma_start3A_443 : memref<4x8x16xf32, #tpu.memory_space<hbm>>) target(%dma_start3A_440 : memref<4x8x16xf32, #tpu.memory_space<vmem>>) target_semaphore(%dma_start3A_435 : memref<!tpu.dma_semaphore, #tpu.memory_space<semaphore_mem>>)
        %dma_start3A_444 = arith.constant 0 : i32
        %dma_start3A_445 = arith.constant 0 : i32
        %dma_start3A_446 = arith.constant 112 : i32
        %dma_start3A_447 = tpu.memref_slice %arg15[%select_n3A_40, %dma_start3A_444, %dma_start3A_445, %dma_start3A_446] : memref<6x4x8x256xf32, #tpu.memory_space<vmem>> -> memref<1x4x8x16xf32, #tpu.memory_space<vmem>>
        %dma_start3A_448 = tpu.memref_squeeze %dma_start3A_447 : memref<1x4x8x16xf32, #tpu.memory_space<vmem>> -> memref<4x8x16xf32, #tpu.memory_space<vmem>>
        %dma_start3A_449 = arith.constant 0 : i32
        %dma_start3A_450 = arith.constant 0 : i32
        %dma_start3A_451 = tpu.memref_slice %arg7[%dma_start3A_449, %dma_start3A_450, %multiple_of3A_425] : memref<4x8x1000000xf32, #tpu.memory_space<hbm>> -> memref<4x8x16xf32, #tpu.memory_space<hbm>>
        %dma_start3A_452 = tpu.memref_slice %arg16[%select_n3A_56] : memref<6x!tpu.dma_semaphore, #tpu.memory_space<semaphore_mem>> -> memref<1x!tpu.dma_semaphore, #tpu.memory_space<semaphore_mem>>
        %dma_start3A_453 = tpu.memref_squeeze %dma_start3A_452 : memref<1x!tpu.dma_semaphore, #tpu.memory_space<semaphore_mem>> -> memref<!tpu.dma_semaphore, #tpu.memory_space<semaphore_mem>>
        %dma_start3A_454 = arith.constant 0 : i32
        %dma_start3A_455 = arith.constant 0 : i32
        %dma_start3A_456 = arith.constant 112 : i32
        %dma_start3A_457 = tpu.memref_slice %arg15[%select_n3A_40, %dma_start3A_454, %dma_start3A_455, %dma_start3A_456] : memref<6x4x8x256xf32, #tpu.memory_space<vmem>> -> memref<1x4x8x16xf32, #tpu.memory_space<vmem>>
        %dma_start3A_458 = tpu.memref_squeeze %dma_start3A_457 : memref<1x4x8x16xf32, #tpu.memory_space<vmem>> -> memref<4x8x16xf32, #tpu.memory_space<vmem>>
        %dma_start3A_459 = arith.constant 0 : i32
        %dma_start3A_460 = arith.constant 0 : i32
        %dma_start3A_461 = tpu.memref_slice %arg7[%dma_start3A_459, %dma_start3A_460, %multiple_of3A_425] : memref<4x8x1000000xf32, #tpu.memory_space<hbm>> -> memref<4x8x16xf32, #tpu.memory_space<hbm>>
        tpu.enqueue_dma source(%dma_start3A_461 : memref<4x8x16xf32, #tpu.memory_space<hbm>>) target(%dma_start3A_458 : memref<4x8x16xf32, #tpu.memory_space<vmem>>) target_semaphore(%dma_start3A_453 : memref<!tpu.dma_semaphore, #tpu.memory_space<semaphore_mem>>)
        %slice3A_462 = vector.extract_strided_slice %mul3A_90 {offsets = [8], sizes = [1], strides = [1]} : vector<16xi32> to vector<1xi32>
        %squeeze3A_463 = vector.extract %slice3A_462[0] : i32 from vector<1xi32>
        %multiple_of3A_464 = tpu.assume_multiple %squeeze3A_463, 16 : i32
        %slice3A_465 = vector.extract_strided_slice %mul3A_128 {offsets = [8], sizes = [1], strides = [1]} : vector<16xi32> to vector<1xi32>
        %squeeze3A_466 = vector.extract %slice3A_465[0] : i32 from vector<1xi32>
        %multiple_of3A_467 = tpu.assume_multiple %squeeze3A_466, 16 : i32
        %dma_start3A_468 = arith.constant 0 : i32
        %dma_start3A_469 = arith.constant 0 : i32
        %dma_start3A_470 = arith.constant 128 : i32
        %dma_start3A_471 = tpu.memref_slice %arg14[%select_n3A_40, %dma_start3A_468, %dma_start3A_469, %dma_start3A_470] : memref<6x4x8x256xf32, #tpu.memory_space<vmem>> -> memref<1x4x8x16xf32, #tpu.memory_space<vmem>>
        %dma_start3A_472 = tpu.memref_squeeze %dma_start3A_471 : memref<1x4x8x16xf32, #tpu.memory_space<vmem>> -> memref<4x8x16xf32, #tpu.memory_space<vmem>>
        %dma_start3A_473 = arith.constant 0 : i32
        %dma_start3A_474 = arith.constant 0 : i32
        %dma_start3A_475 = tpu.memref_slice %arg6[%dma_start3A_473, %dma_start3A_474, %multiple_of3A_464] : memref<4x8x1000000xf32, #tpu.memory_space<hbm>> -> memref<4x8x16xf32, #tpu.memory_space<hbm>>
        %dma_start3A_476 = tpu.memref_slice %arg16[%select_n3A_56] : memref<6x!tpu.dma_semaphore, #tpu.memory_space<semaphore_mem>> -> memref<1x!tpu.dma_semaphore, #tpu.memory_space<semaphore_mem>>
        %dma_start3A_477 = tpu.memref_squeeze %dma_start3A_476 : memref<1x!tpu.dma_semaphore, #tpu.memory_space<semaphore_mem>> -> memref<!tpu.dma_semaphore, #tpu.memory_space<semaphore_mem>>
        %dma_start3A_478 = arith.constant 0 : i32
        %dma_start3A_479 = arith.constant 0 : i32
        %dma_start3A_480 = arith.constant 128 : i32
        %dma_start3A_481 = tpu.memref_slice %arg14[%select_n3A_40, %dma_start3A_478, %dma_start3A_479, %dma_start3A_480] : memref<6x4x8x256xf32, #tpu.memory_space<vmem>> -> memref<1x4x8x16xf32, #tpu.memory_space<vmem>>
        %dma_start3A_482 = tpu.memref_squeeze %dma_start3A_481 : memref<1x4x8x16xf32, #tpu.memory_space<vmem>> -> memref<4x8x16xf32, #tpu.memory_space<vmem>>
        %dma_start3A_483 = arith.constant 0 : i32
        %dma_start3A_484 = arith.constant 0 : i32
        %dma_start3A_485 = tpu.memref_slice %arg6[%dma_start3A_483, %dma_start3A_484, %multiple_of3A_464] : memref<4x8x1000000xf32, #tpu.memory_space<hbm>> -> memref<4x8x16xf32, #tpu.memory_space<hbm>>
        tpu.enqueue_dma source(%dma_start3A_485 : memref<4x8x16xf32, #tpu.memory_space<hbm>>) target(%dma_start3A_482 : memref<4x8x16xf32, #tpu.memory_space<vmem>>) target_semaphore(%dma_start3A_477 : memref<!tpu.dma_semaphore, #tpu.memory_space<semaphore_mem>>)
        %dma_start3A_486 = arith.constant 0 : i32
        %dma_start3A_487 = arith.constant 0 : i32
        %dma_start3A_488 = arith.constant 128 : i32
        %dma_start3A_489 = tpu.memref_slice %arg15[%select_n3A_40, %dma_start3A_486, %dma_start3A_487, %dma_start3A_488] : memref<6x4x8x256xf32, #tpu.memory_space<vmem>> -> memref<1x4x8x16xf32, #tpu.memory_space<vmem>>
        %dma_start3A_490 = tpu.memref_squeeze %dma_start3A_489 : memref<1x4x8x16xf32, #tpu.memory_space<vmem>> -> memref<4x8x16xf32, #tpu.memory_space<vmem>>
        %dma_start3A_491 = arith.constant 0 : i32
        %dma_start3A_492 = arith.constant 0 : i32
        %dma_start3A_493 = tpu.memref_slice %arg7[%dma_start3A_491, %dma_start3A_492, %multiple_of3A_467] : memref<4x8x1000000xf32, #tpu.memory_space<hbm>> -> memref<4x8x16xf32, #tpu.memory_space<hbm>>
        %dma_start3A_494 = tpu.memref_slice %arg16[%select_n3A_56] : memref<6x!tpu.dma_semaphore, #tpu.memory_space<semaphore_mem>> -> memref<1x!tpu.dma_semaphore, #tpu.memory_space<semaphore_mem>>
        %dma_start3A_495 = tpu.memref_squeeze %dma_start3A_494 : memref<1x!tpu.dma_semaphore, #tpu.memory_space<semaphore_mem>> -> memref<!tpu.dma_semaphore, #tpu.memory_space<semaphore_mem>>
        %dma_start3A_496 = arith.constant 0 : i32
        %dma_start3A_497 = arith.constant 0 : i32
        %dma_start3A_498 = arith.constant 128 : i32
        %dma_start3A_499 = tpu.memref_slice %arg15[%select_n3A_40, %dma_start3A_496, %dma_start3A_497, %dma_start3A_498] : memref<6x4x8x256xf32, #tpu.memory_space<vmem>> -> memref<1x4x8x16xf32, #tpu.memory_space<vmem>>
        %dma_start3A_500 = tpu.memref_squeeze %dma_start3A_499 : memref<1x4x8x16xf32, #tpu.memory_space<vmem>> -> memref<4x8x16xf32, #tpu.memory_space<vmem>>
        %dma_start3A_501 = arith.constant 0 : i32
        %dma_start3A_502 = arith.constant 0 : i32
        %dma_start3A_503 = tpu.memref_slice %arg7[%dma_start3A_501, %dma_start3A_502, %multiple_of3A_467] : memref<4x8x1000000xf32, #tpu.memory_space<hbm>> -> memref<4x8x16xf32, #tpu.memory_space<hbm>>
        tpu.enqueue_dma source(%dma_start3A_503 : memref<4x8x16xf32, #tpu.memory_space<hbm>>) target(%dma_start3A_500 : memref<4x8x16xf32, #tpu.memory_space<vmem>>) target_semaphore(%dma_start3A_495 : memref<!tpu.dma_semaphore, #tpu.memory_space<semaphore_mem>>)
        %slice3A_504 = vector.extract_strided_slice %mul3A_90 {offsets = [9], sizes = [1], strides = [1]} : vector<16xi32> to vector<1xi32>
        %squeeze3A_505 = vector.extract %slice3A_504[0] : i32 from vector<1xi32>
        %multiple_of3A_506 = tpu.assume_multiple %squeeze3A_505, 16 : i32
        %slice3A_507 = vector.extract_strided_slice %mul3A_128 {offsets = [9], sizes = [1], strides = [1]} : vector<16xi32> to vector<1xi32>
        %squeeze3A_508 = vector.extract %slice3A_507[0] : i32 from vector<1xi32>
        %multiple_of3A_509 = tpu.assume_multiple %squeeze3A_508, 16 : i32
        %dma_start3A_510 = arith.constant 0 : i32
        %dma_start3A_511 = arith.constant 0 : i32
        %dma_start3A_512 = arith.constant 144 : i32
        %dma_start3A_513 = tpu.memref_slice %arg14[%select_n3A_40, %dma_start3A_510, %dma_start3A_511, %dma_start3A_512] : memref<6x4x8x256xf32, #tpu.memory_space<vmem>> -> memref<1x4x8x16xf32, #tpu.memory_space<vmem>>
        %dma_start3A_514 = tpu.memref_squeeze %dma_start3A_513 : memref<1x4x8x16xf32, #tpu.memory_space<vmem>> -> memref<4x8x16xf32, #tpu.memory_space<vmem>>
        %dma_start3A_515 = arith.constant 0 : i32
        %dma_start3A_516 = arith.constant 0 : i32
        %dma_start3A_517 = tpu.memref_slice %arg6[%dma_start3A_515, %dma_start3A_516, %multiple_of3A_506] : memref<4x8x1000000xf32, #tpu.memory_space<hbm>> -> memref<4x8x16xf32, #tpu.memory_space<hbm>>
        %dma_start3A_518 = tpu.memref_slice %arg16[%select_n3A_56] : memref<6x!tpu.dma_semaphore, #tpu.memory_space<semaphore_mem>> -> memref<1x!tpu.dma_semaphore, #tpu.memory_space<semaphore_mem>>
        %dma_start3A_519 = tpu.memref_squeeze %dma_start3A_518 : memref<1x!tpu.dma_semaphore, #tpu.memory_space<semaphore_mem>> -> memref<!tpu.dma_semaphore, #tpu.memory_space<semaphore_mem>>
        %dma_start3A_520 = arith.constant 0 : i32
        %dma_start3A_521 = arith.constant 0 : i32
        %dma_start3A_522 = arith.constant 144 : i32
        %dma_start3A_523 = tpu.memref_slice %arg14[%select_n3A_40, %dma_start3A_520, %dma_start3A_521, %dma_start3A_522] : memref<6x4x8x256xf32, #tpu.memory_space<vmem>> -> memref<1x4x8x16xf32, #tpu.memory_space<vmem>>
        %dma_start3A_524 = tpu.memref_squeeze %dma_start3A_523 : memref<1x4x8x16xf32, #tpu.memory_space<vmem>> -> memref<4x8x16xf32, #tpu.memory_space<vmem>>
        %dma_start3A_525 = arith.constant 0 : i32
        %dma_start3A_526 = arith.constant 0 : i32
        %dma_start3A_527 = tpu.memref_slice %arg6[%dma_start3A_525, %dma_start3A_526, %multiple_of3A_506] : memref<4x8x1000000xf32, #tpu.memory_space<hbm>> -> memref<4x8x16xf32, #tpu.memory_space<hbm>>
        tpu.enqueue_dma source(%dma_start3A_527 : memref<4x8x16xf32, #tpu.memory_space<hbm>>) target(%dma_start3A_524 : memref<4x8x16xf32, #tpu.memory_space<vmem>>) target_semaphore(%dma_start3A_519 : memref<!tpu.dma_semaphore, #tpu.memory_space<semaphore_mem>>)
        %dma_start3A_528 = arith.constant 0 : i32
        %dma_start3A_529 = arith.constant 0 : i32
        %dma_start3A_530 = arith.constant 144 : i32
        %dma_start3A_531 = tpu.memref_slice %arg15[%select_n3A_40, %dma_start3A_528, %dma_start3A_529, %dma_start3A_530] : memref<6x4x8x256xf32, #tpu.memory_space<vmem>> -> memref<1x4x8x16xf32, #tpu.memory_space<vmem>>
        %dma_start3A_532 = tpu.memref_squeeze %dma_start3A_531 : memref<1x4x8x16xf32, #tpu.memory_space<vmem>> -> memref<4x8x16xf32, #tpu.memory_space<vmem>>
        %dma_start3A_533 = arith.constant 0 : i32
        %dma_start3A_534 = arith.constant 0 : i32
        %dma_start3A_535 = tpu.memref_slice %arg7[%dma_start3A_533, %dma_start3A_534, %multiple_of3A_509] : memref<4x8x1000000xf32, #tpu.memory_space<hbm>> -> memref<4x8x16xf32, #tpu.memory_space<hbm>>
        %dma_start3A_536 = tpu.memref_slice %arg16[%select_n3A_56] : memref<6x!tpu.dma_semaphore, #tpu.memory_space<semaphore_mem>> -> memref<1x!tpu.dma_semaphore, #tpu.memory_space<semaphore_mem>>
        %dma_start3A_537 = tpu.memref_squeeze %dma_start3A_536 : memref<1x!tpu.dma_semaphore, #tpu.memory_space<semaphore_mem>> -> memref<!tpu.dma_semaphore, #tpu.memory_space<semaphore_mem>>
        %dma_start3A_538 = arith.constant 0 : i32
        %dma_start3A_539 = arith.constant 0 : i32
        %dma_start3A_540 = arith.constant 144 : i32
        %dma_start3A_541 = tpu.memref_slice %arg15[%select_n3A_40, %dma_start3A_538, %dma_start3A_539, %dma_start3A_540] : memref<6x4x8x256xf32, #tpu.memory_space<vmem>> -> memref<1x4x8x16xf32, #tpu.memory_space<vmem>>
        %dma_start3A_542 = tpu.memref_squeeze %dma_start3A_541 : memref<1x4x8x16xf32, #tpu.memory_space<vmem>> -> memref<4x8x16xf32, #tpu.memory_space<vmem>>
        %dma_start3A_543 = arith.constant 0 : i32
        %dma_start3A_544 = arith.constant 0 : i32
        %dma_start3A_545 = tpu.memref_slice %arg7[%dma_start3A_543, %dma_start3A_544, %multiple_of3A_509] : memref<4x8x1000000xf32, #tpu.memory_space<hbm>> -> memref<4x8x16xf32, #tpu.memory_space<hbm>>
        tpu.enqueue_dma source(%dma_start3A_545 : memref<4x8x16xf32, #tpu.memory_space<hbm>>) target(%dma_start3A_542 : memref<4x8x16xf32, #tpu.memory_space<vmem>>) target_semaphore(%dma_start3A_537 : memref<!tpu.dma_semaphore, #tpu.memory_space<semaphore_mem>>)
        %slice3A_546 = vector.extract_strided_slice %mul3A_90 {offsets = [10], sizes = [1], strides = [1]} : vector<16xi32> to vector<1xi32>
        %squeeze3A_547 = vector.extract %slice3A_546[0] : i32 from vector<1xi32>
        %multiple_of3A_548 = tpu.assume_multiple %squeeze3A_547, 16 : i32
        %slice3A_549 = vector.extract_strided_slice %mul3A_128 {offsets = [10], sizes = [1], strides = [1]} : vector<16xi32> to vector<1xi32>
        %squeeze3A_550 = vector.extract %slice3A_549[0] : i32 from vector<1xi32>
        %multiple_of3A_551 = tpu.assume_multiple %squeeze3A_550, 16 : i32
        %dma_start3A_552 = arith.constant 0 : i32
        %dma_start3A_553 = arith.constant 0 : i32
        %dma_start3A_554 = arith.constant 160 : i32
        %dma_start3A_555 = tpu.memref_slice %arg14[%select_n3A_40, %dma_start3A_552, %dma_start3A_553, %dma_start3A_554] : memref<6x4x8x256xf32, #tpu.memory_space<vmem>> -> memref<1x4x8x16xf32, #tpu.memory_space<vmem>>
        %dma_start3A_556 = tpu.memref_squeeze %dma_start3A_555 : memref<1x4x8x16xf32, #tpu.memory_space<vmem>> -> memref<4x8x16xf32, #tpu.memory_space<vmem>>
        %dma_start3A_557 = arith.constant 0 : i32
        %dma_start3A_558 = arith.constant 0 : i32
        %dma_start3A_559 = tpu.memref_slice %arg6[%dma_start3A_557, %dma_start3A_558, %multiple_of3A_548] : memref<4x8x1000000xf32, #tpu.memory_space<hbm>> -> memref<4x8x16xf32, #tpu.memory_space<hbm>>
        %dma_start3A_560 = tpu.memref_slice %arg16[%select_n3A_56] : memref<6x!tpu.dma_semaphore, #tpu.memory_space<semaphore_mem>> -> memref<1x!tpu.dma_semaphore, #tpu.memory_space<semaphore_mem>>
        %dma_start3A_561 = tpu.memref_squeeze %dma_start3A_560 : memref<1x!tpu.dma_semaphore, #tpu.memory_space<semaphore_mem>> -> memref<!tpu.dma_semaphore, #tpu.memory_space<semaphore_mem>>
        %dma_start3A_562 = arith.constant 0 : i32
        %dma_start3A_563 = arith.constant 0 : i32
        %dma_start3A_564 = arith.constant 160 : i32
        %dma_start3A_565 = tpu.memref_slice %arg14[%select_n3A_40, %dma_start3A_562, %dma_start3A_563, %dma_start3A_564] : memref<6x4x8x256xf32, #tpu.memory_space<vmem>> -> memref<1x4x8x16xf32, #tpu.memory_space<vmem>>
        %dma_start3A_566 = tpu.memref_squeeze %dma_start3A_565 : memref<1x4x8x16xf32, #tpu.memory_space<vmem>> -> memref<4x8x16xf32, #tpu.memory_space<vmem>>
        %dma_start3A_567 = arith.constant 0 : i32
        %dma_start3A_568 = arith.constant 0 : i32
        %dma_start3A_569 = tpu.memref_slice %arg6[%dma_start3A_567, %dma_start3A_568, %multiple_of3A_548] : memref<4x8x1000000xf32, #tpu.memory_space<hbm>> -> memref<4x8x16xf32, #tpu.memory_space<hbm>>
        tpu.enqueue_dma source(%dma_start3A_569 : memref<4x8x16xf32, #tpu.memory_space<hbm>>) target(%dma_start3A_566 : memref<4x8x16xf32, #tpu.memory_space<vmem>>) target_semaphore(%dma_start3A_561 : memref<!tpu.dma_semaphore, #tpu.memory_space<semaphore_mem>>)
        %dma_start3A_570 = arith.constant 0 : i32
        %dma_start3A_571 = arith.constant 0 : i32
        %dma_start3A_572 = arith.constant 160 : i32
        %dma_start3A_573 = tpu.memref_slice %arg15[%select_n3A_40, %dma_start3A_570, %dma_start3A_571, %dma_start3A_572] : memref<6x4x8x256xf32, #tpu.memory_space<vmem>> -> memref<1x4x8x16xf32, #tpu.memory_space<vmem>>
        %dma_start3A_574 = tpu.memref_squeeze %dma_start3A_573 : memref<1x4x8x16xf32, #tpu.memory_space<vmem>> -> memref<4x8x16xf32, #tpu.memory_space<vmem>>
        %dma_start3A_575 = arith.constant 0 : i32
        %dma_start3A_576 = arith.constant 0 : i32
        %dma_start3A_577 = tpu.memref_slice %arg7[%dma_start3A_575, %dma_start3A_576, %multiple_of3A_551] : memref<4x8x1000000xf32, #tpu.memory_space<hbm>> -> memref<4x8x16xf32, #tpu.memory_space<hbm>>
        %dma_start3A_578 = tpu.memref_slice %arg16[%select_n3A_56] : memref<6x!tpu.dma_semaphore, #tpu.memory_space<semaphore_mem>> -> memref<1x!tpu.dma_semaphore, #tpu.memory_space<semaphore_mem>>
        %dma_start3A_579 = tpu.memref_squeeze %dma_start3A_578 : memref<1x!tpu.dma_semaphore, #tpu.memory_space<semaphore_mem>> -> memref<!tpu.dma_semaphore, #tpu.memory_space<semaphore_mem>>
        %dma_start3A_580 = arith.constant 0 : i32
        %dma_start3A_581 = arith.constant 0 : i32
        %dma_start3A_582 = arith.constant 160 : i32
        %dma_start3A_583 = tpu.memref_slice %arg15[%select_n3A_40, %dma_start3A_580, %dma_start3A_581, %dma_start3A_582] : memref<6x4x8x256xf32, #tpu.memory_space<vmem>> -> memref<1x4x8x16xf32, #tpu.memory_space<vmem>>
        %dma_start3A_584 = tpu.memref_squeeze %dma_start3A_583 : memref<1x4x8x16xf32, #tpu.memory_space<vmem>> -> memref<4x8x16xf32, #tpu.memory_space<vmem>>
        %dma_start3A_585 = arith.constant 0 : i32
        %dma_start3A_586 = arith.constant 0 : i32
        %dma_start3A_587 = tpu.memref_slice %arg7[%dma_start3A_585, %dma_start3A_586, %multiple_of3A_551] : memref<4x8x1000000xf32, #tpu.memory_space<hbm>> -> memref<4x8x16xf32, #tpu.memory_space<hbm>>
        tpu.enqueue_dma source(%dma_start3A_587 : memref<4x8x16xf32, #tpu.memory_space<hbm>>) target(%dma_start3A_584 : memref<4x8x16xf32, #tpu.memory_space<vmem>>) target_semaphore(%dma_start3A_579 : memref<!tpu.dma_semaphore, #tpu.memory_space<semaphore_mem>>)
        %slice3A_588 = vector.extract_strided_slice %mul3A_90 {offsets = [11], sizes = [1], strides = [1]} : vector<16xi32> to vector<1xi32>
        %squeeze3A_589 = vector.extract %slice3A_588[0] : i32 from vector<1xi32>
        %multiple_of3A_590 = tpu.assume_multiple %squeeze3A_589, 16 : i32
        %slice3A_591 = vector.extract_strided_slice %mul3A_128 {offsets = [11], sizes = [1], strides = [1]} : vector<16xi32> to vector<1xi32>
        %squeeze3A_592 = vector.extract %slice3A_591[0] : i32 from vector<1xi32>
        %multiple_of3A_593 = tpu.assume_multiple %squeeze3A_592, 16 : i32
        %dma_start3A_594 = arith.constant 0 : i32
        %dma_start3A_595 = arith.constant 0 : i32
        %dma_start3A_596 = arith.constant 176 : i32
        %dma_start3A_597 = tpu.memref_slice %arg14[%select_n3A_40, %dma_start3A_594, %dma_start3A_595, %dma_start3A_596] : memref<6x4x8x256xf32, #tpu.memory_space<vmem>> -> memref<1x4x8x16xf32, #tpu.memory_space<vmem>>
        %dma_start3A_598 = tpu.memref_squeeze %dma_start3A_597 : memref<1x4x8x16xf32, #tpu.memory_space<vmem>> -> memref<4x8x16xf32, #tpu.memory_space<vmem>>
        %dma_start3A_599 = arith.constant 0 : i32
        %dma_start3A_600 = arith.constant 0 : i32
        %dma_start3A_601 = tpu.memref_slice %arg6[%dma_start3A_599, %dma_start3A_600, %multiple_of3A_590] : memref<4x8x1000000xf32, #tpu.memory_space<hbm>> -> memref<4x8x16xf32, #tpu.memory_space<hbm>>
        %dma_start3A_602 = tpu.memref_slice %arg16[%select_n3A_56] : memref<6x!tpu.dma_semaphore, #tpu.memory_space<semaphore_mem>> -> memref<1x!tpu.dma_semaphore, #tpu.memory_space<semaphore_mem>>
        %dma_start3A_603 = tpu.memref_squeeze %dma_start3A_602 : memref<1x!tpu.dma_semaphore, #tpu.memory_space<semaphore_mem>> -> memref<!tpu.dma_semaphore, #tpu.memory_space<semaphore_mem>>
        %dma_start3A_604 = arith.constant 0 : i32
        %dma_start3A_605 = arith.constant 0 : i32
        %dma_start3A_606 = arith.constant 176 : i32
        %dma_start3A_607 = tpu.memref_slice %arg14[%select_n3A_40, %dma_start3A_604, %dma_start3A_605, %dma_start3A_606] : memref<6x4x8x256xf32, #tpu.memory_space<vmem>> -> memref<1x4x8x16xf32, #tpu.memory_space<vmem>>
        %dma_start3A_608 = tpu.memref_squeeze %dma_start3A_607 : memref<1x4x8x16xf32, #tpu.memory_space<vmem>> -> memref<4x8x16xf32, #tpu.memory_space<vmem>>
        %dma_start3A_609 = arith.constant 0 : i32
        %dma_start3A_610 = arith.constant 0 : i32
        %dma_start3A_611 = tpu.memref_slice %arg6[%dma_start3A_609, %dma_start3A_610, %multiple_of3A_590] : memref<4x8x1000000xf32, #tpu.memory_space<hbm>> -> memref<4x8x16xf32, #tpu.memory_space<hbm>>
        tpu.enqueue_dma source(%dma_start3A_611 : memref<4x8x16xf32, #tpu.memory_space<hbm>>) target(%dma_start3A_608 : memref<4x8x16xf32, #tpu.memory_space<vmem>>) target_semaphore(%dma_start3A_603 : memref<!tpu.dma_semaphore, #tpu.memory_space<semaphore_mem>>)
        %dma_start3A_612 = arith.constant 0 : i32
        %dma_start3A_613 = arith.constant 0 : i32
        %dma_start3A_614 = arith.constant 176 : i32
        %dma_start3A_615 = tpu.memref_slice %arg15[%select_n3A_40, %dma_start3A_612, %dma_start3A_613, %dma_start3A_614] : memref<6x4x8x256xf32, #tpu.memory_space<vmem>> -> memref<1x4x8x16xf32, #tpu.memory_space<vmem>>
        %dma_start3A_616 = tpu.memref_squeeze %dma_start3A_615 : memref<1x4x8x16xf32, #tpu.memory_space<vmem>> -> memref<4x8x16xf32, #tpu.memory_space<vmem>>
        %dma_start3A_617 = arith.constant 0 : i32
        %dma_start3A_618 = arith.constant 0 : i32
        %dma_start3A_619 = tpu.memref_slice %arg7[%dma_start3A_617, %dma_start3A_618, %multiple_of3A_593] : memref<4x8x1000000xf32, #tpu.memory_space<hbm>> -> memref<4x8x16xf32, #tpu.memory_space<hbm>>
        %dma_start3A_620 = tpu.memref_slice %arg16[%select_n3A_56] : memref<6x!tpu.dma_semaphore, #tpu.memory_space<semaphore_mem>> -> memref<1x!tpu.dma_semaphore, #tpu.memory_space<semaphore_mem>>
        %dma_start3A_621 = tpu.memref_squeeze %dma_start3A_620 : memref<1x!tpu.dma_semaphore, #tpu.memory_space<semaphore_mem>> -> memref<!tpu.dma_semaphore, #tpu.memory_space<semaphore_mem>>
        %dma_start3A_622 = arith.constant 0 : i32
        %dma_start3A_623 = arith.constant 0 : i32
        %dma_start3A_624 = arith.constant 176 : i32
        %dma_start3A_625 = tpu.memref_slice %arg15[%select_n3A_40, %dma_start3A_622, %dma_start3A_623, %dma_start3A_624] : memref<6x4x8x256xf32, #tpu.memory_space<vmem>> -> memref<1x4x8x16xf32, #tpu.memory_space<vmem>>
        %dma_start3A_626 = tpu.memref_squeeze %dma_start3A_625 : memref<1x4x8x16xf32, #tpu.memory_space<vmem>> -> memref<4x8x16xf32, #tpu.memory_space<vmem>>
        %dma_start3A_627 = arith.constant 0 : i32
        %dma_start3A_628 = arith.constant 0 : i32
        %dma_start3A_629 = tpu.memref_slice %arg7[%dma_start3A_627, %dma_start3A_628, %multiple_of3A_593] : memref<4x8x1000000xf32, #tpu.memory_space<hbm>> -> memref<4x8x16xf32, #tpu.memory_space<hbm>>
        tpu.enqueue_dma source(%dma_start3A_629 : memref<4x8x16xf32, #tpu.memory_space<hbm>>) target(%dma_start3A_626 : memref<4x8x16xf32, #tpu.memory_space<vmem>>) target_semaphore(%dma_start3A_621 : memref<!tpu.dma_semaphore, #tpu.memory_space<semaphore_mem>>)
        %slice3A_630 = vector.extract_strided_slice %mul3A_90 {offsets = [12], sizes = [1], strides = [1]} : vector<16xi32> to vector<1xi32>
        %squeeze3A_631 = vector.extract %slice3A_630[0] : i32 from vector<1xi32>
        %multiple_of3A_632 = tpu.assume_multiple %squeeze3A_631, 16 : i32
        %slice3A_633 = vector.extract_strided_slice %mul3A_128 {offsets = [12], sizes = [1], strides = [1]} : vector<16xi32> to vector<1xi32>
        %squeeze3A_634 = vector.extract %slice3A_633[0] : i32 from vector<1xi32>
        %multiple_of3A_635 = tpu.assume_multiple %squeeze3A_634, 16 : i32
        %dma_start3A_636 = arith.constant 0 : i32
        %dma_start3A_637 = arith.constant 0 : i32
        %dma_start3A_638 = arith.constant 192 : i32
        %dma_start3A_639 = tpu.memref_slice %arg14[%select_n3A_40, %dma_start3A_636, %dma_start3A_637, %dma_start3A_638] : memref<6x4x8x256xf32, #tpu.memory_space<vmem>> -> memref<1x4x8x16xf32, #tpu.memory_space<vmem>>
        %dma_start3A_640 = tpu.memref_squeeze %dma_start3A_639 : memref<1x4x8x16xf32, #tpu.memory_space<vmem>> -> memref<4x8x16xf32, #tpu.memory_space<vmem>>
        %dma_start3A_641 = arith.constant 0 : i32
        %dma_start3A_642 = arith.constant 0 : i32
        %dma_start3A_643 = tpu.memref_slice %arg6[%dma_start3A_641, %dma_start3A_642, %multiple_of3A_632] : memref<4x8x1000000xf32, #tpu.memory_space<hbm>> -> memref<4x8x16xf32, #tpu.memory_space<hbm>>
        %dma_start3A_644 = tpu.memref_slice %arg16[%select_n3A_56] : memref<6x!tpu.dma_semaphore, #tpu.memory_space<semaphore_mem>> -> memref<1x!tpu.dma_semaphore, #tpu.memory_space<semaphore_mem>>
        %dma_start3A_645 = tpu.memref_squeeze %dma_start3A_644 : memref<1x!tpu.dma_semaphore, #tpu.memory_space<semaphore_mem>> -> memref<!tpu.dma_semaphore, #tpu.memory_space<semaphore_mem>>
        %dma_start3A_646 = arith.constant 0 : i32
        %dma_start3A_647 = arith.constant 0 : i32
        %dma_start3A_648 = arith.constant 192 : i32
        %dma_start3A_649 = tpu.memref_slice %arg14[%select_n3A_40, %dma_start3A_646, %dma_start3A_647, %dma_start3A_648] : memref<6x4x8x256xf32, #tpu.memory_space<vmem>> -> memref<1x4x8x16xf32, #tpu.memory_space<vmem>>
        %dma_start3A_650 = tpu.memref_squeeze %dma_start3A_649 : memref<1x4x8x16xf32, #tpu.memory_space<vmem>> -> memref<4x8x16xf32, #tpu.memory_space<vmem>>
        %dma_start3A_651 = arith.constant 0 : i32
        %dma_start3A_652 = arith.constant 0 : i32
        %dma_start3A_653 = tpu.memref_slice %arg6[%dma_start3A_651, %dma_start3A_652, %multiple_of3A_632] : memref<4x8x1000000xf32, #tpu.memory_space<hbm>> -> memref<4x8x16xf32, #tpu.memory_space<hbm>>
        tpu.enqueue_dma source(%dma_start3A_653 : memref<4x8x16xf32, #tpu.memory_space<hbm>>) target(%dma_start3A_650 : memref<4x8x16xf32, #tpu.memory_space<vmem>>) target_semaphore(%dma_start3A_645 : memref<!tpu.dma_semaphore, #tpu.memory_space<semaphore_mem>>)
        %dma_start3A_654 = arith.constant 0 : i32
        %dma_start3A_655 = arith.constant 0 : i32
        %dma_start3A_656 = arith.constant 192 : i32
        %dma_start3A_657 = tpu.memref_slice %arg15[%select_n3A_40, %dma_start3A_654, %dma_start3A_655, %dma_start3A_656] : memref<6x4x8x256xf32, #tpu.memory_space<vmem>> -> memref<1x4x8x16xf32, #tpu.memory_space<vmem>>
        %dma_start3A_658 = tpu.memref_squeeze %dma_start3A_657 : memref<1x4x8x16xf32, #tpu.memory_space<vmem>> -> memref<4x8x16xf32, #tpu.memory_space<vmem>>
        %dma_start3A_659 = arith.constant 0 : i32
        %dma_start3A_660 = arith.constant 0 : i32
        %dma_start3A_661 = tpu.memref_slice %arg7[%dma_start3A_659, %dma_start3A_660, %multiple_of3A_635] : memref<4x8x1000000xf32, #tpu.memory_space<hbm>> -> memref<4x8x16xf32, #tpu.memory_space<hbm>>
        %dma_start3A_662 = tpu.memref_slice %arg16[%select_n3A_56] : memref<6x!tpu.dma_semaphore, #tpu.memory_space<semaphore_mem>> -> memref<1x!tpu.dma_semaphore, #tpu.memory_space<semaphore_mem>>
        %dma_start3A_663 = tpu.memref_squeeze %dma_start3A_662 : memref<1x!tpu.dma_semaphore, #tpu.memory_space<semaphore_mem>> -> memref<!tpu.dma_semaphore, #tpu.memory_space<semaphore_mem>>
        %dma_start3A_664 = arith.constant 0 : i32
        %dma_start3A_665 = arith.constant 0 : i32
        %dma_start3A_666 = arith.constant 192 : i32
        %dma_start3A_667 = tpu.memref_slice %arg15[%select_n3A_40, %dma_start3A_664, %dma_start3A_665, %dma_start3A_666] : memref<6x4x8x256xf32, #tpu.memory_space<vmem>> -> memref<1x4x8x16xf32, #tpu.memory_space<vmem>>
        %dma_start3A_668 = tpu.memref_squeeze %dma_start3A_667 : memref<1x4x8x16xf32, #tpu.memory_space<vmem>> -> memref<4x8x16xf32, #tpu.memory_space<vmem>>
        %dma_start3A_669 = arith.constant 0 : i32
        %dma_start3A_670 = arith.constant 0 : i32
        %dma_start3A_671 = tpu.memref_slice %arg7[%dma_start3A_669, %dma_start3A_670, %multiple_of3A_635] : memref<4x8x1000000xf32, #tpu.memory_space<hbm>> -> memref<4x8x16xf32, #tpu.memory_space<hbm>>
        tpu.enqueue_dma source(%dma_start3A_671 : memref<4x8x16xf32, #tpu.memory_space<hbm>>) target(%dma_start3A_668 : memref<4x8x16xf32, #tpu.memory_space<vmem>>) target_semaphore(%dma_start3A_663 : memref<!tpu.dma_semaphore, #tpu.memory_space<semaphore_mem>>)
        %slice3A_672 = vector.extract_strided_slice %mul3A_90 {offsets = [13], sizes = [1], strides = [1]} : vector<16xi32> to vector<1xi32>
        %squeeze3A_673 = vector.extract %slice3A_672[0] : i32 from vector<1xi32>
        %multiple_of3A_674 = tpu.assume_multiple %squeeze3A_673, 16 : i32
        %slice3A_675 = vector.extract_strided_slice %mul3A_128 {offsets = [13], sizes = [1], strides = [1]} : vector<16xi32> to vector<1xi32>
        %squeeze3A_676 = vector.extract %slice3A_675[0] : i32 from vector<1xi32>
        %multiple_of3A_677 = tpu.assume_multiple %squeeze3A_676, 16 : i32
        %dma_start3A_678 = arith.constant 0 : i32
        %dma_start3A_679 = arith.constant 0 : i32
        %dma_start3A_680 = arith.constant 208 : i32
        %dma_start3A_681 = tpu.memref_slice %arg14[%select_n3A_40, %dma_start3A_678, %dma_start3A_679, %dma_start3A_680] : memref<6x4x8x256xf32, #tpu.memory_space<vmem>> -> memref<1x4x8x16xf32, #tpu.memory_space<vmem>>
        %dma_start3A_682 = tpu.memref_squeeze %dma_start3A_681 : memref<1x4x8x16xf32, #tpu.memory_space<vmem>> -> memref<4x8x16xf32, #tpu.memory_space<vmem>>
        %dma_start3A_683 = arith.constant 0 : i32
        %dma_start3A_684 = arith.constant 0 : i32
        %dma_start3A_685 = tpu.memref_slice %arg6[%dma_start3A_683, %dma_start3A_684, %multiple_of3A_674] : memref<4x8x1000000xf32, #tpu.memory_space<hbm>> -> memref<4x8x16xf32, #tpu.memory_space<hbm>>
        %dma_start3A_686 = tpu.memref_slice %arg16[%select_n3A_56] : memref<6x!tpu.dma_semaphore, #tpu.memory_space<semaphore_mem>> -> memref<1x!tpu.dma_semaphore, #tpu.memory_space<semaphore_mem>>
        %dma_start3A_687 = tpu.memref_squeeze %dma_start3A_686 : memref<1x!tpu.dma_semaphore, #tpu.memory_space<semaphore_mem>> -> memref<!tpu.dma_semaphore, #tpu.memory_space<semaphore_mem>>
        %dma_start3A_688 = arith.constant 0 : i32
        %dma_start3A_689 = arith.constant 0 : i32
        %dma_start3A_690 = arith.constant 208 : i32
        %dma_start3A_691 = tpu.memref_slice %arg14[%select_n3A_40, %dma_start3A_688, %dma_start3A_689, %dma_start3A_690] : memref<6x4x8x256xf32, #tpu.memory_space<vmem>> -> memref<1x4x8x16xf32, #tpu.memory_space<vmem>>
        %dma_start3A_692 = tpu.memref_squeeze %dma_start3A_691 : memref<1x4x8x16xf32, #tpu.memory_space<vmem>> -> memref<4x8x16xf32, #tpu.memory_space<vmem>>
        %dma_start3A_693 = arith.constant 0 : i32
        %dma_start3A_694 = arith.constant 0 : i32
        %dma_start3A_695 = tpu.memref_slice %arg6[%dma_start3A_693, %dma_start3A_694, %multiple_of3A_674] : memref<4x8x1000000xf32, #tpu.memory_space<hbm>> -> memref<4x8x16xf32, #tpu.memory_space<hbm>>
        tpu.enqueue_dma source(%dma_start3A_695 : memref<4x8x16xf32, #tpu.memory_space<hbm>>) target(%dma_start3A_692 : memref<4x8x16xf32, #tpu.memory_space<vmem>>) target_semaphore(%dma_start3A_687 : memref<!tpu.dma_semaphore, #tpu.memory_space<semaphore_mem>>)
        %dma_start3A_696 = arith.constant 0 : i32
        %dma_start3A_697 = arith.constant 0 : i32
        %dma_start3A_698 = arith.constant 208 : i32
        %dma_start3A_699 = tpu.memref_slice %arg15[%select_n3A_40, %dma_start3A_696, %dma_start3A_697, %dma_start3A_698] : memref<6x4x8x256xf32, #tpu.memory_space<vmem>> -> memref<1x4x8x16xf32, #tpu.memory_space<vmem>>
        %dma_start3A_700 = tpu.memref_squeeze %dma_start3A_699 : memref<1x4x8x16xf32, #tpu.memory_space<vmem>> -> memref<4x8x16xf32, #tpu.memory_space<vmem>>
        %dma_start3A_701 = arith.constant 0 : i32
        %dma_start3A_702 = arith.constant 0 : i32
        %dma_start3A_703 = tpu.memref_slice %arg7[%dma_start3A_701, %dma_start3A_702, %multiple_of3A_677] : memref<4x8x1000000xf32, #tpu.memory_space<hbm>> -> memref<4x8x16xf32, #tpu.memory_space<hbm>>
        %dma_start3A_704 = tpu.memref_slice %arg16[%select_n3A_56] : memref<6x!tpu.dma_semaphore, #tpu.memory_space<semaphore_mem>> -> memref<1x!tpu.dma_semaphore, #tpu.memory_space<semaphore_mem>>
        %dma_start3A_705 = tpu.memref_squeeze %dma_start3A_704 : memref<1x!tpu.dma_semaphore, #tpu.memory_space<semaphore_mem>> -> memref<!tpu.dma_semaphore, #tpu.memory_space<semaphore_mem>>
        %dma_start3A_706 = arith.constant 0 : i32
        %dma_start3A_707 = arith.constant 0 : i32
        %dma_start3A_708 = arith.constant 208 : i32
        %dma_start3A_709 = tpu.memref_slice %arg15[%select_n3A_40, %dma_start3A_706, %dma_start3A_707, %dma_start3A_708] : memref<6x4x8x256xf32, #tpu.memory_space<vmem>> -> memref<1x4x8x16xf32, #tpu.memory_space<vmem>>
        %dma_start3A_710 = tpu.memref_squeeze %dma_start3A_709 : memref<1x4x8x16xf32, #tpu.memory_space<vmem>> -> memref<4x8x16xf32, #tpu.memory_space<vmem>>
        %dma_start3A_711 = arith.constant 0 : i32
        %dma_start3A_712 = arith.constant 0 : i32
        %dma_start3A_713 = tpu.memref_slice %arg7[%dma_start3A_711, %dma_start3A_712, %multiple_of3A_677] : memref<4x8x1000000xf32, #tpu.memory_space<hbm>> -> memref<4x8x16xf32, #tpu.memory_space<hbm>>
        tpu.enqueue_dma source(%dma_start3A_713 : memref<4x8x16xf32, #tpu.memory_space<hbm>>) target(%dma_start3A_710 : memref<4x8x16xf32, #tpu.memory_space<vmem>>) target_semaphore(%dma_start3A_705 : memref<!tpu.dma_semaphore, #tpu.memory_space<semaphore_mem>>)
        %slice3A_714 = vector.extract_strided_slice %mul3A_90 {offsets = [14], sizes = [1], strides = [1]} : vector<16xi32> to vector<1xi32>
        %squeeze3A_715 = vector.extract %slice3A_714[0] : i32 from vector<1xi32>
        %multiple_of3A_716 = tpu.assume_multiple %squeeze3A_715, 16 : i32
        %slice3A_717 = vector.extract_strided_slice %mul3A_128 {offsets = [14], sizes = [1], strides = [1]} : vector<16xi32> to vector<1xi32>
        %squeeze3A_718 = vector.extract %slice3A_717[0] : i32 from vector<1xi32>
        %multiple_of3A_719 = tpu.assume_multiple %squeeze3A_718, 16 : i32
        %dma_start3A_720 = arith.constant 0 : i32
        %dma_start3A_721 = arith.constant 0 : i32
        %dma_start3A_722 = arith.constant 224 : i32
        %dma_start3A_723 = tpu.memref_slice %arg14[%select_n3A_40, %dma_start3A_720, %dma_start3A_721, %dma_start3A_722] : memref<6x4x8x256xf32, #tpu.memory_space<vmem>> -> memref<1x4x8x16xf32, #tpu.memory_space<vmem>>
        %dma_start3A_724 = tpu.memref_squeeze %dma_start3A_723 : memref<1x4x8x16xf32, #tpu.memory_space<vmem>> -> memref<4x8x16xf32, #tpu.memory_space<vmem>>
        %dma_start3A_725 = arith.constant 0 : i32
        %dma_start3A_726 = arith.constant 0 : i32
        %dma_start3A_727 = tpu.memref_slice %arg6[%dma_start3A_725, %dma_start3A_726, %multiple_of3A_716] : memref<4x8x1000000xf32, #tpu.memory_space<hbm>> -> memref<4x8x16xf32, #tpu.memory_space<hbm>>
        %dma_start3A_728 = tpu.memref_slice %arg16[%select_n3A_56] : memref<6x!tpu.dma_semaphore, #tpu.memory_space<semaphore_mem>> -> memref<1x!tpu.dma_semaphore, #tpu.memory_space<semaphore_mem>>
        %dma_start3A_729 = tpu.memref_squeeze %dma_start3A_728 : memref<1x!tpu.dma_semaphore, #tpu.memory_space<semaphore_mem>> -> memref<!tpu.dma_semaphore, #tpu.memory_space<semaphore_mem>>
        %dma_start3A_730 = arith.constant 0 : i32
        %dma_start3A_731 = arith.constant 0 : i32
        %dma_start3A_732 = arith.constant 224 : i32
        %dma_start3A_733 = tpu.memref_slice %arg14[%select_n3A_40, %dma_start3A_730, %dma_start3A_731, %dma_start3A_732] : memref<6x4x8x256xf32, #tpu.memory_space<vmem>> -> memref<1x4x8x16xf32, #tpu.memory_space<vmem>>
        %dma_start3A_734 = tpu.memref_squeeze %dma_start3A_733 : memref<1x4x8x16xf32, #tpu.memory_space<vmem>> -> memref<4x8x16xf32, #tpu.memory_space<vmem>>
        %dma_start3A_735 = arith.constant 0 : i32
        %dma_start3A_736 = arith.constant 0 : i32
        %dma_start3A_737 = tpu.memref_slice %arg6[%dma_start3A_735, %dma_start3A_736, %multiple_of3A_716] : memref<4x8x1000000xf32, #tpu.memory_space<hbm>> -> memref<4x8x16xf32, #tpu.memory_space<hbm>>
        tpu.enqueue_dma source(%dma_start3A_737 : memref<4x8x16xf32, #tpu.memory_space<hbm>>) target(%dma_start3A_734 : memref<4x8x16xf32, #tpu.memory_space<vmem>>) target_semaphore(%dma_start3A_729 : memref<!tpu.dma_semaphore, #tpu.memory_space<semaphore_mem>>)
        %dma_start3A_738 = arith.constant 0 : i32
        %dma_start3A_739 = arith.constant 0 : i32
        %dma_start3A_740 = arith.constant 224 : i32
        %dma_start3A_741 = tpu.memref_slice %arg15[%select_n3A_40, %dma_start3A_738, %dma_start3A_739, %dma_start3A_740] : memref<6x4x8x256xf32, #tpu.memory_space<vmem>> -> memref<1x4x8x16xf32, #tpu.memory_space<vmem>>
        %dma_start3A_742 = tpu.memref_squeeze %dma_start3A_741 : memref<1x4x8x16xf32, #tpu.memory_space<vmem>> -> memref<4x8x16xf32, #tpu.memory_space<vmem>>
        %dma_start3A_743 = arith.constant 0 : i32
        %dma_start3A_744 = arith.constant 0 : i32
        %dma_start3A_745 = tpu.memref_slice %arg7[%dma_start3A_743, %dma_start3A_744, %multiple_of3A_719] : memref<4x8x1000000xf32, #tpu.memory_space<hbm>> -> memref<4x8x16xf32, #tpu.memory_space<hbm>>
        %dma_start3A_746 = tpu.memref_slice %arg16[%select_n3A_56] : memref<6x!tpu.dma_semaphore, #tpu.memory_space<semaphore_mem>> -> memref<1x!tpu.dma_semaphore, #tpu.memory_space<semaphore_mem>>
        %dma_start3A_747 = tpu.memref_squeeze %dma_start3A_746 : memref<1x!tpu.dma_semaphore, #tpu.memory_space<semaphore_mem>> -> memref<!tpu.dma_semaphore, #tpu.memory_space<semaphore_mem>>
        %dma_start3A_748 = arith.constant 0 : i32
        %dma_start3A_749 = arith.constant 0 : i32
        %dma_start3A_750 = arith.constant 224 : i32
        %dma_start3A_751 = tpu.memref_slice %arg15[%select_n3A_40, %dma_start3A_748, %dma_start3A_749, %dma_start3A_750] : memref<6x4x8x256xf32, #tpu.memory_space<vmem>> -> memref<1x4x8x16xf32, #tpu.memory_space<vmem>>
        %dma_start3A_752 = tpu.memref_squeeze %dma_start3A_751 : memref<1x4x8x16xf32, #tpu.memory_space<vmem>> -> memref<4x8x16xf32, #tpu.memory_space<vmem>>
        %dma_start3A_753 = arith.constant 0 : i32
        %dma_start3A_754 = arith.constant 0 : i32
        %dma_start3A_755 = tpu.memref_slice %arg7[%dma_start3A_753, %dma_start3A_754, %multiple_of3A_719] : memref<4x8x1000000xf32, #tpu.memory_space<hbm>> -> memref<4x8x16xf32, #tpu.memory_space<hbm>>
        tpu.enqueue_dma source(%dma_start3A_755 : memref<4x8x16xf32, #tpu.memory_space<hbm>>) target(%dma_start3A_752 : memref<4x8x16xf32, #tpu.memory_space<vmem>>) target_semaphore(%dma_start3A_747 : memref<!tpu.dma_semaphore, #tpu.memory_space<semaphore_mem>>)
        %slice3A_756 = vector.extract_strided_slice %mul3A_90 {offsets = [15], sizes = [1], strides = [1]} : vector<16xi32> to vector<1xi32>
        %squeeze3A_757 = vector.extract %slice3A_756[0] : i32 from vector<1xi32>
        %multiple_of3A_758 = tpu.assume_multiple %squeeze3A_757, 16 : i32
        %slice3A_759 = vector.extract_strided_slice %mul3A_128 {offsets = [15], sizes = [1], strides = [1]} : vector<16xi32> to vector<1xi32>
        %squeeze3A_760 = vector.extract %slice3A_759[0] : i32 from vector<1xi32>
        %multiple_of3A_761 = tpu.assume_multiple %squeeze3A_760, 16 : i32
        %dma_start3A_762 = arith.constant 0 : i32
        %dma_start3A_763 = arith.constant 0 : i32
        %dma_start3A_764 = arith.constant 240 : i32
        %dma_start3A_765 = tpu.memref_slice %arg14[%select_n3A_40, %dma_start3A_762, %dma_start3A_763, %dma_start3A_764] : memref<6x4x8x256xf32, #tpu.memory_space<vmem>> -> memref<1x4x8x16xf32, #tpu.memory_space<vmem>>
        %dma_start3A_766 = tpu.memref_squeeze %dma_start3A_765 : memref<1x4x8x16xf32, #tpu.memory_space<vmem>> -> memref<4x8x16xf32, #tpu.memory_space<vmem>>
        %dma_start3A_767 = arith.constant 0 : i32
        %dma_start3A_768 = arith.constant 0 : i32
        %dma_start3A_769 = tpu.memref_slice %arg6[%dma_start3A_767, %dma_start3A_768, %multiple_of3A_758] : memref<4x8x1000000xf32, #tpu.memory_space<hbm>> -> memref<4x8x16xf32, #tpu.memory_space<hbm>>
        %dma_start3A_770 = tpu.memref_slice %arg16[%select_n3A_56] : memref<6x!tpu.dma_semaphore, #tpu.memory_space<semaphore_mem>> -> memref<1x!tpu.dma_semaphore, #tpu.memory_space<semaphore_mem>>
        %dma_start3A_771 = tpu.memref_squeeze %dma_start3A_770 : memref<1x!tpu.dma_semaphore, #tpu.memory_space<semaphore_mem>> -> memref<!tpu.dma_semaphore, #tpu.memory_space<semaphore_mem>>
        %dma_start3A_772 = arith.constant 0 : i32
        %dma_start3A_773 = arith.constant 0 : i32
        %dma_start3A_774 = arith.constant 240 : i32
        %dma_start3A_775 = tpu.memref_slice %arg14[%select_n3A_40, %dma_start3A_772, %dma_start3A_773, %dma_start3A_774] : memref<6x4x8x256xf32, #tpu.memory_space<vmem>> -> memref<1x4x8x16xf32, #tpu.memory_space<vmem>>
        %dma_start3A_776 = tpu.memref_squeeze %dma_start3A_775 : memref<1x4x8x16xf32, #tpu.memory_space<vmem>> -> memref<4x8x16xf32, #tpu.memory_space<vmem>>
        %dma_start3A_777 = arith.constant 0 : i32
        %dma_start3A_778 = arith.constant 0 : i32
        %dma_start3A_779 = tpu.memref_slice %arg6[%dma_start3A_777, %dma_start3A_778, %multiple_of3A_758] : memref<4x8x1000000xf32, #tpu.memory_space<hbm>> -> memref<4x8x16xf32, #tpu.memory_space<hbm>>
        tpu.enqueue_dma source(%dma_start3A_779 : memref<4x8x16xf32, #tpu.memory_space<hbm>>) target(%dma_start3A_776 : memref<4x8x16xf32, #tpu.memory_space<vmem>>) target_semaphore(%dma_start3A_771 : memref<!tpu.dma_semaphore, #tpu.memory_space<semaphore_mem>>)
        %dma_start3A_780 = arith.constant 0 : i32
        %dma_start3A_781 = arith.constant 0 : i32
        %dma_start3A_782 = arith.constant 240 : i32
        %dma_start3A_783 = tpu.memref_slice %arg15[%select_n3A_40, %dma_start3A_780, %dma_start3A_781, %dma_start3A_782] : memref<6x4x8x256xf32, #tpu.memory_space<vmem>> -> memref<1x4x8x16xf32, #tpu.memory_space<vmem>>
        %dma_start3A_784 = tpu.memref_squeeze %dma_start3A_783 : memref<1x4x8x16xf32, #tpu.memory_space<vmem>> -> memref<4x8x16xf32, #tpu.memory_space<vmem>>
        %dma_start3A_785 = arith.constant 0 : i32
        %dma_start3A_786 = arith.constant 0 : i32
        %dma_start3A_787 = tpu.memref_slice %arg7[%dma_start3A_785, %dma_start3A_786, %multiple_of3A_761] : memref<4x8x1000000xf32, #tpu.memory_space<hbm>> -> memref<4x8x16xf32, #tpu.memory_space<hbm>>
        %dma_start3A_788 = tpu.memref_slice %arg16[%select_n3A_56] : memref<6x!tpu.dma_semaphore, #tpu.memory_space<semaphore_mem>> -> memref<1x!tpu.dma_semaphore, #tpu.memory_space<semaphore_mem>>
        %dma_start3A_789 = tpu.memref_squeeze %dma_start3A_788 : memref<1x!tpu.dma_semaphore, #tpu.memory_space<semaphore_mem>> -> memref<!tpu.dma_semaphore, #tpu.memory_space<semaphore_mem>>
        %dma_start3A_790 = arith.constant 0 : i32
        %dma_start3A_791 = arith.constant 0 : i32
        %dma_start3A_792 = arith.constant 240 : i32
        %dma_start3A_793 = tpu.memref_slice %arg15[%select_n3A_40, %dma_start3A_790, %dma_start3A_791, %dma_start3A_792] : memref<6x4x8x256xf32, #tpu.memory_space<vmem>> -> memref<1x4x8x16xf32, #tpu.memory_space<vmem>>
        %dma_start3A_794 = tpu.memref_squeeze %dma_start3A_793 : memref<1x4x8x16xf32, #tpu.memory_space<vmem>> -> memref<4x8x16xf32, #tpu.memory_space<vmem>>
        %dma_start3A_795 = arith.constant 0 : i32
        %dma_start3A_796 = arith.constant 0 : i32
        %dma_start3A_797 = tpu.memref_slice %arg7[%dma_start3A_795, %dma_start3A_796, %multiple_of3A_761] : memref<4x8x1000000xf32, #tpu.memory_space<hbm>> -> memref<4x8x16xf32, #tpu.memory_space<hbm>>
        tpu.enqueue_dma source(%dma_start3A_797 : memref<4x8x16xf32, #tpu.memory_space<hbm>>) target(%dma_start3A_794 : memref<4x8x16xf32, #tpu.memory_space<vmem>>) target_semaphore(%dma_start3A_789 : memref<!tpu.dma_semaphore, #tpu.memory_space<semaphore_mem>>)
      } else {
      }
      %ge3A = arith.constant 5 : i32
      %ge3A_26 = arith.cmpi sge, %scan3A_22, %ge3A : i32
      %convert_element_type3A_27 = arith.extui %ge3A_26 : i1 to i32
      %cond3A_28 = arith.constant 0 : i32
      %cond3A_29 = arith.cmpi ne, %convert_element_type3A_27, %cond3A_28 : i32
      scf.if %cond3A_29 {
        %sub3A = arith.constant 5 : i32
        %sub3A_31 = arith.subi %scan3A_22, %sub3A : i32
        %jit3A = arith.constant 6 : i32
        %eq3A = arith.constant 0 : i32
        %eq3A_32 = arith.cmpi eq, %jit3A, %eq3A : i32
        %jit3A_33 = arith.constant 1 : i32
        %select_n3A = arith.select %eq3A_32, %jit3A_33, %jit3A : i32
        %rem3A = arith.remsi %sub3A_31, %select_n3A : i32
        %ne3A = arith.constant 0 : i32
        %ne3A_34 = arith.cmpi ne, %rem3A, %ne3A : i32
        %lt3A_35 = arith.constant 0 : i32
        %lt3A_36 = arith.cmpi slt, %rem3A, %lt3A_35 : i32
        %lt3A_37 = arith.constant 0 : i32
        %lt3A_38 = arith.cmpi slt, %select_n3A, %lt3A_37 : i32
        %ne3A_39 = arith.xori %lt3A_36, %lt3A_38 : i1
        %and3A = arith.andi %ne3A_39, %ne3A_34 : i1
        %add3A_40 = arith.addi %rem3A, %select_n3A : i32
        %select_n3A_41 = arith.select %and3A, %add3A_40, %rem3A : i32
        %jit3A_42 = arith.constant 6 : i32
        %eq3A_43 = arith.constant 0 : i32
        %eq3A_44 = arith.cmpi eq, %jit3A_42, %eq3A_43 : i32
        %jit3A_45 = arith.constant 1 : i32
        %select_n3A_46 = arith.select %eq3A_44, %jit3A_45, %jit3A_42 : i32
        %rem3A_47 = arith.remsi %sub3A_31, %select_n3A_46 : i32
        %ne3A_48 = arith.constant 0 : i32
        %ne3A_49 = arith.cmpi ne, %rem3A_47, %ne3A_48 : i32
        %lt3A_50 = arith.constant 0 : i32
        %lt3A_51 = arith.cmpi slt, %rem3A_47, %lt3A_50 : i32
        %lt3A_52 = arith.constant 0 : i32
        %lt3A_53 = arith.cmpi slt, %select_n3A_46, %lt3A_52 : i32
        %ne3A_54 = arith.xori %lt3A_51, %lt3A_53 : i1
        %and3A_55 = arith.andi %ne3A_54, %ne3A_49 : i1
        %add3A_56 = arith.addi %rem3A_47, %select_n3A_46 : i32
        %select_n3A_57 = arith.select %and3A_55, %add3A_56, %rem3A_47 : i32
        %dma_wait3A_58 = arith.constant 0 : i32
        %dma_wait3A_59 = arith.constant 0 : i32
        %dma_wait3A_60 = arith.constant 0 : i32
        %dma_wait3A_61 = tpu.memref_slice %arg14[%select_n3A_41, %dma_wait3A_58, %dma_wait3A_59, %dma_wait3A_60] : memref<6x4x8x256xf32, #tpu.memory_space<vmem>> -> memref<1x4x8x256xf32, #tpu.memory_space<vmem>>
        %dma_wait3A_62 = tpu.memref_squeeze %dma_wait3A_61 : memref<1x4x8x256xf32, #tpu.memory_space<vmem>> -> memref<4x8x256xf32, #tpu.memory_space<vmem>>
        %dma_wait3A_63 = arith.constant 0 : i32
        %dma_wait3A_64 = arith.constant 0 : i32
        %dma_wait3A_65 = arith.constant 0 : i32
        %dma_wait3A_66 = tpu.memref_slice %arg6[%dma_wait3A_63, %dma_wait3A_64, %dma_wait3A_65] : memref<4x8x1000000xf32, #tpu.memory_space<hbm>> -> memref<4x8x256xf32, #tpu.memory_space<hbm>>
        %dma_wait3A_67 = tpu.memref_slice %arg16[%select_n3A_57] : memref<6x!tpu.dma_semaphore, #tpu.memory_space<semaphore_mem>> -> memref<1x!tpu.dma_semaphore, #tpu.memory_space<semaphore_mem>>
        %dma_wait3A_68 = tpu.memref_squeeze %dma_wait3A_67 : memref<1x!tpu.dma_semaphore, #tpu.memory_space<semaphore_mem>> -> memref<!tpu.dma_semaphore, #tpu.memory_space<semaphore_mem>>
        %dma_wait3A_69 = arith.constant 0 : i32
        %dma_wait3A_70 = arith.constant 0 : i32
        %dma_wait3A_71 = arith.constant 0 : i32
        %dma_wait3A_72 = tpu.memref_slice %arg14[%select_n3A_41, %dma_wait3A_69, %dma_wait3A_70, %dma_wait3A_71] : memref<6x4x8x256xf32, #tpu.memory_space<vmem>> -> memref<1x4x8x256xf32, #tpu.memory_space<vmem>>
        %dma_wait3A_73 = tpu.memref_squeeze %dma_wait3A_72 : memref<1x4x8x256xf32, #tpu.memory_space<vmem>> -> memref<4x8x256xf32, #tpu.memory_space<vmem>>
        %dma_wait3A_74 = arith.constant 0 : i32
        %dma_wait3A_75 = arith.constant 0 : i32
        %dma_wait3A_76 = arith.constant 0 : i32
        %dma_wait3A_77 = tpu.memref_slice %arg6[%dma_wait3A_74, %dma_wait3A_75, %dma_wait3A_76] : memref<4x8x1000000xf32, #tpu.memory_space<hbm>> -> memref<4x8x256xf32, #tpu.memory_space<hbm>>
        tpu.wait_dma2 semaphore(%dma_wait3A_68 : memref<!tpu.dma_semaphore, #tpu.memory_space<semaphore_mem>>) src(%dma_wait3A_77 : memref<4x8x256xf32, #tpu.memory_space<hbm>>) dst(%dma_wait3A_73 : memref<4x8x256xf32, #tpu.memory_space<vmem>>)
        %dma_wait3A_78 = arith.constant 0 : i32
        %dma_wait3A_79 = arith.constant 0 : i32
        %dma_wait3A_80 = arith.constant 0 : i32
        %dma_wait3A_81 = tpu.memref_slice %arg15[%select_n3A_41, %dma_wait3A_78, %dma_wait3A_79, %dma_wait3A_80] : memref<6x4x8x256xf32, #tpu.memory_space<vmem>> -> memref<1x4x8x256xf32, #tpu.memory_space<vmem>>
        %dma_wait3A_82 = tpu.memref_squeeze %dma_wait3A_81 : memref<1x4x8x256xf32, #tpu.memory_space<vmem>> -> memref<4x8x256xf32, #tpu.memory_space<vmem>>
        %dma_wait3A_83 = arith.constant 0 : i32
        %dma_wait3A_84 = arith.constant 0 : i32
        %dma_wait3A_85 = arith.constant 0 : i32
        %dma_wait3A_86 = tpu.memref_slice %arg7[%dma_wait3A_83, %dma_wait3A_84, %dma_wait3A_85] : memref<4x8x1000000xf32, #tpu.memory_space<hbm>> -> memref<4x8x256xf32, #tpu.memory_space<hbm>>
        %dma_wait3A_87 = tpu.memref_slice %arg16[%select_n3A_57] : memref<6x!tpu.dma_semaphore, #tpu.memory_space<semaphore_mem>> -> memref<1x!tpu.dma_semaphore, #tpu.memory_space<semaphore_mem>>
        %dma_wait3A_88 = tpu.memref_squeeze %dma_wait3A_87 : memref<1x!tpu.dma_semaphore, #tpu.memory_space<semaphore_mem>> -> memref<!tpu.dma_semaphore, #tpu.memory_space<semaphore_mem>>
        %dma_wait3A_89 = arith.constant 0 : i32
        %dma_wait3A_90 = arith.constant 0 : i32
        %dma_wait3A_91 = arith.constant 0 : i32
        %dma_wait3A_92 = tpu.memref_slice %arg15[%select_n3A_41, %dma_wait3A_89, %dma_wait3A_90, %dma_wait3A_91] : memref<6x4x8x256xf32, #tpu.memory_space<vmem>> -> memref<1x4x8x256xf32, #tpu.memory_space<vmem>>
        %dma_wait3A_93 = tpu.memref_squeeze %dma_wait3A_92 : memref<1x4x8x256xf32, #tpu.memory_space<vmem>> -> memref<4x8x256xf32, #tpu.memory_space<vmem>>
        %dma_wait3A_94 = arith.constant 0 : i32
        %dma_wait3A_95 = arith.constant 0 : i32
        %dma_wait3A_96 = arith.constant 0 : i32
        %dma_wait3A_97 = tpu.memref_slice %arg7[%dma_wait3A_94, %dma_wait3A_95, %dma_wait3A_96] : memref<4x8x1000000xf32, #tpu.memory_space<hbm>> -> memref<4x8x256xf32, #tpu.memory_space<hbm>>
        tpu.wait_dma2 semaphore(%dma_wait3A_88 : memref<!tpu.dma_semaphore, #tpu.memory_space<semaphore_mem>>) src(%dma_wait3A_97 : memref<4x8x256xf32, #tpu.memory_space<hbm>>) dst(%dma_wait3A_93 : memref<4x8x256xf32, #tpu.memory_space<vmem>>)
        %mul3A_98 = arith.constant 16 : i32
        %mul3A_99 = arith.muli %sub3A_31, %mul3A_98 : i32
        %broadcast_in_dim3A = vector.broadcast %select_n3A_41 : i32 to vector<16xi32>
        %mul3A_100 = arith.constant 16 : i32
        %mul3A_101 = vector.broadcast %mul3A_100 : i32 to vector<16xi32>
        %mul3A_102 = arith.muli %iota3A, %mul3A_101 : vector<16xi32>
        %get3A = arith.index_cast %mul3A_99 : i32 to index
        %get3A_103 = tpu.vector_load %arg9[%get3A] {strides = array<i32>} : memref<512xi32, #tpu.memory_space<vmem>>, vector<16xi32>,
        %jit3A_104 = arith.constant 16 : i32
        %eq3A_105 = arith.constant 0 : i32
        %eq3A_106 = arith.cmpi eq, %jit3A_104, %eq3A_105 : i32
        %jit3A_107 = arith.constant 1 : i32
        %select_n3A_108 = arith.select %eq3A_106, %jit3A_107, %jit3A_104 : i32
        %rem3A_109 = vector.broadcast %select_n3A_108 : i32 to vector<16xi32>
        %rem3A_110 = arith.remsi %get3A_103, %rem3A_109 : vector<16xi32>
        %ne3A_111 = arith.constant 0 : i32
        %ne3A_112 = vector.broadcast %ne3A_111 : i32 to vector<16xi32>
        %ne3A_113 = arith.cmpi ne, %rem3A_110, %ne3A_112 : vector<16xi32>
        %lt3A_114 = arith.constant 0 : i32
        %lt3A_115 = vector.broadcast %lt3A_114 : i32 to vector<16xi32>
        %lt3A_116 = arith.cmpi slt, %rem3A_110, %lt3A_115 : vector<16xi32>
        %lt3A_117 = arith.constant 0 : i32
        %lt3A_118 = arith.cmpi slt, %select_n3A_108, %lt3A_117 : i32
        %ne3A_119 = vector.broadcast %lt3A_118 : i1 to vector<16xi1>
        %ne3A_120 = vector.broadcast %ne3A_119 : vector<16xi1> to vector<16xi1>
        %ne3A_121 = arith.xori %lt3A_116, %ne3A_120 : vector<16xi1>
        %and3A_122 = arith.andi %ne3A_121, %ne3A_113 : vector<16xi1>
        %add3A_123 = vector.broadcast %select_n3A_108 : i32 to vector<16xi32>
        %add3A_124 = arith.addi %rem3A_110, %add3A_123 : vector<16xi32>
        %select_n3A_125 = arith.select %and3A_122, %add3A_124, %rem3A_110 : vector<16xi1>, vector<16xi32>
        %add3A_126 = arith.addi %mul3A_102, %select_n3A_125 : vector<16xi32>
        %mul3A_127 = arith.constant 16 : i32
        %mul3A_128 = vector.broadcast %mul3A_127 : i32 to vector<16xi32>
        %mul3A_129 = arith.muli %iota3A, %mul3A_128 : vector<16xi32>
        %get3A_130 = arith.index_cast %mul3A_99 : i32 to index
        %get3A_131 = tpu.vector_load %arg10[%get3A_130] {strides = array<i32>} : memref<512xi32, #tpu.memory_space<vmem>>, vector<16xi32>,
        %jit3A_132 = arith.constant 16 : i32
        %eq3A_133 = arith.constant 0 : i32
        %eq3A_134 = arith.cmpi eq, %jit3A_132, %eq3A_133 : i32
        %jit3A_135 = arith.constant 1 : i32
        %select_n3A_136 = arith.select %eq3A_134, %jit3A_135, %jit3A_132 : i32
        %rem3A_137 = vector.broadcast %select_n3A_136 : i32 to vector<16xi32>
        %rem3A_138 = arith.remsi %get3A_131, %rem3A_137 : vector<16xi32>
        %ne3A_139 = arith.constant 0 : i32
        %ne3A_140 = vector.broadcast %ne3A_139 : i32 to vector<16xi32>
        %ne3A_141 = arith.cmpi ne, %rem3A_138, %ne3A_140 : vector<16xi32>
        %lt3A_142 = arith.constant 0 : i32
        %lt3A_143 = vector.broadcast %lt3A_142 : i32 to vector<16xi32>
        %lt3A_144 = arith.cmpi slt, %rem3A_138, %lt3A_143 : vector<16xi32>
        %lt3A_145 = arith.constant 0 : i32
        %lt3A_146 = arith.cmpi slt, %select_n3A_136, %lt3A_145 : i32
        %ne3A_147 = vector.broadcast %lt3A_146 : i1 to vector<16xi1>
        %ne3A_148 = vector.broadcast %ne3A_147 : vector<16xi1> to vector<16xi1>
        %ne3A_149 = arith.xori %lt3A_144, %ne3A_148 : vector<16xi1>
        %and3A_150 = arith.andi %ne3A_149, %ne3A_141 : vector<16xi1>
        %add3A_151 = vector.broadcast %select_n3A_136 : i32 to vector<16xi32>
        %add3A_152 = arith.addi %rem3A_138, %add3A_151 : vector<16xi32>
        %select_n3A_153 = arith.select %and3A_150, %add3A_152, %rem3A_138 : vector<16xi1>, vector<16xi32>
        %add3A_154 = arith.addi %mul3A_129, %select_n3A_153 : vector<16xi32>
        %broadcast_in_dim3A_155 = arith.constant 0.000000e+00 : f32
        %broadcast_in_dim3A_156 = vector.broadcast %broadcast_in_dim3A_155 : f32 to vector<16xf32>
        %broadcast_in_dim3A_157 = arith.constant 0 : i32
        %broadcast_in_dim3A_158 = vector.broadcast %broadcast_in_dim3A_157 : i32 to vector<16xi32>
        %broadcast_in_dim3A_159 = arith.constant 0 : i32
        %broadcast_in_dim3A_160 = vector.broadcast %broadcast_in_dim3A_159 : i32 to vector<16xi32>
        %gather3A = tpu.vector_load_idx %arg14[%broadcast_in_dim3A, %broadcast_in_dim3A_158, %broadcast_in_dim3A_160, %add3A_126] : memref<6x4x8x256xf32, #tpu.memory_space<vmem>>[vector<16xi32>, vector<16xi32>, vector<16xi32>, vector<16xi32>], vector<16xf32>,
        %gather3A_161 = tpu.vector_load_idx %arg15[%broadcast_in_dim3A, %broadcast_in_dim3A_158, %broadcast_in_dim3A_160, %add3A_154] : memref<6x4x8x256xf32, #tpu.memory_space<vmem>>[vector<16xi32>, vector<16xi32>, vector<16xi32>, vector<16xi32>], vector<16xf32>,
        %mul3A_162 = arith.mulf %gather3A, %gather3A_161 : vector<16xf32>
        %add3A_163 = arith.addf %broadcast_in_dim3A_156, %mul3A_162 : vector<16xf32>
        %broadcast_in_dim3A_164 = arith.constant 1 : i32
        %broadcast_in_dim3A_165 = vector.broadcast %broadcast_in_dim3A_164 : i32 to vector<16xi32>
        %gather3A_166 = tpu.vector_load_idx %arg14[%broadcast_in_dim3A, %broadcast_in_dim3A_158, %broadcast_in_dim3A_165, %add3A_126] : memref<6x4x8x256xf32, #tpu.memory_space<vmem>>[vector<16xi32>, vector<16xi32>, vector<16xi32>, vector<16xi32>], vector<16xf32>,
        %gather3A_167 = tpu.vector_load_idx %arg15[%broadcast_in_dim3A, %broadcast_in_dim3A_158, %broadcast_in_dim3A_165, %add3A_154] : memref<6x4x8x256xf32, #tpu.memory_space<vmem>>[vector<16xi32>, vector<16xi32>, vector<16xi32>, vector<16xi32>], vector<16xf32>,
        %mul3A_168 = arith.mulf %gather3A_166, %gather3A_167 : vector<16xf32>
        %add3A_169 = arith.addf %add3A_163, %mul3A_168 : vector<16xf32>
        %broadcast_in_dim3A_170 = arith.constant 2 : i32
        %broadcast_in_dim3A_171 = vector.broadcast %broadcast_in_dim3A_170 : i32 to vector<16xi32>
        %gather3A_172 = tpu.vector_load_idx %arg14[%broadcast_in_dim3A, %broadcast_in_dim3A_158, %broadcast_in_dim3A_171, %add3A_126] : memref<6x4x8x256xf32, #tpu.memory_space<vmem>>[vector<16xi32>, vector<16xi32>, vector<16xi32>, vector<16xi32>], vector<16xf32>,
        %gather3A_173 = tpu.vector_load_idx %arg15[%broadcast_in_dim3A, %broadcast_in_dim3A_158, %broadcast_in_dim3A_171, %add3A_154] : memref<6x4x8x256xf32, #tpu.memory_space<vmem>>[vector<16xi32>, vector<16xi32>, vector<16xi32>, vector<16xi32>], vector<16xf32>,
        %mul3A_174 = arith.mulf %gather3A_172, %gather3A_173 : vector<16xf32>
        %add3A_175 = arith.addf %add3A_169, %mul3A_174 : vector<16xf32>
        %broadcast_in_dim3A_176 = arith.constant 3 : i32
        %broadcast_in_dim3A_177 = vector.broadcast %broadcast_in_dim3A_176 : i32 to vector<16xi32>
        %gather3A_178 = tpu.vector_load_idx %arg14[%broadcast_in_dim3A, %broadcast_in_dim3A_158, %broadcast_in_dim3A_177, %add3A_126] : memref<6x4x8x256xf32, #tpu.memory_space<vmem>>[vector<16xi32>, vector<16xi32>, vector<16xi32>, vector<16xi32>], vector<16xf32>,
        %gather3A_179 = tpu.vector_load_idx %arg15[%broadcast_in_dim3A, %broadcast_in_dim3A_158, %broadcast_in_dim3A_177, %add3A_154] : memref<6x4x8x256xf32, #tpu.memory_space<vmem>>[vector<16xi32>, vector<16xi32>, vector<16xi32>, vector<16xi32>], vector<16xf32>,
        %mul3A_180 = arith.mulf %gather3A_178, %gather3A_179 : vector<16xf32>
        %add3A_181 = arith.addf %add3A_175, %mul3A_180 : vector<16xf32>
        %broadcast_in_dim3A_182 = arith.constant 4 : i32
        %broadcast_in_dim3A_183 = vector.broadcast %broadcast_in_dim3A_182 : i32 to vector<16xi32>
        %gather3A_184 = tpu.vector_load_idx %arg14[%broadcast_in_dim3A, %broadcast_in_dim3A_158, %broadcast_in_dim3A_183, %add3A_126] : memref<6x4x8x256xf32, #tpu.memory_space<vmem>>[vector<16xi32>, vector<16xi32>, vector<16xi32>, vector<16xi32>], vector<16xf32>,
        %gather3A_185 = tpu.vector_load_idx %arg15[%broadcast_in_dim3A, %broadcast_in_dim3A_158, %broadcast_in_dim3A_183, %add3A_154] : memref<6x4x8x256xf32, #tpu.memory_space<vmem>>[vector<16xi32>, vector<16xi32>, vector<16xi32>, vector<16xi32>], vector<16xf32>,
        %mul3A_186 = arith.mulf %gather3A_184, %gather3A_185 : vector<16xf32>
        %add3A_187 = arith.addf %add3A_181, %mul3A_186 : vector<16xf32>
        %broadcast_in_dim3A_188 = arith.constant 5 : i32
        %broadcast_in_dim3A_189 = vector.broadcast %broadcast_in_dim3A_188 : i32 to vector<16xi32>
        %gather3A_190 = tpu.vector_load_idx %arg14[%broadcast_in_dim3A, %broadcast_in_dim3A_158, %broadcast_in_dim3A_189, %add3A_126] : memref<6x4x8x256xf32, #tpu.memory_space<vmem>>[vector<16xi32>, vector<16xi32>, vector<16xi32>, vector<16xi32>], vector<16xf32>,
        %gather3A_191 = tpu.vector_load_idx %arg15[%broadcast_in_dim3A, %broadcast_in_dim3A_158, %broadcast_in_dim3A_189, %add3A_154] : memref<6x4x8x256xf32, #tpu.memory_space<vmem>>[vector<16xi32>, vector<16xi32>, vector<16xi32>, vector<16xi32>], vector<16xf32>,
        %mul3A_192 = arith.mulf %gather3A_190, %gather3A_191 : vector<16xf32>
        %add3A_193 = arith.addf %add3A_187, %mul3A_192 : vector<16xf32>
        %broadcast_in_dim3A_194 = arith.constant 6 : i32
        %broadcast_in_dim3A_195 = vector.broadcast %broadcast_in_dim3A_194 : i32 to vector<16xi32>
        %gather3A_196 = tpu.vector_load_idx %arg14[%broadcast_in_dim3A, %broadcast_in_dim3A_158, %broadcast_in_dim3A_195, %add3A_126] : memref<6x4x8x256xf32, #tpu.memory_space<vmem>>[vector<16xi32>, vector<16xi32>, vector<16xi32>, vector<16xi32>], vector<16xf32>,
        %gather3A_197 = tpu.vector_load_idx %arg15[%broadcast_in_dim3A, %broadcast_in_dim3A_158, %broadcast_in_dim3A_195, %add3A_154] : memref<6x4x8x256xf32, #tpu.memory_space<vmem>>[vector<16xi32>, vector<16xi32>, vector<16xi32>, vector<16xi32>], vector<16xf32>,
        %mul3A_198 = arith.mulf %gather3A_196, %gather3A_197 : vector<16xf32>
        %add3A_199 = arith.addf %add3A_193, %mul3A_198 : vector<16xf32>
        %broadcast_in_dim3A_200 = arith.constant 7 : i32
        %broadcast_in_dim3A_201 = vector.broadcast %broadcast_in_dim3A_200 : i32 to vector<16xi32>
        %gather3A_202 = tpu.vector_load_idx %arg14[%broadcast_in_dim3A, %broadcast_in_dim3A_158, %broadcast_in_dim3A_201, %add3A_126] : memref<6x4x8x256xf32, #tpu.memory_space<vmem>>[vector<16xi32>, vector<16xi32>, vector<16xi32>, vector<16xi32>], vector<16xf32>,
        %gather3A_203 = tpu.vector_load_idx %arg15[%broadcast_in_dim3A, %broadcast_in_dim3A_158, %broadcast_in_dim3A_201, %add3A_154] : memref<6x4x8x256xf32, #tpu.memory_space<vmem>>[vector<16xi32>, vector<16xi32>, vector<16xi32>, vector<16xi32>], vector<16xf32>,
        %mul3A_204 = arith.mulf %gather3A_202, %gather3A_203 : vector<16xf32>
        %add3A_205 = arith.addf %add3A_199, %mul3A_204 : vector<16xf32>
        %broadcast_in_dim3A_206 = arith.constant 1 : i32
        %broadcast_in_dim3A_207 = vector.broadcast %broadcast_in_dim3A_206 : i32 to vector<16xi32>
        %broadcast_in_dim3A_208 = arith.constant 0 : i32
        %broadcast_in_dim3A_209 = vector.broadcast %broadcast_in_dim3A_208 : i32 to vector<16xi32>
        %gather3A_210 = tpu.vector_load_idx %arg14[%broadcast_in_dim3A, %broadcast_in_dim3A_207, %broadcast_in_dim3A_209, %add3A_126] : memref<6x4x8x256xf32, #tpu.memory_space<vmem>>[vector<16xi32>, vector<16xi32>, vector<16xi32>, vector<16xi32>], vector<16xf32>,
        %gather3A_211 = tpu.vector_load_idx %arg15[%broadcast_in_dim3A, %broadcast_in_dim3A_207, %broadcast_in_dim3A_209, %add3A_154] : memref<6x4x8x256xf32, #tpu.memory_space<vmem>>[vector<16xi32>, vector<16xi32>, vector<16xi32>, vector<16xi32>], vector<16xf32>,
        %mul3A_212 = arith.mulf %gather3A_210, %gather3A_211 : vector<16xf32>
        %add3A_213 = arith.addf %add3A_205, %mul3A_212 : vector<16xf32>
        %broadcast_in_dim3A_214 = arith.constant 1 : i32
        %broadcast_in_dim3A_215 = vector.broadcast %broadcast_in_dim3A_214 : i32 to vector<16xi32>
        %gather3A_216 = tpu.vector_load_idx %arg14[%broadcast_in_dim3A, %broadcast_in_dim3A_207, %broadcast_in_dim3A_215, %add3A_126] : memref<6x4x8x256xf32, #tpu.memory_space<vmem>>[vector<16xi32>, vector<16xi32>, vector<16xi32>, vector<16xi32>], vector<16xf32>,
        %gather3A_217 = tpu.vector_load_idx %arg15[%broadcast_in_dim3A, %broadcast_in_dim3A_207, %broadcast_in_dim3A_215, %add3A_154] : memref<6x4x8x256xf32, #tpu.memory_space<vmem>>[vector<16xi32>, vector<16xi32>, vector<16xi32>, vector<16xi32>], vector<16xf32>,
        %mul3A_218 = arith.mulf %gather3A_216, %gather3A_217 : vector<16xf32>
        %add3A_219 = arith.addf %add3A_213, %mul3A_218 : vector<16xf32>
        %broadcast_in_dim3A_220 = arith.constant 2 : i32
        %broadcast_in_dim3A_221 = vector.broadcast %broadcast_in_dim3A_220 : i32 to vector<16xi32>
        %gather3A_222 = tpu.vector_load_idx %arg14[%broadcast_in_dim3A, %broadcast_in_dim3A_207, %broadcast_in_dim3A_221, %add3A_126] : memref<6x4x8x256xf32, #tpu.memory_space<vmem>>[vector<16xi32>, vector<16xi32>, vector<16xi32>, vector<16xi32>], vector<16xf32>,
        %gather3A_223 = tpu.vector_load_idx %arg15[%broadcast_in_dim3A, %broadcast_in_dim3A_207, %broadcast_in_dim3A_221, %add3A_154] : memref<6x4x8x256xf32, #tpu.memory_space<vmem>>[vector<16xi32>, vector<16xi32>, vector<16xi32>, vector<16xi32>], vector<16xf32>,
        %mul3A_224 = arith.mulf %gather3A_222, %gather3A_223 : vector<16xf32>
        %add3A_225 = arith.addf %add3A_219, %mul3A_224 : vector<16xf32>
        %broadcast_in_dim3A_226 = arith.constant 3 : i32
        %broadcast_in_dim3A_227 = vector.broadcast %broadcast_in_dim3A_226 : i32 to vector<16xi32>
        %gather3A_228 = tpu.vector_load_idx %arg14[%broadcast_in_dim3A, %broadcast_in_dim3A_207, %broadcast_in_dim3A_227, %add3A_126] : memref<6x4x8x256xf32, #tpu.memory_space<vmem>>[vector<16xi32>, vector<16xi32>, vector<16xi32>, vector<16xi32>], vector<16xf32>,
        %gather3A_229 = tpu.vector_load_idx %arg15[%broadcast_in_dim3A, %broadcast_in_dim3A_207, %broadcast_in_dim3A_227, %add3A_154] : memref<6x4x8x256xf32, #tpu.memory_space<vmem>>[vector<16xi32>, vector<16xi32>, vector<16xi32>, vector<16xi32>], vector<16xf32>,
        %mul3A_230 = arith.mulf %gather3A_228, %gather3A_229 : vector<16xf32>
        %add3A_231 = arith.addf %add3A_225, %mul3A_230 : vector<16xf32>
        %broadcast_in_dim3A_232 = arith.constant 4 : i32
        %broadcast_in_dim3A_233 = vector.broadcast %broadcast_in_dim3A_232 : i32 to vector<16xi32>
        %gather3A_234 = tpu.vector_load_idx %arg14[%broadcast_in_dim3A, %broadcast_in_dim3A_207, %broadcast_in_dim3A_233, %add3A_126] : memref<6x4x8x256xf32, #tpu.memory_space<vmem>>[vector<16xi32>, vector<16xi32>, vector<16xi32>, vector<16xi32>], vector<16xf32>,
        %gather3A_235 = tpu.vector_load_idx %arg15[%broadcast_in_dim3A, %broadcast_in_dim3A_207, %broadcast_in_dim3A_233, %add3A_154] : memref<6x4x8x256xf32, #tpu.memory_space<vmem>>[vector<16xi32>, vector<16xi32>, vector<16xi32>, vector<16xi32>], vector<16xf32>,
        %mul3A_236 = arith.mulf %gather3A_234, %gather3A_235 : vector<16xf32>
        %add3A_237 = arith.addf %add3A_231, %mul3A_236 : vector<16xf32>
        %broadcast_in_dim3A_238 = arith.constant 5 : i32
        %broadcast_in_dim3A_239 = vector.broadcast %broadcast_in_dim3A_238 : i32 to vector<16xi32>
        %gather3A_240 = tpu.vector_load_idx %arg14[%broadcast_in_dim3A, %broadcast_in_dim3A_207, %broadcast_in_dim3A_239, %add3A_126] : memref<6x4x8x256xf32, #tpu.memory_space<vmem>>[vector<16xi32>, vector<16xi32>, vector<16xi32>, vector<16xi32>], vector<16xf32>,
        %gather3A_241 = tpu.vector_load_idx %arg15[%broadcast_in_dim3A, %broadcast_in_dim3A_207, %broadcast_in_dim3A_239, %add3A_154] : memref<6x4x8x256xf32, #tpu.memory_space<vmem>>[vector<16xi32>, vector<16xi32>, vector<16xi32>, vector<16xi32>], vector<16xf32>,
        %mul3A_242 = arith.mulf %gather3A_240, %gather3A_241 : vector<16xf32>
        %add3A_243 = arith.addf %add3A_237, %mul3A_242 : vector<16xf32>
        %broadcast_in_dim3A_244 = arith.constant 6 : i32
        %broadcast_in_dim3A_245 = vector.broadcast %broadcast_in_dim3A_244 : i32 to vector<16xi32>
        %gather3A_246 = tpu.vector_load_idx %arg14[%broadcast_in_dim3A, %broadcast_in_dim3A_207, %broadcast_in_dim3A_245, %add3A_126] : memref<6x4x8x256xf32, #tpu.memory_space<vmem>>[vector<16xi32>, vector<16xi32>, vector<16xi32>, vector<16xi32>], vector<16xf32>,
        %gather3A_247 = tpu.vector_load_idx %arg15[%broadcast_in_dim3A, %broadcast_in_dim3A_207, %broadcast_in_dim3A_245, %add3A_154] : memref<6x4x8x256xf32, #tpu.memory_space<vmem>>[vector<16xi32>, vector<16xi32>, vector<16xi32>, vector<16xi32>], vector<16xf32>,
        %mul3A_248 = arith.mulf %gather3A_246, %gather3A_247 : vector<16xf32>
        %add3A_249 = arith.addf %add3A_243, %mul3A_248 : vector<16xf32>
        %broadcast_in_dim3A_250 = arith.constant 7 : i32
        %broadcast_in_dim3A_251 = vector.broadcast %broadcast_in_dim3A_250 : i32 to vector<16xi32>
        %gather3A_252 = tpu.vector_load_idx %arg14[%broadcast_in_dim3A, %broadcast_in_dim3A_207, %broadcast_in_dim3A_251, %add3A_126] : memref<6x4x8x256xf32, #tpu.memory_space<vmem>>[vector<16xi32>, vector<16xi32>, vector<16xi32>, vector<16xi32>], vector<16xf32>,
        %gather3A_253 = tpu.vector_load_idx %arg15[%broadcast_in_dim3A, %broadcast_in_dim3A_207, %broadcast_in_dim3A_251, %add3A_154] : memref<6x4x8x256xf32, #tpu.memory_space<vmem>>[vector<16xi32>, vector<16xi32>, vector<16xi32>, vector<16xi32>], vector<16xf32>,
        %mul3A_254 = arith.mulf %gather3A_252, %gather3A_253 : vector<16xf32>
        %add3A_255 = arith.addf %add3A_249, %mul3A_254 : vector<16xf32>
        %broadcast_in_dim3A_256 = arith.constant 2 : i32
        %broadcast_in_dim3A_257 = vector.broadcast %broadcast_in_dim3A_256 : i32 to vector<16xi32>
        %broadcast_in_dim3A_258 = arith.constant 0 : i32
        %broadcast_in_dim3A_259 = vector.broadcast %broadcast_in_dim3A_258 : i32 to vector<16xi32>
        %gather3A_260 = tpu.vector_load_idx %arg14[%broadcast_in_dim3A, %broadcast_in_dim3A_257, %broadcast_in_dim3A_259, %add3A_126] : memref<6x4x8x256xf32, #tpu.memory_space<vmem>>[vector<16xi32>, vector<16xi32>, vector<16xi32>, vector<16xi32>], vector<16xf32>,
        %gather3A_261 = tpu.vector_load_idx %arg15[%broadcast_in_dim3A, %broadcast_in_dim3A_257, %broadcast_in_dim3A_259, %add3A_154] : memref<6x4x8x256xf32, #tpu.memory_space<vmem>>[vector<16xi32>, vector<16xi32>, vector<16xi32>, vector<16xi32>], vector<16xf32>,
        %mul3A_262 = arith.mulf %gather3A_260, %gather3A_261 : vector<16xf32>
        %add3A_263 = arith.addf %add3A_255, %mul3A_262 : vector<16xf32>
        %broadcast_in_dim3A_264 = arith.constant 1 : i32
        %broadcast_in_dim3A_265 = vector.broadcast %broadcast_in_dim3A_264 : i32 to vector<16xi32>
        %gather3A_266 = tpu.vector_load_idx %arg14[%broadcast_in_dim3A, %broadcast_in_dim3A_257, %broadcast_in_dim3A_265, %add3A_126] : memref<6x4x8x256xf32, #tpu.memory_space<vmem>>[vector<16xi32>, vector<16xi32>, vector<16xi32>, vector<16xi32>], vector<16xf32>,
        %gather3A_267 = tpu.vector_load_idx %arg15[%broadcast_in_dim3A, %broadcast_in_dim3A_257, %broadcast_in_dim3A_265, %add3A_154] : memref<6x4x8x256xf32, #tpu.memory_space<vmem>>[vector<16xi32>, vector<16xi32>, vector<16xi32>, vector<16xi32>], vector<16xf32>,
        %mul3A_268 = arith.mulf %gather3A_266, %gather3A_267 : vector<16xf32>
        %add3A_269 = arith.addf %add3A_263, %mul3A_268 : vector<16xf32>
        %broadcast_in_dim3A_270 = arith.constant 2 : i32
        %broadcast_in_dim3A_271 = vector.broadcast %broadcast_in_dim3A_270 : i32 to vector<16xi32>
        %gather3A_272 = tpu.vector_load_idx %arg14[%broadcast_in_dim3A, %broadcast_in_dim3A_257, %broadcast_in_dim3A_271, %add3A_126] : memref<6x4x8x256xf32, #tpu.memory_space<vmem>>[vector<16xi32>, vector<16xi32>, vector<16xi32>, vector<16xi32>], vector<16xf32>,
        %gather3A_273 = tpu.vector_load_idx %arg15[%broadcast_in_dim3A, %broadcast_in_dim3A_257, %broadcast_in_dim3A_271, %add3A_154] : memref<6x4x8x256xf32, #tpu.memory_space<vmem>>[vector<16xi32>, vector<16xi32>, vector<16xi32>, vector<16xi32>], vector<16xf32>,
        %mul3A_274 = arith.mulf %gather3A_272, %gather3A_273 : vector<16xf32>
        %add3A_275 = arith.addf %add3A_269, %mul3A_274 : vector<16xf32>
        %broadcast_in_dim3A_276 = arith.constant 3 : i32
        %broadcast_in_dim3A_277 = vector.broadcast %broadcast_in_dim3A_276 : i32 to vector<16xi32>
        %gather3A_278 = tpu.vector_load_idx %arg14[%broadcast_in_dim3A, %broadcast_in_dim3A_257, %broadcast_in_dim3A_277, %add3A_126] : memref<6x4x8x256xf32, #tpu.memory_space<vmem>>[vector<16xi32>, vector<16xi32>, vector<16xi32>, vector<16xi32>], vector<16xf32>,
        %gather3A_279 = tpu.vector_load_idx %arg15[%broadcast_in_dim3A, %broadcast_in_dim3A_257, %broadcast_in_dim3A_277, %add3A_154] : memref<6x4x8x256xf32, #tpu.memory_space<vmem>>[vector<16xi32>, vector<16xi32>, vector<16xi32>, vector<16xi32>], vector<16xf32>,
        %mul3A_280 = arith.mulf %gather3A_278, %gather3A_279 : vector<16xf32>
        %add3A_281 = arith.addf %add3A_275, %mul3A_280 : vector<16xf32>
        %broadcast_in_dim3A_282 = arith.constant 4 : i32
        %broadcast_in_dim3A_283 = vector.broadcast %broadcast_in_dim3A_282 : i32 to vector<16xi32>
        %gather3A_284 = tpu.vector_load_idx %arg14[%broadcast_in_dim3A, %broadcast_in_dim3A_257, %broadcast_in_dim3A_283, %add3A_126] : memref<6x4x8x256xf32, #tpu.memory_space<vmem>>[vector<16xi32>, vector<16xi32>, vector<16xi32>, vector<16xi32>], vector<16xf32>,
        %gather3A_285 = tpu.vector_load_idx %arg15[%broadcast_in_dim3A, %broadcast_in_dim3A_257, %broadcast_in_dim3A_283, %add3A_154] : memref<6x4x8x256xf32, #tpu.memory_space<vmem>>[vector<16xi32>, vector<16xi32>, vector<16xi32>, vector<16xi32>], vector<16xf32>,
        %mul3A_286 = arith.mulf %gather3A_284, %gather3A_285 : vector<16xf32>
        %add3A_287 = arith.addf %add3A_281, %mul3A_286 : vector<16xf32>
        %broadcast_in_dim3A_288 = arith.constant 5 : i32
        %broadcast_in_dim3A_289 = vector.broadcast %broadcast_in_dim3A_288 : i32 to vector<16xi32>
        %gather3A_290 = tpu.vector_load_idx %arg14[%broadcast_in_dim3A, %broadcast_in_dim3A_257, %broadcast_in_dim3A_289, %add3A_126] : memref<6x4x8x256xf32, #tpu.memory_space<vmem>>[vector<16xi32>, vector<16xi32>, vector<16xi32>, vector<16xi32>], vector<16xf32>,
        %gather3A_291 = tpu.vector_load_idx %arg15[%broadcast_in_dim3A, %broadcast_in_dim3A_257, %broadcast_in_dim3A_289, %add3A_154] : memref<6x4x8x256xf32, #tpu.memory_space<vmem>>[vector<16xi32>, vector<16xi32>, vector<16xi32>, vector<16xi32>], vector<16xf32>,
        %mul3A_292 = arith.mulf %gather3A_290, %gather3A_291 : vector<16xf32>
        %add3A_293 = arith.addf %add3A_287, %mul3A_292 : vector<16xf32>
        %broadcast_in_dim3A_294 = arith.constant 6 : i32
        %broadcast_in_dim3A_295 = vector.broadcast %broadcast_in_dim3A_294 : i32 to vector<16xi32>
        %gather3A_296 = tpu.vector_load_idx %arg14[%broadcast_in_dim3A, %broadcast_in_dim3A_257, %broadcast_in_dim3A_295, %add3A_126] : memref<6x4x8x256xf32, #tpu.memory_space<vmem>>[vector<16xi32>, vector<16xi32>, vector<16xi32>, vector<16xi32>], vector<16xf32>,
        %gather3A_297 = tpu.vector_load_idx %arg15[%broadcast_in_dim3A, %broadcast_in_dim3A_257, %broadcast_in_dim3A_295, %add3A_154] : memref<6x4x8x256xf32, #tpu.memory_space<vmem>>[vector<16xi32>, vector<16xi32>, vector<16xi32>, vector<16xi32>], vector<16xf32>,
        %mul3A_298 = arith.mulf %gather3A_296, %gather3A_297 : vector<16xf32>
        %add3A_299 = arith.addf %add3A_293, %mul3A_298 : vector<16xf32>
        %broadcast_in_dim3A_300 = arith.constant 7 : i32
        %broadcast_in_dim3A_301 = vector.broadcast %broadcast_in_dim3A_300 : i32 to vector<16xi32>
        %gather3A_302 = tpu.vector_load_idx %arg14[%broadcast_in_dim3A, %broadcast_in_dim3A_257, %broadcast_in_dim3A_301, %add3A_126] : memref<6x4x8x256xf32, #tpu.memory_space<vmem>>[vector<16xi32>, vector<16xi32>, vector<16xi32>, vector<16xi32>], vector<16xf32>,
        %gather3A_303 = tpu.vector_load_idx %arg15[%broadcast_in_dim3A, %broadcast_in_dim3A_257, %broadcast_in_dim3A_301, %add3A_154] : memref<6x4x8x256xf32, #tpu.memory_space<vmem>>[vector<16xi32>, vector<16xi32>, vector<16xi32>, vector<16xi32>], vector<16xf32>,
        %mul3A_304 = arith.mulf %gather3A_302, %gather3A_303 : vector<16xf32>
        %add3A_305 = arith.addf %add3A_299, %mul3A_304 : vector<16xf32>
        %broadcast_in_dim3A_306 = arith.constant 3 : i32
        %broadcast_in_dim3A_307 = vector.broadcast %broadcast_in_dim3A_306 : i32 to vector<16xi32>
        %broadcast_in_dim3A_308 = arith.constant 0 : i32
        %broadcast_in_dim3A_309 = vector.broadcast %broadcast_in_dim3A_308 : i32 to vector<16xi32>
        %gather3A_310 = tpu.vector_load_idx %arg14[%broadcast_in_dim3A, %broadcast_in_dim3A_307, %broadcast_in_dim3A_309, %add3A_126] : memref<6x4x8x256xf32, #tpu.memory_space<vmem>>[vector<16xi32>, vector<16xi32>, vector<16xi32>, vector<16xi32>], vector<16xf32>,
        %gather3A_311 = tpu.vector_load_idx %arg15[%broadcast_in_dim3A, %broadcast_in_dim3A_307, %broadcast_in_dim3A_309, %add3A_154] : memref<6x4x8x256xf32, #tpu.memory_space<vmem>>[vector<16xi32>, vector<16xi32>, vector<16xi32>, vector<16xi32>], vector<16xf32>,
        %mul3A_312 = arith.mulf %gather3A_310, %gather3A_311 : vector<16xf32>
        %add3A_313 = arith.addf %add3A_305, %mul3A_312 : vector<16xf32>
        %broadcast_in_dim3A_314 = arith.constant 1 : i32
        %broadcast_in_dim3A_315 = vector.broadcast %broadcast_in_dim3A_314 : i32 to vector<16xi32>
        %gather3A_316 = tpu.vector_load_idx %arg14[%broadcast_in_dim3A, %broadcast_in_dim3A_307, %broadcast_in_dim3A_315, %add3A_126] : memref<6x4x8x256xf32, #tpu.memory_space<vmem>>[vector<16xi32>, vector<16xi32>, vector<16xi32>, vector<16xi32>], vector<16xf32>,
        %gather3A_317 = tpu.vector_load_idx %arg15[%broadcast_in_dim3A, %broadcast_in_dim3A_307, %broadcast_in_dim3A_315, %add3A_154] : memref<6x4x8x256xf32, #tpu.memory_space<vmem>>[vector<16xi32>, vector<16xi32>, vector<16xi32>, vector<16xi32>], vector<16xf32>,
        %mul3A_318 = arith.mulf %gather3A_316, %gather3A_317 : vector<16xf32>
        %add3A_319 = arith.addf %add3A_313, %mul3A_318 : vector<16xf32>
        %broadcast_in_dim3A_320 = arith.constant 2 : i32
        %broadcast_in_dim3A_321 = vector.broadcast %broadcast_in_dim3A_320 : i32 to vector<16xi32>
        %gather3A_322 = tpu.vector_load_idx %arg14[%broadcast_in_dim3A, %broadcast_in_dim3A_307, %broadcast_in_dim3A_321, %add3A_126] : memref<6x4x8x256xf32, #tpu.memory_space<vmem>>[vector<16xi32>, vector<16xi32>, vector<16xi32>, vector<16xi32>], vector<16xf32>,
        %gather3A_323 = tpu.vector_load_idx %arg15[%broadcast_in_dim3A, %broadcast_in_dim3A_307, %broadcast_in_dim3A_321, %add3A_154] : memref<6x4x8x256xf32, #tpu.memory_space<vmem>>[vector<16xi32>, vector<16xi32>, vector<16xi32>, vector<16xi32>], vector<16xf32>,
        %mul3A_324 = arith.mulf %gather3A_322, %gather3A_323 : vector<16xf32>
        %add3A_325 = arith.addf %add3A_319, %mul3A_324 : vector<16xf32>
        %broadcast_in_dim3A_326 = arith.constant 3 : i32
        %broadcast_in_dim3A_327 = vector.broadcast %broadcast_in_dim3A_326 : i32 to vector<16xi32>
        %gather3A_328 = tpu.vector_load_idx %arg14[%broadcast_in_dim3A, %broadcast_in_dim3A_307, %broadcast_in_dim3A_327, %add3A_126] : memref<6x4x8x256xf32, #tpu.memory_space<vmem>>[vector<16xi32>, vector<16xi32>, vector<16xi32>, vector<16xi32>], vector<16xf32>,
        %gather3A_329 = tpu.vector_load_idx %arg15[%broadcast_in_dim3A, %broadcast_in_dim3A_307, %broadcast_in_dim3A_327, %add3A_154] : memref<6x4x8x256xf32, #tpu.memory_space<vmem>>[vector<16xi32>, vector<16xi32>, vector<16xi32>, vector<16xi32>], vector<16xf32>,
        %mul3A_330 = arith.mulf %gather3A_328, %gather3A_329 : vector<16xf32>
        %add3A_331 = arith.addf %add3A_325, %mul3A_330 : vector<16xf32>
        %broadcast_in_dim3A_332 = arith.constant 4 : i32
        %broadcast_in_dim3A_333 = vector.broadcast %broadcast_in_dim3A_332 : i32 to vector<16xi32>
        %gather3A_334 = tpu.vector_load_idx %arg14[%broadcast_in_dim3A, %broadcast_in_dim3A_307, %broadcast_in_dim3A_333, %add3A_126] : memref<6x4x8x256xf32, #tpu.memory_space<vmem>>[vector<16xi32>, vector<16xi32>, vector<16xi32>, vector<16xi32>], vector<16xf32>,
        %gather3A_335 = tpu.vector_load_idx %arg15[%broadcast_in_dim3A, %broadcast_in_dim3A_307, %broadcast_in_dim3A_333, %add3A_154] : memref<6x4x8x256xf32, #tpu.memory_space<vmem>>[vector<16xi32>, vector<16xi32>, vector<16xi32>, vector<16xi32>], vector<16xf32>,
        %mul3A_336 = arith.mulf %gather3A_334, %gather3A_335 : vector<16xf32>
        %add3A_337 = arith.addf %add3A_331, %mul3A_336 : vector<16xf32>
        %broadcast_in_dim3A_338 = arith.constant 5 : i32
        %broadcast_in_dim3A_339 = vector.broadcast %broadcast_in_dim3A_338 : i32 to vector<16xi32>
        %gather3A_340 = tpu.vector_load_idx %arg14[%broadcast_in_dim3A, %broadcast_in_dim3A_307, %broadcast_in_dim3A_339, %add3A_126] : memref<6x4x8x256xf32, #tpu.memory_space<vmem>>[vector<16xi32>, vector<16xi32>, vector<16xi32>, vector<16xi32>], vector<16xf32>,
        %gather3A_341 = tpu.vector_load_idx %arg15[%broadcast_in_dim3A, %broadcast_in_dim3A_307, %broadcast_in_dim3A_339, %add3A_154] : memref<6x4x8x256xf32, #tpu.memory_space<vmem>>[vector<16xi32>, vector<16xi32>, vector<16xi32>, vector<16xi32>], vector<16xf32>,
        %mul3A_342 = arith.mulf %gather3A_340, %gather3A_341 : vector<16xf32>
        %add3A_343 = arith.addf %add3A_337, %mul3A_342 : vector<16xf32>
        %broadcast_in_dim3A_344 = arith.constant 6 : i32
        %broadcast_in_dim3A_345 = vector.broadcast %broadcast_in_dim3A_344 : i32 to vector<16xi32>
        %gather3A_346 = tpu.vector_load_idx %arg14[%broadcast_in_dim3A, %broadcast_in_dim3A_307, %broadcast_in_dim3A_345, %add3A_126] : memref<6x4x8x256xf32, #tpu.memory_space<vmem>>[vector<16xi32>, vector<16xi32>, vector<16xi32>, vector<16xi32>], vector<16xf32>,
        %gather3A_347 = tpu.vector_load_idx %arg15[%broadcast_in_dim3A, %broadcast_in_dim3A_307, %broadcast_in_dim3A_345, %add3A_154] : memref<6x4x8x256xf32, #tpu.memory_space<vmem>>[vector<16xi32>, vector<16xi32>, vector<16xi32>, vector<16xi32>], vector<16xf32>,
        %mul3A_348 = arith.mulf %gather3A_346, %gather3A_347 : vector<16xf32>
        %add3A_349 = arith.addf %add3A_343, %mul3A_348 : vector<16xf32>
        %broadcast_in_dim3A_350 = arith.constant 7 : i32
        %broadcast_in_dim3A_351 = vector.broadcast %broadcast_in_dim3A_350 : i32 to vector<16xi32>
        %gather3A_352 = tpu.vector_load_idx %arg14[%broadcast_in_dim3A, %broadcast_in_dim3A_307, %broadcast_in_dim3A_351, %add3A_126] : memref<6x4x8x256xf32, #tpu.memory_space<vmem>>[vector<16xi32>, vector<16xi32>, vector<16xi32>, vector<16xi32>], vector<16xf32>,
        %gather3A_353 = tpu.vector_load_idx %arg15[%broadcast_in_dim3A, %broadcast_in_dim3A_307, %broadcast_in_dim3A_351, %add3A_154] : memref<6x4x8x256xf32, #tpu.memory_space<vmem>>[vector<16xi32>, vector<16xi32>, vector<16xi32>, vector<16xi32>], vector<16xf32>,
        %mul3A_354 = arith.mulf %gather3A_352, %gather3A_353 : vector<16xf32>
        %add3A_355 = arith.addf %add3A_349, %mul3A_354 : vector<16xf32>
        %swap3A = arith.index_cast %mul3A_99 : i32 to index
        %swap3A_356 = tpu.vector_load %arg13[%swap3A] {strides = array<i32>} : memref<512xf32, #tpu.memory_space<vmem>>, vector<16xf32>,
        tpu.vector_store %arg13[%swap3A], %add3A_355 {strides = array<i32>} : memref<512xf32, #tpu.memory_space<vmem>>, vector<16xf32>,
      } else {
      }
      %scan3A_30 = arith.constant 0 : i32
      scf.yield %scan3A_30 : i32
    }
    %scan3A_11 = arith.constant 37 : i32
    %dma_wait3A = arith.constant 0 : i32
    %dma_wait3A_12 = tpu.memref_slice %arg4[%dma_wait3A] : memref<1000000xf32, #tpu.memory_space<hbm>> -> memref<1000000xf32, #tpu.memory_space<hbm>>
    tpu.wait_indirect_dma semaphore(%arg17 : memref<!tpu.dma_semaphore, #tpu.memory_space<semaphore_mem>>) src(%dma_wait3A_12 : memref<1000000xf32, #tpu.memory_space<hbm>>) dst(%arg11 : memref<512xf32, #tpu.memory_space<vmem>>)
    %dma_wait3A_13 = arith.constant 0 : i32
    %dma_wait3A_14 = tpu.memref_slice %arg5[%dma_wait3A_13] : memref<1000000xf32, #tpu.memory_space<hbm>> -> memref<1000000xf32, #tpu.memory_space<hbm>>
    tpu.wait_indirect_dma semaphore(%arg17 : memref<!tpu.dma_semaphore, #tpu.memory_space<semaphore_mem>>) src(%dma_wait3A_14 : memref<1000000xf32, #tpu.memory_space<hbm>>) dst(%arg12 : memref<512xf32, #tpu.memory_space<vmem>>)
    %scan3A_15 = arith.constant 0 : i32
    %scan3A_16 = arith.constant 0 : i32
    %scan3A_17 = arith.constant 32 : i32
    %scan3A_18 = arith.addi %scan3A_16, %scan3A_17 : i32
    %scan3A_19 = arith.constant 1 : i32
    %scan3A_20 = scf.for %scan3A_22 = %scan3A_16 to %scan3A_18 step %scan3A_19 iter_args(%scan3A_23 = %scan3A_15) -> (i32)  : i32 {
      %mul3A_24 = arith.constant 16 : i32
      %mul3A_25 = arith.muli %scan3A_22, %mul3A_24 : i32
      %get3A = arith.index_cast %mul3A_25 : i32 to index
      %get3A_26 = tpu.vector_load %arg13[%get3A] {strides = array<i32>} : memref<512xf32, #tpu.memory_space<vmem>>, vector<16xf32>,
      %get3A_27 = arith.index_cast %mul3A_25 : i32 to index
      %get3A_28 = tpu.vector_load %arg11[%get3A_27] {strides = array<i32>} : memref<512xf32, #tpu.memory_space<vmem>>, vector<16xf32>,
      %add3A_29 = arith.addf %get3A_26, %get3A_28 : vector<16xf32>
      %get3A_30 = arith.index_cast %mul3A_25 : i32 to index
      %get3A_31 = tpu.vector_load %arg12[%get3A_30] {strides = array<i32>} : memref<512xf32, #tpu.memory_space<vmem>>, vector<16xf32>,
      %add3A_32 = arith.addf %add3A_29, %get3A_31 : vector<16xf32>
      %neg3A = arith.constant 0.000000e+00 : f32
      %neg3A_33 = vector.broadcast %neg3A : f32 to vector<16xf32>
      %neg3A_34 = arith.subf %neg3A_33, %add3A_32 : vector<16xf32>
      %exp3A = math.exp %neg3A_34 : vector<16xf32>
      %add3A_35 = arith.constant 1.000000e+00 : f32
      %add3A_36 = vector.broadcast %add3A_35 : f32 to vector<16xf32>
      %add3A_37 = arith.addf %add3A_36, %exp3A : vector<16xf32>
      %div3A = arith.constant 1.000000e+00 : f32
      %div3A_38 = vector.broadcast %div3A : f32 to vector<16xf32>
      %div3A_39 = arith.divf %div3A_38, %add3A_37 : vector<16xf32>
      %swap3A = arith.index_cast %mul3A_25 : i32 to index
      %swap3A_40 = tpu.vector_load %arg13[%swap3A] {strides = array<i32>} : memref<512xf32, #tpu.memory_space<vmem>>, vector<16xf32>,
      tpu.vector_store %arg13[%swap3A], %div3A_39 {strides = array<i32>} : memref<512xf32, #tpu.memory_space<vmem>>, vector<16xf32>,
      %scan3A_41 = arith.constant 0 : i32
      scf.yield %scan3A_41 : i32
    }
    %scan3A_21 = arith.constant 32 : i32
    "tpu.region"() ({
      %run_scoped3A = tpu.sem_alloc : memref<!tpu.dma_semaphore, #tpu.memory_space<semaphore_mem>>
      %dma_start3A_22 = tpu.memref_slice %arg8[%mul3A_2] : memref<16384xf32, #tpu.memory_space<hbm>> -> memref<512xf32, #tpu.memory_space<hbm>>
      %dma_start3A_23 = tpu.memref_slice %arg8[%mul3A_2] : memref<16384xf32, #tpu.memory_space<hbm>> -> memref<512xf32, #tpu.memory_space<hbm>>
      tpu.enqueue_dma source(%arg13 : memref<512xf32, #tpu.memory_space<vmem>>) target(%dma_start3A_23 : memref<512xf32, #tpu.memory_space<hbm>>) target_semaphore(%run_scoped3A : memref<!tpu.dma_semaphore, #tpu.memory_space<semaphore_mem>>)
      %dma_wait3A_24 = tpu.memref_slice %arg8[%mul3A_2] : memref<16384xf32, #tpu.memory_space<hbm>> -> memref<512xf32, #tpu.memory_space<hbm>>
      %dma_wait3A_25 = tpu.memref_slice %arg8[%mul3A_2] : memref<16384xf32, #tpu.memory_space<hbm>> -> memref<512xf32, #tpu.memory_space<hbm>>
      tpu.wait_dma2 semaphore(%run_scoped3A : memref<!tpu.dma_semaphore, #tpu.memory_space<semaphore_mem>>) src(%arg13 : memref<512xf32, #tpu.memory_space<vmem>>) dst(%dma_wait3A_25 : memref<512xf32, #tpu.memory_space<hbm>>)
      tpu.yield
    }) : () -> ()
    return
  }
}

</mosaic_0001>

<sc_bundles>
// kernel: _mf.3.cloned.1.call-start
scs
__scs_entry_jumppad:
0x0: {  	(pc) =	sbr.rel $0x88, $3  }
0x1: {  	(tag) =	ssettag $0x0;
	lr =	simm.s32 $0x1  }
0x2: {  	[smem:$0x3F9B] =	sst lr;
	_ =	strace $0xD0000000  }
0x3: {  	_ = 	snop  }
0x4: {  	_ = 	snop  }
0x5: {  	_ = 	snop  }
0x6: {  	_ = 	snop  }
0x7: {  	_ = 	snop  }
__scs_overlays_trampoline_lowered:
0x8: {  	[smem:$0x3FAA] =	sst s0  }
0x9: {  	[smem:$0x3FAB] =	sst s1  }
0xa: {  	[smem:$0x3FAC] =	sst s2  }
0xb: {  	[smem:$0x3FAD] =	sst s3  }
0xc: {  	[smem:$0x3FAE] =	sst s4  }
0xd: {  	[smem:$0x3FAF] =	sst s5  }
0xe: {  	[smem:$0x3FB0] =	sst s6  }
0xf: {  	[smem:$0x3FB1] =	sst s7  }
0x10: {  	[smem:$0x3FB2] =	sst s8  }
0x11: {  	[smem:$0x3FB3] =	sst s9;
	s0 =	simm.s32 @!p0 $0x0  }
0x12: {  	s1 =	sld [smem:$0x3F99];
	s0 =	simm.s32 @p0 $0x1  }
0x13: {  	[smem:$0x3FB4] =	sst s0;
	s0 =	simm.s32 @!p1 $0x0  }
0x14: {  	s2 =	sld [smem:$0x3F98];
	s0 =	simm.s32 @p1 $0x1  }
0x15: {  	[smem:$0x3FB5] =	sst s0;
	s0 =	simm.s32 @!p2 $0x0  }
0x16: {  	s3 =	sld [smem:$0x3FDB];
	s0 =	simm.s32 @p2 $0x1  }
0x17: {  	s4 =	simm.s32 $0x1BF5;
	[smem:$0x3FB7] =	sst s0  }
0x18: {  	s0 =	sld [smem:$0x3F9A];
	_ =	swait.ge [sflag:s4], $0x0  }
0x19: {  	s7 =	sld [smem:$0x3F9B]  }
0x1a: {  	s8 =	sadd.s32 $0xFFFFE003, lr  }
0x1b: {  	s9 =	sadd.s32 $0xFFFFFEF7, lr;
	s5 =	simm.s32 $0xFFFFFFFF;
	p2 =	slt.u32 s8, $0xFFFFF086  }
0x1c: {  	p1 =	slt.u32 s9, $0xF7A;
	s5 =	simm.s32 @!p2 $0x0  }
0x1d: {  	s5 =	simm.s32 @p1 $0x1;
	p0 =	seq.s32 s7, s2  }
0x1e: {  	s7 =	smul.u32 @!p0 $0xF7A, s2;
	p2 =	seq.s32 @!p0 s5, $0x0  }
0x1f: {  	s9 =	smul.u32 $0xF7A, s1;
	s8 =	simm.s32 @!p0 $0x1BF5;
	p2 =	por !p2, p0  }
0x20: {  	[sflag:s8] =	ssyncset.s32 @!p0 $0xFFFFF086;
	s6 =	sadd.s32 @!p0 s3, s7;
	s7 =	simm.s32 @!p0 $0x108  }
0x21: {  	s3 =	sadd.s32 s3, s9;
	s6 =	sadd.s32 @!p0 $0x88, s6;
	s7 =	simm.s32 @p2 $0x1082  }
0x22: {  	[simem:s7], [sflag:s8] =	dma.local @!p0 [hbm:s6], $0xF7A  }
0x23: {  	s9 =	sor.u32 $0xD0000000, s2;
	s6 =	simm.s32 $0x108;
	_ =	swait.ge @!p0 [sflag:s8], $0x0  }
0x24: {  	s3 =	sadd.s32 $0x88, s3;
	s6 =	simm.s32 @!p1 $0x1082;
	[sflag:s4] =	ssyncset.s32 $0xFFFFF086  }
0x25: {  	[simem:s6], [sflag:s4] =	dma.local [hbm:s3], $0xF7A  }
0x26: {  	[smem:$0x3F9B] =	sst s1;
	(tag) =	ssettag s2;
	_ =	strace s9  }
0x27: {  	s1 =	sld [smem:$0x3FAB]  }
0x28: {  	s2 =	sld [smem:$0x3FAC]  }
0x29: {  	s4 =	sld [smem:$0x3FAE]  }
0x2a: {  	p0 =	seq.s32 s5, $0x0;
	s5 =	sld [smem:$0x3FAF]  }
0x2b: {  	s6 =	sld [smem:$0x3FB0]  }
0x2c: {  	s7 =	sld [smem:$0x3FB1]  }
0x2d: {  	s3 =	simm.s32 $0x108;
	s8 =	sld [smem:$0x3FB2]  }
0x2e: {  	s3 =	simm.s32 @!p0 $0x1082;
	s9 =	sld [smem:$0x3FB3]  }
0x2f: {  	lr =	sadd.s32 s0, s3;
	s0 =	sld [smem:$0x3FAA]  }
0x30: {  	s3 =	sld [smem:$0x3FAD]  }
0x31: {  	[smem:$0x3FB6] =	sst s10  }
0x32: {  	s10 =	sld [smem:$0x3FB4];
	_ =	sdelay $0x3  }
0x33: {  	p0 =	seq.s32 s10, $0x1;
	s10 =	sld [smem:$0x3FB6];
	_ =	sdelay $0x3  }
0x34: {  	[smem:$0x3FB6] =	sst s10  }
0x35: {  	s10 =	sld [smem:$0x3FB5];
	_ =	sdelay $0x3  }
0x36: {  	p1 =	seq.s32 s10, $0x1;
	s10 =	sld [smem:$0x3FB6];
	_ =	sdelay $0x3  }
0x37: {  	[smem:$0x3FB6] =	sst s10  }
0x38: {  	s10 =	sld [smem:$0x3FB7]  }
0x39: {  	_ = 	snop;
	(pc) =	sbr.ind lr, $3  }
0x3a: {  	_ = 	snop  }
0x3b: {  	_ = 	snop  }
0x3c: {  	p2 =	seq.s32 s10, $0x1;
	s10 =	sld [smem:$0x3FB6]  }
0x3d: {  	_ =	shalt  }
0x3e: {  	_ =	shalt  }
0x3f: {  	_ =	shalt  }
0x40: {  	_ =	shalt  }
0x41: {  	_ =	shalt  }
0x42: {  	_ =	shalt  }
0x43: {  	_ =	shalt  }
0x44: {  	_ =	shalt  }
0x45: {  	_ =	shalt  }
0x46: {  	_ =	shalt  }
0x47: {  	_ =	shalt  }
0x48: {  	_ =	shalt  }
0x49: {  	_ =	shalt  }
0x4a: {  	_ =	shalt  }
0x4b: {  	_ =	shalt  }
0x4c: {  	_ =	shalt  }
0x4d: {  	_ =	shalt  }
0x4e: {  	_ =	shalt  }
0x4f: {  	_ =	shalt  }
0x50: {  	_ =	shalt  }
0x51: {  	_ =	shalt  }
0x52: {  	_ =	shalt  }
0x53: {  	_ =	shalt  }
0x54: {  	_ =	shalt  }
0x55: {  	_ =	shalt  }
0x56: {  	_ =	shalt  }
0x57: {  	_ =	shalt  }
0x58: {  	_ =	shalt  }
0x59: {  	_ =	shalt  }
0x5a: {  	_ =	shalt  }
0x5b: {  	_ =	shalt  }
0x5c: {  	_ =	shalt  }
0x5d: {  	_ =	shalt  }
0x5e: {  	_ =	shalt  }
0x5f: {  	_ =	shalt  }
0x60: {  	_ =	shalt  }
0x61: {  	_ =	shalt  }
0x62: {  	_ =	shalt  }
0x63: {  	_ =	shalt  }
0x64: {  	_ =	shalt  }
0x65: {  	_ =	shalt  }
0x66: {  	_ =	shalt  }
0x67: {  	_ =	shalt  }
0x68: {  	_ =	shalt  }
0x69: {  	_ =	shalt  }
0x6a: {  	_ =	shalt  }
0x6b: {  	_ =	shalt  }
0x6c: {  	_ =	shalt  }
0x6d: {  	_ =	shalt  }
0x6e: {  	_ =	shalt  }
0x6f: {  	_ =	shalt  }
0x70: {  	_ =	shalt  }
0x71: {  	_ =	shalt  }
0x72: {  	_ =	shalt  }
0x73: {  	_ =	shalt  }
0x74: {  	_ =	shalt  }
0x75: {  	_ =	shalt  }
0x76: {  	_ =	shalt  }
0x77: {  	_ =	shalt  }
0x78: {  	_ =	shalt  }
0x79: {  	_ =	shalt  }
0x7a: {  	_ =	shalt  }
0x7b: {  	_ =	shalt  }
0x7c: {  	_ =	shalt  }
0x7d: {  	_ =	shalt  }
0x7e: {  	_ =	shalt  }
0x7f: {  	_ =	shalt  }
0x80: {  	_ =	shalt  }
0x81: {  	_ =	shalt  }
0x82: {  	_ =	shalt  }
0x83: {  	_ =	shalt  }
0x84: {  	_ =	shalt  }
0x85: {  	_ =	shalt  }
0x86: {  	_ =	shalt  }
0x87: {  	_ =	shalt  }
.Lfunc_end0:
.L_simem_size_0:
called_computation_lowered:
.L_overlay_start_0:
0x88: {  	s2 =	sld [smem:$0x3FD9]  }
0x89: {  	s3 =	sld [smem:$0x3FFE];
	_ =	sdelay $0x1  }
0x8a: {  	s1 =	srdreg.scid  }
0x8b: {  	s0 =	sand.u32 $0x1, s1  }
0x8c: {  	s17 =	sshll.u32 s0, $0xA;
	s2 =	sadd.s32 s3, s2  }
0x8d: {  	s2 =	sadd.s32 s2, s17  }
0x8e: {  	[smem:$0x3FC2] =	sst s2  }
0x8f: {  	_ = 	snop  }
0x90: {  	s2 =	sld [smem:$0x3FC9]  }
0x91: {  	s18 =	sld [smem:$0x3FC8]  }
0x92: {  	s4 =	sld [smem:$0x3FC5]  }
0x93: {  	s5 =	sld [smem:$0x3FC4]  }
0x94: {  	s6 =	sld [smem:$0x3FD0];
	(tm) =	ssettm $0x1  }
0x95: {  	s7 =	sld [smem:$0x3FFB];
	_ =	sdelay $0x3  }
0x96: {  	_ =	strace s7  }
0x97: {  	s7 =	sld [smem:$0x3FFC];
	_ =	sdelay $0x3  }
0x98: {  	_ =	strace s7  }
0x99: {  	s7 =	sld [smem:$0x3FFD];
	_ =	sdelay $0x3  }
0x9a: {  	_ =	strace s7  }
0x9b: {  	_ =	strace $0x8FFFFFFF  }
0x9c: {  	s19 =	sld [smem:$0x3FDB];
	_ =	sdelay $0x1  }
0x9d: {  	s8 =	simm.s32 $_scs_section_size  }
0x9e: {  	s9 =	simm.s32 $_size__tile_overlayer_lowered;
	s10 =	simm.s32 $_tile_overlayer_lowered  }
0x9f: {  	s22 =	simm.s32 $0x1BFF;
	s21 =	sshll.u32 s10, $0x1;
	s7 =	sadd.s32 s8, s19  }
0xa0: {  	s11 =	simm.s32 $0x0;
	s20 =	sshll.u32 s9, $0x1;
	s9 =	sadd.s32 s21, s7  }
0xa1: {  	[timem:s11], [sflag:s22] =	dma.local [hbm:s9], s20  }
0xa2: {  	_ =	swait.ge [sflag:s22], s20  }
0xa3: {  	s8 =	ssub.s32 $0x0, s20;
	[sflag:s22] =	ssyncset.done $0x0  }
0xa4: {  	[sflag:s22] =	ssyncadd.s32 s8;
	_ =	sdelay $0x1  }
0xa5: {  	s23 =	simm.s32 $0x1B8B  }
0xa6: {  	_ =	swait.ge [sflag:s23], $0x1  }
0xa7: {  	[sflag:s23] =	ssyncset.done $0x0  }
0xa8: {  	s25 =	simm.s32 $0x1B8E;
	s24 =	sld [smem:$0x3FFE];
	[sflag:s23] =	ssyncadd.s32 $0xFFFFFFFF  }
0xa9: {  	s26 =	simm.s32 $execute0_lowered;
	[smem:$0x3FD2] =	sst s25  }
0xaa: {  	s9 =	sshll.u32 s26, $0x1;
	_ =	strace $0x80000046;
	[dreg:$0x1] =	wrdreg $0xFFFFFFFF  }
0xab: {  	s28 =	simm.s32 $_size_execute0_lowered;
	s7 =	sadd.s32 s7, s9;
	[dreg:$0x0] =	wrdreg $0x0  }
0xac: {  	s9 =	sshll.u32 s28, $0x1;
	[dreg:$0x2] =	wrdreg s7  }
0xad: {  	[dreg:$0x3] =	wrdreg s9  }
0xae: {  	[dreg:$0x4] =	wrdreg $0xC0  }
0xaf: {  	_ =	task [dreg:s11], $0x5FFFF  }
0xb0: {  	[dreg:$0x1] =	wrdreg $0xFFFFFFFF  }
0xb1: {  	[dreg:$0x0] =	wrdreg $0x60  }
0xb2: {  	[dreg:$0x2] =	wrdreg s2  }
0xb3: {  	[dreg:$0x3] =	wrdreg s18  }
0xb4: {  	[dreg:$0x4] =	wrdreg s24  }
0xb5: {  	[dreg:$0x5] =	wrdreg s4  }
0xb6: {  	[dreg:$0x6] =	wrdreg s5  }
0xb7: {  	[dreg:$0x7] =	wrdreg s6  }
0xb8: {  	[dreg:$0x8] =	wrdreg $0x9  }
0xb9: {  	_ =	task.clear_ibuf [dreg:s11], $0x9FFFF;
	_ =	strace $0x90000046  }
0xba: {  	s29 =	simm.s32 $0x9;
	_ =	strace $0x80000048  }
0xbb: {  	_ =	swait.ge [sflag:s29], $0x1  }
0xbc: {  	[sflag:s29] =	ssyncadd.s32 $0xFFFFFFFF  }
0xbd: {  	_ =	strace $0x90000048  }
0xbe: {  	_ =	sfence  }
0xbf: {  	s30 =	sld [smem:$0x0];
	_ =	sdelay $0x2  }
0xc0: {  	s31 =	sshll.u32 s1, $0xD;
	s1 =	sshrl.u32 s1, $0x2  }
0xc1: {  	s3 =	sand.u32 $0x4000, s31;
	s1 =	sadd.s32 s1, s30  }
0xc2: {  	s0 =	sor.u32 s3, s0;
	s1 =	sshll.u32 s1, $0x11  }
0xc3: {  	s0 =	sor.u32 s1, s0  }
0xc4: {  	s0 =	sadd.s32 $0x8F2B, s0  }
0xc5: {  	[sflag:s0] =	ssyncadd.remote.s32 $0x1  }
0xc6: {  	_ =	sfence.sel $0xFFFF  }
0xc7: {  	[dreg:$0x0] =	wrdreg $0xFFFFFFFF;
	(pc) =	sbr.abs _section_cstart, $3  }
0xc8: {  	[dreg:$0x1] =	wrdreg $0xFFFFFFFF  }
0xc9: {  	_ =	task.clear_ibuf [dreg:s11], $0x2FFFF;
	_ =	strace $0x9FFFFFFF  }
0xca: {  	(tm) =	ssettm $0x7FFFFFFF  }
0xcb: {  	_ =	shalt  }
tec
execute0_lowered:
.L_overlay_start_1:
0x0: {  	(tag) =	ssettag $0x1  }
0x1: {  	v1 =	vlaneseq.u32  }
0x2: {  	s7 =	rddreg [dreg:$0x0];
	v0 =	vshrl.u32 v1, $0x3  }
0x3: {  	s8 =	rddreg [dreg:$0x1];
	v0 =	vmul.u32 $0x400, v0  }
0x4: {  	s0 =	rddreg [dreg:$0x2];
	v2 =	vand.u32 $0x7, v1  }
0x5: {  	s1 =	rddreg [dreg:$0x3];
	v1 =	vimm.s32 $0x0;
	v2 =	vmul.u32 $0x10, v2;
	v3 =	vor.u32 $0x80, v0  }
0x6: {  	s2 =	rddreg [dreg:$0x4];
	v4 =	vor.u32 $0x100, v0;
	v5 =	vor.u32 $0x180, v0;
	v6 =	vor.u32 $0x200, v0  }
0x7: {  	s9 =	rddreg [dreg:$0x5];
	s4 =	simm.s32 $0x0;
	s6 =	srdreg.scid;
	v7 =	vor.u32 $0x280, v0;
	v8 =	vor.u32 $0x300, v0;
	v9 =	vor.u32 $0x380, v0  }
0x8: {  	s5 =	stileid.u32;
	s13 =	simm.s32 $0x400;
	s14 =	simm.s32 $0x600;
	v10 =	vor.u32 $0x800, v0;
	v11 =	vor.u32 $0x880, v0;
	v12 =	vor.u32 $0x900, v0  }
0x9: {  	s15 =	simm.s32 $0xA00;
	s16 =	simm.s32 $0xCA00;
	s17 =	simm.s32 $0x7;
	v13 =	vor.u32 $0x980, v0;
	v14 =	vor.u32 $0xA00, v0;
	v15 =	vor.u32 $0xA80, v0  }
0xa: {  	s18 =	simm.s32 $0x800;
	s19 =	simm.s32 $0x0;
	s6 =	sand.u32 $0x1, s6;
	v16 =	vor.u32 $0xB00, v0;
	v17 =	vor.u32 $0xB80, v0;
	v18 =	vor.u32 $0x1000, v0  }
0xb: {  	[smem:$0x7FF] =	sst s4;
	s11 =	sshll.u32 s5, $0x7;
	s10 =	ssub.s32 $0x2, s6;
	v19 =	vor.u32 $0x1080, v0;
	v20 =	vor.u32 $0x1100, v0;
	v21 =	vor.u32 $0x1180, v0  }
0xc: {  	s6 =	sshll.u32 s6, $0x6;
	_ =	strace $0x80000047;
	s12 =	sshrl.u32 s10, $0x1;
	v22 =	vor.u32 $0x1200, v0;
	v23 =	vor.u32 $0x1280, v0;
	v24 =	vor.u32 $0x1300, v0  }
0xd: {  	s11 =	sor.u32 s6, s11;
	s6 =	sadd.s32 $0x1EA00, s0;
	s10 =	ssub.s32 s10, s12;
	v25 =	vor.u32 $0x1380, v0;
	v26 =	vor.u32 $0x1800, v0;
	v27 =	vor.u32 $0x1880, v0  }
0xe: {  	s7 =	sadd.s32 s7, s11;
	s8 =	sadd.s32 s8, s11;
	s9 =	sadd.s32 s9, s11;
	v28 =	vor.u32 $0x1900, v0;
	v29 =	vor.u32 $0x1980, v0;
	v30 =	vor.u32 $0x1A00, v0  }
0xf: {  	s11 =	simm.s32 $0x8;
	s12 =	simm.s32 $0x200;
	v31 =	vor.u32 $0x1A80, v0;
	v32 =	vor.u32 $0x1B00, v0;
	v33 =	vor.u32 $0x1B80, v0;
	s10 =	smax.u32 s10, $0x1  }
.LBB2_1:
0x10: {  	[tilespmem:s4], [sflag:$0x8] =	stream.linear.gather [hbm4b:s7+s4], $0x200, $0x38;
	[tilespmem:$0x18A00] =	vst v63  }
0x11: {  	_ =	swait.ge [sflag:s11], $0x200  }
0x12: {  	[sflag:s11] =	ssyncset.done $0x0  }
0x13: {  	[sflag:s11] =	ssyncadd.s32 $0xFFFFFE00  }
0x14: {  	[tilespmem:s12], [sflag:$0x8] =	stream.linear.gather [hbm4b:s8+s4], $0x200, $0x38;
	[tilespmem:$0x18A00] =	vst v63  }
0x15: {  	_ =	swait.ge [sflag:s11], $0x200  }
.Ltmp0:
0x16: {  	s20 =	simm.s32 $0x7B0;
	[sflag:s11] =	ssyncset.done $0x0;
	(pc) =	sbr.rel .LBB2_2-.Ltmp0, $4  }
0x17: {  	s21 =	simm.s32 $0x1B0;
	s22 =	simm.s32 $0xFFFFFFFB;
	[sflag:s11] =	ssyncadd.s32 $0xFFFFFE00  }
0x18: {  	[tilespmem:s13], [sflag:$0x7] =	stream.indirect.gather [hbm4b:s0+s12], $0x1, s4, s12, $0xb8;
	[tilespmem:$0x18A00] =	vst v63  }
0x19: {  	s23 =	simm.s32 $0xFFFFFFFC;
	s24 =	simm.s32 $0xFFFFFFB0;
	s25 =	simm.s32 $0x0  }
0x1a: {  	[tilespmem:s14], [sflag:$0x7] =	stream.indirect.gather [hbm4b:s6+s12], $0x1, s12, s12, $0xb8;
	[tilespmem:$0x18A00] =	vst v63  }
.LBB2_4:
0x1b: {  	s3 =	smulhi.u32 $0xAAAAAAAB, s22;
	_ =	sdelay $0x1  }
0x1c: {  	s3 =	sshrl.u32 s3, $0x2  }
0x1d: {  	s26 =	smul.u32 $0xFFFFFFE8, s3;
	_ =	sdelay $0x1  }
0x1e: {  	s26 =	sshra.s32 s26, $0x2  }
0x1f: {  	s26 =	sadd.s32 s26, s23  }
0x20: {  	_ =	swait.ge [sflag:s26], $0x2000  }
0x21: {  	[sflag:s26] =	ssyncset.done $0x0  }
0x22: {  	[sflag:s26] =	ssyncadd.s32 $0xFFFFE000  }
0x23: {  	_ =	swait.ge [sflag:s26], $0x2000  }
0x24: {  	[sflag:s26] =	ssyncset.done $0x0  }
0x25: {  	[sflag:s26] =	ssyncadd.s32 $0xFFFFE000  }
0x26: {  	v34 =	vld [tilespmem:s24+$0x0]  }
0x27: {  	s3 =	smul.u32 $0x6, s3;
	v35 =	vld [tilespmem:s21+$0x0];
	_ =	sdelay $0x1  }
0x28: {  	s3 =	ssub.s32 $0xFFFFFFFB, s3  }
0x29: {  	s3 =	sadd.s32 s3, s25  }
0x2a: {  	s31 =	sshll.u32 s3, $0xD;
	v34 =	vand.u32 $0xF, v34  }
0x2b: {  	v36 =	vor.u32 s31, v0;
	v35 =	vand.u32 $0xF, v35;
	v34 =	vor.u32 v2, v34  }
0x2c: {  	v35 =	vor.u32 v2, v35;
	v37 =	vor.u32 v36, v34  }
0x2d: {  	v38 =	vor.u32 s31, v3;
	v36 =	vor.u32 v36, v35  }
0x2e: {  	v39 =	vor.u32 v38, v34  }
0x2f: {  	v40 =	vor.u32 s31, v4;
	v38 =	vor.u32 v38, v35  }
0x30: {  	v41 =	vor.u32 v40, v34  }
0x31: {  	v42 =	vor.u32 s31, v5;
	v40 =	vor.u32 v40, v35;
	v37 =	vld.idx.msk [tilespmem:v37+s15+$0x0], $0xffff  }
0x32: {  	v43 =	vor.u32 v42, v34;
	v36 =	vld.idx.msk [tilespmem:v36+s16+$0x0], $0xffff  }
0x33: {  	v44 =	vor.u32 s31, v6;
	v42 =	vor.u32 v42, v35;
	v39 =	vld.idx.msk [tilespmem:v39+s15+$0x0], $0xffff  }
0x34: {  	v45 =	vor.u32 v44, v34;
	v38 =	vld.idx.msk [tilespmem:v38+s16+$0x0], $0xffff  }
0x35: {  	v46 =	vor.u32 s31, v7;
	v44 =	vor.u32 v44, v35;
	v41 =	vld.idx.msk [tilespmem:v41+s15+$0x0], $0xffff  }
0x36: {  	v55 =	vor.u32 v46, v34;
	v40 =	vld.idx.msk [tilespmem:v40+s16+$0x0], $0xffff  }
0x37: {  	v48 =	vor.u32 s31, v9;
	v46 =	vor.u32 v46, v35;
	v54 =	vld.idx.msk [tilespmem:v43+s15+$0x0], $0xffff  }
0x38: {  	v47 =	vor.u32 s31, v8;
	v60 =	vor.u32 v48, v35;
	v42 =	vld.idx.msk [tilespmem:v42+s16+$0x0], $0xffff  }
0x39: {  	v61 =	vor.u32 s31, v10;
	v56 =	vor.u32 v47, v34;
	v45 =	vld.idx.msk [tilespmem:v45+s15+$0x0], $0xffff  }
0x3a: {  	v52 =	vor.u32 v61, v35;
	v58 =	vld.idx.msk [tilespmem:v44+s16+$0x0], $0xffff  }
0x3b: {  	v47 =	vor.u32 v47, v35;
	v43 =	vld.idx.msk [tilespmem:v55+s15+$0x0], $0xffff;
	v36 =	vmul.f32 v36, v37  }
0x3c: {  	v53 =	vor.u32 s31, v11;
	v63 =	vor.u32 v61, v34;
	v62 =	vld.idx.msk [tilespmem:v46+s16+$0x0], $0xffff  }
0x3d: {  	v55 =	vor.u32 v53, v34;
	v44 =	vld.idx.msk [tilespmem:v60+s16+$0x0], $0xffff;
	v38 =	vmul.f32 v38, v39;
	v36 =	vadd.f32 $0.0e+00, v36  }
0x3e: {  	v39 =	vld.idx.msk [tilespmem:v56+s15+$0x0], $0xffff;
	v56 =	vor.u32 v53, v35  }
0x3f: {  	v59 =	vor.u32 v48, v34;
	v60 =	vld.idx.msk [tilespmem:v52+s16+$0x0], $0xffff;
	v57 =	vmul.f32 v40, v41;
	v36 =	vadd.f32 v38, v36  }
0x40: {  	v37 =	vmul.f32 v42, v54;
	v54 =	vld.idx.msk [tilespmem:v47+s16+$0x0], $0xffff  }
0x41: {  	v61 =	vor.u32 s31, v13;
	v40 =	vmul.f32 v58, v45;
	v58 =	vld.idx.msk [tilespmem:v63+s15+$0x0], $0xffff;
	v36 =	vadd.f32 v57, v36  }
0x42: {  	v63 =	vor.u32 v61, v34;
	v38 =	vmul.f32 v62, v43;
	v62 =	vld.idx.msk [tilespmem:v55+s15+$0x0], $0xffff  }
0x43: {  	v46 =	vor.u32 v61, v35;
	v45 =	vld.idx.msk [tilespmem:v56+s16+$0x0], $0xffff;
	v57 =	vor.u32 s31, v12;
	v36 =	vadd.f32 v37, v36  }
0x44: {  	v41 =	vld.idx.msk [tilespmem:v59+s15+$0x0], $0xffff;
	v49 =	vor.u32 v57, v34  }
0x45: {  	v52 =	vor.u32 s31, v14;
	v59 =	vor.u32 v57, v35;
	v36 =	vadd.f32 v40, v36  }
0x46: {  	v47 =	vor.u32 v52, v35;
	v55 =	vor.u32 v52, v34;
	v56 =	vor.u32 s31, v15  }
0x47: {  	v57 =	vmul.f32 v60, v58;
	v37 =	vmul.f32 v54, v39;
	v39 =	vld.idx.msk [tilespmem:v63+s15+$0x0], $0xffff;
	v36 =	vadd.f32 v38, v36  }
0x48: {  	v58 =	vor.u32 v56, v34;
	v60 =	vor.u32 s31, v16;
	v61 =	vmul.f32 v45, v62;
	v62 =	vld.idx.msk [tilespmem:v46+s16+$0x0], $0xffff  }
0x49: {  	v53 =	vmul.f32 v44, v41;
	v52 =	vor.u32 v60, v35;
	v54 =	vld.idx.msk [tilespmem:v49+s15+$0x0], $0xffff;
	v36 =	vadd.f32 v37, v36  }
0x4a: {  	v42 =	vld.idx.msk [tilespmem:v59+s16+$0x0], $0xffff;
	v59 =	vor.u32 v56, v35  }
0x4b: {  	v63 =	vor.u32 v60, v34;
	v44 =	vld.idx.msk [tilespmem:v55+s15+$0x0], $0xffff;
	v36 =	vadd.f32 v53, v36;
	v53 =	vor.u32 s31, v17  }
0x4c: {  	v55 =	vld.idx.msk [tilespmem:v47+s16+$0x0], $0xffff;
	v56 =	vor.u32 v53, v34  }
0x4d: {  	v40 =	vld.idx.msk [tilespmem:v58+s15+$0x0], $0xffff;
	v58 =	vor.u32 s31, v18;
	v36 =	vadd.f32 v57, v36;
	v57 =	vor.u32 v53, v35  }
0x4e: {  	v60 =	vor.u32 v58, v34;
	v46 =	vld.idx.msk [tilespmem:v52+s16+$0x0], $0xffff;
	v38 =	vmul.f32 v62, v39;
	v62 =	vor.u32 s31, v19  }
0x4f: {  	v54 =	vmul.f32 v42, v54;
	v59 =	vld.idx.msk [tilespmem:v59+s16+$0x0], $0xffff;
	v36 =	vadd.f32 v61, v36;
	v61 =	vor.u32 v58, v35  }
0x50: {  	v39 =	vld.idx.msk [tilespmem:v63+s15+$0x0], $0xffff;
	v63 =	vor.u32 v62, v34  }
0x51: {  	v36 =	vadd.f32 v54, v36;
	v53 =	vld.idx.msk [tilespmem:v56+s15+$0x0], $0xffff  }
0x52: {  	v52 =	vmul.f32 v55, v44;
	v54 =	vor.u32 v62, v35;
	v56 =	vor.u32 s31, v20;
	v55 =	vld.idx.msk [tilespmem:v57+s16+$0x0], $0xffff  }
0x53: {  	v57 =	vor.u32 v56, v34;
	v36 =	vadd.f32 v38, v36;
	v38 =	vld.idx.msk [tilespmem:v60+s15+$0x0], $0xffff  }
0x54: {  	v37 =	vmul.f32 v59, v40;
	v59 =	vor.u32 v56, v35;
	v60 =	vor.u32 s31, v21;
	v58 =	vld.idx.msk [tilespmem:v61+s16+$0x0], $0xffff  }
0x55: {  	v62 =	vld.idx.msk [tilespmem:v63+s15+$0x0], $0xffff;
	v63 =	vor.u32 v60, v34;
	v36 =	vadd.f32 v52, v36  }
0x56: {  	v47 =	vor.u32 v60, v35;
	v52 =	vor.u32 s31, v22  }
0x57: {  	v61 =	vmul.f32 v46, v39;
	v42 =	vld.idx.msk [tilespmem:v54+s16+$0x0], $0xffff;
	v54 =	vor.u32 v52, v34;
	v36 =	vadd.f32 v37, v36  }
0x58: {  	v56 =	vor.u32 s31, v23;
	v53 =	vmul.f32 v55, v53;
	v40 =	vld.idx.msk [tilespmem:v57+s15+$0x0], $0xffff;
	v55 =	vor.u32 v52, v35  }
0x59: {  	v60 =	vor.u32 v56, v35;
	v36 =	vadd.f32 v61, v36;
	v57 =	vmul.f32 v58, v38;
	v58 =	vld.idx.msk [tilespmem:v59+s16+$0x0], $0xffff  }
0x5a: {  	v59 =	vor.u32 v56, v34;
	v45 =	vld.idx.msk [tilespmem:v63+s15+$0x0], $0xffff;
	v61 =	vor.u32 s31, v24  }
0x5b: {  	v63 =	vld.idx.msk [tilespmem:v47+s16+$0x0], $0xffff;
	v52 =	vor.u32 v61, v34;
	v36 =	vadd.f32 v53, v36  }
0x5c: {  	v41 =	vld.idx.msk [tilespmem:v54+s15+$0x0], $0xffff;
	v53 =	vor.u32 v61, v35;
	v54 =	vor.u32 s31, v25  }
0x5d: {  	v62 =	vmul.f32 v42, v62;
	v55 =	vld.idx.msk [tilespmem:v55+s16+$0x0], $0xffff;
	v56 =	vor.u32 v54, v34;
	v36 =	vadd.f32 v57, v36  }
0x5e: {  	v46 =	vld.idx.msk [tilespmem:v60+s16+$0x0], $0xffff;
	v57 =	vor.u32 v54, v35;
	v38 =	vmul.f32 v58, v40;
	v58 =	vor.u32 s31, v26  }
0x5f: {  	v40 =	vld.idx.msk [tilespmem:v59+s15+$0x0], $0xffff;
	v36 =	vadd.f32 v62, v36;
	v59 =	vor.u32 v58, v34  }
0x60: {  	v61 =	vld.idx.msk [tilespmem:v52+s15+$0x0], $0xffff;
	v62 =	vor.u32 v58, v35;
	v52 =	vor.u32 s31, v27  }
0x61: {  	v60 =	vmul.f32 v63, v45;
	v63 =	vld.idx.msk [tilespmem:v53+s16+$0x0], $0xffff;
	v54 =	vor.u32 v52, v34;
	v36 =	vadd.f32 v38, v36  }
0x62: {  	v37 =	vmul.f32 v55, v41;
	v53 =	vld.idx.msk [tilespmem:v56+s15+$0x0], $0xffff;
	v55 =	vor.u32 v52, v35  }
0x63: {  	v56 =	vor.u32 s31, v28;
	v43 =	vld.idx.msk [tilespmem:v57+s16+$0x0], $0xffff;
	v36 =	vadd.f32 v60, v36  }
0x64: {  	v47 =	vor.u32 v56, v35;
	v58 =	vld.idx.msk [tilespmem:v59+s15+$0x0], $0xffff;
	v59 =	vor.u32 v56, v34  }
0x65: {  	v57 =	vmul.f32 v46, v40;
	v60 =	vor.u32 s31, v29;
	v42 =	vld.idx.msk [tilespmem:v62+s16+$0x0], $0xffff;
	v36 =	vadd.f32 v37, v36  }
0x66: {  	v52 =	vor.u32 s31, v30;
	v62 =	vor.u32 v60, v34;
	v41 =	vld.idx.msk [tilespmem:v54+s15+$0x0], $0xffff  }
0x67: {  	v61 =	vmul.f32 v63, v61;
	v63 =	vor.u32 v60, v35;
	v54 =	vld.idx.msk [tilespmem:v55+s16+$0x0], $0xffff;
	v36 =	vadd.f32 v57, v36  }
0x68: {  	v56 =	vor.u32 v52, v35;
	v55 =	vor.u32 v52, v34  }
0x69: {  	v53 =	vmul.f32 v43, v53;
	v57 =	vor.u32 s31, v31;
	v36 =	vadd.f32 v61, v36;
	v44 =	vld.idx.msk [tilespmem:v59+s15+$0x0], $0xffff  }
0x6a: {  	v60 =	vor.u32 v57, v34;
	v58 =	vmul.f32 v42, v58;
	v59 =	vld.idx.msk [tilespmem:v47+s16+$0x0], $0xffff  }
0x6b: {  	v39 =	vld.idx.msk [tilespmem:v62+s15+$0x0], $0xffff;
	v61 =	vor.u32 v57, v35;
	v62 =	vor.u32 s31, v32;
	v36 =	vadd.f32 v53, v36  }
0x6c: {  	v63 =	vld.idx.msk [tilespmem:v63+s16+$0x0], $0xffff;
	v52 =	vor.u32 v62, v34;
	v38 =	vmul.f32 v54, v41  }
0x6d: {  	v53 =	vld.idx.msk [tilespmem:v55+s15+$0x0], $0xffff;
	v54 =	vor.u32 v62, v35;
	v55 =	vor.u32 s31, v33;
	v36 =	vadd.f32 v58, v36  }
0x6e: {  	v46 =	vld.idx.msk [tilespmem:v56+s16+$0x0], $0xffff;
	v34 =	vor.u32 v55, v34  }
0x6f: {  	v35 =	vor.u32 v55, v35;
	v57 =	vld.idx.msk [tilespmem:v60+s15+$0x0], $0xffff;
	v56 =	vmul.f32 v59, v44;
	v36 =	vadd.f32 v38, v36  }
0x70: {  	v58 =	vld.idx.msk [tilespmem:v61+s16+$0x0], $0xffff  }
0x71: {  	v37 =	vmul.f32 v63, v39;
	v59 =	vld.idx.msk [tilespmem:v52+s15+$0x0], $0xffff;
	v36 =	vadd.f32 v56, v36  }
0x72: {  	v60 =	vld.idx.msk [tilespmem:v54+s16+$0x0], $0xffff  }
0x73: {  	v61 =	vmul.f32 v46, v53;
	v34 =	vld.idx.msk [tilespmem:v34+s15+$0x0], $0xffff;
	v36 =	vadd.f32 v37, v36  }
0x74: {  	v35 =	vld.idx.msk [tilespmem:v35+s16+$0x0], $0xffff  }
0x75: {  	v62 =	vmul.f32 v58, v57;
	v36 =	vadd.f32 v61, v36;
	_ =	sdelay $0x1  }
0x76: {  	v63 =	vmul.f32 v60, v59;
	v36 =	vadd.f32 v62, v36;
	_ =	sdelay $0x1  }
0x77: {  	v34 =	vmul.f32 v35, v34;
	v36 =	vadd.f32 v63, v36;
	_ =	sdelay $0x1  }
0x78: {  	v34 =	vadd.f32 v34, v36;
	_ =	sdelay $0x1  }
0x79: {  	[tilespmem:s20+$0x0] =	vst v34  }
.LBB2_5:
0x7a: {  	s25 =	sadd.s32 $0x1, s25  }
0x7b: {  	p0 =	sne.s32 s25, $0x25  }
.Ltmp1:
0x7c: {  	_ = 	snop;
	(pc) =	sbr.rel @!p0 .LBB2_6-.Ltmp1, $3  }
0x7d: {  	_ =	sdelay $0x1  }
0x7e: {  	s20 =	sadd.s32 $0x10, s20;
	s21 =	sadd.s32 $0x10, s21  }
0x7f: {  	s22 =	sadd.s32 $0x1, s22;
	s23 =	sadd.s32 $0x1, s23;
	s24 =	sadd.s32 $0x10, s24  }
.LBB2_2:
0x80: {  	p0 =	sgt.u32 s25, $0x1F  }
.Ltmp2:
0x81: {  	_ = 	snop;
	(pc) =	sbr.rel @p0 .LBB2_4-.Ltmp2, $1  }
0x82: {  	_ =	sdelay $0x3  }
0x83: {  	v34 =	vld [tilespmem:s24+$0x50];
	_ =	sdelay $0x4  }
0x84: {  	v35 =	vshra.s32 v34, $0x1F;
	v36 =	vand.u32 $0xF, v34  }
0x85: {  	vm0 =	vlt.s32 v34, $0x1;
	v35 =	vshrl.u32 v35, $0x1C;
	vm1 =	vne.s32 v36, $0x0  }
0x86: {  	v34 =	vadd.s32 v35, v34;
	vm0 =	vmand vm0, vm1  }
0x87: {  	v34 =	vshrl.u32 v34, $0x4;
	v60 =	vsel vm0, $0xFFFFFFFF, v1  }
0x88: {  	v34 =	vadd.s32 v60, v34  }
0x89: {  	v35 =	vshll.u32 v34, $0x4  }
0x8a: {  	(v2sf) =	vpush v35, $0x0;
	_ =	sdelay $0xa  }
0x8b: {  	s26 =	smul.u32 $0xAB, s25;
	_ =	sdelay $0x1  }
0x8c: {  	s26 =	sshrl.u32 s26, $0xA  }
0x8d: {  	s26 =	sand.u32 $0x3F, s26  }
0x8e: {  	s26 =	smul.u32 $0x6, s26;
	s28 =	spop (v2sf)  }
0x8f: {  	s29 =	sshll.u32 s28, $0x3  }
0x90: {  	s26 =	ssub.s32 s25, s26;
	s28 =	sand.u32 $0x70, s28;
	s29 =	sand.u32 $0xFFFFFC00, s29  }
0x91: {  	s30 =	sand.u32 $0xFF, s26;
	s28 =	sor.u32 s28, s29  }
0x92: {  	s26 =	sshll.u32 s30, $0xD;
	s29 =	sshrl.u32 s28, $0x3  }
0x93: {  	s31 =	sor.u32 $0xA00, s26;
	s28 =	sadd.s32 $0x1, s30;
	s29 =	sadd.s32 s1, s29  }
0x94: {  	v61 =	vld [tilespmem:s21+$0x50];
	[tilespmem:s31], [sflag:s28] =	stream.linear.gather [hbm4b:s29+s4], $0x10, $0x38  }
0x95: {  	s3 =	sadd.s32 $0x10, s29;
	s31 =	sor.u32 $0xA80, s26  }
0x96: {  	[tilespmem:s31], [sflag:s28] =	stream.linear.gather [hbm4b:s3+s4], $0x10, $0x38;
	[tilespmem:$0x18A00] =	vst v63  }
0x97: {  	s30 =	sadd.s32 $0x20, s29;
	s3 =	sor.u32 $0xB00, s26  }
0x98: {  	[tilespmem:s3], [sflag:s28] =	stream.linear.gather [hbm4b:s30+s4], $0x10, $0x38;
	[tilespmem:$0x18A00] =	vst v63  }
0x99: {  	s30 =	sadd.s32 $0x30, s29;
	s3 =	sor.u32 $0xB80, s26  }
0x9a: {  	[tilespmem:s3], [sflag:s28] =	stream.linear.gather [hbm4b:s30+s4], $0x10, $0x38;
	[tilespmem:$0x18A00] =	vst v63  }
0x9b: {  	s30 =	sadd.s32 $0x40, s29;
	s3 =	sor.u32 $0xC00, s26  }
0x9c: {  	[tilespmem:s3], [sflag:s28] =	stream.linear.gather [hbm4b:s30+s4], $0x10, $0x38;
	[tilespmem:$0x18A00] =	vst v63  }
0x9d: {  	s30 =	sadd.s32 $0x50, s29;
	s3 =	sor.u32 $0xC80, s26  }
0x9e: {  	[tilespmem:s3], [sflag:s28] =	stream.linear.gather [hbm4b:s30+s4], $0x10, $0x38;
	[tilespmem:$0x18A00] =	vst v63  }
0x9f: {  	s30 =	sadd.s32 $0x60, s29;
	s3 =	sor.u32 $0xD00, s26  }
0xa0: {  	[tilespmem:s3], [sflag:s28] =	stream.linear.gather [hbm4b:s30+s4], $0x10, $0x38;
	[tilespmem:$0x18A00] =	vst v63  }
0xa1: {  	s30 =	sadd.s32 $0x70, s29;
	s3 =	sor.u32 $0xD80, s26  }
0xa2: {  	[tilespmem:s3], [sflag:s28] =	stream.linear.gather [hbm4b:s30+s4], $0x10, $0x38;
	[tilespmem:$0x18A00] =	vst v63  }
0xa3: {  	s30 =	sadd.s32 $0xF4280, s29;
	s3 =	sor.u32 $0x1200, s26  }
0xa4: {  	[tilespmem:s3], [sflag:s28] =	stream.linear.gather [hbm4b:s30+s4], $0x10, $0x38;
	[tilespmem:$0x18A00] =	vst v63  }
0xa5: {  	s31 =	sadd.s32 $0x10, s30;
	s3 =	sor.u32 $0x1280, s26  }
0xa6: {  	[tilespmem:s3], [sflag:s28] =	stream.linear.gather [hbm4b:s31+s4], $0x10, $0x38;
	[tilespmem:$0x18A00] =	vst v63  }
0xa7: {  	s3 =	sadd.s32 $0x20, s30;
	s31 =	sor.u32 $0x1300, s26  }
0xa8: {  	[tilespmem:s31], [sflag:s28] =	stream.linear.gather [hbm4b:s3+s4], $0x10, $0x38;
	[tilespmem:$0x18A00] =	vst v63  }
0xa9: {  	s3 =	sadd.s32 $0x30, s30;
	s31 =	sor.u32 $0x1380, s26  }
0xaa: {  	[tilespmem:s31], [sflag:s28] =	stream.linear.gather [hbm4b:s3+s4], $0x10, $0x38;
	[tilespmem:$0x18A00] =	vst v63  }
0xab: {  	s3 =	sadd.s32 $0x40, s30;
	s31 =	sor.u32 $0x1400, s26  }
0xac: {  	[tilespmem:s31], [sflag:s28] =	stream.linear.gather [hbm4b:s3+s4], $0x10, $0x38;
	[tilespmem:$0x18A00] =	vst v63  }
0xad: {  	s3 =	sadd.s32 $0x50, s30;
	s31 =	sor.u32 $0x1480, s26  }
0xae: {  	[tilespmem:s31], [sflag:s28] =	stream.linear.gather [hbm4b:s3+s4], $0x10, $0x38;
	[tilespmem:$0x18A00] =	vst v63  }
0xaf: {  	s3 =	sadd.s32 $0x60, s30;
	s31 =	sor.u32 $0x1500, s26  }
0xb0: {  	[tilespmem:s31], [sflag:s28] =	stream.linear.gather [hbm4b:s3+s4], $0x10, $0x38;
	[tilespmem:$0x18A00] =	vst v63  }
0xb1: {  	s3 =	sadd.s32 $0x70, s30;
	s31 =	sor.u32 $0x1580, s26  }
0xb2: {  	[tilespmem:s31], [sflag:s28] =	stream.linear.gather [hbm4b:s3+s4], $0x10, $0x38;
	[tilespmem:$0x18A00] =	vst v63  }
0xb3: {  	s3 =	sadd.s32 $0x1E8500, s29;
	s31 =	sor.u32 $0x1A00, s26  }
0xb4: {  	[tilespmem:s31], [sflag:s28] =	stream.linear.gather [hbm4b:s3+s4], $0x10, $0x38;
	[tilespmem:$0x18A00] =	vst v63  }
0xb5: {  	s30 =	sadd.s32 $0x10, s3;
	s31 =	sor.u32 $0x1A80, s26  }
0xb6: {  	[tilespmem:s31], [sflag:s28] =	stream.linear.gather [hbm4b:s30+s4], $0x10, $0x38;
	[tilespmem:$0x18A00] =	vst v63  }
0xb7: {  	s30 =	sadd.s32 $0x20, s3;
	s31 =	sor.u32 $0x1B00, s26  }
0xb8: {  	[tilespmem:s31], [sflag:s28] =	stream.linear.gather [hbm4b:s30+s4], $0x10, $0x38;
	[tilespmem:$0x18A00] =	vst v63  }
0xb9: {  	s30 =	sadd.s32 $0x30, s3;
	s31 =	sor.u32 $0x1B80, s26  }
0xba: {  	[tilespmem:s31], [sflag:s28] =	stream.linear.gather [hbm4b:s30+s4], $0x10, $0x38;
	[tilespmem:$0x18A00] =	vst v63  }
0xbb: {  	s30 =	sadd.s32 $0x40, s3;
	s31 =	sor.u32 $0x1C00, s26  }
0xbc: {  	v62 =	vshra.s32 v61, $0x1F;
	v37 =	vand.u32 $0xF, v61;
	[tilespmem:s31], [sflag:s28] =	stream.linear.gather [hbm4b:s30+s4], $0x10, $0x38;
	[tilespmem:$0x18A00] =	vst v63  }
0xbd: {  	vm15 =	vlt.s32 v61, $0x1;
	vm14 =	vne.s32 v37, $0x0;
	v36 =	vshrl.u32 v62, $0x1C;
	s30 =	sadd.s32 $0x50, s3;
	s31 =	sor.u32 $0x1C80, s26  }
0xbe: {  	vm0 =	vmand vm15, vm14;
	v34 =	vadd.s32 v36, v61;
	[tilespmem:s31], [sflag:s28] =	stream.linear.gather [hbm4b:s30+s4], $0x10, $0x38;
	[tilespmem:$0x18A00] =	vst v63  }
0xbf: {  	v63 =	vsel vm0, $0xFFFFFFFF, v1;
	v34 =	vshrl.u32 v34, $0x4;
	s30 =	sadd.s32 $0x60, s3;
	s31 =	sor.u32 $0x1D00, s26  }
0xc0: {  	v34 =	vadd.s32 v63, v34;
	[tilespmem:s31], [sflag:s28] =	stream.linear.gather [hbm4b:s30+s4], $0x10, $0x38;
	[tilespmem:$0x18A00] =	vst v63  }
0xc1: {  	v34 =	vshll.u32 v34, $0x4;
	s3 =	sadd.s32 $0x70, s3;
	s31 =	sor.u32 $0x1D80, s26  }
0xc2: {  	(v2sf) =	vpush v34, $0x0;
	[tilespmem:s31], [sflag:s28] =	stream.linear.gather [hbm4b:s3+s4], $0x10, $0x38;
	[tilespmem:$0x18A00] =	vst v63  }
0xc3: {  	s30 =	sadd.s32 $0x2200, s26;
	s3 =	sadd.s32 $0x2DC780, s29  }
0xc4: {  	[tilespmem:s30], [sflag:s28] =	stream.linear.gather [hbm4b:s3+s4], $0x10, $0x38;
	[tilespmem:$0x18A00] =	vst v63  }
0xc5: {  	s31 =	sadd.s32 $0x2280, s26;
	s29 =	sadd.s32 $0x10, s3  }
0xc6: {  	[tilespmem:s31], [sflag:s28] =	stream.linear.gather [hbm4b:s29+s4], $0x10, $0x38;
	[tilespmem:$0x18A00] =	vst v63  }
0xc7: {  	s29 =	sadd.s32 $0x20, s3;
	s31 =	sadd.s32 $0x2300, s26  }
0xc8: {  	[tilespmem:s31], [sflag:s28] =	stream.linear.gather [hbm4b:s29+s4], $0x10, $0x38;
	[tilespmem:$0x18A00] =	vst v63  }
0xc9: {  	s29 =	sadd.s32 $0x30, s3;
	s31 =	sadd.s32 $0x2380, s26  }
0xca: {  	[tilespmem:s31], [sflag:s28] =	stream.linear.gather [hbm4b:s29+s4], $0x10, $0x38;
	[tilespmem:$0x18A00] =	vst v63  }
0xcb: {  	s29 =	sadd.s32 $0x40, s3;
	s31 =	sadd.s32 $0x2400, s26  }
0xcc: {  	[tilespmem:s31], [sflag:s28] =	stream.linear.gather [hbm4b:s29+s4], $0x10, $0x38;
	[tilespmem:$0x18A00] =	vst v63  }
0xcd: {  	s29 =	sadd.s32 $0x50, s3;
	s31 =	sadd.s32 $0x2480, s26  }
0xce: {  	[tilespmem:s31], [sflag:s28] =	stream.linear.gather [hbm4b:s29+s4], $0x10, $0x38;
	[tilespmem:$0x18A00] =	vst v63  }
0xcf: {  	s29 =	sadd.s32 $0x60, s3;
	s31 =	sadd.s32 $0x2500, s26  }
0xd0: {  	[tilespmem:s31], [sflag:s28] =	stream.linear.gather [hbm4b:s29+s4], $0x10, $0x38;
	[tilespmem:$0x18A00] =	vst v63  }
0xd1: {  	s30 =	spop (v2sf);
	s3 =	sadd.s32 $0x70, s3;
	s31 =	sadd.s32 $0x2580, s26  }
0xd2: {  	[tilespmem:s31], [sflag:s28] =	stream.linear.gather [hbm4b:s3+s4], $0x10, $0x38;
	[tilespmem:$0x18A00] =	vst v63  }
0xd3: {  	s31 =	sshll.u32 s30, $0x3  }
0xd4: {  	s3 =	sand.u32 $0x70, s30;
	s29 =	sand.u32 $0xFFFFFC00, s31  }
0xd5: {  	s3 =	sor.u32 s3, s29  }
0xd6: {  	s3 =	sshrl.u32 s3, $0x3  }
0xd7: {  	s30 =	sadd.s32 $0xCA00, s26;
	s29 =	sadd.s32 s2, s3  }
0xd8: {  	[tilespmem:s30], [sflag:s28] =	stream.linear.gather [hbm4b:s29+s4], $0x10, $0x38;
	[tilespmem:$0x18A00] =	vst v63  }
0xd9: {  	s31 =	sadd.s32 $0xCA80, s26;
	s3 =	sadd.s32 $0x10, s29  }
0xda: {  	[tilespmem:s31], [sflag:s28] =	stream.linear.gather [hbm4b:s3+s4], $0x10, $0x38;
	[tilespmem:$0x18A00] =	vst v63  }
0xdb: {  	s3 =	sadd.s32 $0x20, s29;
	s31 =	sadd.s32 $0xCB00, s26  }
0xdc: {  	[tilespmem:s31], [sflag:s28] =	stream.linear.gather [hbm4b:s3+s4], $0x10, $0x38;
	[tilespmem:$0x18A00] =	vst v63  }
0xdd: {  	s3 =	sadd.s32 $0x30, s29;
	s31 =	sadd.s32 $0xCB80, s26  }
0xde: {  	[tilespmem:s31], [sflag:s28] =	stream.linear.gather [hbm4b:s3+s4], $0x10, $0x38;
	[tilespmem:$0x18A00] =	vst v63  }
0xdf: {  	s3 =	sadd.s32 $0x40, s29;
	s31 =	sadd.s32 $0xCC00, s26  }
0xe0: {  	[tilespmem:s31], [sflag:s28] =	stream.linear.gather [hbm4b:s3+s4], $0x10, $0x38;
	[tilespmem:$0x18A00] =	vst v63  }
0xe1: {  	s3 =	sadd.s32 $0x50, s29;
	s31 =	sadd.s32 $0xCC80, s26  }
0xe2: {  	[tilespmem:s31], [sflag:s28] =	stream.linear.gather [hbm4b:s3+s4], $0x10, $0x38;
	[tilespmem:$0x18A00] =	vst v63  }
0xe3: {  	s3 =	sadd.s32 $0x60, s29;
	s31 =	sadd.s32 $0xCD00, s26  }
0xe4: {  	[tilespmem:s31], [sflag:s28] =	stream.linear.gather [hbm4b:s3+s4], $0x10, $0x38;
	[tilespmem:$0x18A00] =	vst v63  }
0xe5: {  	s3 =	sadd.s32 $0x70, s29;
	s31 =	sadd.s32 $0xCD80, s26  }
0xe6: {  	[tilespmem:s31], [sflag:s28] =	stream.linear.gather [hbm4b:s3+s4], $0x10, $0x38;
	[tilespmem:$0x18A00] =	vst v63  }
0xe7: {  	s3 =	sadd.s32 $0xF4280, s29;
	s31 =	sadd.s32 $0xD200, s26  }
0xe8: {  	[tilespmem:s31], [sflag:s28] =	stream.linear.gather [hbm4b:s3+s4], $0x10, $0x38;
	[tilespmem:$0x18A00] =	vst v63  }
0xe9: {  	s30 =	sadd.s32 $0x10, s3;
	s31 =	sadd.s32 $0xD280, s26  }
0xea: {  	[tilespmem:s31], [sflag:s28] =	stream.linear.gather [hbm4b:s30+s4], $0x10, $0x38;
	[tilespmem:$0x18A00] =	vst v63  }
0xeb: {  	s30 =	sadd.s32 $0x20, s3;
	s31 =	sadd.s32 $0xD300, s26  }
0xec: {  	[tilespmem:s31], [sflag:s28] =	stream.linear.gather [hbm4b:s30+s4], $0x10, $0x38;
	[tilespmem:$0x18A00] =	vst v63  }
0xed: {  	s30 =	sadd.s32 $0x30, s3;
	s31 =	sadd.s32 $0xD380, s26  }
0xee: {  	[tilespmem:s31], [sflag:s28] =	stream.linear.gather [hbm4b:s30+s4], $0x10, $0x38;
	[tilespmem:$0x18A00] =	vst v63  }
0xef: {  	s30 =	sadd.s32 $0x40, s3;
	s31 =	sadd.s32 $0xD400, s26  }
0xf0: {  	[tilespmem:s31], [sflag:s28] =	stream.linear.gather [hbm4b:s30+s4], $0x10, $0x38;
	[tilespmem:$0x18A00] =	vst v63  }
0xf1: {  	s30 =	sadd.s32 $0x50, s3;
	s31 =	sadd.s32 $0xD480, s26  }
0xf2: {  	[tilespmem:s31], [sflag:s28] =	stream.linear.gather [hbm4b:s30+s4], $0x10, $0x38;
	[tilespmem:$0x18A00] =	vst v63  }
0xf3: {  	s30 =	sadd.s32 $0x60, s3;
	s31 =	sadd.s32 $0xD500, s26  }
0xf4: {  	[tilespmem:s31], [sflag:s28] =	stream.linear.gather [hbm4b:s30+s4], $0x10, $0x38;
	[tilespmem:$0x18A00] =	vst v63  }
0xf5: {  	s3 =	sadd.s32 $0x70, s3;
	s31 =	sadd.s32 $0xD580, s26  }
0xf6: {  	[tilespmem:s31], [sflag:s28] =	stream.linear.gather [hbm4b:s3+s4], $0x10, $0x38;
	[tilespmem:$0x18A00] =	vst v63  }
0xf7: {  	s3 =	sadd.s32 $0x1E8500, s29;
	s31 =	sadd.s32 $0xDA00, s26  }
0xf8: {  	[tilespmem:s31], [sflag:s28] =	stream.linear.gather [hbm4b:s3+s4], $0x10, $0x38;
	[tilespmem:$0x18A00] =	vst v63  }
0xf9: {  	s30 =	sadd.s32 $0x10, s3;
	s31 =	sadd.s32 $0xDA80, s26  }
0xfa: {  	[tilespmem:s31], [sflag:s28] =	stream.linear.gather [hbm4b:s30+s4], $0x10, $0x38;
	[tilespmem:$0x18A00] =	vst v63  }
0xfb: {  	s30 =	sadd.s32 $0x20, s3;
	s31 =	sadd.s32 $0xDB00, s26  }
0xfc: {  	[tilespmem:s31], [sflag:s28] =	stream.linear.gather [hbm4b:s30+s4], $0x10, $0x38;
	[tilespmem:$0x18A00] =	vst v63  }
0xfd: {  	s30 =	sadd.s32 $0x30, s3;
	s31 =	sadd.s32 $0xDB80, s26  }
0xfe: {  	[tilespmem:s31], [sflag:s28] =	stream.linear.gather [hbm4b:s30+s4], $0x10, $0x38;
	[tilespmem:$0x18A00] =	vst v63  }
0xff: {  	s30 =	sadd.s32 $0x40, s3;
	s31 =	sadd.s32 $0xDC00, s26  }
0x100: {  	[tilespmem:s31], [sflag:s28] =	stream.linear.gather [hbm4b:s30+s4], $0x10, $0x38;
	[tilespmem:$0x18A00] =	vst v63  }
0x101: {  	s30 =	sadd.s32 $0x50, s3;
	s31 =	sadd.s32 $0xDC80, s26  }
0x102: {  	[tilespmem:s31], [sflag:s28] =	stream.linear.gather [hbm4b:s30+s4], $0x10, $0x38;
	[tilespmem:$0x18A00] =	vst v63  }
0x103: {  	s30 =	sadd.s32 $0x60, s3;
	s31 =	sadd.s32 $0xDD00, s26  }
0x104: {  	[tilespmem:s31], [sflag:s28] =	stream.linear.gather [hbm4b:s30+s4], $0x10, $0x38;
	[tilespmem:$0x18A00] =	vst v63  }
0x105: {  	s3 =	sadd.s32 $0x70, s3;
	s31 =	sadd.s32 $0xDD80, s26  }
0x106: {  	(v2sf) =	vpush v35, $0x1;
	[tilespmem:s31], [sflag:s28] =	stream.linear.gather [hbm4b:s3+s4], $0x10, $0x38;
	[tilespmem:$0x18A00] =	vst v63  }
0x107: {  	s30 =	sadd.s32 $0xE200, s26;
	s3 =	sadd.s32 $0x2DC780, s29  }
0x108: {  	[tilespmem:s30], [sflag:s28] =	stream.linear.gather [hbm4b:s3+s4], $0x10, $0x38;
	[tilespmem:$0x18A00] =	vst v63  }
0x109: {  	s31 =	sadd.s32 $0xE280, s26;
	s29 =	sadd.s32 $0x10, s3  }
0x10a: {  	[tilespmem:s31], [sflag:s28] =	stream.linear.gather [hbm4b:s29+s4], $0x10, $0x38;
	[tilespmem:$0x18A00] =	vst v63  }
0x10b: {  	s29 =	sadd.s32 $0x20, s3;
	s31 =	sadd.s32 $0xE300, s26  }
0x10c: {  	[tilespmem:s31], [sflag:s28] =	stream.linear.gather [hbm4b:s29+s4], $0x10, $0x38;
	[tilespmem:$0x18A00] =	vst v63  }
0x10d: {  	s29 =	sadd.s32 $0x30, s3;
	s31 =	sadd.s32 $0xE380, s26  }
0x10e: {  	[tilespmem:s31], [sflag:s28] =	stream.linear.gather [hbm4b:s29+s4], $0x10, $0x38;
	[tilespmem:$0x18A00] =	vst v63  }
0x10f: {  	s29 =	sadd.s32 $0x40, s3;
	s31 =	sadd.s32 $0xE400, s26  }
0x110: {  	[tilespmem:s31], [sflag:s28] =	stream.linear.gather [hbm4b:s29+s4], $0x10, $0x38;
	[tilespmem:$0x18A00] =	vst v63  }
0x111: {  	s29 =	sadd.s32 $0x50, s3;
	s31 =	sadd.s32 $0xE480, s26  }
0x112: {  	[tilespmem:s31], [sflag:s28] =	stream.linear.gather [hbm4b:s29+s4], $0x10, $0x38;
	[tilespmem:$0x18A00] =	vst v63  }
0x113: {  	s29 =	sadd.s32 $0x60, s3;
	s31 =	sadd.s32 $0xE500, s26  }
0x114: {  	[tilespmem:s31], [sflag:s28] =	stream.linear.gather [hbm4b:s29+s4], $0x10, $0x38;
	[tilespmem:$0x18A00] =	vst v63  }
0x115: {  	s30 =	spop (v2sf);
	s3 =	sadd.s32 $0x70, s3;
	s31 =	sadd.s32 $0xE580, s26  }
0x116: {  	[tilespmem:s31], [sflag:s28] =	stream.linear.gather [hbm4b:s3+s4], $0x10, $0x38;
	[tilespmem:$0x18A00] =	vst v63  }
0x117: {  	s31 =	sshll.u32 s30, $0x3  }
0x118: {  	s3 =	sand.u32 $0x70, s30;
	s29 =	sand.u32 $0xFFFFFC00, s31  }
0x119: {  	s3 =	sor.u32 s3, s29  }
0x11a: {  	s3 =	sshrl.u32 s3, $0x3  }
0x11b: {  	s30 =	sor.u32 $0xA10, s26;
	s29 =	sadd.s32 s1, s3  }
0x11c: {  	[tilespmem:s30], [sflag:s28] =	stream.linear.gather [hbm4b:s29+s4], $0x10, $0x38;
	[tilespmem:$0x18A00] =	vst v63  }
0x11d: {  	s31 =	sor.u32 $0xA90, s26;
	s3 =	sadd.s32 $0x10, s29  }
0x11e: {  	[tilespmem:s31], [sflag:s28] =	stream.linear.gather [hbm4b:s3+s4], $0x10, $0x38;
	[tilespmem:$0x18A00] =	vst v63  }
0x11f: {  	s3 =	sadd.s32 $0x20, s29;
	s31 =	sor.u32 $0xB10, s26  }
0x120: {  	[tilespmem:s31], [sflag:s28] =	stream.linear.gather [hbm4b:s3+s4], $0x10, $0x38;
	[tilespmem:$0x18A00] =	vst v63  }
0x121: {  	s3 =	sadd.s32 $0x30, s29;
	s31 =	sor.u32 $0xB90, s26  }
0x122: {  	[tilespmem:s31], [sflag:s28] =	stream.linear.gather [hbm4b:s3+s4], $0x10, $0x38;
	[tilespmem:$0x18A00] =	vst v63  }
0x123: {  	s3 =	sadd.s32 $0x40, s29;
	s31 =	sor.u32 $0xC10, s26  }
0x124: {  	[tilespmem:s31], [sflag:s28] =	stream.linear.gather [hbm4b:s3+s4], $0x10, $0x38;
	[tilespmem:$0x18A00] =	vst v63  }
0x125: {  	s3 =	sadd.s32 $0x50, s29;
	s31 =	sor.u32 $0xC90, s26  }
0x126: {  	[tilespmem:s31], [sflag:s28] =	stream.linear.gather [hbm4b:s3+s4], $0x10, $0x38;
	[tilespmem:$0x18A00] =	vst v63  }
0x127: {  	s3 =	sadd.s32 $0x60, s29;
	s31 =	sor.u32 $0xD10, s26  }
0x128: {  	[tilespmem:s31], [sflag:s28] =	stream.linear.gather [hbm4b:s3+s4], $0x10, $0x38;
	[tilespmem:$0x18A00] =	vst v63  }
0x129: {  	s3 =	sadd.s32 $0x70, s29;
	s31 =	sor.u32 $0xD90, s26  }
0x12a: {  	[tilespmem:s31], [sflag:s28] =	stream.linear.gather [hbm4b:s3+s4], $0x10, $0x38;
	[tilespmem:$0x18A00] =	vst v63  }
0x12b: {  	s3 =	sadd.s32 $0xF4280, s29;
	s31 =	sor.u32 $0x1210, s26  }
0x12c: {  	[tilespmem:s31], [sflag:s28] =	stream.linear.gather [hbm4b:s3+s4], $0x10, $0x38;
	[tilespmem:$0x18A00] =	vst v63  }
0x12d: {  	s30 =	sadd.s32 $0x10, s3;
	s31 =	sor.u32 $0x1290, s26  }
0x12e: {  	[tilespmem:s31], [sflag:s28] =	stream.linear.gather [hbm4b:s30+s4], $0x10, $0x38;
	[tilespmem:$0x18A00] =	vst v63  }
0x12f: {  	s30 =	sadd.s32 $0x20, s3;
	s31 =	sor.u32 $0x1310, s26  }
0x130: {  	[tilespmem:s31], [sflag:s28] =	stream.linear.gather [hbm4b:s30+s4], $0x10, $0x38;
	[tilespmem:$0x18A00] =	vst v63  }
0x131: {  	s30 =	sadd.s32 $0x30, s3;
	s31 =	sor.u32 $0x1390, s26  }
0x132: {  	[tilespmem:s31], [sflag:s28] =	stream.linear.gather [hbm4b:s30+s4], $0x10, $0x38;
	[tilespmem:$0x18A00] =	vst v63  }
0x133: {  	s30 =	sadd.s32 $0x40, s3;
	s31 =	sor.u32 $0x1410, s26  }
0x134: {  	[tilespmem:s31], [sflag:s28] =	stream.linear.gather [hbm4b:s30+s4], $0x10, $0x38;
	[tilespmem:$0x18A00] =	vst v63  }
0x135: {  	s30 =	sadd.s32 $0x50, s3;
	s31 =	sor.u32 $0x1490, s26  }
0x136: {  	[tilespmem:s31], [sflag:s28] =	stream.linear.gather [hbm4b:s30+s4], $0x10, $0x38;
	[tilespmem:$0x18A00] =	vst v63  }
0x137: {  	s30 =	sadd.s32 $0x60, s3;
	s31 =	sor.u32 $0x1510, s26  }
0x138: {  	[tilespmem:s31], [sflag:s28] =	stream.linear.gather [hbm4b:s30+s4], $0x10, $0x38;
	[tilespmem:$0x18A00] =	vst v63  }
0x139: {  	s3 =	sadd.s32 $0x70, s3;
	s31 =	sor.u32 $0x1590, s26  }
0x13a: {  	[tilespmem:s31], [sflag:s28] =	stream.linear.gather [hbm4b:s3+s4], $0x10, $0x38;
	[tilespmem:$0x18A00] =	vst v63  }
0x13b: {  	s3 =	sadd.s32 $0x1E8500, s29;
	s31 =	sor.u32 $0x1A10, s26  }
0x13c: {  	[tilespmem:s31], [sflag:s28] =	stream.linear.gather [hbm4b:s3+s4], $0x10, $0x38;
	[tilespmem:$0x18A00] =	vst v63  }
0x13d: {  	s30 =	sadd.s32 $0x10, s3;
	s31 =	sor.u32 $0x1A90, s26  }
0x13e: {  	[tilespmem:s31], [sflag:s28] =	stream.linear.gather [hbm4b:s30+s4], $0x10, $0x38;
	[tilespmem:$0x18A00] =	vst v63  }
0x13f: {  	s30 =	sadd.s32 $0x20, s3;
	s31 =	sor.u32 $0x1B10, s26  }
0x140: {  	[tilespmem:s31], [sflag:s28] =	stream.linear.gather [hbm4b:s30+s4], $0x10, $0x38;
	[tilespmem:$0x18A00] =	vst v63  }
0x141: {  	s30 =	sadd.s32 $0x30, s3;
	s31 =	sor.u32 $0x1B90, s26  }
0x142: {  	[tilespmem:s31], [sflag:s28] =	stream.linear.gather [hbm4b:s30+s4], $0x10, $0x38;
	[tilespmem:$0x18A00] =	vst v63  }
0x143: {  	s30 =	sadd.s32 $0x40, s3;
	s31 =	sor.u32 $0x1C10, s26  }
0x144: {  	[tilespmem:s31], [sflag:s28] =	stream.linear.gather [hbm4b:s30+s4], $0x10, $0x38;
	[tilespmem:$0x18A00] =	vst v63  }
0x145: {  	s30 =	sadd.s32 $0x50, s3;
	s31 =	sor.u32 $0x1C90, s26  }
0x146: {  	[tilespmem:s31], [sflag:s28] =	stream.linear.gather [hbm4b:s30+s4], $0x10, $0x38;
	[tilespmem:$0x18A00] =	vst v63  }
0x147: {  	s30 =	sadd.s32 $0x60, s3;
	s31 =	sor.u32 $0x1D10, s26  }
0x148: {  	[tilespmem:s31], [sflag:s28] =	stream.linear.gather [hbm4b:s30+s4], $0x10, $0x38;
	[tilespmem:$0x18A00] =	vst v63  }
0x149: {  	s3 =	sadd.s32 $0x70, s3;
	s31 =	sor.u32 $0x1D90, s26  }
0x14a: {  	(v2sf) =	vpush v34, $0x1;
	[tilespmem:s31], [sflag:s28] =	stream.linear.gather [hbm4b:s3+s4], $0x10, $0x38;
	[tilespmem:$0x18A00] =	vst v63  }
0x14b: {  	s30 =	sadd.s32 $0x2210, s26;
	s3 =	sadd.s32 $0x2DC780, s29  }
0x14c: {  	[tilespmem:s30], [sflag:s28] =	stream.linear.gather [hbm4b:s3+s4], $0x10, $0x38;
	[tilespmem:$0x18A00] =	vst v63  }
0x14d: {  	s31 =	sadd.s32 $0x2290, s26;
	s29 =	sadd.s32 $0x10, s3  }
0x14e: {  	[tilespmem:s31], [sflag:s28] =	stream.linear.gather [hbm4b:s29+s4], $0x10, $0x38;
	[tilespmem:$0x18A00] =	vst v63  }
0x14f: {  	s29 =	sadd.s32 $0x20, s3;
	s31 =	sadd.s32 $0x2310, s26  }
0x150: {  	[tilespmem:s31], [sflag:s28] =	stream.linear.gather [hbm4b:s29+s4], $0x10, $0x38;
	[tilespmem:$0x18A00] =	vst v63  }
0x151: {  	s29 =	sadd.s32 $0x30, s3;
	s31 =	sadd.s32 $0x2390, s26  }
0x152: {  	[tilespmem:s31], [sflag:s28] =	stream.linear.gather [hbm4b:s29+s4], $0x10, $0x38;
	[tilespmem:$0x18A00] =	vst v63  }
0x153: {  	s29 =	sadd.s32 $0x40, s3;
	s31 =	sadd.s32 $0x2410, s26  }
0x154: {  	[tilespmem:s31], [sflag:s28] =	stream.linear.gather [hbm4b:s29+s4], $0x10, $0x38;
	[tilespmem:$0x18A00] =	vst v63  }
0x155: {  	s29 =	sadd.s32 $0x50, s3;
	s31 =	sadd.s32 $0x2490, s26  }
0x156: {  	[tilespmem:s31], [sflag:s28] =	stream.linear.gather [hbm4b:s29+s4], $0x10, $0x38;
	[tilespmem:$0x18A00] =	vst v63  }
0x157: {  	s29 =	sadd.s32 $0x60, s3;
	s31 =	sadd.s32 $0x2510, s26  }
0x158: {  	[tilespmem:s31], [sflag:s28] =	stream.linear.gather [hbm4b:s29+s4], $0x10, $0x38;
	[tilespmem:$0x18A00] =	vst v63  }
0x159: {  	s30 =	spop (v2sf);
	s3 =	sadd.s32 $0x70, s3;
	s31 =	sadd.s32 $0x2590, s26  }
0x15a: {  	[tilespmem:s31], [sflag:s28] =	stream.linear.gather [hbm4b:s3+s4], $0x10, $0x38;
	[tilespmem:$0x18A00] =	vst v63  }
0x15b: {  	s31 =	sshll.u32 s30, $0x3  }
0x15c: {  	s3 =	sand.u32 $0x70, s30;
	s29 =	sand.u32 $0xFFFFFC00, s31  }
0x15d: {  	s3 =	sor.u32 s3, s29  }
0x15e: {  	s3 =	sshrl.u32 s3, $0x3  }
0x15f: {  	s30 =	sadd.s32 $0xCA10, s26;
	s29 =	sadd.s32 s2, s3  }
0x160: {  	[tilespmem:s30], [sflag:s28] =	stream.linear.gather [hbm4b:s29+s4], $0x10, $0x38;
	[tilespmem:$0x18A00] =	vst v63  }
0x161: {  	s31 =	sadd.s32 $0xCA90, s26;
	s3 =	sadd.s32 $0x10, s29  }
0x162: {  	[tilespmem:s31], [sflag:s28] =	stream.linear.gather [hbm4b:s3+s4], $0x10, $0x38;
	[tilespmem:$0x18A00] =	vst v63  }
0x163: {  	s3 =	sadd.s32 $0x20, s29;
	s31 =	sadd.s32 $0xCB10, s26  }
0x164: {  	[tilespmem:s31], [sflag:s28] =	stream.linear.gather [hbm4b:s3+s4], $0x10, $0x38;
	[tilespmem:$0x18A00] =	vst v63  }
0x165: {  	s3 =	sadd.s32 $0x30, s29;
	s31 =	sadd.s32 $0xCB90, s26  }
0x166: {  	[tilespmem:s31], [sflag:s28] =	stream.linear.gather [hbm4b:s3+s4], $0x10, $0x38;
	[tilespmem:$0x18A00] =	vst v63  }
0x167: {  	s3 =	sadd.s32 $0x40, s29;
	s31 =	sadd.s32 $0xCC10, s26  }
0x168: {  	[tilespmem:s31], [sflag:s28] =	stream.linear.gather [hbm4b:s3+s4], $0x10, $0x38;
	[tilespmem:$0x18A00] =	vst v63  }
0x169: {  	s3 =	sadd.s32 $0x50, s29;
	s31 =	sadd.s32 $0xCC90, s26  }
0x16a: {  	[tilespmem:s31], [sflag:s28] =	stream.linear.gather [hbm4b:s3+s4], $0x10, $0x38;
	[tilespmem:$0x18A00] =	vst v63  }
0x16b: {  	s3 =	sadd.s32 $0x60, s29;
	s31 =	sadd.s32 $0xCD10, s26  }
0x16c: {  	[tilespmem:s31], [sflag:s28] =	stream.linear.gather [hbm4b:s3+s4], $0x10, $0x38;
	[tilespmem:$0x18A00] =	vst v63  }
0x16d: {  	s3 =	sadd.s32 $0x70, s29;
	s31 =	sadd.s32 $0xCD90, s26  }
0x16e: {  	[tilespmem:s31], [sflag:s28] =	stream.linear.gather [hbm4b:s3+s4], $0x10, $0x38;
	[tilespmem:$0x18A00] =	vst v63  }
0x16f: {  	s3 =	sadd.s32 $0xF4280, s29;
	s31 =	sadd.s32 $0xD210, s26  }
0x170: {  	[tilespmem:s31], [sflag:s28] =	stream.linear.gather [hbm4b:s3+s4], $0x10, $0x38;
	[tilespmem:$0x18A00] =	vst v63  }
0x171: {  	s30 =	sadd.s32 $0x10, s3;
	s31 =	sadd.s32 $0xD290, s26  }
0x172: {  	[tilespmem:s31], [sflag:s28] =	stream.linear.gather [hbm4b:s30+s4], $0x10, $0x38;
	[tilespmem:$0x18A00] =	vst v63  }
0x173: {  	s30 =	sadd.s32 $0x20, s3;
	s31 =	sadd.s32 $0xD310, s26  }
0x174: {  	[tilespmem:s31], [sflag:s28] =	stream.linear.gather [hbm4b:s30+s4], $0x10, $0x38;
	[tilespmem:$0x18A00] =	vst v63  }
0x175: {  	s30 =	sadd.s32 $0x30, s3;
	s31 =	sadd.s32 $0xD390, s26  }
0x176: {  	[tilespmem:s31], [sflag:s28] =	stream.linear.gather [hbm4b:s30+s4], $0x10, $0x38;
	[tilespmem:$0x18A00] =	vst v63  }
0x177: {  	s30 =	sadd.s32 $0x40, s3;
	s31 =	sadd.s32 $0xD410, s26  }
0x178: {  	[tilespmem:s31], [sflag:s28] =	stream.linear.gather [hbm4b:s30+s4], $0x10, $0x38;
	[tilespmem:$0x18A00] =	vst v63  }
0x179: {  	s30 =	sadd.s32 $0x50, s3;
	s31 =	sadd.s32 $0xD490, s26  }
0x17a: {  	[tilespmem:s31], [sflag:s28] =	stream.linear.gather [hbm4b:s30+s4], $0x10, $0x38;
	[tilespmem:$0x18A00] =	vst v63  }
0x17b: {  	s30 =	sadd.s32 $0x60, s3;
	s31 =	sadd.s32 $0xD510, s26  }
0x17c: {  	[tilespmem:s31], [sflag:s28] =	stream.linear.gather [hbm4b:s30+s4], $0x10, $0x38;
	[tilespmem:$0x18A00] =	vst v63  }
0x17d: {  	s3 =	sadd.s32 $0x70, s3;
	s31 =	sadd.s32 $0xD590, s26  }
0x17e: {  	[tilespmem:s31], [sflag:s28] =	stream.linear.gather [hbm4b:s3+s4], $0x10, $0x38;
	[tilespmem:$0x18A00] =	vst v63  }
0x17f: {  	s3 =	sadd.s32 $0x1E8500, s29;
	s31 =	sadd.s32 $0xDA10, s26  }
0x180: {  	[tilespmem:s31], [sflag:s28] =	stream.linear.gather [hbm4b:s3+s4], $0x10, $0x38;
	[tilespmem:$0x18A00] =	vst v63  }
0x181: {  	s30 =	sadd.s32 $0x10, s3;
	s31 =	sadd.s32 $0xDA90, s26  }
0x182: {  	[tilespmem:s31], [sflag:s28] =	stream.linear.gather [hbm4b:s30+s4], $0x10, $0x38;
	[tilespmem:$0x18A00] =	vst v63  }
0x183: {  	s30 =	sadd.s32 $0x20, s3;
	s31 =	sadd.s32 $0xDB10, s26  }
0x184: {  	[tilespmem:s31], [sflag:s28] =	stream.linear.gather [hbm4b:s30+s4], $0x10, $0x38;
	[tilespmem:$0x18A00] =	vst v63  }
0x185: {  	s30 =	sadd.s32 $0x30, s3;
	s31 =	sadd.s32 $0xDB90, s26  }
0x186: {  	[tilespmem:s31], [sflag:s28] =	stream.linear.gather [hbm4b:s30+s4], $0x10, $0x38;
	[tilespmem:$0x18A00] =	vst v63  }
0x187: {  	s30 =	sadd.s32 $0x40, s3;
	s31 =	sadd.s32 $0xDC10, s26  }
0x188: {  	[tilespmem:s31], [sflag:s28] =	stream.linear.gather [hbm4b:s30+s4], $0x10, $0x38;
	[tilespmem:$0x18A00] =	vst v63  }
0x189: {  	s30 =	sadd.s32 $0x50, s3;
	s31 =	sadd.s32 $0xDC90, s26  }
0x18a: {  	[tilespmem:s31], [sflag:s28] =	stream.linear.gather [hbm4b:s30+s4], $0x10, $0x38;
	[tilespmem:$0x18A00] =	vst v63  }
0x18b: {  	s30 =	sadd.s32 $0x60, s3;
	s31 =	sadd.s32 $0xDD10, s26  }
0x18c: {  	[tilespmem:s31], [sflag:s28] =	stream.linear.gather [hbm4b:s30+s4], $0x10, $0x38;
	[tilespmem:$0x18A00] =	vst v63  }
0x18d: {  	s3 =	sadd.s32 $0x70, s3;
	s31 =	sadd.s32 $0xDD90, s26  }
0x18e: {  	(v2sf) =	vpush v35, $0x2;
	[tilespmem:s31], [sflag:s28] =	stream.linear.gather [hbm4b:s3+s4], $0x10, $0x38;
	[tilespmem:$0x18A00] =	vst v63  }
0x18f: {  	s30 =	sadd.s32 $0xE210, s26;
	s3 =	sadd.s32 $0x2DC780, s29  }
0x190: {  	[tilespmem:s30], [sflag:s28] =	stream.linear.gather [hbm4b:s3+s4], $0x10, $0x38;
	[tilespmem:$0x18A00] =	vst v63  }
0x191: {  	s31 =	sadd.s32 $0xE290, s26;
	s29 =	sadd.s32 $0x10, s3  }
0x192: {  	[tilespmem:s31], [sflag:s28] =	stream.linear.gather [hbm4b:s29+s4], $0x10, $0x38;
	[tilespmem:$0x18A00] =	vst v63  }
0x193: {  	s29 =	sadd.s32 $0x20, s3;
	s31 =	sadd.s32 $0xE310, s26  }
0x194: {  	[tilespmem:s31], [sflag:s28] =	stream.linear.gather [hbm4b:s29+s4], $0x10, $0x38;
	[tilespmem:$0x18A00] =	vst v63  }
0x195: {  	s29 =	sadd.s32 $0x30, s3;
	s31 =	sadd.s32 $0xE390, s26  }
0x196: {  	[tilespmem:s31], [sflag:s28] =	stream.linear.gather [hbm4b:s29+s4], $0x10, $0x38;
	[tilespmem:$0x18A00] =	vst v63  }
0x197: {  	s29 =	sadd.s32 $0x40, s3;
	s31 =	sadd.s32 $0xE410, s26  }
0x198: {  	[tilespmem:s31], [sflag:s28] =	stream.linear.gather [hbm4b:s29+s4], $0x10, $0x38;
	[tilespmem:$0x18A00] =	vst v63  }
0x199: {  	s29 =	sadd.s32 $0x50, s3;
	s31 =	sadd.s32 $0xE490, s26  }
0x19a: {  	[tilespmem:s31], [sflag:s28] =	stream.linear.gather [hbm4b:s29+s4], $0x10, $0x38;
	[tilespmem:$0x18A00] =	vst v63  }
0x19b: {  	s29 =	sadd.s32 $0x60, s3;
	s31 =	sadd.s32 $0xE510, s26  }
0x19c: {  	[tilespmem:s31], [sflag:s28] =	stream.linear.gather [hbm4b:s29+s4], $0x10, $0x38;
	[tilespmem:$0x18A00] =	vst v63  }
0x19d: {  	s30 =	spop (v2sf);
	s3 =	sadd.s32 $0x70, s3;
	s31 =	sadd.s32 $0xE590, s26  }
0x19e: {  	[tilespmem:s31], [sflag:s28] =	stream.linear.gather [hbm4b:s3+s4], $0x10, $0x38;
	[tilespmem:$0x18A00] =	vst v63  }
0x19f: {  	s31 =	sshll.u32 s30, $0x3  }
0x1a0: {  	s3 =	sand.u32 $0x70, s30;
	s29 =	sand.u32 $0xFFFFFC00, s31  }
0x1a1: {  	s3 =	sor.u32 s3, s29  }
0x1a2: {  	s3 =	sshrl.u32 s3, $0x3  }
0x1a3: {  	s30 =	sor.u32 $0xA20, s26;
	s29 =	sadd.s32 s1, s3  }
0x1a4: {  	[tilespmem:s30], [sflag:s28] =	stream.linear.gather [hbm4b:s29+s4], $0x10, $0x38;
	[tilespmem:$0x18A00] =	vst v63  }
0x1a5: {  	s31 =	sor.u32 $0xAA0, s26;
	s3 =	sadd.s32 $0x10, s29  }
0x1a6: {  	[tilespmem:s31], [sflag:s28] =	stream.linear.gather [hbm4b:s3+s4], $0x10, $0x38;
	[tilespmem:$0x18A00] =	vst v63  }
0x1a7: {  	s3 =	sadd.s32 $0x20, s29;
	s31 =	sor.u32 $0xB20, s26  }
0x1a8: {  	[tilespmem:s31], [sflag:s28] =	stream.linear.gather [hbm4b:s3+s4], $0x10, $0x38;
	[tilespmem:$0x18A00] =	vst v63  }
0x1a9: {  	s3 =	sadd.s32 $0x30, s29;
	s31 =	sor.u32 $0xBA0, s26  }
0x1aa: {  	[tilespmem:s31], [sflag:s28] =	stream.linear.gather [hbm4b:s3+s4], $0x10, $0x38;
	[tilespmem:$0x18A00] =	vst v63  }
0x1ab: {  	s3 =	sadd.s32 $0x40, s29;
	s31 =	sor.u32 $0xC20, s26  }
0x1ac: {  	[tilespmem:s31], [sflag:s28] =	stream.linear.gather [hbm4b:s3+s4], $0x10, $0x38;
	[tilespmem:$0x18A00] =	vst v63  }
0x1ad: {  	s3 =	sadd.s32 $0x50, s29;
	s31 =	sor.u32 $0xCA0, s26  }
0x1ae: {  	[tilespmem:s31], [sflag:s28] =	stream.linear.gather [hbm4b:s3+s4], $0x10, $0x38;
	[tilespmem:$0x18A00] =	vst v63  }
0x1af: {  	s3 =	sadd.s32 $0x60, s29;
	s31 =	sor.u32 $0xD20, s26  }
0x1b0: {  	[tilespmem:s31], [sflag:s28] =	stream.linear.gather [hbm4b:s3+s4], $0x10, $0x38;
	[tilespmem:$0x18A00] =	vst v63  }
0x1b1: {  	s3 =	sadd.s32 $0x70, s29;
	s31 =	sor.u32 $0xDA0, s26  }
0x1b2: {  	[tilespmem:s31], [sflag:s28] =	stream.linear.gather [hbm4b:s3+s4], $0x10, $0x38;
	[tilespmem:$0x18A00] =	vst v63  }
0x1b3: {  	s3 =	sadd.s32 $0xF4280, s29;
	s31 =	sor.u32 $0x1220, s26  }
0x1b4: {  	[tilespmem:s31], [sflag:s28] =	stream.linear.gather [hbm4b:s3+s4], $0x10, $0x38;
	[tilespmem:$0x18A00] =	vst v63  }
0x1b5: {  	s30 =	sadd.s32 $0x10, s3;
	s31 =	sor.u32 $0x12A0, s26  }
0x1b6: {  	[tilespmem:s31], [sflag:s28] =	stream.linear.gather [hbm4b:s30+s4], $0x10, $0x38;
	[tilespmem:$0x18A00] =	vst v63  }
0x1b7: {  	s30 =	sadd.s32 $0x20, s3;
	s31 =	sor.u32 $0x1320, s26  }
0x1b8: {  	[tilespmem:s31], [sflag:s28] =	stream.linear.gather [hbm4b:s30+s4], $0x10, $0x38;
	[tilespmem:$0x18A00] =	vst v63  }
0x1b9: {  	s30 =	sadd.s32 $0x30, s3;
	s31 =	sor.u32 $0x13A0, s26  }
0x1ba: {  	[tilespmem:s31], [sflag:s28] =	stream.linear.gather [hbm4b:s30+s4], $0x10, $0x38;
	[tilespmem:$0x18A00] =	vst v63  }
0x1bb: {  	s30 =	sadd.s32 $0x40, s3;
	s31 =	sor.u32 $0x1420, s26  }
0x1bc: {  	[tilespmem:s31], [sflag:s28] =	stream.linear.gather [hbm4b:s30+s4], $0x10, $0x38;
	[tilespmem:$0x18A00] =	vst v63  }
0x1bd: {  	s30 =	sadd.s32 $0x50, s3;
	s31 =	sor.u32 $0x14A0, s26  }
0x1be: {  	[tilespmem:s31], [sflag:s28] =	stream.linear.gather [hbm4b:s30+s4], $0x10, $0x38;
	[tilespmem:$0x18A00] =	vst v63  }
0x1bf: {  	s30 =	sadd.s32 $0x60, s3;
	s31 =	sor.u32 $0x1520, s26  }
0x1c0: {  	[tilespmem:s31], [sflag:s28] =	stream.linear.gather [hbm4b:s30+s4], $0x10, $0x38;
	[tilespmem:$0x18A00] =	vst v63  }
0x1c1: {  	s3 =	sadd.s32 $0x70, s3;
	s31 =	sor.u32 $0x15A0, s26  }
0x1c2: {  	[tilespmem:s31], [sflag:s28] =	stream.linear.gather [hbm4b:s3+s4], $0x10, $0x38;
	[tilespmem:$0x18A00] =	vst v63  }
0x1c3: {  	s3 =	sadd.s32 $0x1E8500, s29;
	s31 =	sor.u32 $0x1A20, s26  }
0x1c4: {  	[tilespmem:s31], [sflag:s28] =	stream.linear.gather [hbm4b:s3+s4], $0x10, $0x38;
	[tilespmem:$0x18A00] =	vst v63  }
0x1c5: {  	s30 =	sadd.s32 $0x10, s3;
	s31 =	sor.u32 $0x1AA0, s26  }
0x1c6: {  	[tilespmem:s31], [sflag:s28] =	stream.linear.gather [hbm4b:s30+s4], $0x10, $0x38;
	[tilespmem:$0x18A00] =	vst v63  }
0x1c7: {  	s30 =	sadd.s32 $0x20, s3;
	s31 =	sor.u32 $0x1B20, s26  }
0x1c8: {  	[tilespmem:s31], [sflag:s28] =	stream.linear.gather [hbm4b:s30+s4], $0x10, $0x38;
	[tilespmem:$0x18A00] =	vst v63  }
0x1c9: {  	s30 =	sadd.s32 $0x30, s3;
	s31 =	sor.u32 $0x1BA0, s26  }
0x1ca: {  	[tilespmem:s31], [sflag:s28] =	stream.linear.gather [hbm4b:s30+s4], $0x10, $0x38;
	[tilespmem:$0x18A00] =	vst v63  }
0x1cb: {  	s30 =	sadd.s32 $0x40, s3;
	s31 =	sor.u32 $0x1C20, s26  }
0x1cc: {  	[tilespmem:s31], [sflag:s28] =	stream.linear.gather [hbm4b:s30+s4], $0x10, $0x38;
	[tilespmem:$0x18A00] =	vst v63  }
0x1cd: {  	s30 =	sadd.s32 $0x50, s3;
	s31 =	sor.u32 $0x1CA0, s26  }
0x1ce: {  	[tilespmem:s31], [sflag:s28] =	stream.linear.gather [hbm4b:s30+s4], $0x10, $0x38;
	[tilespmem:$0x18A00] =	vst v63  }
0x1cf: {  	s30 =	sadd.s32 $0x60, s3;
	s31 =	sor.u32 $0x1D20, s26  }
0x1d0: {  	[tilespmem:s31], [sflag:s28] =	stream.linear.gather [hbm4b:s30+s4], $0x10, $0x38;
	[tilespmem:$0x18A00] =	vst v63  }
0x1d1: {  	s3 =	sadd.s32 $0x70, s3;
	s31 =	sor.u32 $0x1DA0, s26  }
0x1d2: {  	(v2sf) =	vpush v34, $0x2;
	[tilespmem:s31], [sflag:s28] =	stream.linear.gather [hbm4b:s3+s4], $0x10, $0x38;
	[tilespmem:$0x18A00] =	vst v63  }
0x1d3: {  	s30 =	sadd.s32 $0x2220, s26;
	s3 =	sadd.s32 $0x2DC780, s29  }
0x1d4: {  	[tilespmem:s30], [sflag:s28] =	stream.linear.gather [hbm4b:s3+s4], $0x10, $0x38;
	[tilespmem:$0x18A00] =	vst v63  }
0x1d5: {  	s31 =	sadd.s32 $0x22A0, s26;
	s29 =	sadd.s32 $0x10, s3  }
0x1d6: {  	[tilespmem:s31], [sflag:s28] =	stream.linear.gather [hbm4b:s29+s4], $0x10, $0x38;
	[tilespmem:$0x18A00] =	vst v63  }
0x1d7: {  	s29 =	sadd.s32 $0x20, s3;
	s31 =	sadd.s32 $0x2320, s26  }
0x1d8: {  	[tilespmem:s31], [sflag:s28] =	stream.linear.gather [hbm4b:s29+s4], $0x10, $0x38;
	[tilespmem:$0x18A00] =	vst v63  }
0x1d9: {  	s29 =	sadd.s32 $0x30, s3;
	s31 =	sadd.s32 $0x23A0, s26  }
0x1da: {  	[tilespmem:s31], [sflag:s28] =	stream.linear.gather [hbm4b:s29+s4], $0x10, $0x38;
	[tilespmem:$0x18A00] =	vst v63  }
0x1db: {  	s29 =	sadd.s32 $0x40, s3;
	s31 =	sadd.s32 $0x2420, s26  }
0x1dc: {  	[tilespmem:s31], [sflag:s28] =	stream.linear.gather [hbm4b:s29+s4], $0x10, $0x38;
	[tilespmem:$0x18A00] =	vst v63  }
0x1dd: {  	s29 =	sadd.s32 $0x50, s3;
	s31 =	sadd.s32 $0x24A0, s26  }
0x1de: {  	[tilespmem:s31], [sflag:s28] =	stream.linear.gather [hbm4b:s29+s4], $0x10, $0x38;
	[tilespmem:$0x18A00] =	vst v63  }
0x1df: {  	s29 =	sadd.s32 $0x60, s3;
	s31 =	sadd.s32 $0x2520, s26  }
0x1e0: {  	[tilespmem:s31], [sflag:s28] =	stream.linear.gather [hbm4b:s29+s4], $0x10, $0x38;
	[tilespmem:$0x18A00] =	vst v63  }
0x1e1: {  	s30 =	spop (v2sf);
	s3 =	sadd.s32 $0x70, s3;
	s31 =	sadd.s32 $0x25A0, s26  }
0x1e2: {  	[tilespmem:s31], [sflag:s28] =	stream.linear.gather [hbm4b:s3+s4], $0x10, $0x38;
	[tilespmem:$0x18A00] =	vst v63  }
0x1e3: {  	s31 =	sshll.u32 s30, $0x3  }
0x1e4: {  	s3 =	sand.u32 $0x70, s30;
	s29 =	sand.u32 $0xFFFFFC00, s31  }
0x1e5: {  	s3 =	sor.u32 s3, s29  }
0x1e6: {  	s3 =	sshrl.u32 s3, $0x3  }
0x1e7: {  	s30 =	sadd.s32 $0xCA20, s26;
	s29 =	sadd.s32 s2, s3  }
0x1e8: {  	[tilespmem:s30], [sflag:s28] =	stream.linear.gather [hbm4b:s29+s4], $0x10, $0x38;
	[tilespmem:$0x18A00] =	vst v63  }
0x1e9: {  	s31 =	sadd.s32 $0xCAA0, s26;
	s3 =	sadd.s32 $0x10, s29  }
0x1ea: {  	[tilespmem:s31], [sflag:s28] =	stream.linear.gather [hbm4b:s3+s4], $0x10, $0x38;
	[tilespmem:$0x18A00] =	vst v63  }
0x1eb: {  	s3 =	sadd.s32 $0x20, s29;
	s31 =	sadd.s32 $0xCB20, s26  }
0x1ec: {  	[tilespmem:s31], [sflag:s28] =	stream.linear.gather [hbm4b:s3+s4], $0x10, $0x38;
	[tilespmem:$0x18A00] =	vst v63  }
0x1ed: {  	s3 =	sadd.s32 $0x30, s29;
	s31 =	sadd.s32 $0xCBA0, s26  }
0x1ee: {  	[tilespmem:s31], [sflag:s28] =	stream.linear.gather [hbm4b:s3+s4], $0x10, $0x38;
	[tilespmem:$0x18A00] =	vst v63  }
0x1ef: {  	s3 =	sadd.s32 $0x40, s29;
	s31 =	sadd.s32 $0xCC20, s26  }
0x1f0: {  	[tilespmem:s31], [sflag:s28] =	stream.linear.gather [hbm4b:s3+s4], $0x10, $0x38;
	[tilespmem:$0x18A00] =	vst v63  }
0x1f1: {  	s3 =	sadd.s32 $0x50, s29;
	s31 =	sadd.s32 $0xCCA0, s26  }
0x1f2: {  	[tilespmem:s31], [sflag:s28] =	stream.linear.gather [hbm4b:s3+s4], $0x10, $0x38;
	[tilespmem:$0x18A00] =	vst v63  }
0x1f3: {  	s3 =	sadd.s32 $0x60, s29;
	s31 =	sadd.s32 $0xCD20, s26  }
0x1f4: {  	[tilespmem:s31], [sflag:s28] =	stream.linear.gather [hbm4b:s3+s4], $0x10, $0x38;
	[tilespmem:$0x18A00] =	vst v63  }
0x1f5: {  	s3 =	sadd.s32 $0x70, s29;
	s31 =	sadd.s32 $0xCDA0, s26  }
0x1f6: {  	[tilespmem:s31], [sflag:s28] =	stream.linear.gather [hbm4b:s3+s4], $0x10, $0x38;
	[tilespmem:$0x18A00] =	vst v63  }
0x1f7: {  	s3 =	sadd.s32 $0xF4280, s29;
	s31 =	sadd.s32 $0xD220, s26  }
0x1f8: {  	[tilespmem:s31], [sflag:s28] =	stream.linear.gather [hbm4b:s3+s4], $0x10, $0x38;
	[tilespmem:$0x18A00] =	vst v63  }
0x1f9: {  	s30 =	sadd.s32 $0x10, s3;
	s31 =	sadd.s32 $0xD2A0, s26  }
0x1fa: {  	[tilespmem:s31], [sflag:s28] =	stream.linear.gather [hbm4b:s30+s4], $0x10, $0x38;
	[tilespmem:$0x18A00] =	vst v63  }
0x1fb: {  	s30 =	sadd.s32 $0x20, s3;
	s31 =	sadd.s32 $0xD320, s26  }
0x1fc: {  	[tilespmem:s31], [sflag:s28] =	stream.linear.gather [hbm4b:s30+s4], $0x10, $0x38;
	[tilespmem:$0x18A00] =	vst v63  }
0x1fd: {  	s30 =	sadd.s32 $0x30, s3;
	s31 =	sadd.s32 $0xD3A0, s26  }
0x1fe: {  	[tilespmem:s31], [sflag:s28] =	stream.linear.gather [hbm4b:s30+s4], $0x10, $0x38;
	[tilespmem:$0x18A00] =	vst v63  }
0x1ff: {  	s30 =	sadd.s32 $0x40, s3;
	s31 =	sadd.s32 $0xD420, s26  }
0x200: {  	[tilespmem:s31], [sflag:s28] =	stream.linear.gather [hbm4b:s30+s4], $0x10, $0x38;
	[tilespmem:$0x18A00] =	vst v63  }
0x201: {  	s30 =	sadd.s32 $0x50, s3;
	s31 =	sadd.s32 $0xD4A0, s26  }
0x202: {  	[tilespmem:s31], [sflag:s28] =	stream.linear.gather [hbm4b:s30+s4], $0x10, $0x38;
	[tilespmem:$0x18A00] =	vst v63  }
0x203: {  	s30 =	sadd.s32 $0x60, s3;
	s31 =	sadd.s32 $0xD520, s26  }
0x204: {  	[tilespmem:s31], [sflag:s28] =	stream.linear.gather [hbm4b:s30+s4], $0x10, $0x38;
	[tilespmem:$0x18A00] =	vst v63  }
0x205: {  	s3 =	sadd.s32 $0x70, s3;
	s31 =	sadd.s32 $0xD5A0, s26  }
0x206: {  	[tilespmem:s31], [sflag:s28] =	stream.linear.gather [hbm4b:s3+s4], $0x10, $0x38;
	[tilespmem:$0x18A00] =	vst v63  }
0x207: {  	s3 =	sadd.s32 $0x1E8500, s29;
	s31 =	sadd.s32 $0xDA20, s26  }
0x208: {  	[tilespmem:s31], [sflag:s28] =	stream.linear.gather [hbm4b:s3+s4], $0x10, $0x38;
	[tilespmem:$0x18A00] =	vst v63  }
0x209: {  	s30 =	sadd.s32 $0x10, s3;
	s31 =	sadd.s32 $0xDAA0, s26  }
0x20a: {  	[tilespmem:s31], [sflag:s28] =	stream.linear.gather [hbm4b:s30+s4], $0x10, $0x38;
	[tilespmem:$0x18A00] =	vst v63  }
0x20b: {  	s30 =	sadd.s32 $0x20, s3;
	s31 =	sadd.s32 $0xDB20, s26  }
0x20c: {  	[tilespmem:s31], [sflag:s28] =	stream.linear.gather [hbm4b:s30+s4], $0x10, $0x38;
	[tilespmem:$0x18A00] =	vst v63  }
0x20d: {  	s30 =	sadd.s32 $0x30, s3;
	s31 =	sadd.s32 $0xDBA0, s26  }
0x20e: {  	[tilespmem:s31], [sflag:s28] =	stream.linear.gather [hbm4b:s30+s4], $0x10, $0x38;
	[tilespmem:$0x18A00] =	vst v63  }
0x20f: {  	s30 =	sadd.s32 $0x40, s3;
	s31 =	sadd.s32 $0xDC20, s26  }
0x210: {  	[tilespmem:s31], [sflag:s28] =	stream.linear.gather [hbm4b:s30+s4], $0x10, $0x38;
	[tilespmem:$0x18A00] =	vst v63  }
0x211: {  	s30 =	sadd.s32 $0x50, s3;
	s31 =	sadd.s32 $0xDCA0, s26  }
0x212: {  	[tilespmem:s31], [sflag:s28] =	stream.linear.gather [hbm4b:s30+s4], $0x10, $0x38;
	[tilespmem:$0x18A00] =	vst v63  }
0x213: {  	s30 =	sadd.s32 $0x60, s3;
	s31 =	sadd.s32 $0xDD20, s26  }
0x214: {  	[tilespmem:s31], [sflag:s28] =	stream.linear.gather [hbm4b:s30+s4], $0x10, $0x38;
	[tilespmem:$0x18A00] =	vst v63  }
0x215: {  	s3 =	sadd.s32 $0x70, s3;
	s31 =	sadd.s32 $0xDDA0, s26  }
0x216: {  	(v2sf) =	vpush v35, $0x3;
	[tilespmem:s31], [sflag:s28] =	stream.linear.gather [hbm4b:s3+s4], $0x10, $0x38;
	[tilespmem:$0x18A00] =	vst v63  }
0x217: {  	s30 =	sadd.s32 $0xE220, s26;
	s3 =	sadd.s32 $0x2DC780, s29  }
0x218: {  	[tilespmem:s30], [sflag:s28] =	stream.linear.gather [hbm4b:s3+s4], $0x10, $0x38;
	[tilespmem:$0x18A00] =	vst v63  }
0x219: {  	s31 =	sadd.s32 $0xE2A0, s26;
	s29 =	sadd.s32 $0x10, s3  }
0x21a: {  	[tilespmem:s31], [sflag:s28] =	stream.linear.gather [hbm4b:s29+s4], $0x10, $0x38;
	[tilespmem:$0x18A00] =	vst v63  }
0x21b: {  	s29 =	sadd.s32 $0x20, s3;
	s31 =	sadd.s32 $0xE320, s26  }
0x21c: {  	[tilespmem:s31], [sflag:s28] =	stream.linear.gather [hbm4b:s29+s4], $0x10, $0x38;
	[tilespmem:$0x18A00] =	vst v63  }
0x21d: {  	s29 =	sadd.s32 $0x30, s3;
	s31 =	sadd.s32 $0xE3A0, s26  }
0x21e: {  	[tilespmem:s31], [sflag:s28] =	stream.linear.gather [hbm4b:s29+s4], $0x10, $0x38;
	[tilespmem:$0x18A00] =	vst v63  }
0x21f: {  	s29 =	sadd.s32 $0x40, s3;
	s31 =	sadd.s32 $0xE420, s26  }
0x220: {  	[tilespmem:s31], [sflag:s28] =	stream.linear.gather [hbm4b:s29+s4], $0x10, $0x38;
	[tilespmem:$0x18A00] =	vst v63  }
0x221: {  	s29 =	sadd.s32 $0x50, s3;
	s31 =	sadd.s32 $0xE4A0, s26  }
0x222: {  	[tilespmem:s31], [sflag:s28] =	stream.linear.gather [hbm4b:s29+s4], $0x10, $0x38;
	[tilespmem:$0x18A00] =	vst v63  }
0x223: {  	s29 =	sadd.s32 $0x60, s3;
	s31 =	sadd.s32 $0xE520, s26  }
0x224: {  	[tilespmem:s31], [sflag:s28] =	stream.linear.gather [hbm4b:s29+s4], $0x10, $0x38;
	[tilespmem:$0x18A00] =	vst v63  }
0x225: {  	s30 =	spop (v2sf);
	s3 =	sadd.s32 $0x70, s3;
	s31 =	sadd.s32 $0xE5A0, s26  }
0x226: {  	[tilespmem:s31], [sflag:s28] =	stream.linear.gather [hbm4b:s3+s4], $0x10, $0x38;
	[tilespmem:$0x18A00] =	vst v63  }
0x227: {  	s31 =	sshll.u32 s30, $0x3  }
0x228: {  	s3 =	sand.u32 $0x70, s30;
	s29 =	sand.u32 $0xFFFFFC00, s31  }
0x229: {  	s3 =	sor.u32 s3, s29  }
0x22a: {  	s3 =	sshrl.u32 s3, $0x3  }
0x22b: {  	s30 =	sor.u32 $0xA30, s26;
	s29 =	sadd.s32 s1, s3  }
0x22c: {  	[tilespmem:s30], [sflag:s28] =	stream.linear.gather [hbm4b:s29+s4], $0x10, $0x38;
	[tilespmem:$0x18A00] =	vst v63  }
0x22d: {  	s31 =	sor.u32 $0xAB0, s26;
	s3 =	sadd.s32 $0x10, s29  }
0x22e: {  	[tilespmem:s31], [sflag:s28] =	stream.linear.gather [hbm4b:s3+s4], $0x10, $0x38;
	[tilespmem:$0x18A00] =	vst v63  }
0x22f: {  	s3 =	sadd.s32 $0x20, s29;
	s31 =	sor.u32 $0xB30, s26  }
0x230: {  	[tilespmem:s31], [sflag:s28] =	stream.linear.gather [hbm4b:s3+s4], $0x10, $0x38;
	[tilespmem:$0x18A00] =	vst v63  }
0x231: {  	s3 =	sadd.s32 $0x30, s29;
	s31 =	sor.u32 $0xBB0, s26  }
0x232: {  	[tilespmem:s31], [sflag:s28] =	stream.linear.gather [hbm4b:s3+s4], $0x10, $0x38;
	[tilespmem:$0x18A00] =	vst v63  }
0x233: {  	s3 =	sadd.s32 $0x40, s29;
	s31 =	sor.u32 $0xC30, s26  }
0x234: {  	[tilespmem:s31], [sflag:s28] =	stream.linear.gather [hbm4b:s3+s4], $0x10, $0x38;
	[tilespmem:$0x18A00] =	vst v63  }
0x235: {  	s3 =	sadd.s32 $0x50, s29;
	s31 =	sor.u32 $0xCB0, s26  }
0x236: {  	[tilespmem:s31], [sflag:s28] =	stream.linear.gather [hbm4b:s3+s4], $0x10, $0x38;
	[tilespmem:$0x18A00] =	vst v63  }
0x237: {  	s3 =	sadd.s32 $0x60, s29;
	s31 =	sor.u32 $0xD30, s26  }
0x238: {  	[tilespmem:s31], [sflag:s28] =	stream.linear.gather [hbm4b:s3+s4], $0x10, $0x38;
	[tilespmem:$0x18A00] =	vst v63  }
0x239: {  	s3 =	sadd.s32 $0x70, s29;
	s31 =	sor.u32 $0xDB0, s26  }
0x23a: {  	[tilespmem:s31], [sflag:s28] =	stream.linear.gather [hbm4b:s3+s4], $0x10, $0x38;
	[tilespmem:$0x18A00] =	vst v63  }
0x23b: {  	s3 =	sadd.s32 $0xF4280, s29;
	s31 =	sor.u32 $0x1230, s26  }
0x23c: {  	[tilespmem:s31], [sflag:s28] =	stream.linear.gather [hbm4b:s3+s4], $0x10, $0x38;
	[tilespmem:$0x18A00] =	vst v63  }
0x23d: {  	s30 =	sadd.s32 $0x10, s3;
	s31 =	sor.u32 $0x12B0, s26  }
0x23e: {  	[tilespmem:s31], [sflag:s28] =	stream.linear.gather [hbm4b:s30+s4], $0x10, $0x38;
	[tilespmem:$0x18A00] =	vst v63  }
0x23f: {  	s30 =	sadd.s32 $0x20, s3;
	s31 =	sor.u32 $0x1330, s26  }
0x240: {  	[tilespmem:s31], [sflag:s28] =	stream.linear.gather [hbm4b:s30+s4], $0x10, $0x38;
	[tilespmem:$0x18A00] =	vst v63  }
0x241: {  	s30 =	sadd.s32 $0x30, s3;
	s31 =	sor.u32 $0x13B0, s26  }
0x242: {  	[tilespmem:s31], [sflag:s28] =	stream.linear.gather [hbm4b:s30+s4], $0x10, $0x38;
	[tilespmem:$0x18A00] =	vst v63  }
0x243: {  	s30 =	sadd.s32 $0x40, s3;
	s31 =	sor.u32 $0x1430, s26  }
0x244: {  	[tilespmem:s31], [sflag:s28] =	stream.linear.gather [hbm4b:s30+s4], $0x10, $0x38;
	[tilespmem:$0x18A00] =	vst v63  }
0x245: {  	s30 =	sadd.s32 $0x50, s3;
	s31 =	sor.u32 $0x14B0, s26  }
0x246: {  	[tilespmem:s31], [sflag:s28] =	stream.linear.gather [hbm4b:s30+s4], $0x10, $0x38;
	[tilespmem:$0x18A00] =	vst v63  }
0x247: {  	s30 =	sadd.s32 $0x60, s3;
	s31 =	sor.u32 $0x1530, s26  }
0x248: {  	[tilespmem:s31], [sflag:s28] =	stream.linear.gather [hbm4b:s30+s4], $0x10, $0x38;
	[tilespmem:$0x18A00] =	vst v63  }
0x249: {  	s3 =	sadd.s32 $0x70, s3;
	s31 =	sor.u32 $0x15B0, s26  }
0x24a: {  	[tilespmem:s31], [sflag:s28] =	stream.linear.gather [hbm4b:s3+s4], $0x10, $0x38;
	[tilespmem:$0x18A00] =	vst v63  }
0x24b: {  	s3 =	sadd.s32 $0x1E8500, s29;
	s31 =	sor.u32 $0x1A30, s26  }
0x24c: {  	[tilespmem:s31], [sflag:s28] =	stream.linear.gather [hbm4b:s3+s4], $0x10, $0x38;
	[tilespmem:$0x18A00] =	vst v63  }
0x24d: {  	s30 =	sadd.s32 $0x10, s3;
	s31 =	sor.u32 $0x1AB0, s26  }
0x24e: {  	[tilespmem:s31], [sflag:s28] =	stream.linear.gather [hbm4b:s30+s4], $0x10, $0x38;
	[tilespmem:$0x18A00] =	vst v63  }
0x24f: {  	s30 =	sadd.s32 $0x20, s3;
	s31 =	sor.u32 $0x1B30, s26  }
0x250: {  	[tilespmem:s31], [sflag:s28] =	stream.linear.gather [hbm4b:s30+s4], $0x10, $0x38;
	[tilespmem:$0x18A00] =	vst v63  }
0x251: {  	s30 =	sadd.s32 $0x30, s3;
	s31 =	sor.u32 $0x1BB0, s26  }
0x252: {  	[tilespmem:s31], [sflag:s28] =	stream.linear.gather [hbm4b:s30+s4], $0x10, $0x38;
	[tilespmem:$0x18A00] =	vst v63  }
0x253: {  	s30 =	sadd.s32 $0x40, s3;
	s31 =	sor.u32 $0x1C30, s26  }
0x254: {  	[tilespmem:s31], [sflag:s28] =	stream.linear.gather [hbm4b:s30+s4], $0x10, $0x38;
	[tilespmem:$0x18A00] =	vst v63  }
0x255: {  	s30 =	sadd.s32 $0x50, s3;
	s31 =	sor.u32 $0x1CB0, s26  }
0x256: {  	[tilespmem:s31], [sflag:s28] =	stream.linear.gather [hbm4b:s30+s4], $0x10, $0x38;
	[tilespmem:$0x18A00] =	vst v63  }
0x257: {  	s30 =	sadd.s32 $0x60, s3;
	s31 =	sor.u32 $0x1D30, s26  }
0x258: {  	[tilespmem:s31], [sflag:s28] =	stream.linear.gather [hbm4b:s30+s4], $0x10, $0x38;
	[tilespmem:$0x18A00] =	vst v63  }
0x259: {  	s3 =	sadd.s32 $0x70, s3;
	s31 =	sor.u32 $0x1DB0, s26  }
0x25a: {  	(v2sf) =	vpush v34, $0x3;
	[tilespmem:s31], [sflag:s28] =	stream.linear.gather [hbm4b:s3+s4], $0x10, $0x38;
	[tilespmem:$0x18A00] =	vst v63  }
0x25b: {  	s30 =	sadd.s32 $0x2230, s26;
	s3 =	sadd.s32 $0x2DC780, s29  }
0x25c: {  	[tilespmem:s30], [sflag:s28] =	stream.linear.gather [hbm4b:s3+s4], $0x10, $0x38;
	[tilespmem:$0x18A00] =	vst v63  }
0x25d: {  	s31 =	sadd.s32 $0x22B0, s26;
	s29 =	sadd.s32 $0x10, s3  }
0x25e: {  	[tilespmem:s31], [sflag:s28] =	stream.linear.gather [hbm4b:s29+s4], $0x10, $0x38;
	[tilespmem:$0x18A00] =	vst v63  }
0x25f: {  	s29 =	sadd.s32 $0x20, s3;
	s31 =	sadd.s32 $0x2330, s26  }
0x260: {  	[tilespmem:s31], [sflag:s28] =	stream.linear.gather [hbm4b:s29+s4], $0x10, $0x38;
	[tilespmem:$0x18A00] =	vst v63  }
0x261: {  	s29 =	sadd.s32 $0x30, s3;
	s31 =	sadd.s32 $0x23B0, s26  }
0x262: {  	[tilespmem:s31], [sflag:s28] =	stream.linear.gather [hbm4b:s29+s4], $0x10, $0x38;
	[tilespmem:$0x18A00] =	vst v63  }
0x263: {  	s29 =	sadd.s32 $0x40, s3;
	s31 =	sadd.s32 $0x2430, s26  }
0x264: {  	[tilespmem:s31], [sflag:s28] =	stream.linear.gather [hbm4b:s29+s4], $0x10, $0x38;
	[tilespmem:$0x18A00] =	vst v63  }
0x265: {  	s29 =	sadd.s32 $0x50, s3;
	s31 =	sadd.s32 $0x24B0, s26  }
0x266: {  	[tilespmem:s31], [sflag:s28] =	stream.linear.gather [hbm4b:s29+s4], $0x10, $0x38;
	[tilespmem:$0x18A00] =	vst v63  }
0x267: {  	s29 =	sadd.s32 $0x60, s3;
	s31 =	sadd.s32 $0x2530, s26  }
0x268: {  	[tilespmem:s31], [sflag:s28] =	stream.linear.gather [hbm4b:s29+s4], $0x10, $0x38;
	[tilespmem:$0x18A00] =	vst v63  }
0x269: {  	s30 =	spop (v2sf);
	s3 =	sadd.s32 $0x70, s3;
	s31 =	sadd.s32 $0x25B0, s26  }
0x26a: {  	[tilespmem:s31], [sflag:s28] =	stream.linear.gather [hbm4b:s3+s4], $0x10, $0x38;
	[tilespmem:$0x18A00] =	vst v63  }
0x26b: {  	s31 =	sshll.u32 s30, $0x3  }
0x26c: {  	s3 =	sand.u32 $0x70, s30;
	s29 =	sand.u32 $0xFFFFFC00, s31  }
0x26d: {  	s3 =	sor.u32 s3, s29  }
0x26e: {  	s3 =	sshrl.u32 s3, $0x3  }
0x26f: {  	s30 =	sadd.s32 $0xCA30, s26;
	s29 =	sadd.s32 s2, s3  }
0x270: {  	[tilespmem:s30], [sflag:s28] =	stream.linear.gather [hbm4b:s29+s4], $0x10, $0x38;
	[tilespmem:$0x18A00] =	vst v63  }
0x271: {  	s31 =	sadd.s32 $0xCAB0, s26;
	s3 =	sadd.s32 $0x10, s29  }
0x272: {  	[tilespmem:s31], [sflag:s28] =	stream.linear.gather [hbm4b:s3+s4], $0x10, $0x38;
	[tilespmem:$0x18A00] =	vst v63  }
0x273: {  	s3 =	sadd.s32 $0x20, s29;
	s31 =	sadd.s32 $0xCB30, s26  }
0x274: {  	[tilespmem:s31], [sflag:s28] =	stream.linear.gather [hbm4b:s3+s4], $0x10, $0x38;
	[tilespmem:$0x18A00] =	vst v63  }
0x275: {  	s3 =	sadd.s32 $0x30, s29;
	s31 =	sadd.s32 $0xCBB0, s26  }
0x276: {  	[tilespmem:s31], [sflag:s28] =	stream.linear.gather [hbm4b:s3+s4], $0x10, $0x38;
	[tilespmem:$0x18A00] =	vst v63  }
0x277: {  	s3 =	sadd.s32 $0x40, s29;
	s31 =	sadd.s32 $0xCC30, s26  }
0x278: {  	[tilespmem:s31], [sflag:s28] =	stream.linear.gather [hbm4b:s3+s4], $0x10, $0x38;
	[tilespmem:$0x18A00] =	vst v63  }
0x279: {  	s3 =	sadd.s32 $0x50, s29;
	s31 =	sadd.s32 $0xCCB0, s26  }
0x27a: {  	[tilespmem:s31], [sflag:s28] =	stream.linear.gather [hbm4b:s3+s4], $0x10, $0x38;
	[tilespmem:$0x18A00] =	vst v63  }
0x27b: {  	s3 =	sadd.s32 $0x60, s29;
	s31 =	sadd.s32 $0xCD30, s26  }
0x27c: {  	[tilespmem:s31], [sflag:s28] =	stream.linear.gather [hbm4b:s3+s4], $0x10, $0x38;
	[tilespmem:$0x18A00] =	vst v63  }
0x27d: {  	s3 =	sadd.s32 $0x70, s29;
	s31 =	sadd.s32 $0xCDB0, s26  }
0x27e: {  	[tilespmem:s31], [sflag:s28] =	stream.linear.gather [hbm4b:s3+s4], $0x10, $0x38;
	[tilespmem:$0x18A00] =	vst v63  }
0x27f: {  	s3 =	sadd.s32 $0xF4280, s29;
	s31 =	sadd.s32 $0xD230, s26  }
0x280: {  	[tilespmem:s31], [sflag:s28] =	stream.linear.gather [hbm4b:s3+s4], $0x10, $0x38;
	[tilespmem:$0x18A00] =	vst v63  }
0x281: {  	s30 =	sadd.s32 $0x10, s3;
	s31 =	sadd.s32 $0xD2B0, s26  }
0x282: {  	[tilespmem:s31], [sflag:s28] =	stream.linear.gather [hbm4b:s30+s4], $0x10, $0x38;
	[tilespmem:$0x18A00] =	vst v63  }
0x283: {  	s30 =	sadd.s32 $0x20, s3;
	s31 =	sadd.s32 $0xD330, s26  }
0x284: {  	[tilespmem:s31], [sflag:s28] =	stream.linear.gather [hbm4b:s30+s4], $0x10, $0x38;
	[tilespmem:$0x18A00] =	vst v63  }
0x285: {  	s30 =	sadd.s32 $0x30, s3;
	s31 =	sadd.s32 $0xD3B0, s26  }
0x286: {  	[tilespmem:s31], [sflag:s28] =	stream.linear.gather [hbm4b:s30+s4], $0x10, $0x38;
	[tilespmem:$0x18A00] =	vst v63  }
0x287: {  	s30 =	sadd.s32 $0x40, s3;
	s31 =	sadd.s32 $0xD430, s26  }
0x288: {  	[tilespmem:s31], [sflag:s28] =	stream.linear.gather [hbm4b:s30+s4], $0x10, $0x38;
	[tilespmem:$0x18A00] =	vst v63  }
0x289: {  	s30 =	sadd.s32 $0x50, s3;
	s31 =	sadd.s32 $0xD4B0, s26  }
0x28a: {  	[tilespmem:s31], [sflag:s28] =	stream.linear.gather [hbm4b:s30+s4], $0x10, $0x38;
	[tilespmem:$0x18A00] =	vst v63  }
0x28b: {  	s30 =	sadd.s32 $0x60, s3;
	s31 =	sadd.s32 $0xD530, s26  }
0x28c: {  	[tilespmem:s31], [sflag:s28] =	stream.linear.gather [hbm4b:s30+s4], $0x10, $0x38;
	[tilespmem:$0x18A00] =	vst v63  }
0x28d: {  	s3 =	sadd.s32 $0x70, s3;
	s31 =	sadd.s32 $0xD5B0, s26  }
0x28e: {  	[tilespmem:s31], [sflag:s28] =	stream.linear.gather [hbm4b:s3+s4], $0x10, $0x38;
	[tilespmem:$0x18A00] =	vst v63  }
0x28f: {  	s3 =	sadd.s32 $0x1E8500, s29;
	s31 =	sadd.s32 $0xDA30, s26  }
0x290: {  	[tilespmem:s31], [sflag:s28] =	stream.linear.gather [hbm4b:s3+s4], $0x10, $0x38;
	[tilespmem:$0x18A00] =	vst v63  }
0x291: {  	s30 =	sadd.s32 $0x10, s3;
	s31 =	sadd.s32 $0xDAB0, s26  }
0x292: {  	[tilespmem:s31], [sflag:s28] =	stream.linear.gather [hbm4b:s30+s4], $0x10, $0x38;
	[tilespmem:$0x18A00] =	vst v63  }
0x293: {  	s30 =	sadd.s32 $0x20, s3;
	s31 =	sadd.s32 $0xDB30, s26  }
0x294: {  	[tilespmem:s31], [sflag:s28] =	stream.linear.gather [hbm4b:s30+s4], $0x10, $0x38;
	[tilespmem:$0x18A00] =	vst v63  }
0x295: {  	s30 =	sadd.s32 $0x30, s3;
	s31 =	sadd.s32 $0xDBB0, s26  }
0x296: {  	[tilespmem:s31], [sflag:s28] =	stream.linear.gather [hbm4b:s30+s4], $0x10, $0x38;
	[tilespmem:$0x18A00] =	vst v63  }
0x297: {  	s30 =	sadd.s32 $0x40, s3;
	s31 =	sadd.s32 $0xDC30, s26  }
0x298: {  	[tilespmem:s31], [sflag:s28] =	stream.linear.gather [hbm4b:s30+s4], $0x10, $0x38;
	[tilespmem:$0x18A00] =	vst v63  }
0x299: {  	s30 =	sadd.s32 $0x50, s3;
	s31 =	sadd.s32 $0xDCB0, s26  }
0x29a: {  	[tilespmem:s31], [sflag:s28] =	stream.linear.gather [hbm4b:s30+s4], $0x10, $0x38;
	[tilespmem:$0x18A00] =	vst v63  }
0x29b: {  	s30 =	sadd.s32 $0x60, s3;
	s31 =	sadd.s32 $0xDD30, s26  }
0x29c: {  	[tilespmem:s31], [sflag:s28] =	stream.linear.gather [hbm4b:s30+s4], $0x10, $0x38;
	[tilespmem:$0x18A00] =	vst v63  }
0x29d: {  	s3 =	sadd.s32 $0x70, s3;
	s31 =	sadd.s32 $0xDDB0, s26  }
0x29e: {  	(v2sf) =	vpush v35, $0x4;
	[tilespmem:s31], [sflag:s28] =	stream.linear.gather [hbm4b:s3+s4], $0x10, $0x38;
	[tilespmem:$0x18A00] =	vst v63  }
0x29f: {  	s30 =	sadd.s32 $0xE230, s26;
	s3 =	sadd.s32 $0x2DC780, s29  }
0x2a0: {  	[tilespmem:s30], [sflag:s28] =	stream.linear.gather [hbm4b:s3+s4], $0x10, $0x38;
	[tilespmem:$0x18A00] =	vst v63  }
0x2a1: {  	s31 =	sadd.s32 $0xE2B0, s26;
	s29 =	sadd.s32 $0x10, s3  }
0x2a2: {  	[tilespmem:s31], [sflag:s28] =	stream.linear.gather [hbm4b:s29+s4], $0x10, $0x38;
	[tilespmem:$0x18A00] =	vst v63  }
0x2a3: {  	s29 =	sadd.s32 $0x20, s3;
	s31 =	sadd.s32 $0xE330, s26  }
0x2a4: {  	[tilespmem:s31], [sflag:s28] =	stream.linear.gather [hbm4b:s29+s4], $0x10, $0x38;
	[tilespmem:$0x18A00] =	vst v63  }
0x2a5: {  	s29 =	sadd.s32 $0x30, s3;
	s31 =	sadd.s32 $0xE3B0, s26  }
0x2a6: {  	[tilespmem:s31], [sflag:s28] =	stream.linear.gather [hbm4b:s29+s4], $0x10, $0x38;
	[tilespmem:$0x18A00] =	vst v63  }
0x2a7: {  	s29 =	sadd.s32 $0x40, s3;
	s31 =	sadd.s32 $0xE430, s26  }
0x2a8: {  	[tilespmem:s31], [sflag:s28] =	stream.linear.gather [hbm4b:s29+s4], $0x10, $0x38;
	[tilespmem:$0x18A00] =	vst v63  }
0x2a9: {  	s29 =	sadd.s32 $0x50, s3;
	s31 =	sadd.s32 $0xE4B0, s26  }
0x2aa: {  	[tilespmem:s31], [sflag:s28] =	stream.linear.gather [hbm4b:s29+s4], $0x10, $0x38;
	[tilespmem:$0x18A00] =	vst v63  }
0x2ab: {  	s29 =	sadd.s32 $0x60, s3;
	s31 =	sadd.s32 $0xE530, s26  }
0x2ac: {  	[tilespmem:s31], [sflag:s28] =	stream.linear.gather [hbm4b:s29+s4], $0x10, $0x38;
	[tilespmem:$0x18A00] =	vst v63  }
0x2ad: {  	s30 =	spop (v2sf);
	s3 =	sadd.s32 $0x70, s3;
	s31 =	sadd.s32 $0xE5B0, s26  }
0x2ae: {  	[tilespmem:s31], [sflag:s28] =	stream.linear.gather [hbm4b:s3+s4], $0x10, $0x38;
	[tilespmem:$0x18A00] =	vst v63  }
0x2af: {  	s31 =	sshll.u32 s30, $0x3  }
0x2b0: {  	s3 =	sand.u32 $0x70, s30;
	s29 =	sand.u32 $0xFFFFFC00, s31  }
0x2b1: {  	s3 =	sor.u32 s3, s29  }
0x2b2: {  	s3 =	sshrl.u32 s3, $0x3  }
0x2b3: {  	s30 =	sor.u32 $0xA40, s26;
	s29 =	sadd.s32 s1, s3  }
0x2b4: {  	[tilespmem:s30], [sflag:s28] =	stream.linear.gather [hbm4b:s29+s4], $0x10, $0x38;
	[tilespmem:$0x18A00] =	vst v63  }
0x2b5: {  	s31 =	sor.u32 $0xAC0, s26;
	s3 =	sadd.s32 $0x10, s29  }
0x2b6: {  	[tilespmem:s31], [sflag:s28] =	stream.linear.gather [hbm4b:s3+s4], $0x10, $0x38;
	[tilespmem:$0x18A00] =	vst v63  }
0x2b7: {  	s3 =	sadd.s32 $0x20, s29;
	s31 =	sor.u32 $0xB40, s26  }
0x2b8: {  	[tilespmem:s31], [sflag:s28] =	stream.linear.gather [hbm4b:s3+s4], $0x10, $0x38;
	[tilespmem:$0x18A00] =	vst v63  }
0x2b9: {  	s3 =	sadd.s32 $0x30, s29;
	s31 =	sor.u32 $0xBC0, s26  }
0x2ba: {  	[tilespmem:s31], [sflag:s28] =	stream.linear.gather [hbm4b:s3+s4], $0x10, $0x38;
	[tilespmem:$0x18A00] =	vst v63  }
0x2bb: {  	s3 =	sadd.s32 $0x40, s29;
	s31 =	sor.u32 $0xC40, s26  }
0x2bc: {  	[tilespmem:s31], [sflag:s28] =	stream.linear.gather [hbm4b:s3+s4], $0x10, $0x38;
	[tilespmem:$0x18A00] =	vst v63  }
0x2bd: {  	s3 =	sadd.s32 $0x50, s29;
	s31 =	sor.u32 $0xCC0, s26  }
0x2be: {  	[tilespmem:s31], [sflag:s28] =	stream.linear.gather [hbm4b:s3+s4], $0x10, $0x38;
	[tilespmem:$0x18A00] =	vst v63  }
0x2bf: {  	s3 =	sadd.s32 $0x60, s29;
	s31 =	sor.u32 $0xD40, s26  }
0x2c0: {  	[tilespmem:s31], [sflag:s28] =	stream.linear.gather [hbm4b:s3+s4], $0x10, $0x38;
	[tilespmem:$0x18A00] =	vst v63  }
0x2c1: {  	s3 =	sadd.s32 $0x70, s29;
	s31 =	sor.u32 $0xDC0, s26  }
0x2c2: {  	[tilespmem:s31], [sflag:s28] =	stream.linear.gather [hbm4b:s3+s4], $0x10, $0x38;
	[tilespmem:$0x18A00] =	vst v63  }
0x2c3: {  	s3 =	sadd.s32 $0xF4280, s29;
	s31 =	sor.u32 $0x1240, s26  }
0x2c4: {  	[tilespmem:s31], [sflag:s28] =	stream.linear.gather [hbm4b:s3+s4], $0x10, $0x38;
	[tilespmem:$0x18A00] =	vst v63  }
0x2c5: {  	s30 =	sadd.s32 $0x10, s3;
	s31 =	sor.u32 $0x12C0, s26  }
0x2c6: {  	[tilespmem:s31], [sflag:s28] =	stream.linear.gather [hbm4b:s30+s4], $0x10, $0x38;
	[tilespmem:$0x18A00] =	vst v63  }
0x2c7: {  	s30 =	sadd.s32 $0x20, s3;
	s31 =	sor.u32 $0x1340, s26  }
0x2c8: {  	[tilespmem:s31], [sflag:s28] =	stream.linear.gather [hbm4b:s30+s4], $0x10, $0x38;
	[tilespmem:$0x18A00] =	vst v63  }
0x2c9: {  	s30 =	sadd.s32 $0x30, s3;
	s31 =	sor.u32 $0x13C0, s26  }
0x2ca: {  	[tilespmem:s31], [sflag:s28] =	stream.linear.gather [hbm4b:s30+s4], $0x10, $0x38;
	[tilespmem:$0x18A00] =	vst v63  }
0x2cb: {  	s30 =	sadd.s32 $0x40, s3;
	s31 =	sor.u32 $0x1440, s26  }
0x2cc: {  	[tilespmem:s31], [sflag:s28] =	stream.linear.gather [hbm4b:s30+s4], $0x10, $0x38;
	[tilespmem:$0x18A00] =	vst v63  }
0x2cd: {  	s30 =	sadd.s32 $0x50, s3;
	s31 =	sor.u32 $0x14C0, s26  }
0x2ce: {  	[tilespmem:s31], [sflag:s28] =	stream.linear.gather [hbm4b:s30+s4], $0x10, $0x38;
	[tilespmem:$0x18A00] =	vst v63  }
0x2cf: {  	s30 =	sadd.s32 $0x60, s3;
	s31 =	sor.u32 $0x1540, s26  }
0x2d0: {  	[tilespmem:s31], [sflag:s28] =	stream.linear.gather [hbm4b:s30+s4], $0x10, $0x38;
	[tilespmem:$0x18A00] =	vst v63  }
0x2d1: {  	s3 =	sadd.s32 $0x70, s3;
	s31 =	sor.u32 $0x15C0, s26  }
0x2d2: {  	[tilespmem:s31], [sflag:s28] =	stream.linear.gather [hbm4b:s3+s4], $0x10, $0x38;
	[tilespmem:$0x18A00] =	vst v63  }
0x2d3: {  	s3 =	sadd.s32 $0x1E8500, s29;
	s31 =	sor.u32 $0x1A40, s26  }
0x2d4: {  	[tilespmem:s31], [sflag:s28] =	stream.linear.gather [hbm4b:s3+s4], $0x10, $0x38;
	[tilespmem:$0x18A00] =	vst v63  }
0x2d5: {  	s30 =	sadd.s32 $0x10, s3;
	s31 =	sor.u32 $0x1AC0, s26  }
0x2d6: {  	[tilespmem:s31], [sflag:s28] =	stream.linear.gather [hbm4b:s30+s4], $0x10, $0x38;
	[tilespmem:$0x18A00] =	vst v63  }
0x2d7: {  	s30 =	sadd.s32 $0x20, s3;
	s31 =	sor.u32 $0x1B40, s26  }
0x2d8: {  	[tilespmem:s31], [sflag:s28] =	stream.linear.gather [hbm4b:s30+s4], $0x10, $0x38;
	[tilespmem:$0x18A00] =	vst v63  }
0x2d9: {  	s30 =	sadd.s32 $0x30, s3;
	s31 =	sor.u32 $0x1BC0, s26  }
0x2da: {  	[tilespmem:s31], [sflag:s28] =	stream.linear.gather [hbm4b:s30+s4], $0x10, $0x38;
	[tilespmem:$0x18A00] =	vst v63  }
0x2db: {  	s30 =	sadd.s32 $0x40, s3;
	s31 =	sor.u32 $0x1C40, s26  }
0x2dc: {  	[tilespmem:s31], [sflag:s28] =	stream.linear.gather [hbm4b:s30+s4], $0x10, $0x38;
	[tilespmem:$0x18A00] =	vst v63  }
0x2dd: {  	s30 =	sadd.s32 $0x50, s3;
	s31 =	sor.u32 $0x1CC0, s26  }
0x2de: {  	[tilespmem:s31], [sflag:s28] =	stream.linear.gather [hbm4b:s30+s4], $0x10, $0x38;
	[tilespmem:$0x18A00] =	vst v63  }
0x2df: {  	s30 =	sadd.s32 $0x60, s3;
	s31 =	sor.u32 $0x1D40, s26  }
0x2e0: {  	[tilespmem:s31], [sflag:s28] =	stream.linear.gather [hbm4b:s30+s4], $0x10, $0x38;
	[tilespmem:$0x18A00] =	vst v63  }
0x2e1: {  	s3 =	sadd.s32 $0x70, s3;
	s31 =	sor.u32 $0x1DC0, s26  }
0x2e2: {  	(v2sf) =	vpush v34, $0x4;
	[tilespmem:s31], [sflag:s28] =	stream.linear.gather [hbm4b:s3+s4], $0x10, $0x38;
	[tilespmem:$0x18A00] =	vst v63  }
0x2e3: {  	s30 =	sadd.s32 $0x2240, s26;
	s3 =	sadd.s32 $0x2DC780, s29  }
0x2e4: {  	[tilespmem:s30], [sflag:s28] =	stream.linear.gather [hbm4b:s3+s4], $0x10, $0x38;
	[tilespmem:$0x18A00] =	vst v63  }
0x2e5: {  	s31 =	sadd.s32 $0x22C0, s26;
	s29 =	sadd.s32 $0x10, s3  }
0x2e6: {  	[tilespmem:s31], [sflag:s28] =	stream.linear.gather [hbm4b:s29+s4], $0x10, $0x38;
	[tilespmem:$0x18A00] =	vst v63  }
0x2e7: {  	s29 =	sadd.s32 $0x20, s3;
	s31 =	sadd.s32 $0x2340, s26  }
0x2e8: {  	[tilespmem:s31], [sflag:s28] =	stream.linear.gather [hbm4b:s29+s4], $0x10, $0x38;
	[tilespmem:$0x18A00] =	vst v63  }
0x2e9: {  	s29 =	sadd.s32 $0x30, s3;
	s31 =	sadd.s32 $0x23C0, s26  }
0x2ea: {  	[tilespmem:s31], [sflag:s28] =	stream.linear.gather [hbm4b:s29+s4], $0x10, $0x38;
	[tilespmem:$0x18A00] =	vst v63  }
0x2eb: {  	s29 =	sadd.s32 $0x40, s3;
	s31 =	sadd.s32 $0x2440, s26  }
0x2ec: {  	[tilespmem:s31], [sflag:s28] =	stream.linear.gather [hbm4b:s29+s4], $0x10, $0x38;
	[tilespmem:$0x18A00] =	vst v63  }
0x2ed: {  	s29 =	sadd.s32 $0x50, s3;
	s31 =	sadd.s32 $0x24C0, s26  }
0x2ee: {  	[tilespmem:s31], [sflag:s28] =	stream.linear.gather [hbm4b:s29+s4], $0x10, $0x38;
	[tilespmem:$0x18A00] =	vst v63  }
0x2ef: {  	s29 =	sadd.s32 $0x60, s3;
	s31 =	sadd.s32 $0x2540, s26  }
0x2f0: {  	[tilespmem:s31], [sflag:s28] =	stream.linear.gather [hbm4b:s29+s4], $0x10, $0x38;
	[tilespmem:$0x18A00] =	vst v63  }
0x2f1: {  	s30 =	spop (v2sf);
	s3 =	sadd.s32 $0x70, s3;
	s31 =	sadd.s32 $0x25C0, s26  }
0x2f2: {  	[tilespmem:s31], [sflag:s28] =	stream.linear.gather [hbm4b:s3+s4], $0x10, $0x38;
	[tilespmem:$0x18A00] =	vst v63  }
0x2f3: {  	s31 =	sshll.u32 s30, $0x3  }
0x2f4: {  	s3 =	sand.u32 $0x70, s30;
	s29 =	sand.u32 $0xFFFFFC00, s31  }
0x2f5: {  	s3 =	sor.u32 s3, s29  }
0x2f6: {  	s3 =	sshrl.u32 s3, $0x3  }
0x2f7: {  	s30 =	sadd.s32 $0xCA40, s26;
	s29 =	sadd.s32 s2, s3  }
0x2f8: {  	[tilespmem:s30], [sflag:s28] =	stream.linear.gather [hbm4b:s29+s4], $0x10, $0x38;
	[tilespmem:$0x18A00] =	vst v63  }
0x2f9: {  	s31 =	sadd.s32 $0xCAC0, s26;
	s3 =	sadd.s32 $0x10, s29  }
0x2fa: {  	[tilespmem:s31], [sflag:s28] =	stream.linear.gather [hbm4b:s3+s4], $0x10, $0x38;
	[tilespmem:$0x18A00] =	vst v63  }
0x2fb: {  	s3 =	sadd.s32 $0x20, s29;
	s31 =	sadd.s32 $0xCB40, s26  }
0x2fc: {  	[tilespmem:s31], [sflag:s28] =	stream.linear.gather [hbm4b:s3+s4], $0x10, $0x38;
	[tilespmem:$0x18A00] =	vst v63  }
0x2fd: {  	s3 =	sadd.s32 $0x30, s29;
	s31 =	sadd.s32 $0xCBC0, s26  }
0x2fe: {  	[tilespmem:s31], [sflag:s28] =	stream.linear.gather [hbm4b:s3+s4], $0x10, $0x38;
	[tilespmem:$0x18A00] =	vst v63  }
0x2ff: {  	s3 =	sadd.s32 $0x40, s29;
	s31 =	sadd.s32 $0xCC40, s26  }
0x300: {  	[tilespmem:s31], [sflag:s28] =	stream.linear.gather [hbm4b:s3+s4], $0x10, $0x38;
	[tilespmem:$0x18A00] =	vst v63  }
0x301: {  	s3 =	sadd.s32 $0x50, s29;
	s31 =	sadd.s32 $0xCCC0, s26  }
0x302: {  	[tilespmem:s31], [sflag:s28] =	stream.linear.gather [hbm4b:s3+s4], $0x10, $0x38;
	[tilespmem:$0x18A00] =	vst v63  }
0x303: {  	s3 =	sadd.s32 $0x60, s29;
	s31 =	sadd.s32 $0xCD40, s26  }
0x304: {  	[tilespmem:s31], [sflag:s28] =	stream.linear.gather [hbm4b:s3+s4], $0x10, $0x38;
	[tilespmem:$0x18A00] =	vst v63  }
0x305: {  	s3 =	sadd.s32 $0x70, s29;
	s31 =	sadd.s32 $0xCDC0, s26  }
0x306: {  	[tilespmem:s31], [sflag:s28] =	stream.linear.gather [hbm4b:s3+s4], $0x10, $0x38;
	[tilespmem:$0x18A00] =	vst v63  }
0x307: {  	s3 =	sadd.s32 $0xF4280, s29;
	s31 =	sadd.s32 $0xD240, s26  }
0x308: {  	[tilespmem:s31], [sflag:s28] =	stream.linear.gather [hbm4b:s3+s4], $0x10, $0x38;
	[tilespmem:$0x18A00] =	vst v63  }
0x309: {  	s30 =	sadd.s32 $0x10, s3;
	s31 =	sadd.s32 $0xD2C0, s26  }
0x30a: {  	[tilespmem:s31], [sflag:s28] =	stream.linear.gather [hbm4b:s30+s4], $0x10, $0x38;
	[tilespmem:$0x18A00] =	vst v63  }
0x30b: {  	s30 =	sadd.s32 $0x20, s3;
	s31 =	sadd.s32 $0xD340, s26  }
0x30c: {  	[tilespmem:s31], [sflag:s28] =	stream.linear.gather [hbm4b:s30+s4], $0x10, $0x38;
	[tilespmem:$0x18A00] =	vst v63  }
0x30d: {  	s30 =	sadd.s32 $0x30, s3;
	s31 =	sadd.s32 $0xD3C0, s26  }
0x30e: {  	[tilespmem:s31], [sflag:s28] =	stream.linear.gather [hbm4b:s30+s4], $0x10, $0x38;
	[tilespmem:$0x18A00] =	vst v63  }
0x30f: {  	s30 =	sadd.s32 $0x40, s3;
	s31 =	sadd.s32 $0xD440, s26  }
0x310: {  	[tilespmem:s31], [sflag:s28] =	stream.linear.gather [hbm4b:s30+s4], $0x10, $0x38;
	[tilespmem:$0x18A00] =	vst v63  }
0x311: {  	s30 =	sadd.s32 $0x50, s3;
	s31 =	sadd.s32 $0xD4C0, s26  }
0x312: {  	[tilespmem:s31], [sflag:s28] =	stream.linear.gather [hbm4b:s30+s4], $0x10, $0x38;
	[tilespmem:$0x18A00] =	vst v63  }
0x313: {  	s30 =	sadd.s32 $0x60, s3;
	s31 =	sadd.s32 $0xD540, s26  }
0x314: {  	[tilespmem:s31], [sflag:s28] =	stream.linear.gather [hbm4b:s30+s4], $0x10, $0x38;
	[tilespmem:$0x18A00] =	vst v63  }
0x315: {  	s3 =	sadd.s32 $0x70, s3;
	s31 =	sadd.s32 $0xD5C0, s26  }
0x316: {  	[tilespmem:s31], [sflag:s28] =	stream.linear.gather [hbm4b:s3+s4], $0x10, $0x38;
	[tilespmem:$0x18A00] =	vst v63  }
0x317: {  	s3 =	sadd.s32 $0x1E8500, s29;
	s31 =	sadd.s32 $0xDA40, s26  }
0x318: {  	[tilespmem:s31], [sflag:s28] =	stream.linear.gather [hbm4b:s3+s4], $0x10, $0x38;
	[tilespmem:$0x18A00] =	vst v63  }
0x319: {  	s30 =	sadd.s32 $0x10, s3;
	s31 =	sadd.s32 $0xDAC0, s26  }
0x31a: {  	[tilespmem:s31], [sflag:s28] =	stream.linear.gather [hbm4b:s30+s4], $0x10, $0x38;
	[tilespmem:$0x18A00] =	vst v63  }
0x31b: {  	s30 =	sadd.s32 $0x20, s3;
	s31 =	sadd.s32 $0xDB40, s26  }
0x31c: {  	[tilespmem:s31], [sflag:s28] =	stream.linear.gather [hbm4b:s30+s4], $0x10, $0x38;
	[tilespmem:$0x18A00] =	vst v63  }
0x31d: {  	s30 =	sadd.s32 $0x30, s3;
	s31 =	sadd.s32 $0xDBC0, s26  }
0x31e: {  	[tilespmem:s31], [sflag:s28] =	stream.linear.gather [hbm4b:s30+s4], $0x10, $0x38;
	[tilespmem:$0x18A00] =	vst v63  }
0x31f: {  	s30 =	sadd.s32 $0x40, s3;
	s31 =	sadd.s32 $0xDC40, s26  }
0x320: {  	[tilespmem:s31], [sflag:s28] =	stream.linear.gather [hbm4b:s30+s4], $0x10, $0x38;
	[tilespmem:$0x18A00] =	vst v63  }
0x321: {  	s30 =	sadd.s32 $0x50, s3;
	s31 =	sadd.s32 $0xDCC0, s26  }
0x322: {  	[tilespmem:s31], [sflag:s28] =	stream.linear.gather [hbm4b:s30+s4], $0x10, $0x38;
	[tilespmem:$0x18A00] =	vst v63  }
0x323: {  	s30 =	sadd.s32 $0x60, s3;
	s31 =	sadd.s32 $0xDD40, s26  }
0x324: {  	[tilespmem:s31], [sflag:s28] =	stream.linear.gather [hbm4b:s30+s4], $0x10, $0x38;
	[tilespmem:$0x18A00] =	vst v63  }
0x325: {  	s3 =	sadd.s32 $0x70, s3;
	s31 =	sadd.s32 $0xDDC0, s26  }
0x326: {  	(v2sf) =	vpush v35, $0x5;
	[tilespmem:s31], [sflag:s28] =	stream.linear.gather [hbm4b:s3+s4], $0x10, $0x38;
	[tilespmem:$0x18A00] =	vst v63  }
0x327: {  	s30 =	sadd.s32 $0xE240, s26;
	s3 =	sadd.s32 $0x2DC780, s29  }
0x328: {  	[tilespmem:s30], [sflag:s28] =	stream.linear.gather [hbm4b:s3+s4], $0x10, $0x38;
	[tilespmem:$0x18A00] =	vst v63  }
0x329: {  	s31 =	sadd.s32 $0xE2C0, s26;
	s29 =	sadd.s32 $0x10, s3  }
0x32a: {  	[tilespmem:s31], [sflag:s28] =	stream.linear.gather [hbm4b:s29+s4], $0x10, $0x38;
	[tilespmem:$0x18A00] =	vst v63  }
0x32b: {  	s29 =	sadd.s32 $0x20, s3;
	s31 =	sadd.s32 $0xE340, s26  }
0x32c: {  	[tilespmem:s31], [sflag:s28] =	stream.linear.gather [hbm4b:s29+s4], $0x10, $0x38;
	[tilespmem:$0x18A00] =	vst v63  }
0x32d: {  	s29 =	sadd.s32 $0x30, s3;
	s31 =	sadd.s32 $0xE3C0, s26  }
0x32e: {  	[tilespmem:s31], [sflag:s28] =	stream.linear.gather [hbm4b:s29+s4], $0x10, $0x38;
	[tilespmem:$0x18A00] =	vst v63  }
0x32f: {  	s29 =	sadd.s32 $0x40, s3;
	s31 =	sadd.s32 $0xE440, s26  }
0x330: {  	[tilespmem:s31], [sflag:s28] =	stream.linear.gather [hbm4b:s29+s4], $0x10, $0x38;
	[tilespmem:$0x18A00] =	vst v63  }
0x331: {  	s29 =	sadd.s32 $0x50, s3;
	s31 =	sadd.s32 $0xE4C0, s26  }
0x332: {  	[tilespmem:s31], [sflag:s28] =	stream.linear.gather [hbm4b:s29+s4], $0x10, $0x38;
	[tilespmem:$0x18A00] =	vst v63  }
0x333: {  	s29 =	sadd.s32 $0x60, s3;
	s31 =	sadd.s32 $0xE540, s26  }
0x334: {  	[tilespmem:s31], [sflag:s28] =	stream.linear.gather [hbm4b:s29+s4], $0x10, $0x38;
	[tilespmem:$0x18A00] =	vst v63  }
0x335: {  	s30 =	spop (v2sf);
	s3 =	sadd.s32 $0x70, s3;
	s31 =	sadd.s32 $0xE5C0, s26  }
0x336: {  	[tilespmem:s31], [sflag:s28] =	stream.linear.gather [hbm4b:s3+s4], $0x10, $0x38;
	[tilespmem:$0x18A00] =	vst v63  }
0x337: {  	s31 =	sshll.u32 s30, $0x3  }
0x338: {  	s3 =	sand.u32 $0x70, s30;
	s29 =	sand.u32 $0xFFFFFC00, s31  }
0x339: {  	s3 =	sor.u32 s3, s29  }
0x33a: {  	s3 =	sshrl.u32 s3, $0x3  }
0x33b: {  	s30 =	sor.u32 $0xA50, s26;
	s29 =	sadd.s32 s1, s3  }
0x33c: {  	[tilespmem:s30], [sflag:s28] =	stream.linear.gather [hbm4b:s29+s4], $0x10, $0x38;
	[tilespmem:$0x18A00] =	vst v63  }
0x33d: {  	s31 =	sor.u32 $0xAD0, s26;
	s3 =	sadd.s32 $0x10, s29  }
0x33e: {  	[tilespmem:s31], [sflag:s28] =	stream.linear.gather [hbm4b:s3+s4], $0x10, $0x38;
	[tilespmem:$0x18A00] =	vst v63  }
0x33f: {  	s3 =	sadd.s32 $0x20, s29;
	s31 =	sor.u32 $0xB50, s26  }
0x340: {  	[tilespmem:s31], [sflag:s28] =	stream.linear.gather [hbm4b:s3+s4], $0x10, $0x38;
	[tilespmem:$0x18A00] =	vst v63  }
0x341: {  	s3 =	sadd.s32 $0x30, s29;
	s31 =	sor.u32 $0xBD0, s26  }
0x342: {  	[tilespmem:s31], [sflag:s28] =	stream.linear.gather [hbm4b:s3+s4], $0x10, $0x38;
	[tilespmem:$0x18A00] =	vst v63  }
0x343: {  	s3 =	sadd.s32 $0x40, s29;
	s31 =	sor.u32 $0xC50, s26  }
0x344: {  	[tilespmem:s31], [sflag:s28] =	stream.linear.gather [hbm4b:s3+s4], $0x10, $0x38;
	[tilespmem:$0x18A00] =	vst v63  }
0x345: {  	s3 =	sadd.s32 $0x50, s29;
	s31 =	sor.u32 $0xCD0, s26  }
0x346: {  	[tilespmem:s31], [sflag:s28] =	stream.linear.gather [hbm4b:s3+s4], $0x10, $0x38;
	[tilespmem:$0x18A00] =	vst v63  }
0x347: {  	s3 =	sadd.s32 $0x60, s29;
	s31 =	sor.u32 $0xD50, s26  }
0x348: {  	[tilespmem:s31], [sflag:s28] =	stream.linear.gather [hbm4b:s3+s4], $0x10, $0x38;
	[tilespmem:$0x18A00] =	vst v63  }
0x349: {  	s3 =	sadd.s32 $0x70, s29;
	s31 =	sor.u32 $0xDD0, s26  }
0x34a: {  	[tilespmem:s31], [sflag:s28] =	stream.linear.gather [hbm4b:s3+s4], $0x10, $0x38;
	[tilespmem:$0x18A00] =	vst v63  }
0x34b: {  	s3 =	sadd.s32 $0xF4280, s29;
	s31 =	sor.u32 $0x1250, s26  }
0x34c: {  	[tilespmem:s31], [sflag:s28] =	stream.linear.gather [hbm4b:s3+s4], $0x10, $0x38;
	[tilespmem:$0x18A00] =	vst v63  }
0x34d: {  	s30 =	sadd.s32 $0x10, s3;
	s31 =	sor.u32 $0x12D0, s26  }
0x34e: {  	[tilespmem:s31], [sflag:s28] =	stream.linear.gather [hbm4b:s30+s4], $0x10, $0x38;
	[tilespmem:$0x18A00] =	vst v63  }
0x34f: {  	s30 =	sadd.s32 $0x20, s3;
	s31 =	sor.u32 $0x1350, s26  }
0x350: {  	[tilespmem:s31], [sflag:s28] =	stream.linear.gather [hbm4b:s30+s4], $0x10, $0x38;
	[tilespmem:$0x18A00] =	vst v63  }
0x351: {  	s30 =	sadd.s32 $0x30, s3;
	s31 =	sor.u32 $0x13D0, s26  }
0x352: {  	[tilespmem:s31], [sflag:s28] =	stream.linear.gather [hbm4b:s30+s4], $0x10, $0x38;
	[tilespmem:$0x18A00] =	vst v63  }
0x353: {  	s30 =	sadd.s32 $0x40, s3;
	s31 =	sor.u32 $0x1450, s26  }
0x354: {  	[tilespmem:s31], [sflag:s28] =	stream.linear.gather [hbm4b:s30+s4], $0x10, $0x38;
	[tilespmem:$0x18A00] =	vst v63  }
0x355: {  	s30 =	sadd.s32 $0x50, s3;
	s31 =	sor.u32 $0x14D0, s26  }
0x356: {  	[tilespmem:s31], [sflag:s28] =	stream.linear.gather [hbm4b:s30+s4], $0x10, $0x38;
	[tilespmem:$0x18A00] =	vst v63  }
0x357: {  	s30 =	sadd.s32 $0x60, s3;
	s31 =	sor.u32 $0x1550, s26  }
0x358: {  	[tilespmem:s31], [sflag:s28] =	stream.linear.gather [hbm4b:s30+s4], $0x10, $0x38;
	[tilespmem:$0x18A00] =	vst v63  }
0x359: {  	s3 =	sadd.s32 $0x70, s3;
	s31 =	sor.u32 $0x15D0, s26  }
0x35a: {  	[tilespmem:s31], [sflag:s28] =	stream.linear.gather [hbm4b:s3+s4], $0x10, $0x38;
	[tilespmem:$0x18A00] =	vst v63  }
0x35b: {  	s3 =	sadd.s32 $0x1E8500, s29;
	s31 =	sor.u32 $0x1A50, s26  }
0x35c: {  	[tilespmem:s31], [sflag:s28] =	stream.linear.gather [hbm4b:s3+s4], $0x10, $0x38;
	[tilespmem:$0x18A00] =	vst v63  }
0x35d: {  	s30 =	sadd.s32 $0x10, s3;
	s31 =	sor.u32 $0x1AD0, s26  }
0x35e: {  	[tilespmem:s31], [sflag:s28] =	stream.linear.gather [hbm4b:s30+s4], $0x10, $0x38;
	[tilespmem:$0x18A00] =	vst v63  }
0x35f: {  	s30 =	sadd.s32 $0x20, s3;
	s31 =	sor.u32 $0x1B50, s26  }
0x360: {  	[tilespmem:s31], [sflag:s28] =	stream.linear.gather [hbm4b:s30+s4], $0x10, $0x38;
	[tilespmem:$0x18A00] =	vst v63  }
0x361: {  	s30 =	sadd.s32 $0x30, s3;
	s31 =	sor.u32 $0x1BD0, s26  }
0x362: {  	[tilespmem:s31], [sflag:s28] =	stream.linear.gather [hbm4b:s30+s4], $0x10, $0x38;
	[tilespmem:$0x18A00] =	vst v63  }
0x363: {  	s30 =	sadd.s32 $0x40, s3;
	s31 =	sor.u32 $0x1C50, s26  }
0x364: {  	[tilespmem:s31], [sflag:s28] =	stream.linear.gather [hbm4b:s30+s4], $0x10, $0x38;
	[tilespmem:$0x18A00] =	vst v63  }
0x365: {  	s30 =	sadd.s32 $0x50, s3;
	s31 =	sor.u32 $0x1CD0, s26  }
0x366: {  	[tilespmem:s31], [sflag:s28] =	stream.linear.gather [hbm4b:s30+s4], $0x10, $0x38;
	[tilespmem:$0x18A00] =	vst v63  }
0x367: {  	s30 =	sadd.s32 $0x60, s3;
	s31 =	sor.u32 $0x1D50, s26  }
0x368: {  	[tilespmem:s31], [sflag:s28] =	stream.linear.gather [hbm4b:s30+s4], $0x10, $0x38;
	[tilespmem:$0x18A00] =	vst v63  }
0x369: {  	s3 =	sadd.s32 $0x70, s3;
	s31 =	sor.u32 $0x1DD0, s26  }
0x36a: {  	(v2sf) =	vpush v34, $0x5;
	[tilespmem:s31], [sflag:s28] =	stream.linear.gather [hbm4b:s3+s4], $0x10, $0x38;
	[tilespmem:$0x18A00] =	vst v63  }
0x36b: {  	s30 =	sadd.s32 $0x2250, s26;
	s3 =	sadd.s32 $0x2DC780, s29  }
0x36c: {  	[tilespmem:s30], [sflag:s28] =	stream.linear.gather [hbm4b:s3+s4], $0x10, $0x38;
	[tilespmem:$0x18A00] =	vst v63  }
0x36d: {  	s31 =	sadd.s32 $0x22D0, s26;
	s29 =	sadd.s32 $0x10, s3  }
0x36e: {  	[tilespmem:s31], [sflag:s28] =	stream.linear.gather [hbm4b:s29+s4], $0x10, $0x38;
	[tilespmem:$0x18A00] =	vst v63  }
0x36f: {  	s29 =	sadd.s32 $0x20, s3;
	s31 =	sadd.s32 $0x2350, s26  }
0x370: {  	[tilespmem:s31], [sflag:s28] =	stream.linear.gather [hbm4b:s29+s4], $0x10, $0x38;
	[tilespmem:$0x18A00] =	vst v63  }
0x371: {  	s29 =	sadd.s32 $0x30, s3;
	s31 =	sadd.s32 $0x23D0, s26  }
0x372: {  	[tilespmem:s31], [sflag:s28] =	stream.linear.gather [hbm4b:s29+s4], $0x10, $0x38;
	[tilespmem:$0x18A00] =	vst v63  }
0x373: {  	s29 =	sadd.s32 $0x40, s3;
	s31 =	sadd.s32 $0x2450, s26  }
0x374: {  	[tilespmem:s31], [sflag:s28] =	stream.linear.gather [hbm4b:s29+s4], $0x10, $0x38;
	[tilespmem:$0x18A00] =	vst v63  }
0x375: {  	s29 =	sadd.s32 $0x50, s3;
	s31 =	sadd.s32 $0x24D0, s26  }
0x376: {  	[tilespmem:s31], [sflag:s28] =	stream.linear.gather [hbm4b:s29+s4], $0x10, $0x38;
	[tilespmem:$0x18A00] =	vst v63  }
0x377: {  	s29 =	sadd.s32 $0x60, s3;
	s31 =	sadd.s32 $0x2550, s26  }
0x378: {  	[tilespmem:s31], [sflag:s28] =	stream.linear.gather [hbm4b:s29+s4], $0x10, $0x38;
	[tilespmem:$0x18A00] =	vst v63  }
0x379: {  	s30 =	spop (v2sf);
	s3 =	sadd.s32 $0x70, s3;
	s31 =	sadd.s32 $0x25D0, s26  }
0x37a: {  	[tilespmem:s31], [sflag:s28] =	stream.linear.gather [hbm4b:s3+s4], $0x10, $0x38;
	[tilespmem:$0x18A00] =	vst v63  }
0x37b: {  	s31 =	sshll.u32 s30, $0x3  }
0x37c: {  	s3 =	sand.u32 $0x70, s30;
	s29 =	sand.u32 $0xFFFFFC00, s31  }
0x37d: {  	s3 =	sor.u32 s3, s29  }
0x37e: {  	s3 =	sshrl.u32 s3, $0x3  }
0x37f: {  	s30 =	sadd.s32 $0xCA50, s26;
	s29 =	sadd.s32 s2, s3  }
0x380: {  	[tilespmem:s30], [sflag:s28] =	stream.linear.gather [hbm4b:s29+s4], $0x10, $0x38;
	[tilespmem:$0x18A00] =	vst v63  }
0x381: {  	s31 =	sadd.s32 $0xCAD0, s26;
	s3 =	sadd.s32 $0x10, s29  }
0x382: {  	[tilespmem:s31], [sflag:s28] =	stream.linear.gather [hbm4b:s3+s4], $0x10, $0x38;
	[tilespmem:$0x18A00] =	vst v63  }
0x383: {  	s3 =	sadd.s32 $0x20, s29;
	s31 =	sadd.s32 $0xCB50, s26  }
0x384: {  	[tilespmem:s31], [sflag:s28] =	stream.linear.gather [hbm4b:s3+s4], $0x10, $0x38;
	[tilespmem:$0x18A00] =	vst v63  }
0x385: {  	s3 =	sadd.s32 $0x30, s29;
	s31 =	sadd.s32 $0xCBD0, s26  }
0x386: {  	[tilespmem:s31], [sflag:s28] =	stream.linear.gather [hbm4b:s3+s4], $0x10, $0x38;
	[tilespmem:$0x18A00] =	vst v63  }
0x387: {  	s3 =	sadd.s32 $0x40, s29;
	s31 =	sadd.s32 $0xCC50, s26  }
0x388: {  	[tilespmem:s31], [sflag:s28] =	stream.linear.gather [hbm4b:s3+s4], $0x10, $0x38;
	[tilespmem:$0x18A00] =	vst v63  }
0x389: {  	s3 =	sadd.s32 $0x50, s29;
	s31 =	sadd.s32 $0xCCD0, s26  }
0x38a: {  	[tilespmem:s31], [sflag:s28] =	stream.linear.gather [hbm4b:s3+s4], $0x10, $0x38;
	[tilespmem:$0x18A00] =	vst v63  }
0x38b: {  	s3 =	sadd.s32 $0x60, s29;
	s31 =	sadd.s32 $0xCD50, s26  }
0x38c: {  	[tilespmem:s31], [sflag:s28] =	stream.linear.gather [hbm4b:s3+s4], $0x10, $0x38;
	[tilespmem:$0x18A00] =	vst v63  }
0x38d: {  	s3 =	sadd.s32 $0x70, s29;
	s31 =	sadd.s32 $0xCDD0, s26  }
0x38e: {  	[tilespmem:s31], [sflag:s28] =	stream.linear.gather [hbm4b:s3+s4], $0x10, $0x38;
	[tilespmem:$0x18A00] =	vst v63  }
0x38f: {  	s3 =	sadd.s32 $0xF4280, s29;
	s31 =	sadd.s32 $0xD250, s26  }
0x390: {  	[tilespmem:s31], [sflag:s28] =	stream.linear.gather [hbm4b:s3+s4], $0x10, $0x38;
	[tilespmem:$0x18A00] =	vst v63  }
0x391: {  	s30 =	sadd.s32 $0x10, s3;
	s31 =	sadd.s32 $0xD2D0, s26  }
0x392: {  	[tilespmem:s31], [sflag:s28] =	stream.linear.gather [hbm4b:s30+s4], $0x10, $0x38;
	[tilespmem:$0x18A00] =	vst v63  }
0x393: {  	s30 =	sadd.s32 $0x20, s3;
	s31 =	sadd.s32 $0xD350, s26  }
0x394: {  	[tilespmem:s31], [sflag:s28] =	stream.linear.gather [hbm4b:s30+s4], $0x10, $0x38;
	[tilespmem:$0x18A00] =	vst v63  }
0x395: {  	s30 =	sadd.s32 $0x30, s3;
	s31 =	sadd.s32 $0xD3D0, s26  }
0x396: {  	[tilespmem:s31], [sflag:s28] =	stream.linear.gather [hbm4b:s30+s4], $0x10, $0x38;
	[tilespmem:$0x18A00] =	vst v63  }
0x397: {  	s30 =	sadd.s32 $0x40, s3;
	s31 =	sadd.s32 $0xD450, s26  }
0x398: {  	[tilespmem:s31], [sflag:s28] =	stream.linear.gather [hbm4b:s30+s4], $0x10, $0x38;
	[tilespmem:$0x18A00] =	vst v63  }
0x399: {  	s30 =	sadd.s32 $0x50, s3;
	s31 =	sadd.s32 $0xD4D0, s26  }
0x39a: {  	[tilespmem:s31], [sflag:s28] =	stream.linear.gather [hbm4b:s30+s4], $0x10, $0x38;
	[tilespmem:$0x18A00] =	vst v63  }
0x39b: {  	s30 =	sadd.s32 $0x60, s3;
	s31 =	sadd.s32 $0xD550, s26  }
0x39c: {  	[tilespmem:s31], [sflag:s28] =	stream.linear.gather [hbm4b:s30+s4], $0x10, $0x38;
	[tilespmem:$0x18A00] =	vst v63  }
0x39d: {  	s3 =	sadd.s32 $0x70, s3;
	s31 =	sadd.s32 $0xD5D0, s26  }
0x39e: {  	[tilespmem:s31], [sflag:s28] =	stream.linear.gather [hbm4b:s3+s4], $0x10, $0x38;
	[tilespmem:$0x18A00] =	vst v63  }
0x39f: {  	s3 =	sadd.s32 $0x1E8500, s29;
	s31 =	sadd.s32 $0xDA50, s26  }
0x3a0: {  	[tilespmem:s31], [sflag:s28] =	stream.linear.gather [hbm4b:s3+s4], $0x10, $0x38;
	[tilespmem:$0x18A00] =	vst v63  }
0x3a1: {  	s30 =	sadd.s32 $0x10, s3;
	s31 =	sadd.s32 $0xDAD0, s26  }
0x3a2: {  	[tilespmem:s31], [sflag:s28] =	stream.linear.gather [hbm4b:s30+s4], $0x10, $0x38;
	[tilespmem:$0x18A00] =	vst v63  }
0x3a3: {  	s30 =	sadd.s32 $0x20, s3;
	s31 =	sadd.s32 $0xDB50, s26  }
0x3a4: {  	[tilespmem:s31], [sflag:s28] =	stream.linear.gather [hbm4b:s30+s4], $0x10, $0x38;
	[tilespmem:$0x18A00] =	vst v63  }
0x3a5: {  	s30 =	sadd.s32 $0x30, s3;
	s31 =	sadd.s32 $0xDBD0, s26  }
0x3a6: {  	[tilespmem:s31], [sflag:s28] =	stream.linear.gather [hbm4b:s30+s4], $0x10, $0x38;
	[tilespmem:$0x18A00] =	vst v63  }
0x3a7: {  	s30 =	sadd.s32 $0x40, s3;
	s31 =	sadd.s32 $0xDC50, s26  }
0x3a8: {  	[tilespmem:s31], [sflag:s28] =	stream.linear.gather [hbm4b:s30+s4], $0x10, $0x38;
	[tilespmem:$0x18A00] =	vst v63  }
0x3a9: {  	s30 =	sadd.s32 $0x50, s3;
	s31 =	sadd.s32 $0xDCD0, s26  }
0x3aa: {  	[tilespmem:s31], [sflag:s28] =	stream.linear.gather [hbm4b:s30+s4], $0x10, $0x38;
	[tilespmem:$0x18A00] =	vst v63  }
0x3ab: {  	s30 =	sadd.s32 $0x60, s3;
	s31 =	sadd.s32 $0xDD50, s26  }
0x3ac: {  	[tilespmem:s31], [sflag:s28] =	stream.linear.gather [hbm4b:s30+s4], $0x10, $0x38;
	[tilespmem:$0x18A00] =	vst v63  }
0x3ad: {  	s3 =	sadd.s32 $0x70, s3;
	s31 =	sadd.s32 $0xDDD0, s26  }
0x3ae: {  	(v2sf) =	vpush v35, $0x6;
	[tilespmem:s31], [sflag:s28] =	stream.linear.gather [hbm4b:s3+s4], $0x10, $0x38;
	[tilespmem:$0x18A00] =	vst v63  }
0x3af: {  	s30 =	sadd.s32 $0xE250, s26;
	s3 =	sadd.s32 $0x2DC780, s29  }
0x3b0: {  	[tilespmem:s30], [sflag:s28] =	stream.linear.gather [hbm4b:s3+s4], $0x10, $0x38;
	[tilespmem:$0x18A00] =	vst v63  }
0x3b1: {  	s31 =	sadd.s32 $0xE2D0, s26;
	s29 =	sadd.s32 $0x10, s3  }
0x3b2: {  	[tilespmem:s31], [sflag:s28] =	stream.linear.gather [hbm4b:s29+s4], $0x10, $0x38;
	[tilespmem:$0x18A00] =	vst v63  }
0x3b3: {  	s29 =	sadd.s32 $0x20, s3;
	s31 =	sadd.s32 $0xE350, s26  }
0x3b4: {  	[tilespmem:s31], [sflag:s28] =	stream.linear.gather [hbm4b:s29+s4], $0x10, $0x38;
	[tilespmem:$0x18A00] =	vst v63  }
0x3b5: {  	s29 =	sadd.s32 $0x30, s3;
	s31 =	sadd.s32 $0xE3D0, s26  }
0x3b6: {  	[tilespmem:s31], [sflag:s28] =	stream.linear.gather [hbm4b:s29+s4], $0x10, $0x38;
	[tilespmem:$0x18A00] =	vst v63  }
0x3b7: {  	s29 =	sadd.s32 $0x40, s3;
	s31 =	sadd.s32 $0xE450, s26  }
0x3b8: {  	[tilespmem:s31], [sflag:s28] =	stream.linear.gather [hbm4b:s29+s4], $0x10, $0x38;
	[tilespmem:$0x18A00] =	vst v63  }
0x3b9: {  	s29 =	sadd.s32 $0x50, s3;
	s31 =	sadd.s32 $0xE4D0, s26  }
0x3ba: {  	[tilespmem:s31], [sflag:s28] =	stream.linear.gather [hbm4b:s29+s4], $0x10, $0x38;
	[tilespmem:$0x18A00] =	vst v63  }
0x3bb: {  	s29 =	sadd.s32 $0x60, s3;
	s31 =	sadd.s32 $0xE550, s26  }
0x3bc: {  	[tilespmem:s31], [sflag:s28] =	stream.linear.gather [hbm4b:s29+s4], $0x10, $0x38;
	[tilespmem:$0x18A00] =	vst v63  }
0x3bd: {  	s30 =	spop (v2sf);
	s3 =	sadd.s32 $0x70, s3;
	s31 =	sadd.s32 $0xE5D0, s26  }
0x3be: {  	[tilespmem:s31], [sflag:s28] =	stream.linear.gather [hbm4b:s3+s4], $0x10, $0x38;
	[tilespmem:$0x18A00] =	vst v63  }
0x3bf: {  	s31 =	sshll.u32 s30, $0x3  }
0x3c0: {  	s3 =	sand.u32 $0x70, s30;
	s29 =	sand.u32 $0xFFFFFC00, s31  }
0x3c1: {  	s3 =	sor.u32 s3, s29  }
0x3c2: {  	s3 =	sshrl.u32 s3, $0x3  }
0x3c3: {  	s30 =	sor.u32 $0xA60, s26;
	s29 =	sadd.s32 s1, s3  }
0x3c4: {  	[tilespmem:s30], [sflag:s28] =	stream.linear.gather [hbm4b:s29+s4], $0x10, $0x38;
	[tilespmem:$0x18A00] =	vst v63  }
0x3c5: {  	s31 =	sor.u32 $0xAE0, s26;
	s3 =	sadd.s32 $0x10, s29  }
0x3c6: {  	[tilespmem:s31], [sflag:s28] =	stream.linear.gather [hbm4b:s3+s4], $0x10, $0x38;
	[tilespmem:$0x18A00] =	vst v63  }
0x3c7: {  	s3 =	sadd.s32 $0x20, s29;
	s31 =	sor.u32 $0xB60, s26  }
0x3c8: {  	[tilespmem:s31], [sflag:s28] =	stream.linear.gather [hbm4b:s3+s4], $0x10, $0x38;
	[tilespmem:$0x18A00] =	vst v63  }
0x3c9: {  	s3 =	sadd.s32 $0x30, s29;
	s31 =	sor.u32 $0xBE0, s26  }
0x3ca: {  	[tilespmem:s31], [sflag:s28] =	stream.linear.gather [hbm4b:s3+s4], $0x10, $0x38;
	[tilespmem:$0x18A00] =	vst v63  }
0x3cb: {  	s3 =	sadd.s32 $0x40, s29;
	s31 =	sor.u32 $0xC60, s26  }
0x3cc: {  	[tilespmem:s31], [sflag:s28] =	stream.linear.gather [hbm4b:s3+s4], $0x10, $0x38;
	[tilespmem:$0x18A00] =	vst v63  }
0x3cd: {  	s3 =	sadd.s32 $0x50, s29;
	s31 =	sor.u32 $0xCE0, s26  }
0x3ce: {  	[tilespmem:s31], [sflag:s28] =	stream.linear.gather [hbm4b:s3+s4], $0x10, $0x38;
	[tilespmem:$0x18A00] =	vst v63  }
0x3cf: {  	s3 =	sadd.s32 $0x60, s29;
	s31 =	sor.u32 $0xD60, s26  }
0x3d0: {  	[tilespmem:s31], [sflag:s28] =	stream.linear.gather [hbm4b:s3+s4], $0x10, $0x38;
	[tilespmem:$0x18A00] =	vst v63  }
0x3d1: {  	s3 =	sadd.s32 $0x70, s29;
	s31 =	sor.u32 $0xDE0, s26  }
0x3d2: {  	[tilespmem:s31], [sflag:s28] =	stream.linear.gather [hbm4b:s3+s4], $0x10, $0x38;
	[tilespmem:$0x18A00] =	vst v63  }
0x3d3: {  	s3 =	sadd.s32 $0xF4280, s29;
	s31 =	sor.u32 $0x1260, s26  }
0x3d4: {  	[tilespmem:s31], [sflag:s28] =	stream.linear.gather [hbm4b:s3+s4], $0x10, $0x38;
	[tilespmem:$0x18A00] =	vst v63  }
0x3d5: {  	s30 =	sadd.s32 $0x10, s3;
	s31 =	sor.u32 $0x12E0, s26  }
0x3d6: {  	[tilespmem:s31], [sflag:s28] =	stream.linear.gather [hbm4b:s30+s4], $0x10, $0x38;
	[tilespmem:$0x18A00] =	vst v63  }
0x3d7: {  	s30 =	sadd.s32 $0x20, s3;
	s31 =	sor.u32 $0x1360, s26  }
0x3d8: {  	[tilespmem:s31], [sflag:s28] =	stream.linear.gather [hbm4b:s30+s4], $0x10, $0x38;
	[tilespmem:$0x18A00] =	vst v63  }
0x3d9: {  	s30 =	sadd.s32 $0x30, s3;
	s31 =	sor.u32 $0x13E0, s26  }
0x3da: {  	[tilespmem:s31], [sflag:s28] =	stream.linear.gather [hbm4b:s30+s4], $0x10, $0x38;
	[tilespmem:$0x18A00] =	vst v63  }
0x3db: {  	s30 =	sadd.s32 $0x40, s3;
	s31 =	sor.u32 $0x1460, s26  }
0x3dc: {  	[tilespmem:s31], [sflag:s28] =	stream.linear.gather [hbm4b:s30+s4], $0x10, $0x38;
	[tilespmem:$0x18A00] =	vst v63  }
0x3dd: {  	s30 =	sadd.s32 $0x50, s3;
	s31 =	sor.u32 $0x14E0, s26  }
0x3de: {  	[tilespmem:s31], [sflag:s28] =	stream.linear.gather [hbm4b:s30+s4], $0x10, $0x38;
	[tilespmem:$0x18A00] =	vst v63  }
0x3df: {  	s30 =	sadd.s32 $0x60, s3;
	s31 =	sor.u32 $0x1560, s26  }
0x3e0: {  	[tilespmem:s31], [sflag:s28] =	stream.linear.gather [hbm4b:s30+s4], $0x10, $0x38;
	[tilespmem:$0x18A00] =	vst v63  }
0x3e1: {  	s3 =	sadd.s32 $0x70, s3;
	s31 =	sor.u32 $0x15E0, s26  }
0x3e2: {  	[tilespmem:s31], [sflag:s28] =	stream.linear.gather [hbm4b:s3+s4], $0x10, $0x38;
	[tilespmem:$0x18A00] =	vst v63  }
0x3e3: {  	s3 =	sadd.s32 $0x1E8500, s29;
	s31 =	sor.u32 $0x1A60, s26  }
0x3e4: {  	[tilespmem:s31], [sflag:s28] =	stream.linear.gather [hbm4b:s3+s4], $0x10, $0x38;
	[tilespmem:$0x18A00] =	vst v63  }
0x3e5: {  	s30 =	sadd.s32 $0x10, s3;
	s31 =	sor.u32 $0x1AE0, s26  }
0x3e6: {  	[tilespmem:s31], [sflag:s28] =	stream.linear.gather [hbm4b:s30+s4], $0x10, $0x38;
	[tilespmem:$0x18A00] =	vst v63  }
0x3e7: {  	s30 =	sadd.s32 $0x20, s3;
	s31 =	sor.u32 $0x1B60, s26  }
0x3e8: {  	[tilespmem:s31], [sflag:s28] =	stream.linear.gather [hbm4b:s30+s4], $0x10, $0x38;
	[tilespmem:$0x18A00] =	vst v63  }
0x3e9: {  	s30 =	sadd.s32 $0x30, s3;
	s31 =	sor.u32 $0x1BE0, s26  }
0x3ea: {  	[tilespmem:s31], [sflag:s28] =	stream.linear.gather [hbm4b:s30+s4], $0x10, $0x38;
	[tilespmem:$0x18A00] =	vst v63  }
0x3eb: {  	s30 =	sadd.s32 $0x40, s3;
	s31 =	sor.u32 $0x1C60, s26  }
0x3ec: {  	[tilespmem:s31], [sflag:s28] =	stream.linear.gather [hbm4b:s30+s4], $0x10, $0x38;
	[tilespmem:$0x18A00] =	vst v63  }
0x3ed: {  	s30 =	sadd.s32 $0x50, s3;
	s31 =	sor.u32 $0x1CE0, s26  }
0x3ee: {  	[tilespmem:s31], [sflag:s28] =	stream.linear.gather [hbm4b:s30+s4], $0x10, $0x38;
	[tilespmem:$0x18A00] =	vst v63  }
0x3ef: {  	s30 =	sadd.s32 $0x60, s3;
	s31 =	sor.u32 $0x1D60, s26  }
0x3f0: {  	[tilespmem:s31], [sflag:s28] =	stream.linear.gather [hbm4b:s30+s4], $0x10, $0x38;
	[tilespmem:$0x18A00] =	vst v63  }
0x3f1: {  	s3 =	sadd.s32 $0x70, s3;
	s31 =	sor.u32 $0x1DE0, s26  }
0x3f2: {  	(v2sf) =	vpush v34, $0x6;
	[tilespmem:s31], [sflag:s28] =	stream.linear.gather [hbm4b:s3+s4], $0x10, $0x38;
	[tilespmem:$0x18A00] =	vst v63  }
0x3f3: {  	s30 =	sadd.s32 $0x2260, s26;
	s3 =	sadd.s32 $0x2DC780, s29  }
0x3f4: {  	[tilespmem:s30], [sflag:s28] =	stream.linear.gather [hbm4b:s3+s4], $0x10, $0x38;
	[tilespmem:$0x18A00] =	vst v63  }
0x3f5: {  	s31 =	sadd.s32 $0x22E0, s26;
	s29 =	sadd.s32 $0x10, s3  }
0x3f6: {  	[tilespmem:s31], [sflag:s28] =	stream.linear.gather [hbm4b:s29+s4], $0x10, $0x38;
	[tilespmem:$0x18A00] =	vst v63  }
0x3f7: {  	s29 =	sadd.s32 $0x20, s3;
	s31 =	sadd.s32 $0x2360, s26  }
0x3f8: {  	[tilespmem:s31], [sflag:s28] =	stream.linear.gather [hbm4b:s29+s4], $0x10, $0x38;
	[tilespmem:$0x18A00] =	vst v63  }
0x3f9: {  	s29 =	sadd.s32 $0x30, s3;
	s31 =	sadd.s32 $0x23E0, s26  }
0x3fa: {  	[tilespmem:s31], [sflag:s28] =	stream.linear.gather [hbm4b:s29+s4], $0x10, $0x38;
	[tilespmem:$0x18A00] =	vst v63  }
0x3fb: {  	s29 =	sadd.s32 $0x40, s3;
	s31 =	sadd.s32 $0x2460, s26  }
0x3fc: {  	[tilespmem:s31], [sflag:s28] =	stream.linear.gather [hbm4b:s29+s4], $0x10, $0x38;
	[tilespmem:$0x18A00] =	vst v63  }
0x3fd: {  	s29 =	sadd.s32 $0x50, s3;
	s31 =	sadd.s32 $0x24E0, s26  }
0x3fe: {  	[tilespmem:s31], [sflag:s28] =	stream.linear.gather [hbm4b:s29+s4], $0x10, $0x38;
	[tilespmem:$0x18A00] =	vst v63  }
0x3ff: {  	s29 =	sadd.s32 $0x60, s3;
	s31 =	sadd.s32 $0x2560, s26  }
0x400: {  	[tilespmem:s31], [sflag:s28] =	stream.linear.gather [hbm4b:s29+s4], $0x10, $0x38;
	[tilespmem:$0x18A00] =	vst v63  }
0x401: {  	s30 =	spop (v2sf);
	s3 =	sadd.s32 $0x70, s3;
	s31 =	sadd.s32 $0x25E0, s26  }
0x402: {  	[tilespmem:s31], [sflag:s28] =	stream.linear.gather [hbm4b:s3+s4], $0x10, $0x38;
	[tilespmem:$0x18A00] =	vst v63  }
0x403: {  	s31 =	sshll.u32 s30, $0x3  }
0x404: {  	s3 =	sand.u32 $0x70, s30;
	s29 =	sand.u32 $0xFFFFFC00, s31  }
0x405: {  	s3 =	sor.u32 s3, s29  }
0x406: {  	s3 =	sshrl.u32 s3, $0x3  }
0x407: {  	s30 =	sadd.s32 $0xCA60, s26;
	s29 =	sadd.s32 s2, s3  }
0x408: {  	[tilespmem:s30], [sflag:s28] =	stream.linear.gather [hbm4b:s29+s4], $0x10, $0x38;
	[tilespmem:$0x18A00] =	vst v63  }
0x409: {  	s31 =	sadd.s32 $0xCAE0, s26;
	s3 =	sadd.s32 $0x10, s29  }
0x40a: {  	[tilespmem:s31], [sflag:s28] =	stream.linear.gather [hbm4b:s3+s4], $0x10, $0x38;
	[tilespmem:$0x18A00] =	vst v63  }
0x40b: {  	s3 =	sadd.s32 $0x20, s29;
	s31 =	sadd.s32 $0xCB60, s26  }
0x40c: {  	[tilespmem:s31], [sflag:s28] =	stream.linear.gather [hbm4b:s3+s4], $0x10, $0x38;
	[tilespmem:$0x18A00] =	vst v63  }
0x40d: {  	s3 =	sadd.s32 $0x30, s29;
	s31 =	sadd.s32 $0xCBE0, s26  }
0x40e: {  	[tilespmem:s31], [sflag:s28] =	stream.linear.gather [hbm4b:s3+s4], $0x10, $0x38;
	[tilespmem:$0x18A00] =	vst v63  }
0x40f: {  	s3 =	sadd.s32 $0x40, s29;
	s31 =	sadd.s32 $0xCC60, s26  }
0x410: {  	[tilespmem:s31], [sflag:s28] =	stream.linear.gather [hbm4b:s3+s4], $0x10, $0x38;
	[tilespmem:$0x18A00] =	vst v63  }
0x411: {  	s3 =	sadd.s32 $0x50, s29;
	s31 =	sadd.s32 $0xCCE0, s26  }
0x412: {  	[tilespmem:s31], [sflag:s28] =	stream.linear.gather [hbm4b:s3+s4], $0x10, $0x38;
	[tilespmem:$0x18A00] =	vst v63  }
0x413: {  	s3 =	sadd.s32 $0x60, s29;
	s31 =	sadd.s32 $0xCD60, s26  }
0x414: {  	[tilespmem:s31], [sflag:s28] =	stream.linear.gather [hbm4b:s3+s4], $0x10, $0x38;
	[tilespmem:$0x18A00] =	vst v63  }
0x415: {  	s3 =	sadd.s32 $0x70, s29;
	s31 =	sadd.s32 $0xCDE0, s26  }
0x416: {  	[tilespmem:s31], [sflag:s28] =	stream.linear.gather [hbm4b:s3+s4], $0x10, $0x38;
	[tilespmem:$0x18A00] =	vst v63  }
0x417: {  	s3 =	sadd.s32 $0xF4280, s29;
	s31 =	sadd.s32 $0xD260, s26  }
0x418: {  	[tilespmem:s31], [sflag:s28] =	stream.linear.gather [hbm4b:s3+s4], $0x10, $0x38;
	[tilespmem:$0x18A00] =	vst v63  }
0x419: {  	s30 =	sadd.s32 $0x10, s3;
	s31 =	sadd.s32 $0xD2E0, s26  }
0x41a: {  	[tilespmem:s31], [sflag:s28] =	stream.linear.gather [hbm4b:s30+s4], $0x10, $0x38;
	[tilespmem:$0x18A00] =	vst v63  }
0x41b: {  	s30 =	sadd.s32 $0x20, s3;
	s31 =	sadd.s32 $0xD360, s26  }
0x41c: {  	[tilespmem:s31], [sflag:s28] =	stream.linear.gather [hbm4b:s30+s4], $0x10, $0x38;
	[tilespmem:$0x18A00] =	vst v63  }
0x41d: {  	s30 =	sadd.s32 $0x30, s3;
	s31 =	sadd.s32 $0xD3E0, s26  }
0x41e: {  	[tilespmem:s31], [sflag:s28] =	stream.linear.gather [hbm4b:s30+s4], $0x10, $0x38;
	[tilespmem:$0x18A00] =	vst v63  }
0x41f: {  	s30 =	sadd.s32 $0x40, s3;
	s31 =	sadd.s32 $0xD460, s26  }
0x420: {  	[tilespmem:s31], [sflag:s28] =	stream.linear.gather [hbm4b:s30+s4], $0x10, $0x38;
	[tilespmem:$0x18A00] =	vst v63  }
0x421: {  	s30 =	sadd.s32 $0x50, s3;
	s31 =	sadd.s32 $0xD4E0, s26  }
0x422: {  	[tilespmem:s31], [sflag:s28] =	stream.linear.gather [hbm4b:s30+s4], $0x10, $0x38;
	[tilespmem:$0x18A00] =	vst v63  }
0x423: {  	s30 =	sadd.s32 $0x60, s3;
	s31 =	sadd.s32 $0xD560, s26  }
0x424: {  	[tilespmem:s31], [sflag:s28] =	stream.linear.gather [hbm4b:s30+s4], $0x10, $0x38;
	[tilespmem:$0x18A00] =	vst v63  }
0x425: {  	s3 =	sadd.s32 $0x70, s3;
	s31 =	sadd.s32 $0xD5E0, s26  }
0x426: {  	[tilespmem:s31], [sflag:s28] =	stream.linear.gather [hbm4b:s3+s4], $0x10, $0x38;
	[tilespmem:$0x18A00] =	vst v63  }
0x427: {  	s3 =	sadd.s32 $0x1E8500, s29;
	s31 =	sadd.s32 $0xDA60, s26  }
0x428: {  	[tilespmem:s31], [sflag:s28] =	stream.linear.gather [hbm4b:s3+s4], $0x10, $0x38;
	[tilespmem:$0x18A00] =	vst v63  }
0x429: {  	s30 =	sadd.s32 $0x10, s3;
	s31 =	sadd.s32 $0xDAE0, s26  }
0x42a: {  	[tilespmem:s31], [sflag:s28] =	stream.linear.gather [hbm4b:s30+s4], $0x10, $0x38;
	[tilespmem:$0x18A00] =	vst v63  }
0x42b: {  	s30 =	sadd.s32 $0x20, s3;
	s31 =	sadd.s32 $0xDB60, s26  }
0x42c: {  	[tilespmem:s31], [sflag:s28] =	stream.linear.gather [hbm4b:s30+s4], $0x10, $0x38;
	[tilespmem:$0x18A00] =	vst v63  }
0x42d: {  	s30 =	sadd.s32 $0x30, s3;
	s31 =	sadd.s32 $0xDBE0, s26  }
0x42e: {  	[tilespmem:s31], [sflag:s28] =	stream.linear.gather [hbm4b:s30+s4], $0x10, $0x38;
	[tilespmem:$0x18A00] =	vst v63  }
0x42f: {  	s30 =	sadd.s32 $0x40, s3;
	s31 =	sadd.s32 $0xDC60, s26  }
0x430: {  	[tilespmem:s31], [sflag:s28] =	stream.linear.gather [hbm4b:s30+s4], $0x10, $0x38;
	[tilespmem:$0x18A00] =	vst v63  }
0x431: {  	s30 =	sadd.s32 $0x50, s3;
	s31 =	sadd.s32 $0xDCE0, s26  }
0x432: {  	[tilespmem:s31], [sflag:s28] =	stream.linear.gather [hbm4b:s30+s4], $0x10, $0x38;
	[tilespmem:$0x18A00] =	vst v63  }
0x433: {  	s30 =	sadd.s32 $0x60, s3;
	s31 =	sadd.s32 $0xDD60, s26  }
0x434: {  	[tilespmem:s31], [sflag:s28] =	stream.linear.gather [hbm4b:s30+s4], $0x10, $0x38;
	[tilespmem:$0x18A00] =	vst v63  }
0x435: {  	s3 =	sadd.s32 $0x70, s3;
	s31 =	sadd.s32 $0xDDE0, s26  }
0x436: {  	(v2sf) =	vpush v35, $0x7;
	[tilespmem:s31], [sflag:s28] =	stream.linear.gather [hbm4b:s3+s4], $0x10, $0x38;
	[tilespmem:$0x18A00] =	vst v63  }
0x437: {  	s30 =	sadd.s32 $0xE260, s26;
	s3 =	sadd.s32 $0x2DC780, s29  }
0x438: {  	[tilespmem:s30], [sflag:s28] =	stream.linear.gather [hbm4b:s3+s4], $0x10, $0x38;
	[tilespmem:$0x18A00] =	vst v63  }
0x439: {  	s31 =	sadd.s32 $0xE2E0, s26;
	s29 =	sadd.s32 $0x10, s3  }
0x43a: {  	[tilespmem:s31], [sflag:s28] =	stream.linear.gather [hbm4b:s29+s4], $0x10, $0x38;
	[tilespmem:$0x18A00] =	vst v63  }
0x43b: {  	s29 =	sadd.s32 $0x20, s3;
	s31 =	sadd.s32 $0xE360, s26  }
0x43c: {  	[tilespmem:s31], [sflag:s28] =	stream.linear.gather [hbm4b:s29+s4], $0x10, $0x38;
	[tilespmem:$0x18A00] =	vst v63  }
0x43d: {  	s29 =	sadd.s32 $0x30, s3;
	s31 =	sadd.s32 $0xE3E0, s26  }
0x43e: {  	[tilespmem:s31], [sflag:s28] =	stream.linear.gather [hbm4b:s29+s4], $0x10, $0x38;
	[tilespmem:$0x18A00] =	vst v63  }
0x43f: {  	s29 =	sadd.s32 $0x40, s3;
	s31 =	sadd.s32 $0xE460, s26  }
0x440: {  	[tilespmem:s31], [sflag:s28] =	stream.linear.gather [hbm4b:s29+s4], $0x10, $0x38;
	[tilespmem:$0x18A00] =	vst v63  }
0x441: {  	s29 =	sadd.s32 $0x50, s3;
	s31 =	sadd.s32 $0xE4E0, s26  }
0x442: {  	[tilespmem:s31], [sflag:s28] =	stream.linear.gather [hbm4b:s29+s4], $0x10, $0x38;
	[tilespmem:$0x18A00] =	vst v63  }
0x443: {  	s29 =	sadd.s32 $0x60, s3;
	s31 =	sadd.s32 $0xE560, s26  }
0x444: {  	[tilespmem:s31], [sflag:s28] =	stream.linear.gather [hbm4b:s29+s4], $0x10, $0x38;
	[tilespmem:$0x18A00] =	vst v63  }
0x445: {  	s30 =	spop (v2sf);
	s3 =	sadd.s32 $0x70, s3;
	s31 =	sadd.s32 $0xE5E0, s26  }
0x446: {  	[tilespmem:s31], [sflag:s28] =	stream.linear.gather [hbm4b:s3+s4], $0x10, $0x38;
	[tilespmem:$0x18A00] =	vst v63  }
0x447: {  	s31 =	sshll.u32 s30, $0x3  }
0x448: {  	s3 =	sand.u32 $0x70, s30;
	s29 =	sand.u32 $0xFFFFFC00, s31  }
0x449: {  	s3 =	sor.u32 s3, s29  }
0x44a: {  	s3 =	sshrl.u32 s3, $0x3  }
0x44b: {  	s30 =	sor.u32 $0xA70, s26;
	s29 =	sadd.s32 s1, s3  }
0x44c: {  	[tilespmem:s30], [sflag:s28] =	stream.linear.gather [hbm4b:s29+s4], $0x10, $0x38;
	[tilespmem:$0x18A00] =	vst v63  }
0x44d: {  	s31 =	sor.u32 $0xAF0, s26;
	s3 =	sadd.s32 $0x10, s29  }
0x44e: {  	[tilespmem:s31], [sflag:s28] =	stream.linear.gather [hbm4b:s3+s4], $0x10, $0x38;
	[tilespmem:$0x18A00] =	vst v63  }
0x44f: {  	s3 =	sadd.s32 $0x20, s29;
	s31 =	sor.u32 $0xB70, s26  }
0x450: {  	[tilespmem:s31], [sflag:s28] =	stream.linear.gather [hbm4b:s3+s4], $0x10, $0x38;
	[tilespmem:$0x18A00] =	vst v63  }
0x451: {  	s3 =	sadd.s32 $0x30, s29;
	s31 =	sor.u32 $0xBF0, s26  }
0x452: {  	[tilespmem:s31], [sflag:s28] =	stream.linear.gather [hbm4b:s3+s4], $0x10, $0x38;
	[tilespmem:$0x18A00] =	vst v63  }
0x453: {  	s3 =	sadd.s32 $0x40, s29;
	s31 =	sor.u32 $0xC70, s26  }
0x454: {  	[tilespmem:s31], [sflag:s28] =	stream.linear.gather [hbm4b:s3+s4], $0x10, $0x38;
	[tilespmem:$0x18A00] =	vst v63  }
0x455: {  	s3 =	sadd.s32 $0x50, s29;
	s31 =	sor.u32 $0xCF0, s26  }
0x456: {  	[tilespmem:s31], [sflag:s28] =	stream.linear.gather [hbm4b:s3+s4], $0x10, $0x38;
	[tilespmem:$0x18A00] =	vst v63  }
0x457: {  	s3 =	sadd.s32 $0x60, s29;
	s31 =	sor.u32 $0xD70, s26  }
0x458: {  	[tilespmem:s31], [sflag:s28] =	stream.linear.gather [hbm4b:s3+s4], $0x10, $0x38;
	[tilespmem:$0x18A00] =	vst v63  }
0x459: {  	s3 =	sadd.s32 $0x70, s29;
	s31 =	sor.u32 $0xDF0, s26  }
0x45a: {  	[tilespmem:s31], [sflag:s28] =	stream.linear.gather [hbm4b:s3+s4], $0x10, $0x38;
	[tilespmem:$0x18A00] =	vst v63  }
0x45b: {  	s3 =	sadd.s32 $0xF4280, s29;
	s31 =	sor.u32 $0x1270, s26  }
0x45c: {  	[tilespmem:s31], [sflag:s28] =	stream.linear.gather [hbm4b:s3+s4], $0x10, $0x38;
	[tilespmem:$0x18A00] =	vst v63  }
0x45d: {  	s30 =	sadd.s32 $0x10, s3;
	s31 =	sor.u32 $0x12F0, s26  }
0x45e: {  	[tilespmem:s31], [sflag:s28] =	stream.linear.gather [hbm4b:s30+s4], $0x10, $0x38;
	[tilespmem:$0x18A00] =	vst v63  }
0x45f: {  	s30 =	sadd.s32 $0x20, s3;
	s31 =	sor.u32 $0x1370, s26  }
0x460: {  	[tilespmem:s31], [sflag:s28] =	stream.linear.gather [hbm4b:s30+s4], $0x10, $0x38;
	[tilespmem:$0x18A00] =	vst v63  }
0x461: {  	s30 =	sadd.s32 $0x30, s3;
	s31 =	sor.u32 $0x13F0, s26  }
0x462: {  	[tilespmem:s31], [sflag:s28] =	stream.linear.gather [hbm4b:s30+s4], $0x10, $0x38;
	[tilespmem:$0x18A00] =	vst v63  }
0x463: {  	s30 =	sadd.s32 $0x40, s3;
	s31 =	sor.u32 $0x1470, s26  }
0x464: {  	[tilespmem:s31], [sflag:s28] =	stream.linear.gather [hbm4b:s30+s4], $0x10, $0x38;
	[tilespmem:$0x18A00] =	vst v63  }
0x465: {  	s30 =	sadd.s32 $0x50, s3;
	s31 =	sor.u32 $0x14F0, s26  }
0x466: {  	[tilespmem:s31], [sflag:s28] =	stream.linear.gather [hbm4b:s30+s4], $0x10, $0x38;
	[tilespmem:$0x18A00] =	vst v63  }
0x467: {  	s30 =	sadd.s32 $0x60, s3;
	s31 =	sor.u32 $0x1570, s26  }
0x468: {  	[tilespmem:s31], [sflag:s28] =	stream.linear.gather [hbm4b:s30+s4], $0x10, $0x38;
	[tilespmem:$0x18A00] =	vst v63  }
0x469: {  	s3 =	sadd.s32 $0x70, s3;
	s31 =	sor.u32 $0x15F0, s26  }
0x46a: {  	[tilespmem:s31], [sflag:s28] =	stream.linear.gather [hbm4b:s3+s4], $0x10, $0x38;
	[tilespmem:$0x18A00] =	vst v63  }
0x46b: {  	s3 =	sadd.s32 $0x1E8500, s29;
	s31 =	sor.u32 $0x1A70, s26  }
0x46c: {  	[tilespmem:s31], [sflag:s28] =	stream.linear.gather [hbm4b:s3+s4], $0x10, $0x38;
	[tilespmem:$0x18A00] =	vst v63  }
0x46d: {  	s30 =	sadd.s32 $0x10, s3;
	s31 =	sor.u32 $0x1AF0, s26  }
0x46e: {  	[tilespmem:s31], [sflag:s28] =	stream.linear.gather [hbm4b:s30+s4], $0x10, $0x38;
	[tilespmem:$0x18A00] =	vst v63  }
0x46f: {  	s30 =	sadd.s32 $0x20, s3;
	s31 =	sor.u32 $0x1B70, s26  }
0x470: {  	[tilespmem:s31], [sflag:s28] =	stream.linear.gather [hbm4b:s30+s4], $0x10, $0x38;
	[tilespmem:$0x18A00] =	vst v63  }
0x471: {  	s30 =	sadd.s32 $0x30, s3;
	s31 =	sor.u32 $0x1BF0, s26  }
0x472: {  	[tilespmem:s31], [sflag:s28] =	stream.linear.gather [hbm4b:s30+s4], $0x10, $0x38;
	[tilespmem:$0x18A00] =	vst v63  }
0x473: {  	s30 =	sadd.s32 $0x40, s3;
	s31 =	sor.u32 $0x1C70, s26  }
0x474: {  	[tilespmem:s31], [sflag:s28] =	stream.linear.gather [hbm4b:s30+s4], $0x10, $0x38;
	[tilespmem:$0x18A00] =	vst v63  }
0x475: {  	s30 =	sadd.s32 $0x50, s3;
	s31 =	sor.u32 $0x1CF0, s26  }
0x476: {  	[tilespmem:s31], [sflag:s28] =	stream.linear.gather [hbm4b:s30+s4], $0x10, $0x38;
	[tilespmem:$0x18A00] =	vst v63  }
0x477: {  	s30 =	sadd.s32 $0x60, s3;
	s31 =	sor.u32 $0x1D70, s26  }
0x478: {  	[tilespmem:s31], [sflag:s28] =	stream.linear.gather [hbm4b:s30+s4], $0x10, $0x38;
	[tilespmem:$0x18A00] =	vst v63  }
0x479: {  	s3 =	sadd.s32 $0x70, s3;
	s31 =	sor.u32 $0x1DF0, s26  }
0x47a: {  	(v2sf) =	vpush v34, $0x7;
	[tilespmem:s31], [sflag:s28] =	stream.linear.gather [hbm4b:s3+s4], $0x10, $0x38;
	[tilespmem:$0x18A00] =	vst v63  }
0x47b: {  	s30 =	sadd.s32 $0x2270, s26;
	s3 =	sadd.s32 $0x2DC780, s29  }
0x47c: {  	[tilespmem:s30], [sflag:s28] =	stream.linear.gather [hbm4b:s3+s4], $0x10, $0x38;
	[tilespmem:$0x18A00] =	vst v63  }
0x47d: {  	s31 =	sadd.s32 $0x22F0, s26;
	s29 =	sadd.s32 $0x10, s3  }
0x47e: {  	[tilespmem:s31], [sflag:s28] =	stream.linear.gather [hbm4b:s29+s4], $0x10, $0x38;
	[tilespmem:$0x18A00] =	vst v63  }
0x47f: {  	s29 =	sadd.s32 $0x20, s3;
	s31 =	sadd.s32 $0x2370, s26  }
0x480: {  	[tilespmem:s31], [sflag:s28] =	stream.linear.gather [hbm4b:s29+s4], $0x10, $0x38;
	[tilespmem:$0x18A00] =	vst v63  }
0x481: {  	s29 =	sadd.s32 $0x30, s3;
	s31 =	sadd.s32 $0x23F0, s26  }
0x482: {  	[tilespmem:s31], [sflag:s28] =	stream.linear.gather [hbm4b:s29+s4], $0x10, $0x38;
	[tilespmem:$0x18A00] =	vst v63  }
0x483: {  	s29 =	sadd.s32 $0x40, s3;
	s31 =	sadd.s32 $0x2470, s26  }
0x484: {  	[tilespmem:s31], [sflag:s28] =	stream.linear.gather [hbm4b:s29+s4], $0x10, $0x38;
	[tilespmem:$0x18A00] =	vst v63  }
0x485: {  	s29 =	sadd.s32 $0x50, s3;
	s31 =	sadd.s32 $0x24F0, s26  }
0x486: {  	[tilespmem:s31], [sflag:s28] =	stream.linear.gather [hbm4b:s29+s4], $0x10, $0x38;
	[tilespmem:$0x18A00] =	vst v63  }
0x487: {  	s29 =	sadd.s32 $0x60, s3;
	s31 =	sadd.s32 $0x2570, s26  }
0x488: {  	[tilespmem:s31], [sflag:s28] =	stream.linear.gather [hbm4b:s29+s4], $0x10, $0x38;
	[tilespmem:$0x18A00] =	vst v63  }
0x489: {  	s30 =	spop (v2sf);
	s3 =	sadd.s32 $0x70, s3;
	s31 =	sadd.s32 $0x25F0, s26  }
0x48a: {  	[tilespmem:s31], [sflag:s28] =	stream.linear.gather [hbm4b:s3+s4], $0x10, $0x38;
	[tilespmem:$0x18A00] =	vst v63  }
0x48b: {  	s31 =	sshll.u32 s30, $0x3  }
0x48c: {  	s3 =	sand.u32 $0x70, s30;
	s29 =	sand.u32 $0xFFFFFC00, s31  }
0x48d: {  	s3 =	sor.u32 s3, s29  }
0x48e: {  	s3 =	sshrl.u32 s3, $0x3  }
0x48f: {  	s30 =	sadd.s32 $0xCA70, s26;
	s29 =	sadd.s32 s2, s3  }
0x490: {  	[tilespmem:s30], [sflag:s28] =	stream.linear.gather [hbm4b:s29+s4], $0x10, $0x38;
	[tilespmem:$0x18A00] =	vst v63  }
0x491: {  	s31 =	sadd.s32 $0xCAF0, s26;
	s3 =	sadd.s32 $0x10, s29  }
0x492: {  	[tilespmem:s31], [sflag:s28] =	stream.linear.gather [hbm4b:s3+s4], $0x10, $0x38;
	[tilespmem:$0x18A00] =	vst v63  }
0x493: {  	s3 =	sadd.s32 $0x20, s29;
	s31 =	sadd.s32 $0xCB70, s26  }
0x494: {  	[tilespmem:s31], [sflag:s28] =	stream.linear.gather [hbm4b:s3+s4], $0x10, $0x38;
	[tilespmem:$0x18A00] =	vst v63  }
0x495: {  	s3 =	sadd.s32 $0x30, s29;
	s31 =	sadd.s32 $0xCBF0, s26  }
0x496: {  	[tilespmem:s31], [sflag:s28] =	stream.linear.gather [hbm4b:s3+s4], $0x10, $0x38;
	[tilespmem:$0x18A00] =	vst v63  }
0x497: {  	s3 =	sadd.s32 $0x40, s29;
	s31 =	sadd.s32 $0xCC70, s26  }
0x498: {  	[tilespmem:s31], [sflag:s28] =	stream.linear.gather [hbm4b:s3+s4], $0x10, $0x38;
	[tilespmem:$0x18A00] =	vst v63  }
0x499: {  	s3 =	sadd.s32 $0x50, s29;
	s31 =	sadd.s32 $0xCCF0, s26  }
0x49a: {  	[tilespmem:s31], [sflag:s28] =	stream.linear.gather [hbm4b:s3+s4], $0x10, $0x38;
	[tilespmem:$0x18A00] =	vst v63  }
0x49b: {  	s3 =	sadd.s32 $0x60, s29;
	s31 =	sadd.s32 $0xCD70, s26  }
0x49c: {  	[tilespmem:s31], [sflag:s28] =	stream.linear.gather [hbm4b:s3+s4], $0x10, $0x38;
	[tilespmem:$0x18A00] =	vst v63  }
0x49d: {  	s3 =	sadd.s32 $0x70, s29;
	s31 =	sadd.s32 $0xCDF0, s26  }
0x49e: {  	[tilespmem:s31], [sflag:s28] =	stream.linear.gather [hbm4b:s3+s4], $0x10, $0x38;
	[tilespmem:$0x18A00] =	vst v63  }
0x49f: {  	s3 =	sadd.s32 $0xF4280, s29;
	s31 =	sadd.s32 $0xD270, s26  }
0x4a0: {  	[tilespmem:s31], [sflag:s28] =	stream.linear.gather [hbm4b:s3+s4], $0x10, $0x38;
	[tilespmem:$0x18A00] =	vst v63  }
0x4a1: {  	s30 =	sadd.s32 $0x10, s3;
	s31 =	sadd.s32 $0xD2F0, s26  }
0x4a2: {  	[tilespmem:s31], [sflag:s28] =	stream.linear.gather [hbm4b:s30+s4], $0x10, $0x38;
	[tilespmem:$0x18A00] =	vst v63  }
0x4a3: {  	s30 =	sadd.s32 $0x20, s3;
	s31 =	sadd.s32 $0xD370, s26  }
0x4a4: {  	[tilespmem:s31], [sflag:s28] =	stream.linear.gather [hbm4b:s30+s4], $0x10, $0x38;
	[tilespmem:$0x18A00] =	vst v63  }
0x4a5: {  	s30 =	sadd.s32 $0x30, s3;
	s31 =	sadd.s32 $0xD3F0, s26  }
0x4a6: {  	[tilespmem:s31], [sflag:s28] =	stream.linear.gather [hbm4b:s30+s4], $0x10, $0x38;
	[tilespmem:$0x18A00] =	vst v63  }
0x4a7: {  	s30 =	sadd.s32 $0x40, s3;
	s31 =	sadd.s32 $0xD470, s26  }
0x4a8: {  	[tilespmem:s31], [sflag:s28] =	stream.linear.gather [hbm4b:s30+s4], $0x10, $0x38;
	[tilespmem:$0x18A00] =	vst v63  }
0x4a9: {  	s30 =	sadd.s32 $0x50, s3;
	s31 =	sadd.s32 $0xD4F0, s26  }
0x4aa: {  	[tilespmem:s31], [sflag:s28] =	stream.linear.gather [hbm4b:s30+s4], $0x10, $0x38;
	[tilespmem:$0x18A00] =	vst v63  }
0x4ab: {  	s30 =	sadd.s32 $0x60, s3;
	s31 =	sadd.s32 $0xD570, s26  }
0x4ac: {  	[tilespmem:s31], [sflag:s28] =	stream.linear.gather [hbm4b:s30+s4], $0x10, $0x38;
	[tilespmem:$0x18A00] =	vst v63  }
0x4ad: {  	s3 =	sadd.s32 $0x70, s3;
	s31 =	sadd.s32 $0xD5F0, s26  }
0x4ae: {  	[tilespmem:s31], [sflag:s28] =	stream.linear.gather [hbm4b:s3+s4], $0x10, $0x38;
	[tilespmem:$0x18A00] =	vst v63  }
0x4af: {  	s3 =	sadd.s32 $0x1E8500, s29;
	s31 =	sadd.s32 $0xDA70, s26  }
0x4b0: {  	[tilespmem:s31], [sflag:s28] =	stream.linear.gather [hbm4b:s3+s4], $0x10, $0x38;
	[tilespmem:$0x18A00] =	vst v63  }
0x4b1: {  	s30 =	sadd.s32 $0x10, s3;
	s31 =	sadd.s32 $0xDAF0, s26  }
0x4b2: {  	[tilespmem:s31], [sflag:s28] =	stream.linear.gather [hbm4b:s30+s4], $0x10, $0x38;
	[tilespmem:$0x18A00] =	vst v63  }
0x4b3: {  	s30 =	sadd.s32 $0x20, s3;
	s31 =	sadd.s32 $0xDB70, s26  }
0x4b4: {  	[tilespmem:s31], [sflag:s28] =	stream.linear.gather [hbm4b:s30+s4], $0x10, $0x38;
	[tilespmem:$0x18A00] =	vst v63  }
0x4b5: {  	s30 =	sadd.s32 $0x30, s3;
	s31 =	sadd.s32 $0xDBF0, s26  }
0x4b6: {  	[tilespmem:s31], [sflag:s28] =	stream.linear.gather [hbm4b:s30+s4], $0x10, $0x38;
	[tilespmem:$0x18A00] =	vst v63  }
0x4b7: {  	s30 =	sadd.s32 $0x40, s3;
	s31 =	sadd.s32 $0xDC70, s26  }
0x4b8: {  	[tilespmem:s31], [sflag:s28] =	stream.linear.gather [hbm4b:s30+s4], $0x10, $0x38;
	[tilespmem:$0x18A00] =	vst v63  }
0x4b9: {  	s30 =	sadd.s32 $0x50, s3;
	s31 =	sadd.s32 $0xDCF0, s26  }
0x4ba: {  	[tilespmem:s31], [sflag:s28] =	stream.linear.gather [hbm4b:s30+s4], $0x10, $0x38;
	[tilespmem:$0x18A00] =	vst v63  }
0x4bb: {  	s30 =	sadd.s32 $0x60, s3;
	s31 =	sadd.s32 $0xDD70, s26  }
0x4bc: {  	[tilespmem:s31], [sflag:s28] =	stream.linear.gather [hbm4b:s30+s4], $0x10, $0x38;
	[tilespmem:$0x18A00] =	vst v63  }
0x4bd: {  	s3 =	sadd.s32 $0x70, s3;
	s31 =	sadd.s32 $0xDDF0, s26  }
0x4be: {  	(v2sf) =	vpush v35, $0x8;
	[tilespmem:s31], [sflag:s28] =	stream.linear.gather [hbm4b:s3+s4], $0x10, $0x38;
	[tilespmem:$0x18A00] =	vst v63  }
0x4bf: {  	s30 =	sadd.s32 $0xE270, s26;
	s3 =	sadd.s32 $0x2DC780, s29  }
0x4c0: {  	[tilespmem:s30], [sflag:s28] =	stream.linear.gather [hbm4b:s3+s4], $0x10, $0x38;
	[tilespmem:$0x18A00] =	vst v63  }
0x4c1: {  	s31 =	sadd.s32 $0xE2F0, s26;
	s29 =	sadd.s32 $0x10, s3  }
0x4c2: {  	[tilespmem:s31], [sflag:s28] =	stream.linear.gather [hbm4b:s29+s4], $0x10, $0x38;
	[tilespmem:$0x18A00] =	vst v63  }
0x4c3: {  	s29 =	sadd.s32 $0x20, s3;
	s31 =	sadd.s32 $0xE370, s26  }
0x4c4: {  	[tilespmem:s31], [sflag:s28] =	stream.linear.gather [hbm4b:s29+s4], $0x10, $0x38;
	[tilespmem:$0x18A00] =	vst v63  }
0x4c5: {  	s29 =	sadd.s32 $0x30, s3;
	s31 =	sadd.s32 $0xE3F0, s26  }
0x4c6: {  	[tilespmem:s31], [sflag:s28] =	stream.linear.gather [hbm4b:s29+s4], $0x10, $0x38;
	[tilespmem:$0x18A00] =	vst v63  }
0x4c7: {  	s29 =	sadd.s32 $0x40, s3;
	s31 =	sadd.s32 $0xE470, s26  }
0x4c8: {  	[tilespmem:s31], [sflag:s28] =	stream.linear.gather [hbm4b:s29+s4], $0x10, $0x38;
	[tilespmem:$0x18A00] =	vst v63  }
0x4c9: {  	s29 =	sadd.s32 $0x50, s3;
	s31 =	sadd.s32 $0xE4F0, s26  }
0x4ca: {  	[tilespmem:s31], [sflag:s28] =	stream.linear.gather [hbm4b:s29+s4], $0x10, $0x38;
	[tilespmem:$0x18A00] =	vst v63  }
0x4cb: {  	s29 =	sadd.s32 $0x60, s3;
	s31 =	sadd.s32 $0xE570, s26  }
0x4cc: {  	[tilespmem:s31], [sflag:s28] =	stream.linear.gather [hbm4b:s29+s4], $0x10, $0x38;
	[tilespmem:$0x18A00] =	vst v63  }
0x4cd: {  	s30 =	spop (v2sf);
	s3 =	sadd.s32 $0x70, s3;
	s31 =	sadd.s32 $0xE5F0, s26  }
0x4ce: {  	[tilespmem:s31], [sflag:s28] =	stream.linear.gather [hbm4b:s3+s4], $0x10, $0x38;
	[tilespmem:$0x18A00] =	vst v63  }
0x4cf: {  	s31 =	sshll.u32 s30, $0x3  }
0x4d0: {  	s3 =	sand.u32 $0x70, s30;
	s29 =	sand.u32 $0xFFFFFC00, s31  }
0x4d1: {  	s3 =	sor.u32 s3, s29  }
0x4d2: {  	s3 =	sshrl.u32 s3, $0x3  }
0x4d3: {  	s30 =	sor.u32 $0xE00, s26;
	s29 =	sadd.s32 s1, s3  }
0x4d4: {  	[tilespmem:s30], [sflag:s28] =	stream.linear.gather [hbm4b:s29+s4], $0x10, $0x38;
	[tilespmem:$0x18A00] =	vst v63  }
0x4d5: {  	s31 =	sor.u32 $0xE80, s26;
	s3 =	sadd.s32 $0x10, s29  }
0x4d6: {  	[tilespmem:s31], [sflag:s28] =	stream.linear.gather [hbm4b:s3+s4], $0x10, $0x38;
	[tilespmem:$0x18A00] =	vst v63  }
0x4d7: {  	s3 =	sadd.s32 $0x20, s29;
	s31 =	sor.u32 $0xF00, s26  }
0x4d8: {  	[tilespmem:s31], [sflag:s28] =	stream.linear.gather [hbm4b:s3+s4], $0x10, $0x38;
	[tilespmem:$0x18A00] =	vst v63  }
0x4d9: {  	s3 =	sadd.s32 $0x30, s29;
	s31 =	sor.u32 $0xF80, s26  }
0x4da: {  	[tilespmem:s31], [sflag:s28] =	stream.linear.gather [hbm4b:s3+s4], $0x10, $0x38;
	[tilespmem:$0x18A00] =	vst v63  }
0x4db: {  	s3 =	sadd.s32 $0x40, s29;
	s31 =	sor.u32 $0x1000, s26  }
0x4dc: {  	[tilespmem:s31], [sflag:s28] =	stream.linear.gather [hbm4b:s3+s4], $0x10, $0x38;
	[tilespmem:$0x18A00] =	vst v63  }
0x4dd: {  	s3 =	sadd.s32 $0x50, s29;
	s31 =	sor.u32 $0x1080, s26  }
0x4de: {  	[tilespmem:s31], [sflag:s28] =	stream.linear.gather [hbm4b:s3+s4], $0x10, $0x38;
	[tilespmem:$0x18A00] =	vst v63  }
0x4df: {  	s3 =	sadd.s32 $0x60, s29;
	s31 =	sor.u32 $0x1100, s26  }
0x4e0: {  	[tilespmem:s31], [sflag:s28] =	stream.linear.gather [hbm4b:s3+s4], $0x10, $0x38;
	[tilespmem:$0x18A00] =	vst v63  }
0x4e1: {  	s3 =	sadd.s32 $0x70, s29;
	s31 =	sor.u32 $0x1180, s26  }
0x4e2: {  	[tilespmem:s31], [sflag:s28] =	stream.linear.gather [hbm4b:s3+s4], $0x10, $0x38;
	[tilespmem:$0x18A00] =	vst v63  }
0x4e3: {  	s3 =	sadd.s32 $0xF4280, s29;
	s31 =	sor.u32 $0x1600, s26  }
0x4e4: {  	[tilespmem:s31], [sflag:s28] =	stream.linear.gather [hbm4b:s3+s4], $0x10, $0x38;
	[tilespmem:$0x18A00] =	vst v63  }
0x4e5: {  	s30 =	sadd.s32 $0x10, s3;
	s31 =	sor.u32 $0x1680, s26  }
0x4e6: {  	[tilespmem:s31], [sflag:s28] =	stream.linear.gather [hbm4b:s30+s4], $0x10, $0x38;
	[tilespmem:$0x18A00] =	vst v63  }
0x4e7: {  	s30 =	sadd.s32 $0x20, s3;
	s31 =	sor.u32 $0x1700, s26  }
0x4e8: {  	[tilespmem:s31], [sflag:s28] =	stream.linear.gather [hbm4b:s30+s4], $0x10, $0x38;
	[tilespmem:$0x18A00] =	vst v63  }
0x4e9: {  	s30 =	sadd.s32 $0x30, s3;
	s31 =	sor.u32 $0x1780, s26  }
0x4ea: {  	[tilespmem:s31], [sflag:s28] =	stream.linear.gather [hbm4b:s30+s4], $0x10, $0x38;
	[tilespmem:$0x18A00] =	vst v63  }
0x4eb: {  	s30 =	sadd.s32 $0x40, s3;
	s31 =	sor.u32 $0x1800, s26  }
0x4ec: {  	[tilespmem:s31], [sflag:s28] =	stream.linear.gather [hbm4b:s30+s4], $0x10, $0x38;
	[tilespmem:$0x18A00] =	vst v63  }
0x4ed: {  	s30 =	sadd.s32 $0x50, s3;
	s31 =	sor.u32 $0x1880, s26  }
0x4ee: {  	[tilespmem:s31], [sflag:s28] =	stream.linear.gather [hbm4b:s30+s4], $0x10, $0x38;
	[tilespmem:$0x18A00] =	vst v63  }
0x4ef: {  	s30 =	sadd.s32 $0x60, s3;
	s31 =	sor.u32 $0x1900, s26  }
0x4f0: {  	[tilespmem:s31], [sflag:s28] =	stream.linear.gather [hbm4b:s30+s4], $0x10, $0x38;
	[tilespmem:$0x18A00] =	vst v63  }
0x4f1: {  	s3 =	sadd.s32 $0x70, s3;
	s31 =	sor.u32 $0x1980, s26  }
0x4f2: {  	[tilespmem:s31], [sflag:s28] =	stream.linear.gather [hbm4b:s3+s4], $0x10, $0x38;
	[tilespmem:$0x18A00] =	vst v63  }
0x4f3: {  	s3 =	sadd.s32 $0x1E8500, s29;
	s31 =	sor.u32 $0x1E00, s26  }
0x4f4: {  	[tilespmem:s31], [sflag:s28] =	stream.linear.gather [hbm4b:s3+s4], $0x10, $0x38;
	[tilespmem:$0x18A00] =	vst v63  }
0x4f5: {  	s30 =	sadd.s32 $0x10, s3;
	s31 =	sor.u32 $0x1E80, s26  }
0x4f6: {  	[tilespmem:s31], [sflag:s28] =	stream.linear.gather [hbm4b:s30+s4], $0x10, $0x38;
	[tilespmem:$0x18A00] =	vst v63  }
0x4f7: {  	s30 =	sadd.s32 $0x20, s3;
	s31 =	sor.u32 $0x1F00, s26  }
0x4f8: {  	[tilespmem:s31], [sflag:s28] =	stream.linear.gather [hbm4b:s30+s4], $0x10, $0x38;
	[tilespmem:$0x18A00] =	vst v63  }
0x4f9: {  	s30 =	sadd.s32 $0x30, s3;
	s31 =	sor.u32 $0x1F80, s26  }
0x4fa: {  	[tilespmem:s31], [sflag:s28] =	stream.linear.gather [hbm4b:s30+s4], $0x10, $0x38;
	[tilespmem:$0x18A00] =	vst v63  }
0x4fb: {  	s30 =	sadd.s32 $0x40, s3;
	s31 =	sadd.s32 $0x2000, s26  }
0x4fc: {  	[tilespmem:s31], [sflag:s28] =	stream.linear.gather [hbm4b:s30+s4], $0x10, $0x38;
	[tilespmem:$0x18A00] =	vst v63  }
0x4fd: {  	s30 =	sadd.s32 $0x50, s3;
	s31 =	sadd.s32 $0x2080, s26  }
0x4fe: {  	[tilespmem:s31], [sflag:s28] =	stream.linear.gather [hbm4b:s30+s4], $0x10, $0x38;
	[tilespmem:$0x18A00] =	vst v63  }
0x4ff: {  	s30 =	sadd.s32 $0x60, s3;
	s31 =	sadd.s32 $0x2100, s26  }
0x500: {  	[tilespmem:s31], [sflag:s28] =	stream.linear.gather [hbm4b:s30+s4], $0x10, $0x38;
	[tilespmem:$0x18A00] =	vst v63  }
0x501: {  	s3 =	sadd.s32 $0x70, s3;
	s31 =	sadd.s32 $0x2180, s26  }
0x502: {  	(v2sf) =	vpush v34, $0x8;
	[tilespmem:s31], [sflag:s28] =	stream.linear.gather [hbm4b:s3+s4], $0x10, $0x38;
	[tilespmem:$0x18A00] =	vst v63  }
0x503: {  	s30 =	sadd.s32 $0x2600, s26;
	s3 =	sadd.s32 $0x2DC780, s29  }
0x504: {  	[tilespmem:s30], [sflag:s28] =	stream.linear.gather [hbm4b:s3+s4], $0x10, $0x38;
	[tilespmem:$0x18A00] =	vst v63  }
0x505: {  	s31 =	sadd.s32 $0x2680, s26;
	s29 =	sadd.s32 $0x10, s3  }
0x506: {  	[tilespmem:s31], [sflag:s28] =	stream.linear.gather [hbm4b:s29+s4], $0x10, $0x38;
	[tilespmem:$0x18A00] =	vst v63  }
0x507: {  	s29 =	sadd.s32 $0x20, s3;
	s31 =	sadd.s32 $0x2700, s26  }
0x508: {  	[tilespmem:s31], [sflag:s28] =	stream.linear.gather [hbm4b:s29+s4], $0x10, $0x38;
	[tilespmem:$0x18A00] =	vst v63  }
0x509: {  	s29 =	sadd.s32 $0x30, s3;
	s31 =	sadd.s32 $0x2780, s26  }
0x50a: {  	[tilespmem:s31], [sflag:s28] =	stream.linear.gather [hbm4b:s29+s4], $0x10, $0x38;
	[tilespmem:$0x18A00] =	vst v63  }
0x50b: {  	s29 =	sadd.s32 $0x40, s3;
	s31 =	sadd.s32 $0x2800, s26  }
0x50c: {  	[tilespmem:s31], [sflag:s28] =	stream.linear.gather [hbm4b:s29+s4], $0x10, $0x38;
	[tilespmem:$0x18A00] =	vst v63  }
0x50d: {  	s29 =	sadd.s32 $0x50, s3;
	s31 =	sadd.s32 $0x2880, s26  }
0x50e: {  	[tilespmem:s31], [sflag:s28] =	stream.linear.gather [hbm4b:s29+s4], $0x10, $0x38;
	[tilespmem:$0x18A00] =	vst v63  }
0x50f: {  	s29 =	sadd.s32 $0x60, s3;
	s31 =	sadd.s32 $0x2900, s26  }
0x510: {  	[tilespmem:s31], [sflag:s28] =	stream.linear.gather [hbm4b:s29+s4], $0x10, $0x38;
	[tilespmem:$0x18A00] =	vst v63  }
0x511: {  	s30 =	spop (v2sf);
	s3 =	sadd.s32 $0x70, s3;
	s31 =	sadd.s32 $0x2980, s26  }
0x512: {  	[tilespmem:s31], [sflag:s28] =	stream.linear.gather [hbm4b:s3+s4], $0x10, $0x38;
	[tilespmem:$0x18A00] =	vst v63  }
0x513: {  	s31 =	sshll.u32 s30, $0x3  }
0x514: {  	s3 =	sand.u32 $0x70, s30;
	s29 =	sand.u32 $0xFFFFFC00, s31  }
0x515: {  	s3 =	sor.u32 s3, s29  }
0x516: {  	s3 =	sshrl.u32 s3, $0x3  }
0x517: {  	s30 =	sadd.s32 $0xCE00, s26;
	s29 =	sadd.s32 s2, s3  }
0x518: {  	[tilespmem:s30], [sflag:s28] =	stream.linear.gather [hbm4b:s29+s4], $0x10, $0x38;
	[tilespmem:$0x18A00] =	vst v63  }
0x519: {  	s31 =	sadd.s32 $0xCE80, s26;
	s3 =	sadd.s32 $0x10, s29  }
0x51a: {  	[tilespmem:s31], [sflag:s28] =	stream.linear.gather [hbm4b:s3+s4], $0x10, $0x38;
	[tilespmem:$0x18A00] =	vst v63  }
0x51b: {  	s3 =	sadd.s32 $0x20, s29;
	s31 =	sadd.s32 $0xCF00, s26  }
0x51c: {  	[tilespmem:s31], [sflag:s28] =	stream.linear.gather [hbm4b:s3+s4], $0x10, $0x38;
	[tilespmem:$0x18A00] =	vst v63  }
0x51d: {  	s3 =	sadd.s32 $0x30, s29;
	s31 =	sadd.s32 $0xCF80, s26  }
0x51e: {  	[tilespmem:s31], [sflag:s28] =	stream.linear.gather [hbm4b:s3+s4], $0x10, $0x38;
	[tilespmem:$0x18A00] =	vst v63  }
0x51f: {  	s3 =	sadd.s32 $0x40, s29;
	s31 =	sadd.s32 $0xD000, s26  }
0x520: {  	[tilespmem:s31], [sflag:s28] =	stream.linear.gather [hbm4b:s3+s4], $0x10, $0x38;
	[tilespmem:$0x18A00] =	vst v63  }
0x521: {  	s3 =	sadd.s32 $0x50, s29;
	s31 =	sadd.s32 $0xD080, s26  }
0x522: {  	[tilespmem:s31], [sflag:s28] =	stream.linear.gather [hbm4b:s3+s4], $0x10, $0x38;
	[tilespmem:$0x18A00] =	vst v63  }
0x523: {  	s3 =	sadd.s32 $0x60, s29;
	s31 =	sadd.s32 $0xD100, s26  }
0x524: {  	[tilespmem:s31], [sflag:s28] =	stream.linear.gather [hbm4b:s3+s4], $0x10, $0x38;
	[tilespmem:$0x18A00] =	vst v63  }
0x525: {  	s3 =	sadd.s32 $0x70, s29;
	s31 =	sadd.s32 $0xD180, s26  }
0x526: {  	[tilespmem:s31], [sflag:s28] =	stream.linear.gather [hbm4b:s3+s4], $0x10, $0x38;
	[tilespmem:$0x18A00] =	vst v63  }
0x527: {  	s3 =	sadd.s32 $0xF4280, s29;
	s31 =	sadd.s32 $0xD600, s26  }
0x528: {  	[tilespmem:s31], [sflag:s28] =	stream.linear.gather [hbm4b:s3+s4], $0x10, $0x38;
	[tilespmem:$0x18A00] =	vst v63  }
0x529: {  	s30 =	sadd.s32 $0x10, s3;
	s31 =	sadd.s32 $0xD680, s26  }
0x52a: {  	[tilespmem:s31], [sflag:s28] =	stream.linear.gather [hbm4b:s30+s4], $0x10, $0x38;
	[tilespmem:$0x18A00] =	vst v63  }
0x52b: {  	s30 =	sadd.s32 $0x20, s3;
	s31 =	sadd.s32 $0xD700, s26  }
0x52c: {  	[tilespmem:s31], [sflag:s28] =	stream.linear.gather [hbm4b:s30+s4], $0x10, $0x38;
	[tilespmem:$0x18A00] =	vst v63  }
0x52d: {  	s30 =	sadd.s32 $0x30, s3;
	s31 =	sadd.s32 $0xD780, s26  }
0x52e: {  	[tilespmem:s31], [sflag:s28] =	stream.linear.gather [hbm4b:s30+s4], $0x10, $0x38;
	[tilespmem:$0x18A00] =	vst v63  }
0x52f: {  	s30 =	sadd.s32 $0x40, s3;
	s31 =	sadd.s32 $0xD800, s26  }
0x530: {  	[tilespmem:s31], [sflag:s28] =	stream.linear.gather [hbm4b:s30+s4], $0x10, $0x38;
	[tilespmem:$0x18A00] =	vst v63  }
0x531: {  	s30 =	sadd.s32 $0x50, s3;
	s31 =	sadd.s32 $0xD880, s26  }
0x532: {  	[tilespmem:s31], [sflag:s28] =	stream.linear.gather [hbm4b:s30+s4], $0x10, $0x38;
	[tilespmem:$0x18A00] =	vst v63  }
0x533: {  	s30 =	sadd.s32 $0x60, s3;
	s31 =	sadd.s32 $0xD900, s26  }
0x534: {  	[tilespmem:s31], [sflag:s28] =	stream.linear.gather [hbm4b:s30+s4], $0x10, $0x38;
	[tilespmem:$0x18A00] =	vst v63  }
0x535: {  	s3 =	sadd.s32 $0x70, s3;
	s31 =	sadd.s32 $0xD980, s26  }
0x536: {  	[tilespmem:s31], [sflag:s28] =	stream.linear.gather [hbm4b:s3+s4], $0x10, $0x38;
	[tilespmem:$0x18A00] =	vst v63  }
0x537: {  	s3 =	sadd.s32 $0x1E8500, s29;
	s31 =	sadd.s32 $0xDE00, s26  }
0x538: {  	[tilespmem:s31], [sflag:s28] =	stream.linear.gather [hbm4b:s3+s4], $0x10, $0x38;
	[tilespmem:$0x18A00] =	vst v63  }
0x539: {  	s30 =	sadd.s32 $0x10, s3;
	s31 =	sadd.s32 $0xDE80, s26  }
0x53a: {  	[tilespmem:s31], [sflag:s28] =	stream.linear.gather [hbm4b:s30+s4], $0x10, $0x38;
	[tilespmem:$0x18A00] =	vst v63  }
0x53b: {  	s30 =	sadd.s32 $0x20, s3;
	s31 =	sadd.s32 $0xDF00, s26  }
0x53c: {  	[tilespmem:s31], [sflag:s28] =	stream.linear.gather [hbm4b:s30+s4], $0x10, $0x38;
	[tilespmem:$0x18A00] =	vst v63  }
0x53d: {  	s30 =	sadd.s32 $0x30, s3;
	s31 =	sadd.s32 $0xDF80, s26  }
0x53e: {  	[tilespmem:s31], [sflag:s28] =	stream.linear.gather [hbm4b:s30+s4], $0x10, $0x38;
	[tilespmem:$0x18A00] =	vst v63  }
0x53f: {  	s30 =	sadd.s32 $0x40, s3;
	s31 =	sadd.s32 $0xE000, s26  }
0x540: {  	[tilespmem:s31], [sflag:s28] =	stream.linear.gather [hbm4b:s30+s4], $0x10, $0x38;
	[tilespmem:$0x18A00] =	vst v63  }
0x541: {  	s30 =	sadd.s32 $0x50, s3;
	s31 =	sadd.s32 $0xE080, s26  }
0x542: {  	[tilespmem:s31], [sflag:s28] =	stream.linear.gather [hbm4b:s30+s4], $0x10, $0x38;
	[tilespmem:$0x18A00] =	vst v63  }
0x543: {  	s30 =	sadd.s32 $0x60, s3;
	s31 =	sadd.s32 $0xE100, s26  }
0x544: {  	[tilespmem:s31], [sflag:s28] =	stream.linear.gather [hbm4b:s30+s4], $0x10, $0x38;
	[tilespmem:$0x18A00] =	vst v63  }
0x545: {  	s3 =	sadd.s32 $0x70, s3;
	s31 =	sadd.s32 $0xE180, s26  }
0x546: {  	(v2sf) =	vpush v35, $0x9;
	[tilespmem:s31], [sflag:s28] =	stream.linear.gather [hbm4b:s3+s4], $0x10, $0x38;
	[tilespmem:$0x18A00] =	vst v63  }
0x547: {  	s30 =	sadd.s32 $0xE600, s26;
	s3 =	sadd.s32 $0x2DC780, s29  }
0x548: {  	[tilespmem:s30], [sflag:s28] =	stream.linear.gather [hbm4b:s3+s4], $0x10, $0x38;
	[tilespmem:$0x18A00] =	vst v63  }
0x549: {  	s31 =	sadd.s32 $0xE680, s26;
	s29 =	sadd.s32 $0x10, s3  }
0x54a: {  	[tilespmem:s31], [sflag:s28] =	stream.linear.gather [hbm4b:s29+s4], $0x10, $0x38;
	[tilespmem:$0x18A00] =	vst v63  }
0x54b: {  	s29 =	sadd.s32 $0x20, s3;
	s31 =	sadd.s32 $0xE700, s26  }
0x54c: {  	[tilespmem:s31], [sflag:s28] =	stream.linear.gather [hbm4b:s29+s4], $0x10, $0x38;
	[tilespmem:$0x18A00] =	vst v63  }
0x54d: {  	s29 =	sadd.s32 $0x30, s3;
	s31 =	sadd.s32 $0xE780, s26  }
0x54e: {  	[tilespmem:s31], [sflag:s28] =	stream.linear.gather [hbm4b:s29+s4], $0x10, $0x38;
	[tilespmem:$0x18A00] =	vst v63  }
0x54f: {  	s29 =	sadd.s32 $0x40, s3;
	s31 =	sadd.s32 $0xE800, s26  }
0x550: {  	[tilespmem:s31], [sflag:s28] =	stream.linear.gather [hbm4b:s29+s4], $0x10, $0x38;
	[tilespmem:$0x18A00] =	vst v63  }
0x551: {  	s29 =	sadd.s32 $0x50, s3;
	s31 =	sadd.s32 $0xE880, s26  }
0x552: {  	[tilespmem:s31], [sflag:s28] =	stream.linear.gather [hbm4b:s29+s4], $0x10, $0x38;
	[tilespmem:$0x18A00] =	vst v63  }
0x553: {  	s29 =	sadd.s32 $0x60, s3;
	s31 =	sadd.s32 $0xE900, s26  }
0x554: {  	[tilespmem:s31], [sflag:s28] =	stream.linear.gather [hbm4b:s29+s4], $0x10, $0x38;
	[tilespmem:$0x18A00] =	vst v63  }
0x555: {  	s30 =	spop (v2sf);
	s3 =	sadd.s32 $0x70, s3;
	s31 =	sadd.s32 $0xE980, s26  }
0x556: {  	[tilespmem:s31], [sflag:s28] =	stream.linear.gather [hbm4b:s3+s4], $0x10, $0x38;
	[tilespmem:$0x18A00] =	vst v63  }
0x557: {  	s31 =	sshll.u32 s30, $0x3  }
0x558: {  	s3 =	sand.u32 $0x70, s30;
	s29 =	sand.u32 $0xFFFFFC00, s31  }
0x559: {  	s3 =	sor.u32 s3, s29  }
0x55a: {  	s3 =	sshrl.u32 s3, $0x3  }
0x55b: {  	s30 =	sor.u32 $0xE10, s26;
	s29 =	sadd.s32 s1, s3  }
0x55c: {  	[tilespmem:s30], [sflag:s28] =	stream.linear.gather [hbm4b:s29+s4], $0x10, $0x38;
	[tilespmem:$0x18A00] =	vst v63  }
0x55d: {  	s31 =	sor.u32 $0xE90, s26;
	s3 =	sadd.s32 $0x10, s29  }
0x55e: {  	[tilespmem:s31], [sflag:s28] =	stream.linear.gather [hbm4b:s3+s4], $0x10, $0x38;
	[tilespmem:$0x18A00] =	vst v63  }
0x55f: {  	s3 =	sadd.s32 $0x20, s29;
	s31 =	sor.u32 $0xF10, s26  }
0x560: {  	[tilespmem:s31], [sflag:s28] =	stream.linear.gather [hbm4b:s3+s4], $0x10, $0x38;
	[tilespmem:$0x18A00] =	vst v63  }
0x561: {  	s3 =	sadd.s32 $0x30, s29;
	s31 =	sor.u32 $0xF90, s26  }
0x562: {  	[tilespmem:s31], [sflag:s28] =	stream.linear.gather [hbm4b:s3+s4], $0x10, $0x38;
	[tilespmem:$0x18A00] =	vst v63  }
0x563: {  	s3 =	sadd.s32 $0x40, s29;
	s31 =	sor.u32 $0x1010, s26  }
0x564: {  	[tilespmem:s31], [sflag:s28] =	stream.linear.gather [hbm4b:s3+s4], $0x10, $0x38;
	[tilespmem:$0x18A00] =	vst v63  }
0x565: {  	s3 =	sadd.s32 $0x50, s29;
	s31 =	sor.u32 $0x1090, s26  }
0x566: {  	[tilespmem:s31], [sflag:s28] =	stream.linear.gather [hbm4b:s3+s4], $0x10, $0x38;
	[tilespmem:$0x18A00] =	vst v63  }
0x567: {  	s3 =	sadd.s32 $0x60, s29;
	s31 =	sor.u32 $0x1110, s26  }
0x568: {  	[tilespmem:s31], [sflag:s28] =	stream.linear.gather [hbm4b:s3+s4], $0x10, $0x38;
	[tilespmem:$0x18A00] =	vst v63  }
0x569: {  	s3 =	sadd.s32 $0x70, s29;
	s31 =	sor.u32 $0x1190, s26  }
0x56a: {  	[tilespmem:s31], [sflag:s28] =	stream.linear.gather [hbm4b:s3+s4], $0x10, $0x38;
	[tilespmem:$0x18A00] =	vst v63  }
0x56b: {  	s3 =	sadd.s32 $0xF4280, s29;
	s31 =	sor.u32 $0x1610, s26  }
0x56c: {  	[tilespmem:s31], [sflag:s28] =	stream.linear.gather [hbm4b:s3+s4], $0x10, $0x38;
	[tilespmem:$0x18A00] =	vst v63  }
0x56d: {  	s30 =	sadd.s32 $0x10, s3;
	s31 =	sor.u32 $0x1690, s26  }
0x56e: {  	[tilespmem:s31], [sflag:s28] =	stream.linear.gather [hbm4b:s30+s4], $0x10, $0x38;
	[tilespmem:$0x18A00] =	vst v63  }
0x56f: {  	s30 =	sadd.s32 $0x20, s3;
	s31 =	sor.u32 $0x1710, s26  }
0x570: {  	[tilespmem:s31], [sflag:s28] =	stream.linear.gather [hbm4b:s30+s4], $0x10, $0x38;
	[tilespmem:$0x18A00] =	vst v63  }
0x571: {  	s30 =	sadd.s32 $0x30, s3;
	s31 =	sor.u32 $0x1790, s26  }
0x572: {  	[tilespmem:s31], [sflag:s28] =	stream.linear.gather [hbm4b:s30+s4], $0x10, $0x38;
	[tilespmem:$0x18A00] =	vst v63  }
0x573: {  	s30 =	sadd.s32 $0x40, s3;
	s31 =	sor.u32 $0x1810, s26  }
0x574: {  	[tilespmem:s31], [sflag:s28] =	stream.linear.gather [hbm4b:s30+s4], $0x10, $0x38;
	[tilespmem:$0x18A00] =	vst v63  }
0x575: {  	s30 =	sadd.s32 $0x50, s3;
	s31 =	sor.u32 $0x1890, s26  }
0x576: {  	[tilespmem:s31], [sflag:s28] =	stream.linear.gather [hbm4b:s30+s4], $0x10, $0x38;
	[tilespmem:$0x18A00] =	vst v63  }
0x577: {  	s30 =	sadd.s32 $0x60, s3;
	s31 =	sor.u32 $0x1910, s26  }
0x578: {  	[tilespmem:s31], [sflag:s28] =	stream.linear.gather [hbm4b:s30+s4], $0x10, $0x38;
	[tilespmem:$0x18A00] =	vst v63  }
0x579: {  	s3 =	sadd.s32 $0x70, s3;
	s31 =	sor.u32 $0x1990, s26  }
0x57a: {  	[tilespmem:s31], [sflag:s28] =	stream.linear.gather [hbm4b:s3+s4], $0x10, $0x38;
	[tilespmem:$0x18A00] =	vst v63  }
0x57b: {  	s3 =	sadd.s32 $0x1E8500, s29;
	s31 =	sor.u32 $0x1E10, s26  }
0x57c: {  	[tilespmem:s31], [sflag:s28] =	stream.linear.gather [hbm4b:s3+s4], $0x10, $0x38;
	[tilespmem:$0x18A00] =	vst v63  }
0x57d: {  	s30 =	sadd.s32 $0x10, s3;
	s31 =	sor.u32 $0x1E90, s26  }
0x57e: {  	[tilespmem:s31], [sflag:s28] =	stream.linear.gather [hbm4b:s30+s4], $0x10, $0x38;
	[tilespmem:$0x18A00] =	vst v63  }
0x57f: {  	s30 =	sadd.s32 $0x20, s3;
	s31 =	sor.u32 $0x1F10, s26  }
0x580: {  	[tilespmem:s31], [sflag:s28] =	stream.linear.gather [hbm4b:s30+s4], $0x10, $0x38;
	[tilespmem:$0x18A00] =	vst v63  }
0x581: {  	s30 =	sadd.s32 $0x30, s3;
	s31 =	sor.u32 $0x1F90, s26  }
0x582: {  	[tilespmem:s31], [sflag:s28] =	stream.linear.gather [hbm4b:s30+s4], $0x10, $0x38;
	[tilespmem:$0x18A00] =	vst v63  }
0x583: {  	s30 =	sadd.s32 $0x40, s3;
	s31 =	sadd.s32 $0x2010, s26  }
0x584: {  	[tilespmem:s31], [sflag:s28] =	stream.linear.gather [hbm4b:s30+s4], $0x10, $0x38;
	[tilespmem:$0x18A00] =	vst v63  }
0x585: {  	s30 =	sadd.s32 $0x50, s3;
	s31 =	sadd.s32 $0x2090, s26  }
0x586: {  	[tilespmem:s31], [sflag:s28] =	stream.linear.gather [hbm4b:s30+s4], $0x10, $0x38;
	[tilespmem:$0x18A00] =	vst v63  }
0x587: {  	s30 =	sadd.s32 $0x60, s3;
	s31 =	sadd.s32 $0x2110, s26  }
0x588: {  	[tilespmem:s31], [sflag:s28] =	stream.linear.gather [hbm4b:s30+s4], $0x10, $0x38;
	[tilespmem:$0x18A00] =	vst v63  }
0x589: {  	s3 =	sadd.s32 $0x70, s3;
	s31 =	sadd.s32 $0x2190, s26  }
0x58a: {  	(v2sf) =	vpush v34, $0x9;
	[tilespmem:s31], [sflag:s28] =	stream.linear.gather [hbm4b:s3+s4], $0x10, $0x38;
	[tilespmem:$0x18A00] =	vst v63  }
0x58b: {  	s30 =	sadd.s32 $0x2610, s26;
	s3 =	sadd.s32 $0x2DC780, s29  }
0x58c: {  	[tilespmem:s30], [sflag:s28] =	stream.linear.gather [hbm4b:s3+s4], $0x10, $0x38;
	[tilespmem:$0x18A00] =	vst v63  }
0x58d: {  	s31 =	sadd.s32 $0x2690, s26;
	s29 =	sadd.s32 $0x10, s3  }
0x58e: {  	[tilespmem:s31], [sflag:s28] =	stream.linear.gather [hbm4b:s29+s4], $0x10, $0x38;
	[tilespmem:$0x18A00] =	vst v63  }
0x58f: {  	s29 =	sadd.s32 $0x20, s3;
	s31 =	sadd.s32 $0x2710, s26  }
0x590: {  	[tilespmem:s31], [sflag:s28] =	stream.linear.gather [hbm4b:s29+s4], $0x10, $0x38;
	[tilespmem:$0x18A00] =	vst v63  }
0x591: {  	s29 =	sadd.s32 $0x30, s3;
	s31 =	sadd.s32 $0x2790, s26  }
0x592: {  	[tilespmem:s31], [sflag:s28] =	stream.linear.gather [hbm4b:s29+s4], $0x10, $0x38;
	[tilespmem:$0x18A00] =	vst v63  }
0x593: {  	s29 =	sadd.s32 $0x40, s3;
	s31 =	sadd.s32 $0x2810, s26  }
0x594: {  	[tilespmem:s31], [sflag:s28] =	stream.linear.gather [hbm4b:s29+s4], $0x10, $0x38;
	[tilespmem:$0x18A00] =	vst v63  }
0x595: {  	s29 =	sadd.s32 $0x50, s3;
	s31 =	sadd.s32 $0x2890, s26  }
0x596: {  	[tilespmem:s31], [sflag:s28] =	stream.linear.gather [hbm4b:s29+s4], $0x10, $0x38;
	[tilespmem:$0x18A00] =	vst v63  }
0x597: {  	s29 =	sadd.s32 $0x60, s3;
	s31 =	sadd.s32 $0x2910, s26  }
0x598: {  	[tilespmem:s31], [sflag:s28] =	stream.linear.gather [hbm4b:s29+s4], $0x10, $0x38;
	[tilespmem:$0x18A00] =	vst v63  }
0x599: {  	s30 =	spop (v2sf);
	s3 =	sadd.s32 $0x70, s3;
	s31 =	sadd.s32 $0x2990, s26  }
0x59a: {  	[tilespmem:s31], [sflag:s28] =	stream.linear.gather [hbm4b:s3+s4], $0x10, $0x38;
	[tilespmem:$0x18A00] =	vst v63  }
0x59b: {  	s31 =	sshll.u32 s30, $0x3  }
0x59c: {  	s3 =	sand.u32 $0x70, s30;
	s29 =	sand.u32 $0xFFFFFC00, s31  }
0x59d: {  	s3 =	sor.u32 s3, s29  }
0x59e: {  	s3 =	sshrl.u32 s3, $0x3  }
0x59f: {  	s30 =	sadd.s32 $0xCE10, s26;
	s29 =	sadd.s32 s2, s3  }
0x5a0: {  	[tilespmem:s30], [sflag:s28] =	stream.linear.gather [hbm4b:s29+s4], $0x10, $0x38;
	[tilespmem:$0x18A00] =	vst v63  }
0x5a1: {  	s31 =	sadd.s32 $0xCE90, s26;
	s3 =	sadd.s32 $0x10, s29  }
0x5a2: {  	[tilespmem:s31], [sflag:s28] =	stream.linear.gather [hbm4b:s3+s4], $0x10, $0x38;
	[tilespmem:$0x18A00] =	vst v63  }
0x5a3: {  	s3 =	sadd.s32 $0x20, s29;
	s31 =	sadd.s32 $0xCF10, s26  }
0x5a4: {  	[tilespmem:s31], [sflag:s28] =	stream.linear.gather [hbm4b:s3+s4], $0x10, $0x38;
	[tilespmem:$0x18A00] =	vst v63  }
0x5a5: {  	s3 =	sadd.s32 $0x30, s29;
	s31 =	sadd.s32 $0xCF90, s26  }
0x5a6: {  	[tilespmem:s31], [sflag:s28] =	stream.linear.gather [hbm4b:s3+s4], $0x10, $0x38;
	[tilespmem:$0x18A00] =	vst v63  }
0x5a7: {  	s3 =	sadd.s32 $0x40, s29;
	s31 =	sadd.s32 $0xD010, s26  }
0x5a8: {  	[tilespmem:s31], [sflag:s28] =	stream.linear.gather [hbm4b:s3+s4], $0x10, $0x38;
	[tilespmem:$0x18A00] =	vst v63  }
0x5a9: {  	s3 =	sadd.s32 $0x50, s29;
	s31 =	sadd.s32 $0xD090, s26  }
0x5aa: {  	[tilespmem:s31], [sflag:s28] =	stream.linear.gather [hbm4b:s3+s4], $0x10, $0x38;
	[tilespmem:$0x18A00] =	vst v63  }
0x5ab: {  	s3 =	sadd.s32 $0x60, s29;
	s31 =	sadd.s32 $0xD110, s26  }
0x5ac: {  	[tilespmem:s31], [sflag:s28] =	stream.linear.gather [hbm4b:s3+s4], $0x10, $0x38;
	[tilespmem:$0x18A00] =	vst v63  }
0x5ad: {  	s3 =	sadd.s32 $0x70, s29;
	s31 =	sadd.s32 $0xD190, s26  }
0x5ae: {  	[tilespmem:s31], [sflag:s28] =	stream.linear.gather [hbm4b:s3+s4], $0x10, $0x38;
	[tilespmem:$0x18A00] =	vst v63  }
0x5af: {  	s3 =	sadd.s32 $0xF4280, s29;
	s31 =	sadd.s32 $0xD610, s26  }
0x5b0: {  	[tilespmem:s31], [sflag:s28] =	stream.linear.gather [hbm4b:s3+s4], $0x10, $0x38;
	[tilespmem:$0x18A00] =	vst v63  }
0x5b1: {  	s30 =	sadd.s32 $0x10, s3;
	s31 =	sadd.s32 $0xD690, s26  }
0x5b2: {  	[tilespmem:s31], [sflag:s28] =	stream.linear.gather [hbm4b:s30+s4], $0x10, $0x38;
	[tilespmem:$0x18A00] =	vst v63  }
0x5b3: {  	s30 =	sadd.s32 $0x20, s3;
	s31 =	sadd.s32 $0xD710, s26  }
0x5b4: {  	[tilespmem:s31], [sflag:s28] =	stream.linear.gather [hbm4b:s30+s4], $0x10, $0x38;
	[tilespmem:$0x18A00] =	vst v63  }
0x5b5: {  	s30 =	sadd.s32 $0x30, s3;
	s31 =	sadd.s32 $0xD790, s26  }
0x5b6: {  	[tilespmem:s31], [sflag:s28] =	stream.linear.gather [hbm4b:s30+s4], $0x10, $0x38;
	[tilespmem:$0x18A00] =	vst v63  }
0x5b7: {  	s30 =	sadd.s32 $0x40, s3;
	s31 =	sadd.s32 $0xD810, s26  }
0x5b8: {  	[tilespmem:s31], [sflag:s28] =	stream.linear.gather [hbm4b:s30+s4], $0x10, $0x38;
	[tilespmem:$0x18A00] =	vst v63  }
0x5b9: {  	s30 =	sadd.s32 $0x50, s3;
	s31 =	sadd.s32 $0xD890, s26  }
0x5ba: {  	[tilespmem:s31], [sflag:s28] =	stream.linear.gather [hbm4b:s30+s4], $0x10, $0x38;
	[tilespmem:$0x18A00] =	vst v63  }
0x5bb: {  	s30 =	sadd.s32 $0x60, s3;
	s31 =	sadd.s32 $0xD910, s26  }
0x5bc: {  	[tilespmem:s31], [sflag:s28] =	stream.linear.gather [hbm4b:s30+s4], $0x10, $0x38;
	[tilespmem:$0x18A00] =	vst v63  }
0x5bd: {  	s3 =	sadd.s32 $0x70, s3;
	s31 =	sadd.s32 $0xD990, s26  }
0x5be: {  	[tilespmem:s31], [sflag:s28] =	stream.linear.gather [hbm4b:s3+s4], $0x10, $0x38;
	[tilespmem:$0x18A00] =	vst v63  }
0x5bf: {  	s3 =	sadd.s32 $0x1E8500, s29;
	s31 =	sadd.s32 $0xDE10, s26  }
0x5c0: {  	[tilespmem:s31], [sflag:s28] =	stream.linear.gather [hbm4b:s3+s4], $0x10, $0x38;
	[tilespmem:$0x18A00] =	vst v63  }
0x5c1: {  	s30 =	sadd.s32 $0x10, s3;
	s31 =	sadd.s32 $0xDE90, s26  }
0x5c2: {  	[tilespmem:s31], [sflag:s28] =	stream.linear.gather [hbm4b:s30+s4], $0x10, $0x38;
	[tilespmem:$0x18A00] =	vst v63  }
0x5c3: {  	s30 =	sadd.s32 $0x20, s3;
	s31 =	sadd.s32 $0xDF10, s26  }
0x5c4: {  	[tilespmem:s31], [sflag:s28] =	stream.linear.gather [hbm4b:s30+s4], $0x10, $0x38;
	[tilespmem:$0x18A00] =	vst v63  }
0x5c5: {  	s30 =	sadd.s32 $0x30, s3;
	s31 =	sadd.s32 $0xDF90, s26  }
0x5c6: {  	[tilespmem:s31], [sflag:s28] =	stream.linear.gather [hbm4b:s30+s4], $0x10, $0x38;
	[tilespmem:$0x18A00] =	vst v63  }
0x5c7: {  	s30 =	sadd.s32 $0x40, s3;
	s31 =	sadd.s32 $0xE010, s26  }
0x5c8: {  	[tilespmem:s31], [sflag:s28] =	stream.linear.gather [hbm4b:s30+s4], $0x10, $0x38;
	[tilespmem:$0x18A00] =	vst v63  }
0x5c9: {  	s30 =	sadd.s32 $0x50, s3;
	s31 =	sadd.s32 $0xE090, s26  }
0x5ca: {  	[tilespmem:s31], [sflag:s28] =	stream.linear.gather [hbm4b:s30+s4], $0x10, $0x38;
	[tilespmem:$0x18A00] =	vst v63  }
0x5cb: {  	s30 =	sadd.s32 $0x60, s3;
	s31 =	sadd.s32 $0xE110, s26  }
0x5cc: {  	[tilespmem:s31], [sflag:s28] =	stream.linear.gather [hbm4b:s30+s4], $0x10, $0x38;
	[tilespmem:$0x18A00] =	vst v63  }
0x5cd: {  	s3 =	sadd.s32 $0x70, s3;
	s31 =	sadd.s32 $0xE190, s26  }
0x5ce: {  	(v2sf) =	vpush v35, $0xA;
	[tilespmem:s31], [sflag:s28] =	stream.linear.gather [hbm4b:s3+s4], $0x10, $0x38;
	[tilespmem:$0x18A00] =	vst v63  }
0x5cf: {  	s30 =	sadd.s32 $0xE610, s26;
	s3 =	sadd.s32 $0x2DC780, s29  }
0x5d0: {  	[tilespmem:s30], [sflag:s28] =	stream.linear.gather [hbm4b:s3+s4], $0x10, $0x38;
	[tilespmem:$0x18A00] =	vst v63  }
0x5d1: {  	s31 =	sadd.s32 $0xE690, s26;
	s29 =	sadd.s32 $0x10, s3  }
0x5d2: {  	[tilespmem:s31], [sflag:s28] =	stream.linear.gather [hbm4b:s29+s4], $0x10, $0x38;
	[tilespmem:$0x18A00] =	vst v63  }
0x5d3: {  	s29 =	sadd.s32 $0x20, s3;
	s31 =	sadd.s32 $0xE710, s26  }
0x5d4: {  	[tilespmem:s31], [sflag:s28] =	stream.linear.gather [hbm4b:s29+s4], $0x10, $0x38;
	[tilespmem:$0x18A00] =	vst v63  }
0x5d5: {  	s29 =	sadd.s32 $0x30, s3;
	s31 =	sadd.s32 $0xE790, s26  }
0x5d6: {  	[tilespmem:s31], [sflag:s28] =	stream.linear.gather [hbm4b:s29+s4], $0x10, $0x38;
	[tilespmem:$0x18A00] =	vst v63  }
0x5d7: {  	s29 =	sadd.s32 $0x40, s3;
	s31 =	sadd.s32 $0xE810, s26  }
0x5d8: {  	[tilespmem:s31], [sflag:s28] =	stream.linear.gather [hbm4b:s29+s4], $0x10, $0x38;
	[tilespmem:$0x18A00] =	vst v63  }
0x5d9: {  	s29 =	sadd.s32 $0x50, s3;
	s31 =	sadd.s32 $0xE890, s26  }
0x5da: {  	[tilespmem:s31], [sflag:s28] =	stream.linear.gather [hbm4b:s29+s4], $0x10, $0x38;
	[tilespmem:$0x18A00] =	vst v63  }
0x5db: {  	s29 =	sadd.s32 $0x60, s3;
	s31 =	sadd.s32 $0xE910, s26  }
0x5dc: {  	[tilespmem:s31], [sflag:s28] =	stream.linear.gather [hbm4b:s29+s4], $0x10, $0x38;
	[tilespmem:$0x18A00] =	vst v63  }
0x5dd: {  	s30 =	spop (v2sf);
	s3 =	sadd.s32 $0x70, s3;
	s31 =	sadd.s32 $0xE990, s26  }
0x5de: {  	[tilespmem:s31], [sflag:s28] =	stream.linear.gather [hbm4b:s3+s4], $0x10, $0x38;
	[tilespmem:$0x18A00] =	vst v63  }
0x5df: {  	s31 =	sshll.u32 s30, $0x3  }
0x5e0: {  	s3 =	sand.u32 $0x70, s30;
	s29 =	sand.u32 $0xFFFFFC00, s31  }
0x5e1: {  	s3 =	sor.u32 s3, s29  }
0x5e2: {  	s3 =	sshrl.u32 s3, $0x3  }
0x5e3: {  	s30 =	sor.u32 $0xE20, s26;
	s29 =	sadd.s32 s1, s3  }
0x5e4: {  	[tilespmem:s30], [sflag:s28] =	stream.linear.gather [hbm4b:s29+s4], $0x10, $0x38;
	[tilespmem:$0x18A00] =	vst v63  }
0x5e5: {  	s31 =	sor.u32 $0xEA0, s26;
	s3 =	sadd.s32 $0x10, s29  }
0x5e6: {  	[tilespmem:s31], [sflag:s28] =	stream.linear.gather [hbm4b:s3+s4], $0x10, $0x38;
	[tilespmem:$0x18A00] =	vst v63  }
0x5e7: {  	s3 =	sadd.s32 $0x20, s29;
	s31 =	sor.u32 $0xF20, s26  }
0x5e8: {  	[tilespmem:s31], [sflag:s28] =	stream.linear.gather [hbm4b:s3+s4], $0x10, $0x38;
	[tilespmem:$0x18A00] =	vst v63  }
0x5e9: {  	s3 =	sadd.s32 $0x30, s29;
	s31 =	sor.u32 $0xFA0, s26  }
0x5ea: {  	[tilespmem:s31], [sflag:s28] =	stream.linear.gather [hbm4b:s3+s4], $0x10, $0x38;
	[tilespmem:$0x18A00] =	vst v63  }
0x5eb: {  	s3 =	sadd.s32 $0x40, s29;
	s31 =	sor.u32 $0x1020, s26  }
0x5ec: {  	[tilespmem:s31], [sflag:s28] =	stream.linear.gather [hbm4b:s3+s4], $0x10, $0x38;
	[tilespmem:$0x18A00] =	vst v63  }
0x5ed: {  	s3 =	sadd.s32 $0x50, s29;
	s31 =	sor.u32 $0x10A0, s26  }
0x5ee: {  	[tilespmem:s31], [sflag:s28] =	stream.linear.gather [hbm4b:s3+s4], $0x10, $0x38;
	[tilespmem:$0x18A00] =	vst v63  }
0x5ef: {  	s3 =	sadd.s32 $0x60, s29;
	s31 =	sor.u32 $0x1120, s26  }
0x5f0: {  	[tilespmem:s31], [sflag:s28] =	stream.linear.gather [hbm4b:s3+s4], $0x10, $0x38;
	[tilespmem:$0x18A00] =	vst v63  }
0x5f1: {  	s3 =	sadd.s32 $0x70, s29;
	s31 =	sor.u32 $0x11A0, s26  }
0x5f2: {  	[tilespmem:s31], [sflag:s28] =	stream.linear.gather [hbm4b:s3+s4], $0x10, $0x38;
	[tilespmem:$0x18A00] =	vst v63  }
0x5f3: {  	s3 =	sadd.s32 $0xF4280, s29;
	s31 =	sor.u32 $0x1620, s26  }
0x5f4: {  	[tilespmem:s31], [sflag:s28] =	stream.linear.gather [hbm4b:s3+s4], $0x10, $0x38;
	[tilespmem:$0x18A00] =	vst v63  }
0x5f5: {  	s30 =	sadd.s32 $0x10, s3;
	s31 =	sor.u32 $0x16A0, s26  }
0x5f6: {  	[tilespmem:s31], [sflag:s28] =	stream.linear.gather [hbm4b:s30+s4], $0x10, $0x38;
	[tilespmem:$0x18A00] =	vst v63  }
0x5f7: {  	s30 =	sadd.s32 $0x20, s3;
	s31 =	sor.u32 $0x1720, s26  }
0x5f8: {  	[tilespmem:s31], [sflag:s28] =	stream.linear.gather [hbm4b:s30+s4], $0x10, $0x38;
	[tilespmem:$0x18A00] =	vst v63  }
0x5f9: {  	s30 =	sadd.s32 $0x30, s3;
	s31 =	sor.u32 $0x17A0, s26  }
0x5fa: {  	[tilespmem:s31], [sflag:s28] =	stream.linear.gather [hbm4b:s30+s4], $0x10, $0x38;
	[tilespmem:$0x18A00] =	vst v63  }
0x5fb: {  	s30 =	sadd.s32 $0x40, s3;
	s31 =	sor.u32 $0x1820, s26  }
0x5fc: {  	[tilespmem:s31], [sflag:s28] =	stream.linear.gather [hbm4b:s30+s4], $0x10, $0x38;
	[tilespmem:$0x18A00] =	vst v63  }
0x5fd: {  	s30 =	sadd.s32 $0x50, s3;
	s31 =	sor.u32 $0x18A0, s26  }
0x5fe: {  	[tilespmem:s31], [sflag:s28] =	stream.linear.gather [hbm4b:s30+s4], $0x10, $0x38;
	[tilespmem:$0x18A00] =	vst v63  }
0x5ff: {  	s30 =	sadd.s32 $0x60, s3;
	s31 =	sor.u32 $0x1920, s26  }
0x600: {  	[tilespmem:s31], [sflag:s28] =	stream.linear.gather [hbm4b:s30+s4], $0x10, $0x38;
	[tilespmem:$0x18A00] =	vst v63  }
0x601: {  	s3 =	sadd.s32 $0x70, s3;
	s31 =	sor.u32 $0x19A0, s26  }
0x602: {  	[tilespmem:s31], [sflag:s28] =	stream.linear.gather [hbm4b:s3+s4], $0x10, $0x38;
	[tilespmem:$0x18A00] =	vst v63  }
0x603: {  	s3 =	sadd.s32 $0x1E8500, s29;
	s31 =	sor.u32 $0x1E20, s26  }
0x604: {  	[tilespmem:s31], [sflag:s28] =	stream.linear.gather [hbm4b:s3+s4], $0x10, $0x38;
	[tilespmem:$0x18A00] =	vst v63  }
0x605: {  	s30 =	sadd.s32 $0x10, s3;
	s31 =	sor.u32 $0x1EA0, s26  }
0x606: {  	[tilespmem:s31], [sflag:s28] =	stream.linear.gather [hbm4b:s30+s4], $0x10, $0x38;
	[tilespmem:$0x18A00] =	vst v63  }
0x607: {  	s30 =	sadd.s32 $0x20, s3;
	s31 =	sor.u32 $0x1F20, s26  }
0x608: {  	[tilespmem:s31], [sflag:s28] =	stream.linear.gather [hbm4b:s30+s4], $0x10, $0x38;
	[tilespmem:$0x18A00] =	vst v63  }
0x609: {  	s30 =	sadd.s32 $0x30, s3;
	s31 =	sor.u32 $0x1FA0, s26  }
0x60a: {  	[tilespmem:s31], [sflag:s28] =	stream.linear.gather [hbm4b:s30+s4], $0x10, $0x38;
	[tilespmem:$0x18A00] =	vst v63  }
0x60b: {  	s30 =	sadd.s32 $0x40, s3;
	s31 =	sadd.s32 $0x2020, s26  }
0x60c: {  	[tilespmem:s31], [sflag:s28] =	stream.linear.gather [hbm4b:s30+s4], $0x10, $0x38;
	[tilespmem:$0x18A00] =	vst v63  }
0x60d: {  	s30 =	sadd.s32 $0x50, s3;
	s31 =	sadd.s32 $0x20A0, s26  }
0x60e: {  	[tilespmem:s31], [sflag:s28] =	stream.linear.gather [hbm4b:s30+s4], $0x10, $0x38;
	[tilespmem:$0x18A00] =	vst v63  }
0x60f: {  	s30 =	sadd.s32 $0x60, s3;
	s31 =	sadd.s32 $0x2120, s26  }
0x610: {  	[tilespmem:s31], [sflag:s28] =	stream.linear.gather [hbm4b:s30+s4], $0x10, $0x38;
	[tilespmem:$0x18A00] =	vst v63  }
0x611: {  	s3 =	sadd.s32 $0x70, s3;
	s31 =	sadd.s32 $0x21A0, s26  }
0x612: {  	(v2sf) =	vpush v34, $0xA;
	[tilespmem:s31], [sflag:s28] =	stream.linear.gather [hbm4b:s3+s4], $0x10, $0x38;
	[tilespmem:$0x18A00] =	vst v63  }
0x613: {  	s30 =	sadd.s32 $0x2620, s26;
	s3 =	sadd.s32 $0x2DC780, s29  }
0x614: {  	[tilespmem:s30], [sflag:s28] =	stream.linear.gather [hbm4b:s3+s4], $0x10, $0x38;
	[tilespmem:$0x18A00] =	vst v63  }
0x615: {  	s31 =	sadd.s32 $0x26A0, s26;
	s29 =	sadd.s32 $0x10, s3  }
0x616: {  	[tilespmem:s31], [sflag:s28] =	stream.linear.gather [hbm4b:s29+s4], $0x10, $0x38;
	[tilespmem:$0x18A00] =	vst v63  }
0x617: {  	s29 =	sadd.s32 $0x20, s3;
	s31 =	sadd.s32 $0x2720, s26  }
0x618: {  	[tilespmem:s31], [sflag:s28] =	stream.linear.gather [hbm4b:s29+s4], $0x10, $0x38;
	[tilespmem:$0x18A00] =	vst v63  }
0x619: {  	s29 =	sadd.s32 $0x30, s3;
	s31 =	sadd.s32 $0x27A0, s26  }
0x61a: {  	[tilespmem:s31], [sflag:s28] =	stream.linear.gather [hbm4b:s29+s4], $0x10, $0x38;
	[tilespmem:$0x18A00] =	vst v63  }
0x61b: {  	s29 =	sadd.s32 $0x40, s3;
	s31 =	sadd.s32 $0x2820, s26  }
0x61c: {  	[tilespmem:s31], [sflag:s28] =	stream.linear.gather [hbm4b:s29+s4], $0x10, $0x38;
	[tilespmem:$0x18A00] =	vst v63  }
0x61d: {  	s29 =	sadd.s32 $0x50, s3;
	s31 =	sadd.s32 $0x28A0, s26  }
0x61e: {  	[tilespmem:s31], [sflag:s28] =	stream.linear.gather [hbm4b:s29+s4], $0x10, $0x38;
	[tilespmem:$0x18A00] =	vst v63  }
0x61f: {  	s29 =	sadd.s32 $0x60, s3;
	s31 =	sadd.s32 $0x2920, s26  }
0x620: {  	[tilespmem:s31], [sflag:s28] =	stream.linear.gather [hbm4b:s29+s4], $0x10, $0x38;
	[tilespmem:$0x18A00] =	vst v63  }
0x621: {  	s30 =	spop (v2sf);
	s3 =	sadd.s32 $0x70, s3;
	s31 =	sadd.s32 $0x29A0, s26  }
0x622: {  	[tilespmem:s31], [sflag:s28] =	stream.linear.gather [hbm4b:s3+s4], $0x10, $0x38;
	[tilespmem:$0x18A00] =	vst v63  }
0x623: {  	s31 =	sshll.u32 s30, $0x3  }
0x624: {  	s3 =	sand.u32 $0x70, s30;
	s29 =	sand.u32 $0xFFFFFC00, s31  }
0x625: {  	s3 =	sor.u32 s3, s29  }
0x626: {  	s3 =	sshrl.u32 s3, $0x3  }
0x627: {  	s30 =	sadd.s32 $0xCE20, s26;
	s29 =	sadd.s32 s2, s3  }
0x628: {  	[tilespmem:s30], [sflag:s28] =	stream.linear.gather [hbm4b:s29+s4], $0x10, $0x38;
	[tilespmem:$0x18A00] =	vst v63  }
0x629: {  	s31 =	sadd.s32 $0xCEA0, s26;
	s3 =	sadd.s32 $0x10, s29  }
0x62a: {  	[tilespmem:s31], [sflag:s28] =	stream.linear.gather [hbm4b:s3+s4], $0x10, $0x38;
	[tilespmem:$0x18A00] =	vst v63  }
0x62b: {  	s3 =	sadd.s32 $0x20, s29;
	s31 =	sadd.s32 $0xCF20, s26  }
0x62c: {  	[tilespmem:s31], [sflag:s28] =	stream.linear.gather [hbm4b:s3+s4], $0x10, $0x38;
	[tilespmem:$0x18A00] =	vst v63  }
0x62d: {  	s3 =	sadd.s32 $0x30, s29;
	s31 =	sadd.s32 $0xCFA0, s26  }
0x62e: {  	[tilespmem:s31], [sflag:s28] =	stream.linear.gather [hbm4b:s3+s4], $0x10, $0x38;
	[tilespmem:$0x18A00] =	vst v63  }
0x62f: {  	s3 =	sadd.s32 $0x40, s29;
	s31 =	sadd.s32 $0xD020, s26  }
0x630: {  	[tilespmem:s31], [sflag:s28] =	stream.linear.gather [hbm4b:s3+s4], $0x10, $0x38;
	[tilespmem:$0x18A00] =	vst v63  }
0x631: {  	s3 =	sadd.s32 $0x50, s29;
	s31 =	sadd.s32 $0xD0A0, s26  }
0x632: {  	[tilespmem:s31], [sflag:s28] =	stream.linear.gather [hbm4b:s3+s4], $0x10, $0x38;
	[tilespmem:$0x18A00] =	vst v63  }
0x633: {  	s3 =	sadd.s32 $0x60, s29;
	s31 =	sadd.s32 $0xD120, s26  }
0x634: {  	[tilespmem:s31], [sflag:s28] =	stream.linear.gather [hbm4b:s3+s4], $0x10, $0x38;
	[tilespmem:$0x18A00] =	vst v63  }
0x635: {  	s3 =	sadd.s32 $0x70, s29;
	s31 =	sadd.s32 $0xD1A0, s26  }
0x636: {  	[tilespmem:s31], [sflag:s28] =	stream.linear.gather [hbm4b:s3+s4], $0x10, $0x38;
	[tilespmem:$0x18A00] =	vst v63  }
0x637: {  	s3 =	sadd.s32 $0xF4280, s29;
	s31 =	sadd.s32 $0xD620, s26  }
0x638: {  	[tilespmem:s31], [sflag:s28] =	stream.linear.gather [hbm4b:s3+s4], $0x10, $0x38;
	[tilespmem:$0x18A00] =	vst v63  }
0x639: {  	s30 =	sadd.s32 $0x10, s3;
	s31 =	sadd.s32 $0xD6A0, s26  }
0x63a: {  	[tilespmem:s31], [sflag:s28] =	stream.linear.gather [hbm4b:s30+s4], $0x10, $0x38;
	[tilespmem:$0x18A00] =	vst v63  }
0x63b: {  	s30 =	sadd.s32 $0x20, s3;
	s31 =	sadd.s32 $0xD720, s26  }
0x63c: {  	[tilespmem:s31], [sflag:s28] =	stream.linear.gather [hbm4b:s30+s4], $0x10, $0x38;
	[tilespmem:$0x18A00] =	vst v63  }
0x63d: {  	s30 =	sadd.s32 $0x30, s3;
	s31 =	sadd.s32 $0xD7A0, s26  }
0x63e: {  	[tilespmem:s31], [sflag:s28] =	stream.linear.gather [hbm4b:s30+s4], $0x10, $0x38;
	[tilespmem:$0x18A00] =	vst v63  }
0x63f: {  	s30 =	sadd.s32 $0x40, s3;
	s31 =	sadd.s32 $0xD820, s26  }
0x640: {  	[tilespmem:s31], [sflag:s28] =	stream.linear.gather [hbm4b:s30+s4], $0x10, $0x38;
	[tilespmem:$0x18A00] =	vst v63  }
0x641: {  	s30 =	sadd.s32 $0x50, s3;
	s31 =	sadd.s32 $0xD8A0, s26  }
0x642: {  	[tilespmem:s31], [sflag:s28] =	stream.linear.gather [hbm4b:s30+s4], $0x10, $0x38;
	[tilespmem:$0x18A00] =	vst v63  }
0x643: {  	s30 =	sadd.s32 $0x60, s3;
	s31 =	sadd.s32 $0xD920, s26  }
0x644: {  	[tilespmem:s31], [sflag:s28] =	stream.linear.gather [hbm4b:s30+s4], $0x10, $0x38;
	[tilespmem:$0x18A00] =	vst v63  }
0x645: {  	s3 =	sadd.s32 $0x70, s3;
	s31 =	sadd.s32 $0xD9A0, s26  }
0x646: {  	[tilespmem:s31], [sflag:s28] =	stream.linear.gather [hbm4b:s3+s4], $0x10, $0x38;
	[tilespmem:$0x18A00] =	vst v63  }
0x647: {  	s3 =	sadd.s32 $0x1E8500, s29;
	s31 =	sadd.s32 $0xDE20, s26  }
0x648: {  	[tilespmem:s31], [sflag:s28] =	stream.linear.gather [hbm4b:s3+s4], $0x10, $0x38;
	[tilespmem:$0x18A00] =	vst v63  }
0x649: {  	s30 =	sadd.s32 $0x10, s3;
	s31 =	sadd.s32 $0xDEA0, s26  }
0x64a: {  	[tilespmem:s31], [sflag:s28] =	stream.linear.gather [hbm4b:s30+s4], $0x10, $0x38;
	[tilespmem:$0x18A00] =	vst v63  }
0x64b: {  	s30 =	sadd.s32 $0x20, s3;
	s31 =	sadd.s32 $0xDF20, s26  }
0x64c: {  	[tilespmem:s31], [sflag:s28] =	stream.linear.gather [hbm4b:s30+s4], $0x10, $0x38;
	[tilespmem:$0x18A00] =	vst v63  }
0x64d: {  	s30 =	sadd.s32 $0x30, s3;
	s31 =	sadd.s32 $0xDFA0, s26  }
0x64e: {  	[tilespmem:s31], [sflag:s28] =	stream.linear.gather [hbm4b:s30+s4], $0x10, $0x38;
	[tilespmem:$0x18A00] =	vst v63  }
0x64f: {  	s30 =	sadd.s32 $0x40, s3;
	s31 =	sadd.s32 $0xE020, s26  }
0x650: {  	[tilespmem:s31], [sflag:s28] =	stream.linear.gather [hbm4b:s30+s4], $0x10, $0x38;
	[tilespmem:$0x18A00] =	vst v63  }
0x651: {  	s30 =	sadd.s32 $0x50, s3;
	s31 =	sadd.s32 $0xE0A0, s26  }
0x652: {  	[tilespmem:s31], [sflag:s28] =	stream.linear.gather [hbm4b:s30+s4], $0x10, $0x38;
	[tilespmem:$0x18A00] =	vst v63  }
0x653: {  	s30 =	sadd.s32 $0x60, s3;
	s31 =	sadd.s32 $0xE120, s26  }
0x654: {  	[tilespmem:s31], [sflag:s28] =	stream.linear.gather [hbm4b:s30+s4], $0x10, $0x38;
	[tilespmem:$0x18A00] =	vst v63  }
0x655: {  	s3 =	sadd.s32 $0x70, s3;
	s31 =	sadd.s32 $0xE1A0, s26  }
0x656: {  	(v2sf) =	vpush v35, $0xB;
	[tilespmem:s31], [sflag:s28] =	stream.linear.gather [hbm4b:s3+s4], $0x10, $0x38;
	[tilespmem:$0x18A00] =	vst v63  }
0x657: {  	s30 =	sadd.s32 $0xE620, s26;
	s3 =	sadd.s32 $0x2DC780, s29  }
0x658: {  	[tilespmem:s30], [sflag:s28] =	stream.linear.gather [hbm4b:s3+s4], $0x10, $0x38;
	[tilespmem:$0x18A00] =	vst v63  }
0x659: {  	s31 =	sadd.s32 $0xE6A0, s26;
	s29 =	sadd.s32 $0x10, s3  }
0x65a: {  	[tilespmem:s31], [sflag:s28] =	stream.linear.gather [hbm4b:s29+s4], $0x10, $0x38;
	[tilespmem:$0x18A00] =	vst v63  }
0x65b: {  	s29 =	sadd.s32 $0x20, s3;
	s31 =	sadd.s32 $0xE720, s26  }
0x65c: {  	[tilespmem:s31], [sflag:s28] =	stream.linear.gather [hbm4b:s29+s4], $0x10, $0x38;
	[tilespmem:$0x18A00] =	vst v63  }
0x65d: {  	s29 =	sadd.s32 $0x30, s3;
	s31 =	sadd.s32 $0xE7A0, s26  }
0x65e: {  	[tilespmem:s31], [sflag:s28] =	stream.linear.gather [hbm4b:s29+s4], $0x10, $0x38;
	[tilespmem:$0x18A00] =	vst v63  }
0x65f: {  	s29 =	sadd.s32 $0x40, s3;
	s31 =	sadd.s32 $0xE820, s26  }
0x660: {  	[tilespmem:s31], [sflag:s28] =	stream.linear.gather [hbm4b:s29+s4], $0x10, $0x38;
	[tilespmem:$0x18A00] =	vst v63  }
0x661: {  	s29 =	sadd.s32 $0x50, s3;
	s31 =	sadd.s32 $0xE8A0, s26  }
0x662: {  	[tilespmem:s31], [sflag:s28] =	stream.linear.gather [hbm4b:s29+s4], $0x10, $0x38;
	[tilespmem:$0x18A00] =	vst v63  }
0x663: {  	s29 =	sadd.s32 $0x60, s3;
	s31 =	sadd.s32 $0xE920, s26  }
0x664: {  	[tilespmem:s31], [sflag:s28] =	stream.linear.gather [hbm4b:s29+s4], $0x10, $0x38;
	[tilespmem:$0x18A00] =	vst v63  }
0x665: {  	s30 =	spop (v2sf);
	s3 =	sadd.s32 $0x70, s3;
	s31 =	sadd.s32 $0xE9A0, s26  }
0x666: {  	[tilespmem:s31], [sflag:s28] =	stream.linear.gather [hbm4b:s3+s4], $0x10, $0x38;
	[tilespmem:$0x18A00] =	vst v63  }
0x667: {  	s31 =	sshll.u32 s30, $0x3  }
0x668: {  	s3 =	sand.u32 $0x70, s30;
	s29 =	sand.u32 $0xFFFFFC00, s31  }
0x669: {  	s3 =	sor.u32 s3, s29  }
0x66a: {  	s3 =	sshrl.u32 s3, $0x3  }
0x66b: {  	s30 =	sor.u32 $0xE30, s26;
	s29 =	sadd.s32 s1, s3  }
0x66c: {  	[tilespmem:s30], [sflag:s28] =	stream.linear.gather [hbm4b:s29+s4], $0x10, $0x38;
	[tilespmem:$0x18A00] =	vst v63  }
0x66d: {  	s31 =	sor.u32 $0xEB0, s26;
	s3 =	sadd.s32 $0x10, s29  }
0x66e: {  	[tilespmem:s31], [sflag:s28] =	stream.linear.gather [hbm4b:s3+s4], $0x10, $0x38;
	[tilespmem:$0x18A00] =	vst v63  }
0x66f: {  	s3 =	sadd.s32 $0x20, s29;
	s31 =	sor.u32 $0xF30, s26  }
0x670: {  	[tilespmem:s31], [sflag:s28] =	stream.linear.gather [hbm4b:s3+s4], $0x10, $0x38;
	[tilespmem:$0x18A00] =	vst v63  }
0x671: {  	s3 =	sadd.s32 $0x30, s29;
	s31 =	sor.u32 $0xFB0, s26  }
0x672: {  	[tilespmem:s31], [sflag:s28] =	stream.linear.gather [hbm4b:s3+s4], $0x10, $0x38;
	[tilespmem:$0x18A00] =	vst v63  }
0x673: {  	s3 =	sadd.s32 $0x40, s29;
	s31 =	sor.u32 $0x1030, s26  }
0x674: {  	[tilespmem:s31], [sflag:s28] =	stream.linear.gather [hbm4b:s3+s4], $0x10, $0x38;
	[tilespmem:$0x18A00] =	vst v63  }
0x675: {  	s3 =	sadd.s32 $0x50, s29;
	s31 =	sor.u32 $0x10B0, s26  }
0x676: {  	[tilespmem:s31], [sflag:s28] =	stream.linear.gather [hbm4b:s3+s4], $0x10, $0x38;
	[tilespmem:$0x18A00] =	vst v63  }
0x677: {  	s3 =	sadd.s32 $0x60, s29;
	s31 =	sor.u32 $0x1130, s26  }
0x678: {  	[tilespmem:s31], [sflag:s28] =	stream.linear.gather [hbm4b:s3+s4], $0x10, $0x38;
	[tilespmem:$0x18A00] =	vst v63  }
0x679: {  	s3 =	sadd.s32 $0x70, s29;
	s31 =	sor.u32 $0x11B0, s26  }
0x67a: {  	[tilespmem:s31], [sflag:s28] =	stream.linear.gather [hbm4b:s3+s4], $0x10, $0x38;
	[tilespmem:$0x18A00] =	vst v63  }
0x67b: {  	s3 =	sadd.s32 $0xF4280, s29;
	s31 =	sor.u32 $0x1630, s26  }
0x67c: {  	[tilespmem:s31], [sflag:s28] =	stream.linear.gather [hbm4b:s3+s4], $0x10, $0x38;
	[tilespmem:$0x18A00] =	vst v63  }
0x67d: {  	s30 =	sadd.s32 $0x10, s3;
	s31 =	sor.u32 $0x16B0, s26  }
0x67e: {  	[tilespmem:s31], [sflag:s28] =	stream.linear.gather [hbm4b:s30+s4], $0x10, $0x38;
	[tilespmem:$0x18A00] =	vst v63  }
0x67f: {  	s30 =	sadd.s32 $0x20, s3;
	s31 =	sor.u32 $0x1730, s26  }
0x680: {  	[tilespmem:s31], [sflag:s28] =	stream.linear.gather [hbm4b:s30+s4], $0x10, $0x38;
	[tilespmem:$0x18A00] =	vst v63  }
0x681: {  	s30 =	sadd.s32 $0x30, s3;
	s31 =	sor.u32 $0x17B0, s26  }
0x682: {  	[tilespmem:s31], [sflag:s28] =	stream.linear.gather [hbm4b:s30+s4], $0x10, $0x38;
	[tilespmem:$0x18A00] =	vst v63  }
0x683: {  	s30 =	sadd.s32 $0x40, s3;
	s31 =	sor.u32 $0x1830, s26  }
0x684: {  	[tilespmem:s31], [sflag:s28] =	stream.linear.gather [hbm4b:s30+s4], $0x10, $0x38;
	[tilespmem:$0x18A00] =	vst v63  }
0x685: {  	s30 =	sadd.s32 $0x50, s3;
	s31 =	sor.u32 $0x18B0, s26  }
0x686: {  	[tilespmem:s31], [sflag:s28] =	stream.linear.gather [hbm4b:s30+s4], $0x10, $0x38;
	[tilespmem:$0x18A00] =	vst v63  }
0x687: {  	s30 =	sadd.s32 $0x60, s3;
	s31 =	sor.u32 $0x1930, s26  }
0x688: {  	[tilespmem:s31], [sflag:s28] =	stream.linear.gather [hbm4b:s30+s4], $0x10, $0x38;
	[tilespmem:$0x18A00] =	vst v63  }
0x689: {  	s3 =	sadd.s32 $0x70, s3;
	s31 =	sor.u32 $0x19B0, s26  }
0x68a: {  	[tilespmem:s31], [sflag:s28] =	stream.linear.gather [hbm4b:s3+s4], $0x10, $0x38;
	[tilespmem:$0x18A00] =	vst v63  }
0x68b: {  	s3 =	sadd.s32 $0x1E8500, s29;
	s31 =	sor.u32 $0x1E30, s26  }
0x68c: {  	[tilespmem:s31], [sflag:s28] =	stream.linear.gather [hbm4b:s3+s4], $0x10, $0x38;
	[tilespmem:$0x18A00] =	vst v63  }
0x68d: {  	s30 =	sadd.s32 $0x10, s3;
	s31 =	sor.u32 $0x1EB0, s26  }
0x68e: {  	[tilespmem:s31], [sflag:s28] =	stream.linear.gather [hbm4b:s30+s4], $0x10, $0x38;
	[tilespmem:$0x18A00] =	vst v63  }
0x68f: {  	s30 =	sadd.s32 $0x20, s3;
	s31 =	sor.u32 $0x1F30, s26  }
0x690: {  	[tilespmem:s31], [sflag:s28] =	stream.linear.gather [hbm4b:s30+s4], $0x10, $0x38;
	[tilespmem:$0x18A00] =	vst v63  }
0x691: {  	s30 =	sadd.s32 $0x30, s3;
	s31 =	sor.u32 $0x1FB0, s26  }
0x692: {  	[tilespmem:s31], [sflag:s28] =	stream.linear.gather [hbm4b:s30+s4], $0x10, $0x38;
	[tilespmem:$0x18A00] =	vst v63  }
0x693: {  	s30 =	sadd.s32 $0x40, s3;
	s31 =	sadd.s32 $0x2030, s26  }
0x694: {  	[tilespmem:s31], [sflag:s28] =	stream.linear.gather [hbm4b:s30+s4], $0x10, $0x38;
	[tilespmem:$0x18A00] =	vst v63  }
0x695: {  	s30 =	sadd.s32 $0x50, s3;
	s31 =	sadd.s32 $0x20B0, s26  }
0x696: {  	[tilespmem:s31], [sflag:s28] =	stream.linear.gather [hbm4b:s30+s4], $0x10, $0x38;
	[tilespmem:$0x18A00] =	vst v63  }
0x697: {  	s30 =	sadd.s32 $0x60, s3;
	s31 =	sadd.s32 $0x2130, s26  }
0x698: {  	[tilespmem:s31], [sflag:s28] =	stream.linear.gather [hbm4b:s30+s4], $0x10, $0x38;
	[tilespmem:$0x18A00] =	vst v63  }
0x699: {  	s3 =	sadd.s32 $0x70, s3;
	s31 =	sadd.s32 $0x21B0, s26  }
0x69a: {  	(v2sf) =	vpush v34, $0xB;
	[tilespmem:s31], [sflag:s28] =	stream.linear.gather [hbm4b:s3+s4], $0x10, $0x38;
	[tilespmem:$0x18A00] =	vst v63  }
0x69b: {  	s30 =	sadd.s32 $0x2630, s26;
	s3 =	sadd.s32 $0x2DC780, s29  }
0x69c: {  	[tilespmem:s30], [sflag:s28] =	stream.linear.gather [hbm4b:s3+s4], $0x10, $0x38;
	[tilespmem:$0x18A00] =	vst v63  }
0x69d: {  	s31 =	sadd.s32 $0x26B0, s26;
	s29 =	sadd.s32 $0x10, s3  }
0x69e: {  	[tilespmem:s31], [sflag:s28] =	stream.linear.gather [hbm4b:s29+s4], $0x10, $0x38;
	[tilespmem:$0x18A00] =	vst v63  }
0x69f: {  	s29 =	sadd.s32 $0x20, s3;
	s31 =	sadd.s32 $0x2730, s26  }
0x6a0: {  	[tilespmem:s31], [sflag:s28] =	stream.linear.gather [hbm4b:s29+s4], $0x10, $0x38;
	[tilespmem:$0x18A00] =	vst v63  }
0x6a1: {  	s29 =	sadd.s32 $0x30, s3;
	s31 =	sadd.s32 $0x27B0, s26  }
0x6a2: {  	[tilespmem:s31], [sflag:s28] =	stream.linear.gather [hbm4b:s29+s4], $0x10, $0x38;
	[tilespmem:$0x18A00] =	vst v63  }
0x6a3: {  	s29 =	sadd.s32 $0x40, s3;
	s31 =	sadd.s32 $0x2830, s26  }
0x6a4: {  	[tilespmem:s31], [sflag:s28] =	stream.linear.gather [hbm4b:s29+s4], $0x10, $0x38;
	[tilespmem:$0x18A00] =	vst v63  }
0x6a5: {  	s29 =	sadd.s32 $0x50, s3;
	s31 =	sadd.s32 $0x28B0, s26  }
0x6a6: {  	[tilespmem:s31], [sflag:s28] =	stream.linear.gather [hbm4b:s29+s4], $0x10, $0x38;
	[tilespmem:$0x18A00] =	vst v63  }
0x6a7: {  	s29 =	sadd.s32 $0x60, s3;
	s31 =	sadd.s32 $0x2930, s26  }
0x6a8: {  	[tilespmem:s31], [sflag:s28] =	stream.linear.gather [hbm4b:s29+s4], $0x10, $0x38;
	[tilespmem:$0x18A00] =	vst v63  }
0x6a9: {  	s30 =	spop (v2sf);
	s3 =	sadd.s32 $0x70, s3;
	s31 =	sadd.s32 $0x29B0, s26  }
0x6aa: {  	[tilespmem:s31], [sflag:s28] =	stream.linear.gather [hbm4b:s3+s4], $0x10, $0x38;
	[tilespmem:$0x18A00] =	vst v63  }
0x6ab: {  	s31 =	sshll.u32 s30, $0x3  }
0x6ac: {  	s3 =	sand.u32 $0x70, s30;
	s29 =	sand.u32 $0xFFFFFC00, s31  }
0x6ad: {  	s3 =	sor.u32 s3, s29  }
0x6ae: {  	s3 =	sshrl.u32 s3, $0x3  }
0x6af: {  	s30 =	sadd.s32 $0xCE30, s26;
	s29 =	sadd.s32 s2, s3  }
0x6b0: {  	[tilespmem:s30], [sflag:s28] =	stream.linear.gather [hbm4b:s29+s4], $0x10, $0x38;
	[tilespmem:$0x18A00] =	vst v63  }
0x6b1: {  	s31 =	sadd.s32 $0xCEB0, s26;
	s3 =	sadd.s32 $0x10, s29  }
0x6b2: {  	[tilespmem:s31], [sflag:s28] =	stream.linear.gather [hbm4b:s3+s4], $0x10, $0x38;
	[tilespmem:$0x18A00] =	vst v63  }
0x6b3: {  	s3 =	sadd.s32 $0x20, s29;
	s31 =	sadd.s32 $0xCF30, s26  }
0x6b4: {  	[tilespmem:s31], [sflag:s28] =	stream.linear.gather [hbm4b:s3+s4], $0x10, $0x38;
	[tilespmem:$0x18A00] =	vst v63  }
0x6b5: {  	s3 =	sadd.s32 $0x30, s29;
	s31 =	sadd.s32 $0xCFB0, s26  }
0x6b6: {  	[tilespmem:s31], [sflag:s28] =	stream.linear.gather [hbm4b:s3+s4], $0x10, $0x38;
	[tilespmem:$0x18A00] =	vst v63  }
0x6b7: {  	s3 =	sadd.s32 $0x40, s29;
	s31 =	sadd.s32 $0xD030, s26  }
0x6b8: {  	[tilespmem:s31], [sflag:s28] =	stream.linear.gather [hbm4b:s3+s4], $0x10, $0x38;
	[tilespmem:$0x18A00] =	vst v63  }
0x6b9: {  	s3 =	sadd.s32 $0x50, s29;
	s31 =	sadd.s32 $0xD0B0, s26  }
0x6ba: {  	[tilespmem:s31], [sflag:s28] =	stream.linear.gather [hbm4b:s3+s4], $0x10, $0x38;
	[tilespmem:$0x18A00] =	vst v63  }
0x6bb: {  	s3 =	sadd.s32 $0x60, s29;
	s31 =	sadd.s32 $0xD130, s26  }
0x6bc: {  	[tilespmem:s31], [sflag:s28] =	stream.linear.gather [hbm4b:s3+s4], $0x10, $0x38;
	[tilespmem:$0x18A00] =	vst v63  }
0x6bd: {  	s3 =	sadd.s32 $0x70, s29;
	s31 =	sadd.s32 $0xD1B0, s26  }
0x6be: {  	[tilespmem:s31], [sflag:s28] =	stream.linear.gather [hbm4b:s3+s4], $0x10, $0x38;
	[tilespmem:$0x18A00] =	vst v63  }
0x6bf: {  	s3 =	sadd.s32 $0xF4280, s29;
	s31 =	sadd.s32 $0xD630, s26  }
0x6c0: {  	[tilespmem:s31], [sflag:s28] =	stream.linear.gather [hbm4b:s3+s4], $0x10, $0x38;
	[tilespmem:$0x18A00] =	vst v63  }
0x6c1: {  	s30 =	sadd.s32 $0x10, s3;
	s31 =	sadd.s32 $0xD6B0, s26  }
0x6c2: {  	[tilespmem:s31], [sflag:s28] =	stream.linear.gather [hbm4b:s30+s4], $0x10, $0x38;
	[tilespmem:$0x18A00] =	vst v63  }
0x6c3: {  	s30 =	sadd.s32 $0x20, s3;
	s31 =	sadd.s32 $0xD730, s26  }
0x6c4: {  	[tilespmem:s31], [sflag:s28] =	stream.linear.gather [hbm4b:s30+s4], $0x10, $0x38;
	[tilespmem:$0x18A00] =	vst v63  }
0x6c5: {  	s30 =	sadd.s32 $0x30, s3;
	s31 =	sadd.s32 $0xD7B0, s26  }
0x6c6: {  	[tilespmem:s31], [sflag:s28] =	stream.linear.gather [hbm4b:s30+s4], $0x10, $0x38;
	[tilespmem:$0x18A00] =	vst v63  }
0x6c7: {  	s30 =	sadd.s32 $0x40, s3;
	s31 =	sadd.s32 $0xD830, s26  }
0x6c8: {  	[tilespmem:s31], [sflag:s28] =	stream.linear.gather [hbm4b:s30+s4], $0x10, $0x38;
	[tilespmem:$0x18A00] =	vst v63  }
0x6c9: {  	s30 =	sadd.s32 $0x50, s3;
	s31 =	sadd.s32 $0xD8B0, s26  }
0x6ca: {  	[tilespmem:s31], [sflag:s28] =	stream.linear.gather [hbm4b:s30+s4], $0x10, $0x38;
	[tilespmem:$0x18A00] =	vst v63  }
0x6cb: {  	s30 =	sadd.s32 $0x60, s3;
	s31 =	sadd.s32 $0xD930, s26  }
0x6cc: {  	[tilespmem:s31], [sflag:s28] =	stream.linear.gather [hbm4b:s30+s4], $0x10, $0x38;
	[tilespmem:$0x18A00] =	vst v63  }
0x6cd: {  	s3 =	sadd.s32 $0x70, s3;
	s31 =	sadd.s32 $0xD9B0, s26  }
0x6ce: {  	[tilespmem:s31], [sflag:s28] =	stream.linear.gather [hbm4b:s3+s4], $0x10, $0x38;
	[tilespmem:$0x18A00] =	vst v63  }
0x6cf: {  	s3 =	sadd.s32 $0x1E8500, s29;
	s31 =	sadd.s32 $0xDE30, s26  }
0x6d0: {  	[tilespmem:s31], [sflag:s28] =	stream.linear.gather [hbm4b:s3+s4], $0x10, $0x38;
	[tilespmem:$0x18A00] =	vst v63  }
0x6d1: {  	s30 =	sadd.s32 $0x10, s3;
	s31 =	sadd.s32 $0xDEB0, s26  }
0x6d2: {  	[tilespmem:s31], [sflag:s28] =	stream.linear.gather [hbm4b:s30+s4], $0x10, $0x38;
	[tilespmem:$0x18A00] =	vst v63  }
0x6d3: {  	s30 =	sadd.s32 $0x20, s3;
	s31 =	sadd.s32 $0xDF30, s26  }
0x6d4: {  	[tilespmem:s31], [sflag:s28] =	stream.linear.gather [hbm4b:s30+s4], $0x10, $0x38;
	[tilespmem:$0x18A00] =	vst v63  }
0x6d5: {  	s30 =	sadd.s32 $0x30, s3;
	s31 =	sadd.s32 $0xDFB0, s26  }
0x6d6: {  	[tilespmem:s31], [sflag:s28] =	stream.linear.gather [hbm4b:s30+s4], $0x10, $0x38;
	[tilespmem:$0x18A00] =	vst v63  }
0x6d7: {  	s30 =	sadd.s32 $0x40, s3;
	s31 =	sadd.s32 $0xE030, s26  }
0x6d8: {  	[tilespmem:s31], [sflag:s28] =	stream.linear.gather [hbm4b:s30+s4], $0x10, $0x38;
	[tilespmem:$0x18A00] =	vst v63  }
0x6d9: {  	s30 =	sadd.s32 $0x50, s3;
	s31 =	sadd.s32 $0xE0B0, s26  }
0x6da: {  	[tilespmem:s31], [sflag:s28] =	stream.linear.gather [hbm4b:s30+s4], $0x10, $0x38;
	[tilespmem:$0x18A00] =	vst v63  }
0x6db: {  	s30 =	sadd.s32 $0x60, s3;
	s31 =	sadd.s32 $0xE130, s26  }
0x6dc: {  	[tilespmem:s31], [sflag:s28] =	stream.linear.gather [hbm4b:s30+s4], $0x10, $0x38;
	[tilespmem:$0x18A00] =	vst v63  }
0x6dd: {  	s3 =	sadd.s32 $0x70, s3;
	s31 =	sadd.s32 $0xE1B0, s26  }
0x6de: {  	(v2sf) =	vpush v35, $0xC;
	[tilespmem:s31], [sflag:s28] =	stream.linear.gather [hbm4b:s3+s4], $0x10, $0x38;
	[tilespmem:$0x18A00] =	vst v63  }
0x6df: {  	s30 =	sadd.s32 $0xE630, s26;
	s3 =	sadd.s32 $0x2DC780, s29  }
0x6e0: {  	[tilespmem:s30], [sflag:s28] =	stream.linear.gather [hbm4b:s3+s4], $0x10, $0x38;
	[tilespmem:$0x18A00] =	vst v63  }
0x6e1: {  	s31 =	sadd.s32 $0xE6B0, s26;
	s29 =	sadd.s32 $0x10, s3  }
0x6e2: {  	[tilespmem:s31], [sflag:s28] =	stream.linear.gather [hbm4b:s29+s4], $0x10, $0x38;
	[tilespmem:$0x18A00] =	vst v63  }
0x6e3: {  	s29 =	sadd.s32 $0x20, s3;
	s31 =	sadd.s32 $0xE730, s26  }
0x6e4: {  	[tilespmem:s31], [sflag:s28] =	stream.linear.gather [hbm4b:s29+s4], $0x10, $0x38;
	[tilespmem:$0x18A00] =	vst v63  }
0x6e5: {  	s29 =	sadd.s32 $0x30, s3;
	s31 =	sadd.s32 $0xE7B0, s26  }
0x6e6: {  	[tilespmem:s31], [sflag:s28] =	stream.linear.gather [hbm4b:s29+s4], $0x10, $0x38;
	[tilespmem:$0x18A00] =	vst v63  }
0x6e7: {  	s29 =	sadd.s32 $0x40, s3;
	s31 =	sadd.s32 $0xE830, s26  }
0x6e8: {  	[tilespmem:s31], [sflag:s28] =	stream.linear.gather [hbm4b:s29+s4], $0x10, $0x38;
	[tilespmem:$0x18A00] =	vst v63  }
0x6e9: {  	s29 =	sadd.s32 $0x50, s3;
	s31 =	sadd.s32 $0xE8B0, s26  }
0x6ea: {  	[tilespmem:s31], [sflag:s28] =	stream.linear.gather [hbm4b:s29+s4], $0x10, $0x38;
	[tilespmem:$0x18A00] =	vst v63  }
0x6eb: {  	s29 =	sadd.s32 $0x60, s3;
	s31 =	sadd.s32 $0xE930, s26  }
0x6ec: {  	[tilespmem:s31], [sflag:s28] =	stream.linear.gather [hbm4b:s29+s4], $0x10, $0x38;
	[tilespmem:$0x18A00] =	vst v63  }
0x6ed: {  	s30 =	spop (v2sf);
	s3 =	sadd.s32 $0x70, s3;
	s31 =	sadd.s32 $0xE9B0, s26  }
0x6ee: {  	[tilespmem:s31], [sflag:s28] =	stream.linear.gather [hbm4b:s3+s4], $0x10, $0x38;
	[tilespmem:$0x18A00] =	vst v63  }
0x6ef: {  	s31 =	sshll.u32 s30, $0x3  }
0x6f0: {  	s3 =	sand.u32 $0x70, s30;
	s29 =	sand.u32 $0xFFFFFC00, s31  }
0x6f1: {  	s3 =	sor.u32 s3, s29  }
0x6f2: {  	s3 =	sshrl.u32 s3, $0x3  }
0x6f3: {  	s30 =	sor.u32 $0xE40, s26;
	s29 =	sadd.s32 s1, s3  }
0x6f4: {  	[tilespmem:s30], [sflag:s28] =	stream.linear.gather [hbm4b:s29+s4], $0x10, $0x38;
	[tilespmem:$0x18A00] =	vst v63  }
0x6f5: {  	s31 =	sor.u32 $0xEC0, s26;
	s3 =	sadd.s32 $0x10, s29  }
0x6f6: {  	[tilespmem:s31], [sflag:s28] =	stream.linear.gather [hbm4b:s3+s4], $0x10, $0x38;
	[tilespmem:$0x18A00] =	vst v63  }
0x6f7: {  	s3 =	sadd.s32 $0x20, s29;
	s31 =	sor.u32 $0xF40, s26  }
0x6f8: {  	[tilespmem:s31], [sflag:s28] =	stream.linear.gather [hbm4b:s3+s4], $0x10, $0x38;
	[tilespmem:$0x18A00] =	vst v63  }
0x6f9: {  	s3 =	sadd.s32 $0x30, s29;
	s31 =	sor.u32 $0xFC0, s26  }
0x6fa: {  	[tilespmem:s31], [sflag:s28] =	stream.linear.gather [hbm4b:s3+s4], $0x10, $0x38;
	[tilespmem:$0x18A00] =	vst v63  }
0x6fb: {  	s3 =	sadd.s32 $0x40, s29;
	s31 =	sor.u32 $0x1040, s26  }
0x6fc: {  	[tilespmem:s31], [sflag:s28] =	stream.linear.gather [hbm4b:s3+s4], $0x10, $0x38;
	[tilespmem:$0x18A00] =	vst v63  }
0x6fd: {  	s3 =	sadd.s32 $0x50, s29;
	s31 =	sor.u32 $0x10C0, s26  }
0x6fe: {  	[tilespmem:s31], [sflag:s28] =	stream.linear.gather [hbm4b:s3+s4], $0x10, $0x38;
	[tilespmem:$0x18A00] =	vst v63  }
0x6ff: {  	s3 =	sadd.s32 $0x60, s29;
	s31 =	sor.u32 $0x1140, s26  }
0x700: {  	[tilespmem:s31], [sflag:s28] =	stream.linear.gather [hbm4b:s3+s4], $0x10, $0x38;
	[tilespmem:$0x18A00] =	vst v63  }
0x701: {  	s3 =	sadd.s32 $0x70, s29;
	s31 =	sor.u32 $0x11C0, s26  }
0x702: {  	[tilespmem:s31], [sflag:s28] =	stream.linear.gather [hbm4b:s3+s4], $0x10, $0x38;
	[tilespmem:$0x18A00] =	vst v63  }
0x703: {  	s3 =	sadd.s32 $0xF4280, s29;
	s31 =	sor.u32 $0x1640, s26  }
0x704: {  	[tilespmem:s31], [sflag:s28] =	stream.linear.gather [hbm4b:s3+s4], $0x10, $0x38;
	[tilespmem:$0x18A00] =	vst v63  }
0x705: {  	s30 =	sadd.s32 $0x10, s3;
	s31 =	sor.u32 $0x16C0, s26  }
0x706: {  	[tilespmem:s31], [sflag:s28] =	stream.linear.gather [hbm4b:s30+s4], $0x10, $0x38;
	[tilespmem:$0x18A00] =	vst v63  }
0x707: {  	s30 =	sadd.s32 $0x20, s3;
	s31 =	sor.u32 $0x1740, s26  }
0x708: {  	[tilespmem:s31], [sflag:s28] =	stream.linear.gather [hbm4b:s30+s4], $0x10, $0x38;
	[tilespmem:$0x18A00] =	vst v63  }
0x709: {  	s30 =	sadd.s32 $0x30, s3;
	s31 =	sor.u32 $0x17C0, s26  }
0x70a: {  	[tilespmem:s31], [sflag:s28] =	stream.linear.gather [hbm4b:s30+s4], $0x10, $0x38;
	[tilespmem:$0x18A00] =	vst v63  }
0x70b: {  	s30 =	sadd.s32 $0x40, s3;
	s31 =	sor.u32 $0x1840, s26  }
0x70c: {  	[tilespmem:s31], [sflag:s28] =	stream.linear.gather [hbm4b:s30+s4], $0x10, $0x38;
	[tilespmem:$0x18A00] =	vst v63  }
0x70d: {  	s30 =	sadd.s32 $0x50, s3;
	s31 =	sor.u32 $0x18C0, s26  }
0x70e: {  	[tilespmem:s31], [sflag:s28] =	stream.linear.gather [hbm4b:s30+s4], $0x10, $0x38;
	[tilespmem:$0x18A00] =	vst v63  }
0x70f: {  	s30 =	sadd.s32 $0x60, s3;
	s31 =	sor.u32 $0x1940, s26  }
0x710: {  	[tilespmem:s31], [sflag:s28] =	stream.linear.gather [hbm4b:s30+s4], $0x10, $0x38;
	[tilespmem:$0x18A00] =	vst v63  }
0x711: {  	s3 =	sadd.s32 $0x70, s3;
	s31 =	sor.u32 $0x19C0, s26  }
0x712: {  	[tilespmem:s31], [sflag:s28] =	stream.linear.gather [hbm4b:s3+s4], $0x10, $0x38;
	[tilespmem:$0x18A00] =	vst v63  }
0x713: {  	s3 =	sadd.s32 $0x1E8500, s29;
	s31 =	sor.u32 $0x1E40, s26  }
0x714: {  	[tilespmem:s31], [sflag:s28] =	stream.linear.gather [hbm4b:s3+s4], $0x10, $0x38;
	[tilespmem:$0x18A00] =	vst v63  }
0x715: {  	s30 =	sadd.s32 $0x10, s3;
	s31 =	sor.u32 $0x1EC0, s26  }
0x716: {  	[tilespmem:s31], [sflag:s28] =	stream.linear.gather [hbm4b:s30+s4], $0x10, $0x38;
	[tilespmem:$0x18A00] =	vst v63  }
0x717: {  	s30 =	sadd.s32 $0x20, s3;
	s31 =	sor.u32 $0x1F40, s26  }
0x718: {  	[tilespmem:s31], [sflag:s28] =	stream.linear.gather [hbm4b:s30+s4], $0x10, $0x38;
	[tilespmem:$0x18A00] =	vst v63  }
0x719: {  	s30 =	sadd.s32 $0x30, s3;
	s31 =	sor.u32 $0x1FC0, s26  }
0x71a: {  	[tilespmem:s31], [sflag:s28] =	stream.linear.gather [hbm4b:s30+s4], $0x10, $0x38;
	[tilespmem:$0x18A00] =	vst v63  }
0x71b: {  	s30 =	sadd.s32 $0x40, s3;
	s31 =	sadd.s32 $0x2040, s26  }
0x71c: {  	[tilespmem:s31], [sflag:s28] =	stream.linear.gather [hbm4b:s30+s4], $0x10, $0x38;
	[tilespmem:$0x18A00] =	vst v63  }
0x71d: {  	s30 =	sadd.s32 $0x50, s3;
	s31 =	sadd.s32 $0x20C0, s26  }
0x71e: {  	[tilespmem:s31], [sflag:s28] =	stream.linear.gather [hbm4b:s30+s4], $0x10, $0x38;
	[tilespmem:$0x18A00] =	vst v63  }
0x71f: {  	s30 =	sadd.s32 $0x60, s3;
	s31 =	sadd.s32 $0x2140, s26  }
0x720: {  	[tilespmem:s31], [sflag:s28] =	stream.linear.gather [hbm4b:s30+s4], $0x10, $0x38;
	[tilespmem:$0x18A00] =	vst v63  }
0x721: {  	s3 =	sadd.s32 $0x70, s3;
	s31 =	sadd.s32 $0x21C0, s26  }
0x722: {  	(v2sf) =	vpush v34, $0xC;
	[tilespmem:s31], [sflag:s28] =	stream.linear.gather [hbm4b:s3+s4], $0x10, $0x38;
	[tilespmem:$0x18A00] =	vst v63  }
0x723: {  	s30 =	sadd.s32 $0x2640, s26;
	s3 =	sadd.s32 $0x2DC780, s29  }
0x724: {  	[tilespmem:s30], [sflag:s28] =	stream.linear.gather [hbm4b:s3+s4], $0x10, $0x38;
	[tilespmem:$0x18A00] =	vst v63  }
0x725: {  	s31 =	sadd.s32 $0x26C0, s26;
	s29 =	sadd.s32 $0x10, s3  }
0x726: {  	[tilespmem:s31], [sflag:s28] =	stream.linear.gather [hbm4b:s29+s4], $0x10, $0x38;
	[tilespmem:$0x18A00] =	vst v63  }
0x727: {  	s29 =	sadd.s32 $0x20, s3;
	s31 =	sadd.s32 $0x2740, s26  }
0x728: {  	[tilespmem:s31], [sflag:s28] =	stream.linear.gather [hbm4b:s29+s4], $0x10, $0x38;
	[tilespmem:$0x18A00] =	vst v63  }
0x729: {  	s29 =	sadd.s32 $0x30, s3;
	s31 =	sadd.s32 $0x27C0, s26  }
0x72a: {  	[tilespmem:s31], [sflag:s28] =	stream.linear.gather [hbm4b:s29+s4], $0x10, $0x38;
	[tilespmem:$0x18A00] =	vst v63  }
0x72b: {  	s29 =	sadd.s32 $0x40, s3;
	s31 =	sadd.s32 $0x2840, s26  }
0x72c: {  	[tilespmem:s31], [sflag:s28] =	stream.linear.gather [hbm4b:s29+s4], $0x10, $0x38;
	[tilespmem:$0x18A00] =	vst v63  }
0x72d: {  	s29 =	sadd.s32 $0x50, s3;
	s31 =	sadd.s32 $0x28C0, s26  }
0x72e: {  	[tilespmem:s31], [sflag:s28] =	stream.linear.gather [hbm4b:s29+s4], $0x10, $0x38;
	[tilespmem:$0x18A00] =	vst v63  }
0x72f: {  	s29 =	sadd.s32 $0x60, s3;
	s31 =	sadd.s32 $0x2940, s26  }
0x730: {  	[tilespmem:s31], [sflag:s28] =	stream.linear.gather [hbm4b:s29+s4], $0x10, $0x38;
	[tilespmem:$0x18A00] =	vst v63  }
0x731: {  	s30 =	spop (v2sf);
	s3 =	sadd.s32 $0x70, s3;
	s31 =	sadd.s32 $0x29C0, s26  }
0x732: {  	[tilespmem:s31], [sflag:s28] =	stream.linear.gather [hbm4b:s3+s4], $0x10, $0x38;
	[tilespmem:$0x18A00] =	vst v63  }
0x733: {  	s31 =	sshll.u32 s30, $0x3  }
0x734: {  	s3 =	sand.u32 $0x70, s30;
	s29 =	sand.u32 $0xFFFFFC00, s31  }
0x735: {  	s3 =	sor.u32 s3, s29  }
0x736: {  	s3 =	sshrl.u32 s3, $0x3  }
0x737: {  	s30 =	sadd.s32 $0xCE40, s26;
	s29 =	sadd.s32 s2, s3  }
0x738: {  	[tilespmem:s30], [sflag:s28] =	stream.linear.gather [hbm4b:s29+s4], $0x10, $0x38;
	[tilespmem:$0x18A00] =	vst v63  }
0x739: {  	s31 =	sadd.s32 $0xCEC0, s26;
	s3 =	sadd.s32 $0x10, s29  }
0x73a: {  	[tilespmem:s31], [sflag:s28] =	stream.linear.gather [hbm4b:s3+s4], $0x10, $0x38;
	[tilespmem:$0x18A00] =	vst v63  }
0x73b: {  	s3 =	sadd.s32 $0x20, s29;
	s31 =	sadd.s32 $0xCF40, s26  }
0x73c: {  	[tilespmem:s31], [sflag:s28] =	stream.linear.gather [hbm4b:s3+s4], $0x10, $0x38;
	[tilespmem:$0x18A00] =	vst v63  }
0x73d: {  	s3 =	sadd.s32 $0x30, s29;
	s31 =	sadd.s32 $0xCFC0, s26  }
0x73e: {  	[tilespmem:s31], [sflag:s28] =	stream.linear.gather [hbm4b:s3+s4], $0x10, $0x38;
	[tilespmem:$0x18A00] =	vst v63  }
0x73f: {  	s3 =	sadd.s32 $0x40, s29;
	s31 =	sadd.s32 $0xD040, s26  }
0x740: {  	[tilespmem:s31], [sflag:s28] =	stream.linear.gather [hbm4b:s3+s4], $0x10, $0x38;
	[tilespmem:$0x18A00] =	vst v63  }
0x741: {  	s3 =	sadd.s32 $0x50, s29;
	s31 =	sadd.s32 $0xD0C0, s26  }
0x742: {  	[tilespmem:s31], [sflag:s28] =	stream.linear.gather [hbm4b:s3+s4], $0x10, $0x38;
	[tilespmem:$0x18A00] =	vst v63  }
0x743: {  	s3 =	sadd.s32 $0x60, s29;
	s31 =	sadd.s32 $0xD140, s26  }
0x744: {  	[tilespmem:s31], [sflag:s28] =	stream.linear.gather [hbm4b:s3+s4], $0x10, $0x38;
	[tilespmem:$0x18A00] =	vst v63  }
0x745: {  	s3 =	sadd.s32 $0x70, s29;
	s31 =	sadd.s32 $0xD1C0, s26  }
0x746: {  	[tilespmem:s31], [sflag:s28] =	stream.linear.gather [hbm4b:s3+s4], $0x10, $0x38;
	[tilespmem:$0x18A00] =	vst v63  }
0x747: {  	s3 =	sadd.s32 $0xF4280, s29;
	s31 =	sadd.s32 $0xD640, s26  }
0x748: {  	[tilespmem:s31], [sflag:s28] =	stream.linear.gather [hbm4b:s3+s4], $0x10, $0x38;
	[tilespmem:$0x18A00] =	vst v63  }
0x749: {  	s30 =	sadd.s32 $0x10, s3;
	s31 =	sadd.s32 $0xD6C0, s26  }
0x74a: {  	[tilespmem:s31], [sflag:s28] =	stream.linear.gather [hbm4b:s30+s4], $0x10, $0x38;
	[tilespmem:$0x18A00] =	vst v63  }
0x74b: {  	s30 =	sadd.s32 $0x20, s3;
	s31 =	sadd.s32 $0xD740, s26  }
0x74c: {  	[tilespmem:s31], [sflag:s28] =	stream.linear.gather [hbm4b:s30+s4], $0x10, $0x38;
	[tilespmem:$0x18A00] =	vst v63  }
0x74d: {  	s30 =	sadd.s32 $0x30, s3;
	s31 =	sadd.s32 $0xD7C0, s26  }
0x74e: {  	[tilespmem:s31], [sflag:s28] =	stream.linear.gather [hbm4b:s30+s4], $0x10, $0x38;
	[tilespmem:$0x18A00] =	vst v63  }
0x74f: {  	s30 =	sadd.s32 $0x40, s3;
	s31 =	sadd.s32 $0xD840, s26  }
0x750: {  	[tilespmem:s31], [sflag:s28] =	stream.linear.gather [hbm4b:s30+s4], $0x10, $0x38;
	[tilespmem:$0x18A00] =	vst v63  }
0x751: {  	s30 =	sadd.s32 $0x50, s3;
	s31 =	sadd.s32 $0xD8C0, s26  }
0x752: {  	[tilespmem:s31], [sflag:s28] =	stream.linear.gather [hbm4b:s30+s4], $0x10, $0x38;
	[tilespmem:$0x18A00] =	vst v63  }
0x753: {  	s30 =	sadd.s32 $0x60, s3;
	s31 =	sadd.s32 $0xD940, s26  }
0x754: {  	[tilespmem:s31], [sflag:s28] =	stream.linear.gather [hbm4b:s30+s4], $0x10, $0x38;
	[tilespmem:$0x18A00] =	vst v63  }
0x755: {  	s3 =	sadd.s32 $0x70, s3;
	s31 =	sadd.s32 $0xD9C0, s26  }
0x756: {  	[tilespmem:s31], [sflag:s28] =	stream.linear.gather [hbm4b:s3+s4], $0x10, $0x38;
	[tilespmem:$0x18A00] =	vst v63  }
0x757: {  	s3 =	sadd.s32 $0x1E8500, s29;
	s31 =	sadd.s32 $0xDE40, s26  }
0x758: {  	[tilespmem:s31], [sflag:s28] =	stream.linear.gather [hbm4b:s3+s4], $0x10, $0x38;
	[tilespmem:$0x18A00] =	vst v63  }
0x759: {  	s30 =	sadd.s32 $0x10, s3;
	s31 =	sadd.s32 $0xDEC0, s26  }
0x75a: {  	[tilespmem:s31], [sflag:s28] =	stream.linear.gather [hbm4b:s30+s4], $0x10, $0x38;
	[tilespmem:$0x18A00] =	vst v63  }
0x75b: {  	s30 =	sadd.s32 $0x20, s3;
	s31 =	sadd.s32 $0xDF40, s26  }
0x75c: {  	[tilespmem:s31], [sflag:s28] =	stream.linear.gather [hbm4b:s30+s4], $0x10, $0x38;
	[tilespmem:$0x18A00] =	vst v63  }
0x75d: {  	s30 =	sadd.s32 $0x30, s3;
	s31 =	sadd.s32 $0xDFC0, s26  }
0x75e: {  	[tilespmem:s31], [sflag:s28] =	stream.linear.gather [hbm4b:s30+s4], $0x10, $0x38;
	[tilespmem:$0x18A00] =	vst v63  }
0x75f: {  	s30 =	sadd.s32 $0x40, s3;
	s31 =	sadd.s32 $0xE040, s26  }
0x760: {  	[tilespmem:s31], [sflag:s28] =	stream.linear.gather [hbm4b:s30+s4], $0x10, $0x38;
	[tilespmem:$0x18A00] =	vst v63  }
0x761: {  	s30 =	sadd.s32 $0x50, s3;
	s31 =	sadd.s32 $0xE0C0, s26  }
0x762: {  	[tilespmem:s31], [sflag:s28] =	stream.linear.gather [hbm4b:s30+s4], $0x10, $0x38;
	[tilespmem:$0x18A00] =	vst v63  }
0x763: {  	s30 =	sadd.s32 $0x60, s3;
	s31 =	sadd.s32 $0xE140, s26  }
0x764: {  	[tilespmem:s31], [sflag:s28] =	stream.linear.gather [hbm4b:s30+s4], $0x10, $0x38;
	[tilespmem:$0x18A00] =	vst v63  }
0x765: {  	s3 =	sadd.s32 $0x70, s3;
	s31 =	sadd.s32 $0xE1C0, s26  }
0x766: {  	(v2sf) =	vpush v35, $0xD;
	[tilespmem:s31], [sflag:s28] =	stream.linear.gather [hbm4b:s3+s4], $0x10, $0x38;
	[tilespmem:$0x18A00] =	vst v63  }
0x767: {  	s30 =	sadd.s32 $0xE640, s26;
	s3 =	sadd.s32 $0x2DC780, s29  }
0x768: {  	[tilespmem:s30], [sflag:s28] =	stream.linear.gather [hbm4b:s3+s4], $0x10, $0x38;
	[tilespmem:$0x18A00] =	vst v63  }
0x769: {  	s31 =	sadd.s32 $0xE6C0, s26;
	s29 =	sadd.s32 $0x10, s3  }
0x76a: {  	[tilespmem:s31], [sflag:s28] =	stream.linear.gather [hbm4b:s29+s4], $0x10, $0x38;
	[tilespmem:$0x18A00] =	vst v63  }
0x76b: {  	s29 =	sadd.s32 $0x20, s3;
	s31 =	sadd.s32 $0xE740, s26  }
0x76c: {  	[tilespmem:s31], [sflag:s28] =	stream.linear.gather [hbm4b:s29+s4], $0x10, $0x38;
	[tilespmem:$0x18A00] =	vst v63  }
0x76d: {  	s29 =	sadd.s32 $0x30, s3;
	s31 =	sadd.s32 $0xE7C0, s26  }
0x76e: {  	[tilespmem:s31], [sflag:s28] =	stream.linear.gather [hbm4b:s29+s4], $0x10, $0x38;
	[tilespmem:$0x18A00] =	vst v63  }
0x76f: {  	s29 =	sadd.s32 $0x40, s3;
	s31 =	sadd.s32 $0xE840, s26  }
0x770: {  	[tilespmem:s31], [sflag:s28] =	stream.linear.gather [hbm4b:s29+s4], $0x10, $0x38;
	[tilespmem:$0x18A00] =	vst v63  }
0x771: {  	s29 =	sadd.s32 $0x50, s3;
	s31 =	sadd.s32 $0xE8C0, s26  }
0x772: {  	[tilespmem:s31], [sflag:s28] =	stream.linear.gather [hbm4b:s29+s4], $0x10, $0x38;
	[tilespmem:$0x18A00] =	vst v63  }
0x773: {  	s29 =	sadd.s32 $0x60, s3;
	s31 =	sadd.s32 $0xE940, s26  }
0x774: {  	[tilespmem:s31], [sflag:s28] =	stream.linear.gather [hbm4b:s29+s4], $0x10, $0x38;
	[tilespmem:$0x18A00] =	vst v63  }
0x775: {  	s30 =	spop (v2sf);
	s3 =	sadd.s32 $0x70, s3;
	s31 =	sadd.s32 $0xE9C0, s26  }
0x776: {  	[tilespmem:s31], [sflag:s28] =	stream.linear.gather [hbm4b:s3+s4], $0x10, $0x38;
	[tilespmem:$0x18A00] =	vst v63  }
0x777: {  	s31 =	sshll.u32 s30, $0x3  }
0x778: {  	s3 =	sand.u32 $0x70, s30;
	s29 =	sand.u32 $0xFFFFFC00, s31  }
0x779: {  	s3 =	sor.u32 s3, s29  }
0x77a: {  	s3 =	sshrl.u32 s3, $0x3  }
0x77b: {  	s30 =	sor.u32 $0xE50, s26;
	s29 =	sadd.s32 s1, s3  }
0x77c: {  	[tilespmem:s30], [sflag:s28] =	stream.linear.gather [hbm4b:s29+s4], $0x10, $0x38;
	[tilespmem:$0x18A00] =	vst v63  }
0x77d: {  	s31 =	sor.u32 $0xED0, s26;
	s3 =	sadd.s32 $0x10, s29  }
0x77e: {  	[tilespmem:s31], [sflag:s28] =	stream.linear.gather [hbm4b:s3+s4], $0x10, $0x38;
	[tilespmem:$0x18A00] =	vst v63  }
0x77f: {  	s3 =	sadd.s32 $0x20, s29;
	s31 =	sor.u32 $0xF50, s26  }
0x780: {  	[tilespmem:s31], [sflag:s28] =	stream.linear.gather [hbm4b:s3+s4], $0x10, $0x38;
	[tilespmem:$0x18A00] =	vst v63  }
0x781: {  	s3 =	sadd.s32 $0x30, s29;
	s31 =	sor.u32 $0xFD0, s26  }
0x782: {  	[tilespmem:s31], [sflag:s28] =	stream.linear.gather [hbm4b:s3+s4], $0x10, $0x38;
	[tilespmem:$0x18A00] =	vst v63  }
0x783: {  	s3 =	sadd.s32 $0x40, s29;
	s31 =	sor.u32 $0x1050, s26  }
0x784: {  	[tilespmem:s31], [sflag:s28] =	stream.linear.gather [hbm4b:s3+s4], $0x10, $0x38;
	[tilespmem:$0x18A00] =	vst v63  }
0x785: {  	s3 =	sadd.s32 $0x50, s29;
	s31 =	sor.u32 $0x10D0, s26  }
0x786: {  	[tilespmem:s31], [sflag:s28] =	stream.linear.gather [hbm4b:s3+s4], $0x10, $0x38;
	[tilespmem:$0x18A00] =	vst v63  }
0x787: {  	s3 =	sadd.s32 $0x60, s29;
	s31 =	sor.u32 $0x1150, s26  }
0x788: {  	[tilespmem:s31], [sflag:s28] =	stream.linear.gather [hbm4b:s3+s4], $0x10, $0x38;
	[tilespmem:$0x18A00] =	vst v63  }
0x789: {  	s3 =	sadd.s32 $0x70, s29;
	s31 =	sor.u32 $0x11D0, s26  }
0x78a: {  	[tilespmem:s31], [sflag:s28] =	stream.linear.gather [hbm4b:s3+s4], $0x10, $0x38;
	[tilespmem:$0x18A00] =	vst v63  }
0x78b: {  	s3 =	sadd.s32 $0xF4280, s29;
	s31 =	sor.u32 $0x1650, s26  }
0x78c: {  	[tilespmem:s31], [sflag:s28] =	stream.linear.gather [hbm4b:s3+s4], $0x10, $0x38;
	[tilespmem:$0x18A00] =	vst v63  }
0x78d: {  	s30 =	sadd.s32 $0x10, s3;
	s31 =	sor.u32 $0x16D0, s26  }
0x78e: {  	[tilespmem:s31], [sflag:s28] =	stream.linear.gather [hbm4b:s30+s4], $0x10, $0x38;
	[tilespmem:$0x18A00] =	vst v63  }
0x78f: {  	s30 =	sadd.s32 $0x20, s3;
	s31 =	sor.u32 $0x1750, s26  }
0x790: {  	[tilespmem:s31], [sflag:s28] =	stream.linear.gather [hbm4b:s30+s4], $0x10, $0x38;
	[tilespmem:$0x18A00] =	vst v63  }
0x791: {  	s30 =	sadd.s32 $0x30, s3;
	s31 =	sor.u32 $0x17D0, s26  }
0x792: {  	[tilespmem:s31], [sflag:s28] =	stream.linear.gather [hbm4b:s30+s4], $0x10, $0x38;
	[tilespmem:$0x18A00] =	vst v63  }
0x793: {  	s30 =	sadd.s32 $0x40, s3;
	s31 =	sor.u32 $0x1850, s26  }
0x794: {  	[tilespmem:s31], [sflag:s28] =	stream.linear.gather [hbm4b:s30+s4], $0x10, $0x38;
	[tilespmem:$0x18A00] =	vst v63  }
0x795: {  	s30 =	sadd.s32 $0x50, s3;
	s31 =	sor.u32 $0x18D0, s26  }
0x796: {  	[tilespmem:s31], [sflag:s28] =	stream.linear.gather [hbm4b:s30+s4], $0x10, $0x38;
	[tilespmem:$0x18A00] =	vst v63  }
0x797: {  	s30 =	sadd.s32 $0x60, s3;
	s31 =	sor.u32 $0x1950, s26  }
0x798: {  	[tilespmem:s31], [sflag:s28] =	stream.linear.gather [hbm4b:s30+s4], $0x10, $0x38;
	[tilespmem:$0x18A00] =	vst v63  }
0x799: {  	s3 =	sadd.s32 $0x70, s3;
	s31 =	sor.u32 $0x19D0, s26  }
0x79a: {  	[tilespmem:s31], [sflag:s28] =	stream.linear.gather [hbm4b:s3+s4], $0x10, $0x38;
	[tilespmem:$0x18A00] =	vst v63  }
0x79b: {  	s3 =	sadd.s32 $0x1E8500, s29;
	s31 =	sor.u32 $0x1E50, s26  }
0x79c: {  	[tilespmem:s31], [sflag:s28] =	stream.linear.gather [hbm4b:s3+s4], $0x10, $0x38;
	[tilespmem:$0x18A00] =	vst v63  }
0x79d: {  	s30 =	sadd.s32 $0x10, s3;
	s31 =	sor.u32 $0x1ED0, s26  }
0x79e: {  	[tilespmem:s31], [sflag:s28] =	stream.linear.gather [hbm4b:s30+s4], $0x10, $0x38;
	[tilespmem:$0x18A00] =	vst v63  }
0x79f: {  	s30 =	sadd.s32 $0x20, s3;
	s31 =	sor.u32 $0x1F50, s26  }
0x7a0: {  	[tilespmem:s31], [sflag:s28] =	stream.linear.gather [hbm4b:s30+s4], $0x10, $0x38;
	[tilespmem:$0x18A00] =	vst v63  }
0x7a1: {  	s30 =	sadd.s32 $0x30, s3;
	s31 =	sor.u32 $0x1FD0, s26  }
0x7a2: {  	[tilespmem:s31], [sflag:s28] =	stream.linear.gather [hbm4b:s30+s4], $0x10, $0x38;
	[tilespmem:$0x18A00] =	vst v63  }
0x7a3: {  	s30 =	sadd.s32 $0x40, s3;
	s31 =	sadd.s32 $0x2050, s26  }
0x7a4: {  	[tilespmem:s31], [sflag:s28] =	stream.linear.gather [hbm4b:s30+s4], $0x10, $0x38;
	[tilespmem:$0x18A00] =	vst v63  }
0x7a5: {  	s30 =	sadd.s32 $0x50, s3;
	s31 =	sadd.s32 $0x20D0, s26  }
0x7a6: {  	[tilespmem:s31], [sflag:s28] =	stream.linear.gather [hbm4b:s30+s4], $0x10, $0x38;
	[tilespmem:$0x18A00] =	vst v63  }
0x7a7: {  	s30 =	sadd.s32 $0x60, s3;
	s31 =	sadd.s32 $0x2150, s26  }
0x7a8: {  	[tilespmem:s31], [sflag:s28] =	stream.linear.gather [hbm4b:s30+s4], $0x10, $0x38;
	[tilespmem:$0x18A00] =	vst v63  }
0x7a9: {  	s3 =	sadd.s32 $0x70, s3;
	s31 =	sadd.s32 $0x21D0, s26  }
0x7aa: {  	(v2sf) =	vpush v34, $0xD;
	[tilespmem:s31], [sflag:s28] =	stream.linear.gather [hbm4b:s3+s4], $0x10, $0x38;
	[tilespmem:$0x18A00] =	vst v63  }
0x7ab: {  	s30 =	sadd.s32 $0x2650, s26;
	s3 =	sadd.s32 $0x2DC780, s29  }
0x7ac: {  	[tilespmem:s30], [sflag:s28] =	stream.linear.gather [hbm4b:s3+s4], $0x10, $0x38;
	[tilespmem:$0x18A00] =	vst v63  }
0x7ad: {  	s31 =	sadd.s32 $0x26D0, s26;
	s29 =	sadd.s32 $0x10, s3  }
0x7ae: {  	[tilespmem:s31], [sflag:s28] =	stream.linear.gather [hbm4b:s29+s4], $0x10, $0x38;
	[tilespmem:$0x18A00] =	vst v63  }
0x7af: {  	s29 =	sadd.s32 $0x20, s3;
	s31 =	sadd.s32 $0x2750, s26  }
0x7b0: {  	[tilespmem:s31], [sflag:s28] =	stream.linear.gather [hbm4b:s29+s4], $0x10, $0x38;
	[tilespmem:$0x18A00] =	vst v63  }
0x7b1: {  	s29 =	sadd.s32 $0x30, s3;
	s31 =	sadd.s32 $0x27D0, s26  }
0x7b2: {  	[tilespmem:s31], [sflag:s28] =	stream.linear.gather [hbm4b:s29+s4], $0x10, $0x38;
	[tilespmem:$0x18A00] =	vst v63  }
0x7b3: {  	s29 =	sadd.s32 $0x40, s3;
	s31 =	sadd.s32 $0x2850, s26  }
0x7b4: {  	[tilespmem:s31], [sflag:s28] =	stream.linear.gather [hbm4b:s29+s4], $0x10, $0x38;
	[tilespmem:$0x18A00] =	vst v63  }
0x7b5: {  	s29 =	sadd.s32 $0x50, s3;
	s31 =	sadd.s32 $0x28D0, s26  }
0x7b6: {  	[tilespmem:s31], [sflag:s28] =	stream.linear.gather [hbm4b:s29+s4], $0x10, $0x38;
	[tilespmem:$0x18A00] =	vst v63  }
0x7b7: {  	s29 =	sadd.s32 $0x60, s3;
	s31 =	sadd.s32 $0x2950, s26  }
0x7b8: {  	[tilespmem:s31], [sflag:s28] =	stream.linear.gather [hbm4b:s29+s4], $0x10, $0x38;
	[tilespmem:$0x18A00] =	vst v63  }
0x7b9: {  	s30 =	spop (v2sf);
	s3 =	sadd.s32 $0x70, s3;
	s31 =	sadd.s32 $0x29D0, s26  }
0x7ba: {  	[tilespmem:s31], [sflag:s28] =	stream.linear.gather [hbm4b:s3+s4], $0x10, $0x38;
	[tilespmem:$0x18A00] =	vst v63  }
0x7bb: {  	s31 =	sshll.u32 s30, $0x3  }
0x7bc: {  	s3 =	sand.u32 $0x70, s30;
	s29 =	sand.u32 $0xFFFFFC00, s31  }
0x7bd: {  	s3 =	sor.u32 s3, s29  }
0x7be: {  	s3 =	sshrl.u32 s3, $0x3  }
0x7bf: {  	s30 =	sadd.s32 $0xCE50, s26;
	s29 =	sadd.s32 s2, s3  }
0x7c0: {  	[tilespmem:s30], [sflag:s28] =	stream.linear.gather [hbm4b:s29+s4], $0x10, $0x38;
	[tilespmem:$0x18A00] =	vst v63  }
0x7c1: {  	s31 =	sadd.s32 $0xCED0, s26;
	s3 =	sadd.s32 $0x10, s29  }
0x7c2: {  	[tilespmem:s31], [sflag:s28] =	stream.linear.gather [hbm4b:s3+s4], $0x10, $0x38;
	[tilespmem:$0x18A00] =	vst v63  }
0x7c3: {  	s3 =	sadd.s32 $0x20, s29;
	s31 =	sadd.s32 $0xCF50, s26  }
0x7c4: {  	[tilespmem:s31], [sflag:s28] =	stream.linear.gather [hbm4b:s3+s4], $0x10, $0x38;
	[tilespmem:$0x18A00] =	vst v63  }
0x7c5: {  	s3 =	sadd.s32 $0x30, s29;
	s31 =	sadd.s32 $0xCFD0, s26  }
0x7c6: {  	[tilespmem:s31], [sflag:s28] =	stream.linear.gather [hbm4b:s3+s4], $0x10, $0x38;
	[tilespmem:$0x18A00] =	vst v63  }
0x7c7: {  	s3 =	sadd.s32 $0x40, s29;
	s31 =	sadd.s32 $0xD050, s26  }
0x7c8: {  	[tilespmem:s31], [sflag:s28] =	stream.linear.gather [hbm4b:s3+s4], $0x10, $0x38;
	[tilespmem:$0x18A00] =	vst v63  }
0x7c9: {  	s3 =	sadd.s32 $0x50, s29;
	s31 =	sadd.s32 $0xD0D0, s26  }
0x7ca: {  	[tilespmem:s31], [sflag:s28] =	stream.linear.gather [hbm4b:s3+s4], $0x10, $0x38;
	[tilespmem:$0x18A00] =	vst v63  }
0x7cb: {  	s3 =	sadd.s32 $0x60, s29;
	s31 =	sadd.s32 $0xD150, s26  }
0x7cc: {  	[tilespmem:s31], [sflag:s28] =	stream.linear.gather [hbm4b:s3+s4], $0x10, $0x38;
	[tilespmem:$0x18A00] =	vst v63  }
0x7cd: {  	s3 =	sadd.s32 $0x70, s29;
	s31 =	sadd.s32 $0xD1D0, s26  }
0x7ce: {  	[tilespmem:s31], [sflag:s28] =	stream.linear.gather [hbm4b:s3+s4], $0x10, $0x38;
	[tilespmem:$0x18A00] =	vst v63  }
0x7cf: {  	s3 =	sadd.s32 $0xF4280, s29;
	s31 =	sadd.s32 $0xD650, s26  }
0x7d0: {  	[tilespmem:s31], [sflag:s28] =	stream.linear.gather [hbm4b:s3+s4], $0x10, $0x38;
	[tilespmem:$0x18A00] =	vst v63  }
0x7d1: {  	s30 =	sadd.s32 $0x10, s3;
	s31 =	sadd.s32 $0xD6D0, s26  }
0x7d2: {  	[tilespmem:s31], [sflag:s28] =	stream.linear.gather [hbm4b:s30+s4], $0x10, $0x38;
	[tilespmem:$0x18A00] =	vst v63  }
0x7d3: {  	s30 =	sadd.s32 $0x20, s3;
	s31 =	sadd.s32 $0xD750, s26  }
0x7d4: {  	[tilespmem:s31], [sflag:s28] =	stream.linear.gather [hbm4b:s30+s4], $0x10, $0x38;
	[tilespmem:$0x18A00] =	vst v63  }
0x7d5: {  	s30 =	sadd.s32 $0x30, s3;
	s31 =	sadd.s32 $0xD7D0, s26  }
0x7d6: {  	[tilespmem:s31], [sflag:s28] =	stream.linear.gather [hbm4b:s30+s4], $0x10, $0x38;
	[tilespmem:$0x18A00] =	vst v63  }
0x7d7: {  	s30 =	sadd.s32 $0x40, s3;
	s31 =	sadd.s32 $0xD850, s26  }
0x7d8: {  	[tilespmem:s31], [sflag:s28] =	stream.linear.gather [hbm4b:s30+s4], $0x10, $0x38;
	[tilespmem:$0x18A00] =	vst v63  }
0x7d9: {  	s30 =	sadd.s32 $0x50, s3;
	s31 =	sadd.s32 $0xD8D0, s26  }
0x7da: {  	[tilespmem:s31], [sflag:s28] =	stream.linear.gather [hbm4b:s30+s4], $0x10, $0x38;
	[tilespmem:$0x18A00] =	vst v63  }
0x7db: {  	s30 =	sadd.s32 $0x60, s3;
	s31 =	sadd.s32 $0xD950, s26  }
0x7dc: {  	[tilespmem:s31], [sflag:s28] =	stream.linear.gather [hbm4b:s30+s4], $0x10, $0x38;
	[tilespmem:$0x18A00] =	vst v63  }
0x7dd: {  	s3 =	sadd.s32 $0x70, s3;
	s31 =	sadd.s32 $0xD9D0, s26  }
0x7de: {  	[tilespmem:s31], [sflag:s28] =	stream.linear.gather [hbm4b:s3+s4], $0x10, $0x38;
	[tilespmem:$0x18A00] =	vst v63  }
0x7df: {  	s3 =	sadd.s32 $0x1E8500, s29;
	s31 =	sadd.s32 $0xDE50, s26  }
0x7e0: {  	[tilespmem:s31], [sflag:s28] =	stream.linear.gather [hbm4b:s3+s4], $0x10, $0x38;
	[tilespmem:$0x18A00] =	vst v63  }
0x7e1: {  	s30 =	sadd.s32 $0x10, s3;
	s31 =	sadd.s32 $0xDED0, s26  }
0x7e2: {  	[tilespmem:s31], [sflag:s28] =	stream.linear.gather [hbm4b:s30+s4], $0x10, $0x38;
	[tilespmem:$0x18A00] =	vst v63  }
0x7e3: {  	s30 =	sadd.s32 $0x20, s3;
	s31 =	sadd.s32 $0xDF50, s26  }
0x7e4: {  	[tilespmem:s31], [sflag:s28] =	stream.linear.gather [hbm4b:s30+s4], $0x10, $0x38;
	[tilespmem:$0x18A00] =	vst v63  }
0x7e5: {  	s30 =	sadd.s32 $0x30, s3;
	s31 =	sadd.s32 $0xDFD0, s26  }
0x7e6: {  	[tilespmem:s31], [sflag:s28] =	stream.linear.gather [hbm4b:s30+s4], $0x10, $0x38;
	[tilespmem:$0x18A00] =	vst v63  }
0x7e7: {  	s30 =	sadd.s32 $0x40, s3;
	s31 =	sadd.s32 $0xE050, s26  }
0x7e8: {  	[tilespmem:s31], [sflag:s28] =	stream.linear.gather [hbm4b:s30+s4], $0x10, $0x38;
	[tilespmem:$0x18A00] =	vst v63  }
0x7e9: {  	s30 =	sadd.s32 $0x50, s3;
	s31 =	sadd.s32 $0xE0D0, s26  }
0x7ea: {  	[tilespmem:s31], [sflag:s28] =	stream.linear.gather [hbm4b:s30+s4], $0x10, $0x38;
	[tilespmem:$0x18A00] =	vst v63  }
0x7eb: {  	s30 =	sadd.s32 $0x60, s3;
	s31 =	sadd.s32 $0xE150, s26  }
0x7ec: {  	[tilespmem:s31], [sflag:s28] =	stream.linear.gather [hbm4b:s30+s4], $0x10, $0x38;
	[tilespmem:$0x18A00] =	vst v63  }
0x7ed: {  	s3 =	sadd.s32 $0x70, s3;
	s31 =	sadd.s32 $0xE1D0, s26  }
0x7ee: {  	(v2sf) =	vpush v35, $0xE;
	[tilespmem:s31], [sflag:s28] =	stream.linear.gather [hbm4b:s3+s4], $0x10, $0x38;
	[tilespmem:$0x18A00] =	vst v63  }
0x7ef: {  	s30 =	sadd.s32 $0xE650, s26;
	s3 =	sadd.s32 $0x2DC780, s29  }
0x7f0: {  	[tilespmem:s30], [sflag:s28] =	stream.linear.gather [hbm4b:s3+s4], $0x10, $0x38;
	[tilespmem:$0x18A00] =	vst v63  }
0x7f1: {  	s31 =	sadd.s32 $0xE6D0, s26;
	s29 =	sadd.s32 $0x10, s3  }
0x7f2: {  	[tilespmem:s31], [sflag:s28] =	stream.linear.gather [hbm4b:s29+s4], $0x10, $0x38;
	[tilespmem:$0x18A00] =	vst v63  }
0x7f3: {  	s29 =	sadd.s32 $0x20, s3;
	s31 =	sadd.s32 $0xE750, s26  }
0x7f4: {  	[tilespmem:s31], [sflag:s28] =	stream.linear.gather [hbm4b:s29+s4], $0x10, $0x38;
	[tilespmem:$0x18A00] =	vst v63  }
0x7f5: {  	s29 =	sadd.s32 $0x30, s3;
	s31 =	sadd.s32 $0xE7D0, s26  }
0x7f6: {  	[tilespmem:s31], [sflag:s28] =	stream.linear.gather [hbm4b:s29+s4], $0x10, $0x38;
	[tilespmem:$0x18A00] =	vst v63  }
0x7f7: {  	s29 =	sadd.s32 $0x40, s3;
	s31 =	sadd.s32 $0xE850, s26  }
0x7f8: {  	[tilespmem:s31], [sflag:s28] =	stream.linear.gather [hbm4b:s29+s4], $0x10, $0x38;
	[tilespmem:$0x18A00] =	vst v63  }
0x7f9: {  	s29 =	sadd.s32 $0x50, s3;
	s31 =	sadd.s32 $0xE8D0, s26  }
0x7fa: {  	[tilespmem:s31], [sflag:s28] =	stream.linear.gather [hbm4b:s29+s4], $0x10, $0x38;
	[tilespmem:$0x18A00] =	vst v63  }
0x7fb: {  	s29 =	sadd.s32 $0x60, s3;
	s31 =	sadd.s32 $0xE950, s26  }
0x7fc: {  	[tilespmem:s31], [sflag:s28] =	stream.linear.gather [hbm4b:s29+s4], $0x10, $0x38;
	[tilespmem:$0x18A00] =	vst v63  }
0x7fd: {  	s30 =	spop (v2sf);
	s3 =	sadd.s32 $0x70, s3;
	s31 =	sadd.s32 $0xE9D0, s26  }
0x7fe: {  	[tilespmem:s31], [sflag:s28] =	stream.linear.gather [hbm4b:s3+s4], $0x10, $0x38;
	[tilespmem:$0x18A00] =	vst v63  }
0x7ff: {  	s31 =	sshll.u32 s30, $0x3  }
0x800: {  	s3 =	sand.u32 $0x70, s30;
	s29 =	sand.u32 $0xFFFFFC00, s31  }
0x801: {  	s3 =	sor.u32 s3, s29  }
0x802: {  	s3 =	sshrl.u32 s3, $0x3  }
0x803: {  	s30 =	sor.u32 $0xE60, s26;
	s29 =	sadd.s32 s1, s3  }
0x804: {  	[tilespmem:s30], [sflag:s28] =	stream.linear.gather [hbm4b:s29+s4], $0x10, $0x38;
	[tilespmem:$0x18A00] =	vst v63  }
0x805: {  	s31 =	sor.u32 $0xEE0, s26;
	s3 =	sadd.s32 $0x10, s29  }
0x806: {  	[tilespmem:s31], [sflag:s28] =	stream.linear.gather [hbm4b:s3+s4], $0x10, $0x38;
	[tilespmem:$0x18A00] =	vst v63  }
0x807: {  	s3 =	sadd.s32 $0x20, s29;
	s31 =	sor.u32 $0xF60, s26  }
0x808: {  	[tilespmem:s31], [sflag:s28] =	stream.linear.gather [hbm4b:s3+s4], $0x10, $0x38;
	[tilespmem:$0x18A00] =	vst v63  }
0x809: {  	s3 =	sadd.s32 $0x30, s29;
	s31 =	sor.u32 $0xFE0, s26  }
0x80a: {  	[tilespmem:s31], [sflag:s28] =	stream.linear.gather [hbm4b:s3+s4], $0x10, $0x38;
	[tilespmem:$0x18A00] =	vst v63  }
0x80b: {  	s3 =	sadd.s32 $0x40, s29;
	s31 =	sor.u32 $0x1060, s26  }
0x80c: {  	[tilespmem:s31], [sflag:s28] =	stream.linear.gather [hbm4b:s3+s4], $0x10, $0x38;
	[tilespmem:$0x18A00] =	vst v63  }
0x80d: {  	s3 =	sadd.s32 $0x50, s29;
	s31 =	sor.u32 $0x10E0, s26  }
0x80e: {  	[tilespmem:s31], [sflag:s28] =	stream.linear.gather [hbm4b:s3+s4], $0x10, $0x38;
	[tilespmem:$0x18A00] =	vst v63  }
0x80f: {  	s3 =	sadd.s32 $0x60, s29;
	s31 =	sor.u32 $0x1160, s26  }
0x810: {  	[tilespmem:s31], [sflag:s28] =	stream.linear.gather [hbm4b:s3+s4], $0x10, $0x38;
	[tilespmem:$0x18A00] =	vst v63  }
0x811: {  	s3 =	sadd.s32 $0x70, s29;
	s31 =	sor.u32 $0x11E0, s26  }
0x812: {  	[tilespmem:s31], [sflag:s28] =	stream.linear.gather [hbm4b:s3+s4], $0x10, $0x38;
	[tilespmem:$0x18A00] =	vst v63  }
0x813: {  	s3 =	sadd.s32 $0xF4280, s29;
	s31 =	sor.u32 $0x1660, s26  }
0x814: {  	[tilespmem:s31], [sflag:s28] =	stream.linear.gather [hbm4b:s3+s4], $0x10, $0x38;
	[tilespmem:$0x18A00] =	vst v63  }
0x815: {  	s30 =	sadd.s32 $0x10, s3;
	s31 =	sor.u32 $0x16E0, s26  }
0x816: {  	[tilespmem:s31], [sflag:s28] =	stream.linear.gather [hbm4b:s30+s4], $0x10, $0x38;
	[tilespmem:$0x18A00] =	vst v63  }
0x817: {  	s30 =	sadd.s32 $0x20, s3;
	s31 =	sor.u32 $0x1760, s26  }
0x818: {  	[tilespmem:s31], [sflag:s28] =	stream.linear.gather [hbm4b:s30+s4], $0x10, $0x38;
	[tilespmem:$0x18A00] =	vst v63  }
0x819: {  	s30 =	sadd.s32 $0x30, s3;
	s31 =	sor.u32 $0x17E0, s26  }
0x81a: {  	[tilespmem:s31], [sflag:s28] =	stream.linear.gather [hbm4b:s30+s4], $0x10, $0x38;
	[tilespmem:$0x18A00] =	vst v63  }
0x81b: {  	s30 =	sadd.s32 $0x40, s3;
	s31 =	sor.u32 $0x1860, s26  }
0x81c: {  	[tilespmem:s31], [sflag:s28] =	stream.linear.gather [hbm4b:s30+s4], $0x10, $0x38;
	[tilespmem:$0x18A00] =	vst v63  }
0x81d: {  	s30 =	sadd.s32 $0x50, s3;
	s31 =	sor.u32 $0x18E0, s26  }
0x81e: {  	[tilespmem:s31], [sflag:s28] =	stream.linear.gather [hbm4b:s30+s4], $0x10, $0x38;
	[tilespmem:$0x18A00] =	vst v63  }
0x81f: {  	s30 =	sadd.s32 $0x60, s3;
	s31 =	sor.u32 $0x1960, s26  }
0x820: {  	[tilespmem:s31], [sflag:s28] =	stream.linear.gather [hbm4b:s30+s4], $0x10, $0x38;
	[tilespmem:$0x18A00] =	vst v63  }
0x821: {  	s3 =	sadd.s32 $0x70, s3;
	s31 =	sor.u32 $0x19E0, s26  }
0x822: {  	[tilespmem:s31], [sflag:s28] =	stream.linear.gather [hbm4b:s3+s4], $0x10, $0x38;
	[tilespmem:$0x18A00] =	vst v63  }
0x823: {  	s3 =	sadd.s32 $0x1E8500, s29;
	s31 =	sor.u32 $0x1E60, s26  }
0x824: {  	[tilespmem:s31], [sflag:s28] =	stream.linear.gather [hbm4b:s3+s4], $0x10, $0x38;
	[tilespmem:$0x18A00] =	vst v63  }
0x825: {  	s30 =	sadd.s32 $0x10, s3;
	s31 =	sor.u32 $0x1EE0, s26  }
0x826: {  	[tilespmem:s31], [sflag:s28] =	stream.linear.gather [hbm4b:s30+s4], $0x10, $0x38;
	[tilespmem:$0x18A00] =	vst v63  }
0x827: {  	s30 =	sadd.s32 $0x20, s3;
	s31 =	sor.u32 $0x1F60, s26  }
0x828: {  	[tilespmem:s31], [sflag:s28] =	stream.linear.gather [hbm4b:s30+s4], $0x10, $0x38;
	[tilespmem:$0x18A00] =	vst v63  }
0x829: {  	s30 =	sadd.s32 $0x30, s3;
	s31 =	sor.u32 $0x1FE0, s26  }
0x82a: {  	[tilespmem:s31], [sflag:s28] =	stream.linear.gather [hbm4b:s30+s4], $0x10, $0x38;
	[tilespmem:$0x18A00] =	vst v63  }
0x82b: {  	s30 =	sadd.s32 $0x40, s3;
	s31 =	sadd.s32 $0x2060, s26  }
0x82c: {  	[tilespmem:s31], [sflag:s28] =	stream.linear.gather [hbm4b:s30+s4], $0x10, $0x38;
	[tilespmem:$0x18A00] =	vst v63  }
0x82d: {  	s30 =	sadd.s32 $0x50, s3;
	s31 =	sadd.s32 $0x20E0, s26  }
0x82e: {  	[tilespmem:s31], [sflag:s28] =	stream.linear.gather [hbm4b:s30+s4], $0x10, $0x38;
	[tilespmem:$0x18A00] =	vst v63  }
0x82f: {  	s30 =	sadd.s32 $0x60, s3;
	s31 =	sadd.s32 $0x2160, s26  }
0x830: {  	[tilespmem:s31], [sflag:s28] =	stream.linear.gather [hbm4b:s30+s4], $0x10, $0x38;
	[tilespmem:$0x18A00] =	vst v63  }
0x831: {  	s3 =	sadd.s32 $0x70, s3;
	s31 =	sadd.s32 $0x21E0, s26  }
0x832: {  	(v2sf) =	vpush v34, $0xE;
	[tilespmem:s31], [sflag:s28] =	stream.linear.gather [hbm4b:s3+s4], $0x10, $0x38;
	[tilespmem:$0x18A00] =	vst v63  }
0x833: {  	s30 =	sadd.s32 $0x2660, s26;
	s3 =	sadd.s32 $0x2DC780, s29  }
0x834: {  	[tilespmem:s30], [sflag:s28] =	stream.linear.gather [hbm4b:s3+s4], $0x10, $0x38;
	[tilespmem:$0x18A00] =	vst v63  }
0x835: {  	s31 =	sadd.s32 $0x26E0, s26;
	s29 =	sadd.s32 $0x10, s3  }
0x836: {  	[tilespmem:s31], [sflag:s28] =	stream.linear.gather [hbm4b:s29+s4], $0x10, $0x38;
	[tilespmem:$0x18A00] =	vst v63  }
0x837: {  	s29 =	sadd.s32 $0x20, s3;
	s31 =	sadd.s32 $0x2760, s26  }
0x838: {  	[tilespmem:s31], [sflag:s28] =	stream.linear.gather [hbm4b:s29+s4], $0x10, $0x38;
	[tilespmem:$0x18A00] =	vst v63  }
0x839: {  	s29 =	sadd.s32 $0x30, s3;
	s31 =	sadd.s32 $0x27E0, s26  }
0x83a: {  	[tilespmem:s31], [sflag:s28] =	stream.linear.gather [hbm4b:s29+s4], $0x10, $0x38;
	[tilespmem:$0x18A00] =	vst v63  }
0x83b: {  	s29 =	sadd.s32 $0x40, s3;
	s31 =	sadd.s32 $0x2860, s26  }
0x83c: {  	[tilespmem:s31], [sflag:s28] =	stream.linear.gather [hbm4b:s29+s4], $0x10, $0x38;
	[tilespmem:$0x18A00] =	vst v63  }
0x83d: {  	s29 =	sadd.s32 $0x50, s3;
	s31 =	sadd.s32 $0x28E0, s26  }
0x83e: {  	[tilespmem:s31], [sflag:s28] =	stream.linear.gather [hbm4b:s29+s4], $0x10, $0x38;
	[tilespmem:$0x18A00] =	vst v63  }
0x83f: {  	s29 =	sadd.s32 $0x60, s3;
	s31 =	sadd.s32 $0x2960, s26  }
0x840: {  	[tilespmem:s31], [sflag:s28] =	stream.linear.gather [hbm4b:s29+s4], $0x10, $0x38;
	[tilespmem:$0x18A00] =	vst v63  }
0x841: {  	s30 =	spop (v2sf);
	s3 =	sadd.s32 $0x70, s3;
	s31 =	sadd.s32 $0x29E0, s26  }
0x842: {  	[tilespmem:s31], [sflag:s28] =	stream.linear.gather [hbm4b:s3+s4], $0x10, $0x38;
	[tilespmem:$0x18A00] =	vst v63  }
0x843: {  	s31 =	sshll.u32 s30, $0x3  }
0x844: {  	s3 =	sand.u32 $0x70, s30;
	s29 =	sand.u32 $0xFFFFFC00, s31  }
0x845: {  	s3 =	sor.u32 s3, s29  }
0x846: {  	s3 =	sshrl.u32 s3, $0x3  }
0x847: {  	s30 =	sadd.s32 $0xCE60, s26;
	s29 =	sadd.s32 s2, s3  }
0x848: {  	[tilespmem:s30], [sflag:s28] =	stream.linear.gather [hbm4b:s29+s4], $0x10, $0x38;
	[tilespmem:$0x18A00] =	vst v63  }
0x849: {  	s31 =	sadd.s32 $0xCEE0, s26;
	s3 =	sadd.s32 $0x10, s29  }
0x84a: {  	[tilespmem:s31], [sflag:s28] =	stream.linear.gather [hbm4b:s3+s4], $0x10, $0x38;
	[tilespmem:$0x18A00] =	vst v63  }
0x84b: {  	s3 =	sadd.s32 $0x20, s29;
	s31 =	sadd.s32 $0xCF60, s26  }
0x84c: {  	[tilespmem:s31], [sflag:s28] =	stream.linear.gather [hbm4b:s3+s4], $0x10, $0x38;
	[tilespmem:$0x18A00] =	vst v63  }
0x84d: {  	s3 =	sadd.s32 $0x30, s29;
	s31 =	sadd.s32 $0xCFE0, s26  }
0x84e: {  	[tilespmem:s31], [sflag:s28] =	stream.linear.gather [hbm4b:s3+s4], $0x10, $0x38;
	[tilespmem:$0x18A00] =	vst v63  }
0x84f: {  	s3 =	sadd.s32 $0x40, s29;
	s31 =	sadd.s32 $0xD060, s26  }
0x850: {  	[tilespmem:s31], [sflag:s28] =	stream.linear.gather [hbm4b:s3+s4], $0x10, $0x38;
	[tilespmem:$0x18A00] =	vst v63  }
0x851: {  	s3 =	sadd.s32 $0x50, s29;
	s31 =	sadd.s32 $0xD0E0, s26  }
0x852: {  	[tilespmem:s31], [sflag:s28] =	stream.linear.gather [hbm4b:s3+s4], $0x10, $0x38;
	[tilespmem:$0x18A00] =	vst v63  }
0x853: {  	s3 =	sadd.s32 $0x60, s29;
	s31 =	sadd.s32 $0xD160, s26  }
0x854: {  	[tilespmem:s31], [sflag:s28] =	stream.linear.gather [hbm4b:s3+s4], $0x10, $0x38;
	[tilespmem:$0x18A00] =	vst v63  }
0x855: {  	s3 =	sadd.s32 $0x70, s29;
	s31 =	sadd.s32 $0xD1E0, s26  }
0x856: {  	[tilespmem:s31], [sflag:s28] =	stream.linear.gather [hbm4b:s3+s4], $0x10, $0x38;
	[tilespmem:$0x18A00] =	vst v63  }
0x857: {  	s3 =	sadd.s32 $0xF4280, s29;
	s31 =	sadd.s32 $0xD660, s26  }
0x858: {  	[tilespmem:s31], [sflag:s28] =	stream.linear.gather [hbm4b:s3+s4], $0x10, $0x38;
	[tilespmem:$0x18A00] =	vst v63  }
0x859: {  	s30 =	sadd.s32 $0x10, s3;
	s31 =	sadd.s32 $0xD6E0, s26  }
0x85a: {  	[tilespmem:s31], [sflag:s28] =	stream.linear.gather [hbm4b:s30+s4], $0x10, $0x38;
	[tilespmem:$0x18A00] =	vst v63  }
0x85b: {  	s30 =	sadd.s32 $0x20, s3;
	s31 =	sadd.s32 $0xD760, s26  }
0x85c: {  	[tilespmem:s31], [sflag:s28] =	stream.linear.gather [hbm4b:s30+s4], $0x10, $0x38;
	[tilespmem:$0x18A00] =	vst v63  }
0x85d: {  	s30 =	sadd.s32 $0x30, s3;
	s31 =	sadd.s32 $0xD7E0, s26  }
0x85e: {  	[tilespmem:s31], [sflag:s28] =	stream.linear.gather [hbm4b:s30+s4], $0x10, $0x38;
	[tilespmem:$0x18A00] =	vst v63  }
0x85f: {  	s30 =	sadd.s32 $0x40, s3;
	s31 =	sadd.s32 $0xD860, s26  }
0x860: {  	[tilespmem:s31], [sflag:s28] =	stream.linear.gather [hbm4b:s30+s4], $0x10, $0x38;
	[tilespmem:$0x18A00] =	vst v63  }
0x861: {  	s30 =	sadd.s32 $0x50, s3;
	s31 =	sadd.s32 $0xD8E0, s26  }
0x862: {  	[tilespmem:s31], [sflag:s28] =	stream.linear.gather [hbm4b:s30+s4], $0x10, $0x38;
	[tilespmem:$0x18A00] =	vst v63  }
0x863: {  	s30 =	sadd.s32 $0x60, s3;
	s31 =	sadd.s32 $0xD960, s26  }
0x864: {  	[tilespmem:s31], [sflag:s28] =	stream.linear.gather [hbm4b:s30+s4], $0x10, $0x38;
	[tilespmem:$0x18A00] =	vst v63  }
0x865: {  	s3 =	sadd.s32 $0x70, s3;
	s31 =	sadd.s32 $0xD9E0, s26  }
0x866: {  	[tilespmem:s31], [sflag:s28] =	stream.linear.gather [hbm4b:s3+s4], $0x10, $0x38;
	[tilespmem:$0x18A00] =	vst v63  }
0x867: {  	s3 =	sadd.s32 $0x1E8500, s29;
	s31 =	sadd.s32 $0xDE60, s26  }
0x868: {  	[tilespmem:s31], [sflag:s28] =	stream.linear.gather [hbm4b:s3+s4], $0x10, $0x38;
	[tilespmem:$0x18A00] =	vst v63  }
0x869: {  	s30 =	sadd.s32 $0x10, s3;
	s31 =	sadd.s32 $0xDEE0, s26  }
0x86a: {  	[tilespmem:s31], [sflag:s28] =	stream.linear.gather [hbm4b:s30+s4], $0x10, $0x38;
	[tilespmem:$0x18A00] =	vst v63  }
0x86b: {  	s30 =	sadd.s32 $0x20, s3;
	s31 =	sadd.s32 $0xDF60, s26  }
0x86c: {  	[tilespmem:s31], [sflag:s28] =	stream.linear.gather [hbm4b:s30+s4], $0x10, $0x38;
	[tilespmem:$0x18A00] =	vst v63  }
0x86d: {  	s30 =	sadd.s32 $0x30, s3;
	s31 =	sadd.s32 $0xDFE0, s26  }
0x86e: {  	[tilespmem:s31], [sflag:s28] =	stream.linear.gather [hbm4b:s30+s4], $0x10, $0x38;
	[tilespmem:$0x18A00] =	vst v63  }
0x86f: {  	s30 =	sadd.s32 $0x40, s3;
	s31 =	sadd.s32 $0xE060, s26  }
0x870: {  	[tilespmem:s31], [sflag:s28] =	stream.linear.gather [hbm4b:s30+s4], $0x10, $0x38;
	[tilespmem:$0x18A00] =	vst v63  }
0x871: {  	s30 =	sadd.s32 $0x50, s3;
	s31 =	sadd.s32 $0xE0E0, s26  }
0x872: {  	[tilespmem:s31], [sflag:s28] =	stream.linear.gather [hbm4b:s30+s4], $0x10, $0x38;
	[tilespmem:$0x18A00] =	vst v63  }
0x873: {  	s30 =	sadd.s32 $0x60, s3;
	s31 =	sadd.s32 $0xE160, s26  }
0x874: {  	[tilespmem:s31], [sflag:s28] =	stream.linear.gather [hbm4b:s30+s4], $0x10, $0x38;
	[tilespmem:$0x18A00] =	vst v63  }
0x875: {  	s3 =	sadd.s32 $0x70, s3;
	s31 =	sadd.s32 $0xE1E0, s26  }
0x876: {  	(v2sf) =	vpush v35, $0xF;
	[tilespmem:s31], [sflag:s28] =	stream.linear.gather [hbm4b:s3+s4], $0x10, $0x38;
	[tilespmem:$0x18A00] =	vst v63  }
0x877: {  	s30 =	sadd.s32 $0xE660, s26;
	s3 =	sadd.s32 $0x2DC780, s29  }
0x878: {  	[tilespmem:s30], [sflag:s28] =	stream.linear.gather [hbm4b:s3+s4], $0x10, $0x38;
	[tilespmem:$0x18A00] =	vst v63  }
0x879: {  	s31 =	sadd.s32 $0xE6E0, s26;
	s29 =	sadd.s32 $0x10, s3  }
0x87a: {  	[tilespmem:s31], [sflag:s28] =	stream.linear.gather [hbm4b:s29+s4], $0x10, $0x38;
	[tilespmem:$0x18A00] =	vst v63  }
0x87b: {  	s29 =	sadd.s32 $0x20, s3;
	s31 =	sadd.s32 $0xE760, s26  }
0x87c: {  	[tilespmem:s31], [sflag:s28] =	stream.linear.gather [hbm4b:s29+s4], $0x10, $0x38;
	[tilespmem:$0x18A00] =	vst v63  }
0x87d: {  	s29 =	sadd.s32 $0x30, s3;
	s31 =	sadd.s32 $0xE7E0, s26  }
0x87e: {  	[tilespmem:s31], [sflag:s28] =	stream.linear.gather [hbm4b:s29+s4], $0x10, $0x38;
	[tilespmem:$0x18A00] =	vst v63  }
0x87f: {  	s29 =	sadd.s32 $0x40, s3;
	s31 =	sadd.s32 $0xE860, s26  }
0x880: {  	[tilespmem:s31], [sflag:s28] =	stream.linear.gather [hbm4b:s29+s4], $0x10, $0x38;
	[tilespmem:$0x18A00] =	vst v63  }
0x881: {  	s29 =	sadd.s32 $0x50, s3;
	s31 =	sadd.s32 $0xE8E0, s26  }
0x882: {  	[tilespmem:s31], [sflag:s28] =	stream.linear.gather [hbm4b:s29+s4], $0x10, $0x38;
	[tilespmem:$0x18A00] =	vst v63  }
0x883: {  	s29 =	sadd.s32 $0x60, s3;
	s31 =	sadd.s32 $0xE960, s26  }
0x884: {  	[tilespmem:s31], [sflag:s28] =	stream.linear.gather [hbm4b:s29+s4], $0x10, $0x38;
	[tilespmem:$0x18A00] =	vst v63  }
0x885: {  	s30 =	spop (v2sf);
	s3 =	sadd.s32 $0x70, s3;
	s31 =	sadd.s32 $0xE9E0, s26  }
0x886: {  	[tilespmem:s31], [sflag:s28] =	stream.linear.gather [hbm4b:s3+s4], $0x10, $0x38;
	[tilespmem:$0x18A00] =	vst v63  }
0x887: {  	s31 =	sshll.u32 s30, $0x3  }
0x888: {  	s3 =	sand.u32 $0x70, s30;
	s29 =	sand.u32 $0xFFFFFC00, s31  }
0x889: {  	s3 =	sor.u32 s3, s29  }
0x88a: {  	s3 =	sshrl.u32 s3, $0x3  }
0x88b: {  	s30 =	sor.u32 $0xE70, s26;
	s29 =	sadd.s32 s1, s3  }
0x88c: {  	[tilespmem:s30], [sflag:s28] =	stream.linear.gather [hbm4b:s29+s4], $0x10, $0x38;
	[tilespmem:$0x18A00] =	vst v63  }
0x88d: {  	s31 =	sor.u32 $0xEF0, s26;
	s3 =	sadd.s32 $0x10, s29  }
0x88e: {  	[tilespmem:s31], [sflag:s28] =	stream.linear.gather [hbm4b:s3+s4], $0x10, $0x38;
	[tilespmem:$0x18A00] =	vst v63  }
0x88f: {  	s3 =	sadd.s32 $0x20, s29;
	s31 =	sor.u32 $0xF70, s26  }
0x890: {  	[tilespmem:s31], [sflag:s28] =	stream.linear.gather [hbm4b:s3+s4], $0x10, $0x38;
	[tilespmem:$0x18A00] =	vst v63  }
0x891: {  	s3 =	sadd.s32 $0x30, s29;
	s31 =	sor.u32 $0xFF0, s26  }
0x892: {  	[tilespmem:s31], [sflag:s28] =	stream.linear.gather [hbm4b:s3+s4], $0x10, $0x38;
	[tilespmem:$0x18A00] =	vst v63  }
0x893: {  	s3 =	sadd.s32 $0x40, s29;
	s31 =	sor.u32 $0x1070, s26  }
0x894: {  	[tilespmem:s31], [sflag:s28] =	stream.linear.gather [hbm4b:s3+s4], $0x10, $0x38;
	[tilespmem:$0x18A00] =	vst v63  }
0x895: {  	s3 =	sadd.s32 $0x50, s29;
	s31 =	sor.u32 $0x10F0, s26  }
0x896: {  	[tilespmem:s31], [sflag:s28] =	stream.linear.gather [hbm4b:s3+s4], $0x10, $0x38;
	[tilespmem:$0x18A00] =	vst v63  }
0x897: {  	s3 =	sadd.s32 $0x60, s29;
	s31 =	sor.u32 $0x1170, s26  }
0x898: {  	[tilespmem:s31], [sflag:s28] =	stream.linear.gather [hbm4b:s3+s4], $0x10, $0x38;
	[tilespmem:$0x18A00] =	vst v63  }
0x899: {  	s3 =	sadd.s32 $0x70, s29;
	s31 =	sor.u32 $0x11F0, s26  }
0x89a: {  	[tilespmem:s31], [sflag:s28] =	stream.linear.gather [hbm4b:s3+s4], $0x10, $0x38;
	[tilespmem:$0x18A00] =	vst v63  }
0x89b: {  	s3 =	sadd.s32 $0xF4280, s29;
	s31 =	sor.u32 $0x1670, s26  }
0x89c: {  	[tilespmem:s31], [sflag:s28] =	stream.linear.gather [hbm4b:s3+s4], $0x10, $0x38;
	[tilespmem:$0x18A00] =	vst v63  }
0x89d: {  	s30 =	sadd.s32 $0x10, s3;
	s31 =	sor.u32 $0x16F0, s26  }
0x89e: {  	[tilespmem:s31], [sflag:s28] =	stream.linear.gather [hbm4b:s30+s4], $0x10, $0x38;
	[tilespmem:$0x18A00] =	vst v63  }
0x89f: {  	s30 =	sadd.s32 $0x20, s3;
	s31 =	sor.u32 $0x1770, s26  }
0x8a0: {  	[tilespmem:s31], [sflag:s28] =	stream.linear.gather [hbm4b:s30+s4], $0x10, $0x38;
	[tilespmem:$0x18A00] =	vst v63  }
0x8a1: {  	s30 =	sadd.s32 $0x30, s3;
	s31 =	sor.u32 $0x17F0, s26  }
0x8a2: {  	[tilespmem:s31], [sflag:s28] =	stream.linear.gather [hbm4b:s30+s4], $0x10, $0x38;
	[tilespmem:$0x18A00] =	vst v63  }
0x8a3: {  	s30 =	sadd.s32 $0x40, s3;
	s31 =	sor.u32 $0x1870, s26  }
0x8a4: {  	[tilespmem:s31], [sflag:s28] =	stream.linear.gather [hbm4b:s30+s4], $0x10, $0x38;
	[tilespmem:$0x18A00] =	vst v63  }
0x8a5: {  	s30 =	sadd.s32 $0x50, s3;
	s31 =	sor.u32 $0x18F0, s26  }
0x8a6: {  	[tilespmem:s31], [sflag:s28] =	stream.linear.gather [hbm4b:s30+s4], $0x10, $0x38;
	[tilespmem:$0x18A00] =	vst v63  }
0x8a7: {  	s30 =	sadd.s32 $0x60, s3;
	s31 =	sor.u32 $0x1970, s26  }
0x8a8: {  	[tilespmem:s31], [sflag:s28] =	stream.linear.gather [hbm4b:s30+s4], $0x10, $0x38;
	[tilespmem:$0x18A00] =	vst v63  }
0x8a9: {  	s3 =	sadd.s32 $0x70, s3;
	s31 =	sor.u32 $0x19F0, s26  }
0x8aa: {  	[tilespmem:s31], [sflag:s28] =	stream.linear.gather [hbm4b:s3+s4], $0x10, $0x38;
	[tilespmem:$0x18A00] =	vst v63  }
0x8ab: {  	s3 =	sadd.s32 $0x1E8500, s29;
	s31 =	sor.u32 $0x1E70, s26  }
0x8ac: {  	[tilespmem:s31], [sflag:s28] =	stream.linear.gather [hbm4b:s3+s4], $0x10, $0x38;
	[tilespmem:$0x18A00] =	vst v63  }
0x8ad: {  	s30 =	sadd.s32 $0x10, s3;
	s31 =	sor.u32 $0x1EF0, s26  }
0x8ae: {  	[tilespmem:s31], [sflag:s28] =	stream.linear.gather [hbm4b:s30+s4], $0x10, $0x38;
	[tilespmem:$0x18A00] =	vst v63  }
0x8af: {  	s30 =	sadd.s32 $0x20, s3;
	s31 =	sor.u32 $0x1F70, s26  }
0x8b0: {  	[tilespmem:s31], [sflag:s28] =	stream.linear.gather [hbm4b:s30+s4], $0x10, $0x38;
	[tilespmem:$0x18A00] =	vst v63  }
0x8b1: {  	s30 =	sadd.s32 $0x30, s3;
	s31 =	sor.u32 $0x1FF0, s26  }
0x8b2: {  	[tilespmem:s31], [sflag:s28] =	stream.linear.gather [hbm4b:s30+s4], $0x10, $0x38;
	[tilespmem:$0x18A00] =	vst v63  }
0x8b3: {  	s30 =	sadd.s32 $0x40, s3;
	s31 =	sadd.s32 $0x2070, s26  }
0x8b4: {  	[tilespmem:s31], [sflag:s28] =	stream.linear.gather [hbm4b:s30+s4], $0x10, $0x38;
	[tilespmem:$0x18A00] =	vst v63  }
0x8b5: {  	s30 =	sadd.s32 $0x50, s3;
	s31 =	sadd.s32 $0x20F0, s26  }
0x8b6: {  	[tilespmem:s31], [sflag:s28] =	stream.linear.gather [hbm4b:s30+s4], $0x10, $0x38;
	[tilespmem:$0x18A00] =	vst v63  }
0x8b7: {  	s30 =	sadd.s32 $0x60, s3;
	s31 =	sadd.s32 $0x2170, s26  }
0x8b8: {  	[tilespmem:s31], [sflag:s28] =	stream.linear.gather [hbm4b:s30+s4], $0x10, $0x38;
	[tilespmem:$0x18A00] =	vst v63  }
0x8b9: {  	s3 =	sadd.s32 $0x70, s3;
	s31 =	sadd.s32 $0x21F0, s26  }
0x8ba: {  	(v2sf) =	vpush v34, $0xF;
	[tilespmem:s31], [sflag:s28] =	stream.linear.gather [hbm4b:s3+s4], $0x10, $0x38;
	[tilespmem:$0x18A00] =	vst v63  }
0x8bb: {  	s30 =	sadd.s32 $0x2670, s26;
	s3 =	sadd.s32 $0x2DC780, s29  }
0x8bc: {  	[tilespmem:s30], [sflag:s28] =	stream.linear.gather [hbm4b:s3+s4], $0x10, $0x38;
	[tilespmem:$0x18A00] =	vst v63  }
0x8bd: {  	s31 =	sadd.s32 $0x26F0, s26;
	s29 =	sadd.s32 $0x10, s3  }
0x8be: {  	[tilespmem:s31], [sflag:s28] =	stream.linear.gather [hbm4b:s29+s4], $0x10, $0x38;
	[tilespmem:$0x18A00] =	vst v63  }
0x8bf: {  	s29 =	sadd.s32 $0x20, s3;
	s31 =	sadd.s32 $0x2770, s26  }
0x8c0: {  	[tilespmem:s31], [sflag:s28] =	stream.linear.gather [hbm4b:s29+s4], $0x10, $0x38;
	[tilespmem:$0x18A00] =	vst v63  }
0x8c1: {  	s29 =	sadd.s32 $0x30, s3;
	s31 =	sadd.s32 $0x27F0, s26  }
0x8c2: {  	[tilespmem:s31], [sflag:s28] =	stream.linear.gather [hbm4b:s29+s4], $0x10, $0x38;
	[tilespmem:$0x18A00] =	vst v63  }
0x8c3: {  	s29 =	sadd.s32 $0x40, s3;
	s31 =	sadd.s32 $0x2870, s26  }
0x8c4: {  	[tilespmem:s31], [sflag:s28] =	stream.linear.gather [hbm4b:s29+s4], $0x10, $0x38;
	[tilespmem:$0x18A00] =	vst v63  }
0x8c5: {  	s29 =	sadd.s32 $0x50, s3;
	s31 =	sadd.s32 $0x28F0, s26  }
0x8c6: {  	[tilespmem:s31], [sflag:s28] =	stream.linear.gather [hbm4b:s29+s4], $0x10, $0x38;
	[tilespmem:$0x18A00] =	vst v63  }
0x8c7: {  	s29 =	sadd.s32 $0x60, s3;
	s31 =	sadd.s32 $0x2970, s26  }
0x8c8: {  	[tilespmem:s31], [sflag:s28] =	stream.linear.gather [hbm4b:s29+s4], $0x10, $0x38;
	[tilespmem:$0x18A00] =	vst v63  }
0x8c9: {  	s30 =	spop (v2sf);
	s3 =	sadd.s32 $0x70, s3;
	s31 =	sadd.s32 $0x29F0, s26  }
0x8ca: {  	[tilespmem:s31], [sflag:s28] =	stream.linear.gather [hbm4b:s3+s4], $0x10, $0x38;
	[tilespmem:$0x18A00] =	vst v63  }
0x8cb: {  	s31 =	sshll.u32 s30, $0x3  }
0x8cc: {  	s3 =	sand.u32 $0x70, s30;
	s29 =	sand.u32 $0xFFFFFC00, s31  }
0x8cd: {  	s3 =	sor.u32 s3, s29  }
0x8ce: {  	s3 =	sshrl.u32 s3, $0x3  }
0x8cf: {  	s30 =	sadd.s32 $0xCE70, s26;
	s29 =	sadd.s32 s2, s3  }
0x8d0: {  	[tilespmem:s30], [sflag:s28] =	stream.linear.gather [hbm4b:s29+s4], $0x10, $0x38;
	[tilespmem:$0x18A00] =	vst v63  }
0x8d1: {  	s31 =	sadd.s32 $0xCEF0, s26;
	s3 =	sadd.s32 $0x10, s29  }
0x8d2: {  	[tilespmem:s31], [sflag:s28] =	stream.linear.gather [hbm4b:s3+s4], $0x10, $0x38;
	[tilespmem:$0x18A00] =	vst v63  }
0x8d3: {  	s3 =	sadd.s32 $0x20, s29;
	s31 =	sadd.s32 $0xCF70, s26  }
0x8d4: {  	[tilespmem:s31], [sflag:s28] =	stream.linear.gather [hbm4b:s3+s4], $0x10, $0x38;
	[tilespmem:$0x18A00] =	vst v63  }
0x8d5: {  	s3 =	sadd.s32 $0x30, s29;
	s31 =	sadd.s32 $0xCFF0, s26  }
0x8d6: {  	[tilespmem:s31], [sflag:s28] =	stream.linear.gather [hbm4b:s3+s4], $0x10, $0x38;
	[tilespmem:$0x18A00] =	vst v63  }
0x8d7: {  	s3 =	sadd.s32 $0x40, s29;
	s31 =	sadd.s32 $0xD070, s26  }
0x8d8: {  	[tilespmem:s31], [sflag:s28] =	stream.linear.gather [hbm4b:s3+s4], $0x10, $0x38;
	[tilespmem:$0x18A00] =	vst v63  }
0x8d9: {  	s3 =	sadd.s32 $0x50, s29;
	s31 =	sadd.s32 $0xD0F0, s26  }
0x8da: {  	[tilespmem:s31], [sflag:s28] =	stream.linear.gather [hbm4b:s3+s4], $0x10, $0x38;
	[tilespmem:$0x18A00] =	vst v63  }
0x8db: {  	s3 =	sadd.s32 $0x60, s29;
	s31 =	sadd.s32 $0xD170, s26  }
0x8dc: {  	[tilespmem:s31], [sflag:s28] =	stream.linear.gather [hbm4b:s3+s4], $0x10, $0x38;
	[tilespmem:$0x18A00] =	vst v63  }
0x8dd: {  	s3 =	sadd.s32 $0x70, s29;
	s31 =	sadd.s32 $0xD1F0, s26  }
0x8de: {  	[tilespmem:s31], [sflag:s28] =	stream.linear.gather [hbm4b:s3+s4], $0x10, $0x38;
	[tilespmem:$0x18A00] =	vst v63  }
0x8df: {  	s3 =	sadd.s32 $0xF4280, s29;
	s31 =	sadd.s32 $0xD670, s26  }
0x8e0: {  	[tilespmem:s31], [sflag:s28] =	stream.linear.gather [hbm4b:s3+s4], $0x10, $0x38;
	[tilespmem:$0x18A00] =	vst v63  }
0x8e1: {  	s30 =	sadd.s32 $0x10, s3;
	s31 =	sadd.s32 $0xD6F0, s26  }
0x8e2: {  	[tilespmem:s31], [sflag:s28] =	stream.linear.gather [hbm4b:s30+s4], $0x10, $0x38;
	[tilespmem:$0x18A00] =	vst v63  }
0x8e3: {  	s30 =	sadd.s32 $0x20, s3;
	s31 =	sadd.s32 $0xD770, s26  }
0x8e4: {  	[tilespmem:s31], [sflag:s28] =	stream.linear.gather [hbm4b:s30+s4], $0x10, $0x38;
	[tilespmem:$0x18A00] =	vst v63  }
0x8e5: {  	s30 =	sadd.s32 $0x30, s3;
	s31 =	sadd.s32 $0xD7F0, s26  }
0x8e6: {  	[tilespmem:s31], [sflag:s28] =	stream.linear.gather [hbm4b:s30+s4], $0x10, $0x38;
	[tilespmem:$0x18A00] =	vst v63  }
0x8e7: {  	s30 =	sadd.s32 $0x40, s3;
	s31 =	sadd.s32 $0xD870, s26  }
0x8e8: {  	[tilespmem:s31], [sflag:s28] =	stream.linear.gather [hbm4b:s30+s4], $0x10, $0x38;
	[tilespmem:$0x18A00] =	vst v63  }
0x8e9: {  	s30 =	sadd.s32 $0x50, s3;
	s31 =	sadd.s32 $0xD8F0, s26  }
0x8ea: {  	[tilespmem:s31], [sflag:s28] =	stream.linear.gather [hbm4b:s30+s4], $0x10, $0x38;
	[tilespmem:$0x18A00] =	vst v63  }
0x8eb: {  	s30 =	sadd.s32 $0x60, s3;
	s31 =	sadd.s32 $0xD970, s26  }
0x8ec: {  	[tilespmem:s31], [sflag:s28] =	stream.linear.gather [hbm4b:s30+s4], $0x10, $0x38;
	[tilespmem:$0x18A00] =	vst v63  }
0x8ed: {  	s3 =	sadd.s32 $0x70, s3;
	s31 =	sadd.s32 $0xD9F0, s26  }
0x8ee: {  	[tilespmem:s31], [sflag:s28] =	stream.linear.gather [hbm4b:s3+s4], $0x10, $0x38;
	[tilespmem:$0x18A00] =	vst v63  }
0x8ef: {  	s3 =	sadd.s32 $0x1E8500, s29;
	s31 =	sadd.s32 $0xDE70, s26  }
0x8f0: {  	[tilespmem:s31], [sflag:s28] =	stream.linear.gather [hbm4b:s3+s4], $0x10, $0x38;
	[tilespmem:$0x18A00] =	vst v63  }
0x8f1: {  	s30 =	sadd.s32 $0x10, s3;
	s31 =	sadd.s32 $0xDEF0, s26  }
0x8f2: {  	[tilespmem:s31], [sflag:s28] =	stream.linear.gather [hbm4b:s30+s4], $0x10, $0x38;
	[tilespmem:$0x18A00] =	vst v63  }
0x8f3: {  	s30 =	sadd.s32 $0x20, s3;
	s31 =	sadd.s32 $0xDF70, s26  }
0x8f4: {  	[tilespmem:s31], [sflag:s28] =	stream.linear.gather [hbm4b:s30+s4], $0x10, $0x38;
	[tilespmem:$0x18A00] =	vst v63  }
0x8f5: {  	s30 =	sadd.s32 $0x30, s3;
	s31 =	sadd.s32 $0xDFF0, s26  }
0x8f6: {  	[tilespmem:s31], [sflag:s28] =	stream.linear.gather [hbm4b:s30+s4], $0x10, $0x38;
	[tilespmem:$0x18A00] =	vst v63  }
0x8f7: {  	s30 =	sadd.s32 $0x40, s3;
	s31 =	sadd.s32 $0xE070, s26  }
0x8f8: {  	[tilespmem:s31], [sflag:s28] =	stream.linear.gather [hbm4b:s30+s4], $0x10, $0x38;
	[tilespmem:$0x18A00] =	vst v63  }
0x8f9: {  	s30 =	sadd.s32 $0x50, s3;
	s31 =	sadd.s32 $0xE0F0, s26  }
0x8fa: {  	[tilespmem:s31], [sflag:s28] =	stream.linear.gather [hbm4b:s30+s4], $0x10, $0x38;
	[tilespmem:$0x18A00] =	vst v63  }
0x8fb: {  	s30 =	sadd.s32 $0x60, s3;
	s31 =	sadd.s32 $0xE170, s26  }
0x8fc: {  	[tilespmem:s31], [sflag:s28] =	stream.linear.gather [hbm4b:s30+s4], $0x10, $0x38;
	[tilespmem:$0x18A00] =	vst v63  }
0x8fd: {  	s3 =	sadd.s32 $0x70, s3;
	s31 =	sadd.s32 $0xE1F0, s26  }
0x8fe: {  	[tilespmem:s31], [sflag:s28] =	stream.linear.gather [hbm4b:s3+s4], $0x10, $0x38;
	[tilespmem:$0x18A00] =	vst v63  }
0x8ff: {  	s30 =	sadd.s32 $0xE670, s26;
	s3 =	sadd.s32 $0x2DC780, s29  }
0x900: {  	[tilespmem:s30], [sflag:s28] =	stream.linear.gather [hbm4b:s3+s4], $0x10, $0x38;
	[tilespmem:$0x18A00] =	vst v63  }
0x901: {  	s31 =	sadd.s32 $0xE6F0, s26;
	s29 =	sadd.s32 $0x10, s3  }
0x902: {  	[tilespmem:s31], [sflag:s28] =	stream.linear.gather [hbm4b:s29+s4], $0x10, $0x38;
	[tilespmem:$0x18A00] =	vst v63  }
0x903: {  	s29 =	sadd.s32 $0x20, s3;
	s31 =	sadd.s32 $0xE770, s26  }
0x904: {  	[tilespmem:s31], [sflag:s28] =	stream.linear.gather [hbm4b:s29+s4], $0x10, $0x38;
	[tilespmem:$0x18A00] =	vst v63  }
0x905: {  	s29 =	sadd.s32 $0x30, s3;
	s31 =	sadd.s32 $0xE7F0, s26  }
0x906: {  	[tilespmem:s31], [sflag:s28] =	stream.linear.gather [hbm4b:s29+s4], $0x10, $0x38;
	[tilespmem:$0x18A00] =	vst v63  }
0x907: {  	s29 =	sadd.s32 $0x40, s3;
	s31 =	sadd.s32 $0xE870, s26  }
0x908: {  	[tilespmem:s31], [sflag:s28] =	stream.linear.gather [hbm4b:s29+s4], $0x10, $0x38;
	[tilespmem:$0x18A00] =	vst v63  }
0x909: {  	p0 =	slt.u32 s25, $0x5;
	s29 =	sadd.s32 $0x50, s3;
	s31 =	sadd.s32 $0xE8F0, s26  }
0x90a: {  	[tilespmem:s31], [sflag:s28] =	stream.linear.gather [hbm4b:s29+s4], $0x10, $0x38;
	[tilespmem:$0x18A00] =	vst v63  }
.Ltmp3:
0x90b: {  	_ = 	snop;
	(pc) =	sbr.rel @p0 .LBB2_5-.Ltmp3, $4  }
.Ltmp4:
0x90c: {  	s29 =	sadd.s32 $0x60, s3;
	s31 =	sadd.s32 $0xE970, s26;
	(pc) =	sbr.rel @!p0 .LBB2_4-.Ltmp4, $4  }
0x90d: {  	[tilespmem:s31], [sflag:s28] =	stream.linear.gather [hbm4b:s29+s4], $0x10, $0x38;
	[tilespmem:$0x18A00] =	vst v63  }
0x90e: {  	s3 =	sadd.s32 $0x70, s3;
	s26 =	sadd.s32 $0xE9F0, s26  }
0x90f: {  	[tilespmem:s26], [sflag:s28] =	stream.linear.gather [hbm4b:s3+s4], $0x10, $0x38;
	[tilespmem:$0x18A00] =	vst v63  }
0x910: {  	_ = 	snop  }
.LBB2_6:
0x911: {  	_ =	swait.ge [sflag:s17], $0x200  }
0x912: {  	[sflag:s17] =	ssyncset.done $0x0  }
0x913: {  	[sflag:s17] =	ssyncadd.s32 $0xFFFFFE00  }
0x914: {  	_ =	swait.ge [sflag:s17], $0x200  }
0x915: {  	[sflag:s17] =	ssyncset.done $0x0  }
0x916: {  	s20 =	simm.s32 $0x0;
	[sflag:s17] =	ssyncadd.s32 $0xFFFFFE00  }
0x917: {  	s21 =	simm.s32 $0x40;
	v34 =	vld [tilespmem:s20+$0x400]  }
.LBB2_7:
0x918: {  	p0 =	sne.s32 s21, $0x7C0;
	v35 =	vld [tilespmem:s20+$0x800];
	_ =	sdelay $0x1  }
0x919: {  	v36 =	vld [tilespmem:s20+$0x600];
	_ =	sdelay $0x2  }
0x91a: {  	v34 =	vadd.f32 v34, v35;
	_ =	sdelay $0x1  }
0x91b: {  	v34 =	vadd.f32 v36, v34;
	_ =	sdelay $0x1  }
0x91c: {  	v34 =	vsub.f32 $0.0e+00, v34;
	_ =	sdelay $0x1  }
0x91d: {  	v34 =	vmul.f32 $1.442695020e+00, v34;
	_ =	sdelay $0x1  }
0x91e: {  	(erf) = vpow2.f32 v34;
	_ =	sdelay $0x8  }
0x91f: {  	v34 =	vpop (erf)  }
0x920: {  	v34 =	vadd.f32 $1.000000000e+00, v34;
	_ =	sdelay $0x1  }
0x921: {  	(erf) = vrcp.f32 v34;
	_ =	sdelay $0x5  }
.Ltmp5:
0x922: {  	(pc) =	sbr.rel @p0 .LBB2_7-.Ltmp5, $3  }
0x923: {  	_ =	sdelay $0x1  }
0x924: {  	s3 =	sshra.s32 s21, $0x2;
	v35 =	vpop (erf)  }
0x925: {  	s21 =	sadd.s32 $0x40, s21;
	v34 =	vld [tilespmem:s3+$0x400];
	[tilespmem:s20+$0x800] =	vst v35;
	s20 =	smov.u32 s3  }
0x926: {  	v35 =	vld [tilespmem:s20+$0x800];
	_ =	sdelay $0x1  }
0x927: {  	v36 =	vld [tilespmem:s20+$0x600];
	_ =	sdelay $0x2  }
0x928: {  	v34 =	vadd.f32 v34, v35;
	_ =	sdelay $0x1  }
0x929: {  	v34 =	vadd.f32 v36, v34;
	_ =	sdelay $0x1  }
0x92a: {  	v34 =	vsub.f32 $0.0e+00, v34;
	_ =	sdelay $0x1  }
0x92b: {  	v34 =	vmul.f32 $1.442695020e+00, v34;
	_ =	sdelay $0x1  }
0x92c: {  	(erf) = vpow2.f32 v34;
	_ =	sdelay $0x8  }
0x92d: {  	v34 =	vpop (erf)  }
0x92e: {  	v34 =	vadd.f32 $1.000000000e+00, v34;
	_ =	sdelay $0x1  }
0x92f: {  	(erf) = vrcp.f32 v34;
	_ =	sdelay $0x7  }
0x930: {  	s19 =	sadd.s32 $0x1, s19  }
0x931: {  	p0 =	sne.s32 s19, s10;
	v34 =	vpop (erf)  }
.Ltmp6:
0x932: {  	[tilespmem:s20+$0x800] =	vst v34;
	(pc) =	sbr.rel @p0 .LBB2_1-.Ltmp6, $4  }
0x933: {  	[hbm4b:s9+s4] =	stream.linear.scatter [tilespmem:s18], [sflag:$0x8], $0x200, $0x38;
	[tilespmem:$0x18A00] =	vst v63  }
0x934: {  	_ =	swait.ge [sflag:s11], $0x200  }
0x935: {  	[sflag:s11] =	ssyncset.done $0x0  }
0x936: {  	[sflag:s11] =	ssyncadd.s32 $0xFFFFFE00  }
0x937: {  	_ =	sfence.sel $0x180000  }
0x938: {  	[bflag:$0x0] =	sbarrier.arrive $0xFFFF  }
0x939: {  	_ =	strace $0x90000047  }
0x93a: {  	[bflag:$0x2] =	sbarrier.arrive $0xFFFF  }
0x93b: {  	p0 =	sne.s32 s5, $0x0;
	s0 =	rddreg [dreg:$0x6]  }
0x93c: {  	s0 =	sadd.s32 @!p0 $0x100000, s0  }
0x93d: {  	[sflag:s0] =	ssyncadd.tile.s32 @!p0 $0x1;
	_ =	shalt  }
.Lfunc_end2:
_tile_overlayer_lowered:
.L_overlay_start_2:
0x93e: {  	(tag) =	ssettag $0x2  }
0x93f: {  	s0 =	rddreg [dreg:$0x0];
	s2 =	stileid.u32  }
0x940: {  	s1 =	rddreg [dreg:$0x1];
	p0 =	sne.s32 s2, $0x0  }
0x941: {  	s3 =	rddreg [dreg:$0x2];
	[bflag:$0x3] =	sbarrier.arrive $0xFFFF;
	s2 =	simm.s32 @!p0 $0x1C08  }
0x942: {  	[timem:s3], [sflag:s2] =	dma.local @!p0 [hbm:s0], s1  }
0x943: {  	s0 =	simm.s32 @!p0 $0x8  }
0x944: {  	_ =	swait.ge @!p0 [sflag:s0], s1  }
0x945: {  	s1 =	ssub.s32 @!p0 $0x0, s1;
	[sflag:s0] =	ssyncset.done @!p0 $0x0  }
0x946: {  	[sflag:s0] =	ssyncadd.s32 @!p0 s1  }
0x947: {  	[bflag:$0x3] =	sbarrier.arrive $0xFFFF  }
0x948: {  	_ =	shalt  }

</sc_bundles>
